<compile_context>
chip_gen: v7x
topology: tpu7x:2x2x1
jax: 0.10.2.dev20260603
libtpu: 0.0.44.dev20260713+nightly
codegen_flags: <defaults>
</compile_context>

<pallas_src>
import functools

import jax
import jax.numpy as jnp
from jax import lax
from jax.experimental import pallas as pl
from jax.experimental.pallas import tpu as pltpu
from jax.experimental.pallas import tpu_sc as plsc

N_NODES = 10000
N_HEDGES = 5000
NNZ = 320000
D = 128
W = 64

NC = 2
NS = 16
NW = NC * NS
L = 16

CH = 96
EPT = NNZ // NS
NCHUNK = 209
TOTCH = 224
NCH_H = 112
N_PAD = 10240
E_PAD = 5120
PAD_NODE = N_PAD - 1
PAD_HEDGE = E_PAD - 1
RPE = E_PAD // NS
RPN = N_PAD // NS

_mesh = functools.partial(
    plsc.VectorSubcoreMesh, core_axis_name="c", subcore_axis_name="s",
    num_cores=NC, num_subcores=NS)
_sc_params = pltpu.CompilerParams(needs_layout_passes=False,
                                  use_tc_tiling_on_sc=False)


def _hist_body(node_hbm, hedge_hbm, zeros_hbm, dvp_hbm, dep_hbm,
               nidx_v, hidx_v, histn_v, histe_v):
    c = lax.axis_index("c")
    s = lax.axis_index("s")
    w = s * NC + c
    pltpu.sync_copy(zeros_hbm, histn_v)
    pltpu.sync_copy(zeros_hbm.at[pl.ds(0, E_PAD // L)], histe_v)
    pltpu.sync_copy(node_hbm.at[s, pl.ds(c * NCH_H, NCH_H)], nidx_v)
    pltpu.sync_copy(hedge_hbm.at[s, pl.ds(c * NCH_H, NCH_H)], hidx_v)
    ones = jnp.full((L,), 1.0, jnp.float32)

    def body(j, carry):
        for q in range(CH // L):
            col = q * L
            nv = nidx_v[j, pl.ds(col, L)]
            plsc.addupdate_scatter(histn_v, [nv >> 4, nv & 15], ones)
            hv = hidx_v[j, pl.ds(col, L)]
            plsc.addupdate_scatter(histe_v, [hv >> 4, hv & 15], ones)
        return carry

    lax.fori_loop(0, NCH_H, body, 0)
    pltpu.sync_copy(histn_v, dvp_hbm.at[w])
    pltpu.sync_copy(histe_v, dep_hbm.at[w])


def _hist_call(node_p, hedge_p, zeros1):
    return pl.kernel(
        _hist_body,
        out_type=(jax.ShapeDtypeStruct((NW, N_PAD // L, L), jnp.float32),
                  jax.ShapeDtypeStruct((NW, E_PAD // L, L), jnp.float32)),
        mesh=_mesh(),
        compiler_params=_sc_params,
        scratch_types=[
            pltpu.VMEM((NCH_H, CH), jnp.int32),
            pltpu.VMEM((NCH_H, CH), jnp.int32),
            pltpu.VMEM((N_PAD // L, L), jnp.float32),
            pltpu.VMEM((E_PAD // L, L), jnp.float32),
        ],
    )(node_p, hedge_p, zeros1)


ZB = 64


def _main_body(y_hbm, dem_hbm, nidx_hbm, hidx_hbm, zeros_hbm, out_hbm,
               nidx_v, hidx_v, bufa, bufb, bufc, bufd, xe_sh, ya_sh,
               gsa, gsb, gsc, gsd, ssa, ssb, ssc, ssd):
    c = lax.axis_index("c")
    s = lax.axis_index("s")
    ba = bufa.at[pl.ds(0, ZB)]
    bb = bufb.at[pl.ds(0, ZB)]

    pltpu.async_copy(nidx_hbm.at[s], nidx_v, gsa)
    pltpu.async_copy(hidx_hbm.at[s], hidx_v, gsb)
    for k in range(RPN // ZB):
        r0 = s * RPN + k * ZB
        pltpu.async_copy(y_hbm.at[c, pl.ds(r0, ZB)], ya_sh.at[pl.ds(r0, ZB)],
                         gsc)
    pltpu.sync_copy(zeros_hbm, ba)
    for k in range(RPE // ZB):
        pltpu.async_copy(ba, xe_sh.at[pl.ds(s * RPE + k * ZB, ZB)], ssa)
    for k in range(RPN // ZB):
        r0 = s * RPN + k * ZB
        pltpu.make_async_copy(y_hbm.at[c, pl.ds(r0, ZB)],
                              ya_sh.at[pl.ds(r0, ZB)], gsc).wait()
    for k in range(RPE // ZB):
        pltpu.make_async_copy(ba, xe_sh.at[pl.ds(s * RPE + k * ZB, ZB)],
                              ssa).wait()
    pltpu.make_async_copy(nidx_hbm.at[s], nidx_v, gsa).wait()
    pltpu.make_async_copy(hidx_hbm.at[s], hidx_v, gsb).wait()
    plsc.subcore_barrier()

    def sweep(src_sh, dst_sh, gidx_v, sidx_v):
        bufs = (bufa, bufb, bufc, bufd)
        gs = (gsa, gsb, gsc, gsd)
        ss = (ssa, ssb, ssc, ssd)

        def g(j, k):
            pltpu.async_copy(src_sh.at[gidx_v.at[j]], bufs[k], gs[k])

        def gwait(j, k):
            pltpu.make_async_copy(src_sh.at[gidx_v.at[j]], bufs[k],
                                  gs[k]).wait()

        def sct(j, k):
            pltpu.async_copy(bufs[k], dst_sh.at[sidx_v.at[j]], ss[k],
                             add=True)

        def swait(j, k):
            pltpu.make_async_copy(bufs[k], dst_sh.at[sidx_v.at[j]],
                                  ss[k]).wait()

        g(0, 0)
        g(1, 1)
        gwait(0, 0)
        sct(0, 0)
        g(2, 2)
        gwait(1, 1)
        sct(1, 1)
        g(3, 3)

        def step(m, carry):
            j0 = 2 + 4 * m
            for d in range(4):
                j = j0 + d
                k = (2 + d) % 4
                gwait(j, k)
                sct(j, k)
                swait(j - 2, (k + 2) % 4)
                g(j + 2, (k + 2) % 4)
            return carry

        lax.fori_loop(0, (NCHUNK - 3) // 4, step, 0)
        for j in range(2 + 4 * ((NCHUNK - 3) // 4), NCHUNK - 1):
            k = j % 4
            gwait(j, k)
            sct(j, k)
            swait(j - 2, (k + 2) % 4)
            g(j + 2, (k + 2) % 4)
        j = NCHUNK - 1
        gwait(j, j % 4)
        sct(j, j % 4)
        swait(j - 2, (j - 2) % 4)
        swait(j - 1, (j - 1) % 4)
        gwait(NCHUNK, NCHUNK % 4)
        swait(j, j % 4)

    sweep(ya_sh, xe_sh, nidx_v, hidx_v)
    plsc.subcore_barrier()

    def scale(r, carry):
        for col in range(0, W, L):
            bufa[r, pl.ds(col, L)] = (bufa[r, pl.ds(col, L)]
                                      * bufb[r, pl.ds(col, L)])
        return carry

    for k in range(RPE // ZB):
        e0 = s * RPE + k * ZB
        pltpu.sync_copy(xe_sh.at[pl.ds(e0, ZB)], ba)
        pltpu.sync_copy(dem_hbm.at[pl.ds(e0, ZB)], bb)
        lax.fori_loop(0, ZB, scale, 0)
        pltpu.sync_copy(ba, xe_sh.at[pl.ds(e0, ZB)])

    pltpu.sync_copy(zeros_hbm, ba)
    for k in range(RPN // ZB):
        pltpu.async_copy(ba, ya_sh.at[pl.ds(s * RPN + k * ZB, ZB)], ssa)
    for k in range(RPN // ZB):
        pltpu.make_async_copy(ba, ya_sh.at[pl.ds(s * RPN + k * ZB, ZB)],
                              ssa).wait()
    plsc.subcore_barrier()

    sweep(xe_sh, ya_sh, hidx_v, nidx_v)
    plsc.subcore_barrier()

    for k in range(RPN // ZB):
        n0 = s * RPN + k * ZB
        stg = (bufa, bufb)[k % 2].at[pl.ds(0, ZB)]
        sem = (gsa, gsb)[k % 2]
        if k >= 2:
            p0 = s * RPN + (k - 2) * ZB
            pltpu.make_async_copy(stg, out_hbm.at[c, pl.ds(p0, ZB)],
                                  sem).wait()
        pltpu.sync_copy(ya_sh.at[pl.ds(n0, ZB)], stg)
        pltpu.async_copy(stg, out_hbm.at[c, pl.ds(n0, ZB)], sem)
    for k in range(RPN // ZB - 2, RPN // ZB):
        n0 = s * RPN + k * ZB
        stg = (bufa, bufb)[k % 2].at[pl.ds(0, ZB)]
        sem = (gsa, gsb)[k % 2]
        pltpu.make_async_copy(stg, out_hbm.at[c, pl.ds(n0, ZB)], sem).wait()


def _main_call(ystack, demat, nidx, hidx):
    zeros2 = jnp.zeros((ZB, W), jnp.float32)
    return pl.kernel(
        _main_body,
        out_type=jax.ShapeDtypeStruct((NC, N_PAD, W), jnp.float32),
        mesh=_mesh(),
        compiler_params=_sc_params,
        scratch_types=[
            pltpu.VMEM((TOTCH, CH), jnp.int32),
            pltpu.VMEM((TOTCH, CH), jnp.int32),
            pltpu.VMEM((CH, W), jnp.float32),
            pltpu.VMEM((CH, W), jnp.float32),
            pltpu.VMEM((CH, W), jnp.float32),
            pltpu.VMEM((CH, W), jnp.float32),
            pltpu.VMEM_SHARED((E_PAD, W), jnp.float32),
            pltpu.VMEM_SHARED((N_PAD, W), jnp.float32),
            pltpu.SemaphoreType.DMA,
            pltpu.SemaphoreType.DMA,
            pltpu.SemaphoreType.DMA,
            pltpu.SemaphoreType.DMA,
            pltpu.SemaphoreType.DMA,
            pltpu.SemaphoreType.DMA,
            pltpu.SemaphoreType.DMA,
            pltpu.SemaphoreType.DMA,
        ],
    )(ystack, demat, nidx, hidx, zeros2)


def _tc1_body(feat_ref, win_ref, bin_ref, w2_ref, b2_ref, dvp_ref, dep_ref,
              xt_ref, y_ref, dem_ref):
    x = feat_ref[...]
    h = lax.dot_general(x, win_ref[...], (((1,), (1,)), ((), ())),
                        preferred_element_type=jnp.float32) + bin_ref[...]
    h = jnp.where(h >= 0, h, 0.2 * h)
    xt = lax.dot_general(h, w2_ref[...], (((1,), (1,)), ((), ())),
                         preferred_element_type=jnp.float32) + b2_ref[...]
    dv = jnp.sum(dvp_ref[...], axis=0)
    dvis = jnp.where(dv > 0, lax.rsqrt(dv), 0.0)
    xt_ref[...] = xt
    y = xt * dvis[:, None]
    y_ref[0] = y[:, :W]
    y_ref[1] = y[:, W:]
    de = jnp.sum(dep_ref[...], axis=0)
    deinv = jnp.where(de > 0, 1.0 / de, 0.0)
    dem_ref[...] = jnp.broadcast_to(deinv[:, None], (E_PAD // 10, W))


def _tc1_call(feat_p, w_in, b_in, w2, b2, dvp, dep):
    blk = 1024
    eblk = E_PAD // 10
    grid = N_PAD // blk
    return pl.pallas_call(
        _tc1_body,
        grid=(grid,),
        in_specs=[
            pl.BlockSpec((blk, D), lambda i: (i, 0)),
            pl.BlockSpec((D, D), lambda i: (0, 0)),
            pl.BlockSpec((1, D), lambda i: (0, 0)),
            pl.BlockSpec((D, D), lambda i: (0, 0)),
            pl.BlockSpec((1, D), lambda i: (0, 0)),
            pl.BlockSpec((NW, blk), lambda i: (0, i)),
            pl.BlockSpec((NW, eblk), lambda i: (0, i)),
        ],
        out_specs=[pl.BlockSpec((blk, D), lambda i: (i, 0)),
                   pl.BlockSpec((NC, blk, W), lambda i: (0, i, 0)),
                   pl.BlockSpec((eblk, W), lambda i: (i, 0))],
        out_shape=[jax.ShapeDtypeStruct((N_PAD, D), jnp.float32),
                   jax.ShapeDtypeStruct((NC, N_PAD, W), jnp.float32),
                   jax.ShapeDtypeStruct((E_PAD, W), jnp.float32)],
    )(feat_p, w_in, b_in, w2, b2, dvp, dep)


def _tc3_body(pn_ref, dvp_ref, xt_ref, o_ref):
    p = jnp.concatenate([pn_ref[0], pn_ref[1]], axis=1)
    dv = jnp.sum(dvp_ref[...], axis=0)
    dvis = jnp.where(dv > 0, lax.rsqrt(dv), 0.0)
    o_ref[...] = jnp.maximum(p * dvis[:, None] + xt_ref[...], 0.0)


def _tc3_call(pn, dvp, xt):
    blk = 1024
    grid = N_PAD // blk
    return pl.pallas_call(
        _tc3_body,
        grid=(grid,),
        in_specs=[
            pl.BlockSpec((NC, blk, W), lambda i: (0, i, 0)),
            pl.BlockSpec((NW, blk), lambda i: (0, i)),
            pl.BlockSpec((blk, D), lambda i: (i, 0)),
        ],
        out_specs=pl.BlockSpec((blk, D), lambda i: (i, 0)),
        out_shape=jax.ShapeDtypeStruct((N_PAD, D), jnp.float32),
    )(pn, dvp, xt)[:N_NODES]


def _pad_idx(idx, pad_val):
    cols = TOTCH * CH - EPT
    return jnp.concatenate(
        [idx.reshape(NS, EPT),
         jnp.full((NS, cols), pad_val, jnp.int32)],
        axis=1).reshape(NS, TOTCH, CH)


def kernel(feat, node_idx, hedge_idx, W_in, b_in, W1, b1, W2, b2):
    f32 = jnp.float32
    feat_p = jnp.zeros((N_PAD, D), f32).at[:N_NODES, :].set(feat)
    node_p = _pad_idx(node_idx, PAD_NODE)
    hedge_p = _pad_idx(hedge_idx, PAD_HEDGE)
    zeros1 = jnp.zeros((N_PAD // L, L), f32)

    dvp, dep = _hist_call(node_p, hedge_p, zeros1)
    dvp = dvp.reshape(NW, N_PAD)
    dep = dep.reshape(NW, E_PAD)
    xt, ystack, demat = _tc1_call(feat_p, W_in, b_in.reshape(1, D), W2,
                                  b2.reshape(1, D), dvp, dep)
    pn = _main_call(ystack, demat, node_p, hedge_p)
    return _tc3_call(pn, dvp, xt)

# --- scband reference (transcript-rebuilt; emitter-appended) ---
"""Pipeline reference for scband-jhgcn-4750233829810 (READ-ONLY COPY).

The authoritative reference and input builder live on the scoring server;
editing this copy changes nothing except your own understanding.
"""

import jax, jax.numpy as jnp
import numpy as np

N_NODES = 10000
N_HEDGES = 5000
NNZ = 320000
D = 128


def _smoothing_with_hgnn(Xt, node_idx, hedge_idx):
    # L_HGNN = D_v^{-1/2} H W_e D_e^{-1} H^T D_v^{-1/2}, W_e = I
    ones = jnp.ones((node_idx.shape[0],), dtype=Xt.dtype)
    Dv = jax.ops.segment_sum(ones, node_idx, num_segments=N_NODES)
    De = jax.ops.segment_sum(ones, hedge_idx, num_segments=N_HEDGES)
    Dv_is = jnp.where(Dv > 0, 1.0 / jnp.sqrt(Dv), 0.0)
    De_inv = jnp.where(De > 0, 1.0 / De, 0.0)
    Y = Xt * Dv_is[:, None]
    Xe = jax.ops.segment_sum(Y[node_idx], hedge_idx, num_segments=N_HEDGES) * De_inv[:, None]
    Xs = jax.ops.segment_sum(Xe[hedge_idx], node_idx, num_segments=N_NODES) * Dv_is[:, None]
    return Xs


def _jhconv(X, W, b, node_idx, hedge_idx):
    # JHConv: X = theta(X); X = smoothing(X) + X (jump); act=ReLU (not last, no bn, no drop)
    Xt = X @ W.T + b
    Xs = _smoothing_with_hgnn(Xt, node_idx, hedge_idx)
    return jax.nn.relu(Xs + Xt)


def setup_inputs(seed: int = 0) -> dict:
    key = jax.random.key(seed)
    ks = jax.random.split(key, 8)
    feat = jax.random.normal(ks[0], (N_NODES, D), dtype=jnp.float32)
    node_idx = jax.random.randint(ks[1], (NNZ,), 0, N_NODES, dtype=jnp.int32)
    hedge_idx = jax.random.randint(ks[2], (NNZ,), 0, N_HEDGES, dtype=jnp.int32)
    s = 1.0 / np.sqrt(D)
    W_in = jax.random.uniform(ks[3], (D, D), minval=-s, maxval=s, dtype=jnp.float32)
    b_in = jnp.zeros((D,), dtype=jnp.float32)
    W1 = jax.random.uniform(ks[4], (D, D), minval=-s, maxval=s, dtype=jnp.float32)
    b1 = jnp.zeros((D,), dtype=jnp.float32)
    W2 = jax.random.uniform(ks[5], (D, D), minval=-s, maxval=s, dtype=jnp.float32)
    b2 = jnp.zeros((D,), dtype=jnp.float32)
    return {"feat": feat, "node_idx": node_idx, "hedge_idx": hedge_idx,
            "W_in": W_in, "b_in": b_in, "W1": W1, "b1": b1, "W2": W2, "b2": b2}


def reference(feat, node_idx, hedge_idx, W_in, b_in, W1, b1, W2, b2):
    h = feat @ W_in.T + b_in
    h = jax.nn.leaky_relu(h, negative_slope=0.2)
    # NOTE: original forward discards conv1's output (x = conv1(feat, hg); x = conv2(feat, hg))
    x1 = _jhconv(h, W1, b1, node_idx, hedge_idx)
    x = _jhconv(h, W2, b2, node_idx, hedge_idx)
    return x

if __name__ == "__main__":
    import jax
    _d = setup_inputs()
    print(jax.jit(kernel)(*tuple(_d.values())))

</pallas_src>

<mosaic_0001>
#map = affine_map<(d0, d1) -> (0, 0, 0)>
#map1 = affine_map<(d0, d1) -> (0, 0)>
module attributes {stable_mosaic.version = 14 : i64} {
  func.func @_hist_body(%arg0: i32, %arg1: i32, %arg2: memref<16x224x96xi32, #tpu.memory_space<hbm>>, %arg3: memref<16x224x96xi32, #tpu.memory_space<hbm>>, %arg4: memref<640x16xf32, #tpu.memory_space<hbm>>, %arg5: memref<32x640x16xf32, #tpu.memory_space<hbm>>, %arg6: memref<32x320x16xf32, #tpu.memory_space<hbm>>, %arg7: memref<112x96xi32, #tpu.memory_space<vmem>>, %arg8: memref<112x96xi32, #tpu.memory_space<vmem>>, %arg9: memref<640x16xf32, #tpu.memory_space<vmem>>, %arg10: memref<320x16xf32, #tpu.memory_space<vmem>>) attributes {dimension_semantics = [#tpu.dimension_semantics<core_parallel>, #tpu.dimension_semantics<subcore_parallel>], iteration_bounds = array<i64: 2, 16>, scalar_prefetch = 0 : i64, scratch_operands = 4 : i64, tpu.core_type = #tpu.core_type<sc_vector_subcore>, window_params = [{transform_indices = #map}, {transform_indices = #map}, {transform_indices = #map1}, {transform_indices = #map}, {transform_indices = #map}]} {
    %mul3A = arith.constant 2 : i32
    %mul3A_0 = arith.muli %arg1, %mul3A : i32
    %add3A = arith.addi %mul3A_0, %arg0 : i32
    "tpu.region"() ({
      %run_scoped3A = tpu.sem_alloc : memref<!tpu.dma_semaphore, #tpu.memory_space<semaphore_mem>>
      tpu.enqueue_dma source(%arg4 : memref<640x16xf32, #tpu.memory_space<hbm>>) target(%arg9 : memref<640x16xf32, #tpu.memory_space<vmem>>) target_semaphore(%run_scoped3A : memref<!tpu.dma_semaphore, #tpu.memory_space<semaphore_mem>>)
      tpu.wait_dma2 semaphore(%run_scoped3A : memref<!tpu.dma_semaphore, #tpu.memory_space<semaphore_mem>>) src(%arg4 : memref<640x16xf32, #tpu.memory_space<hbm>>) dst(%arg9 : memref<640x16xf32, #tpu.memory_space<vmem>>)
      tpu.yield
    }) : () -> ()
    "tpu.region"() ({
      %run_scoped3A = tpu.sem_alloc : memref<!tpu.dma_semaphore, #tpu.memory_space<semaphore_mem>>
      %dma_start3A = arith.constant 0 : i32
      %dma_start3A_11 = arith.constant 0 : i32
      %dma_start3A_12 = tpu.memref_slice %arg4[%dma_start3A, %dma_start3A_11] : memref<640x16xf32, #tpu.memory_space<hbm>> -> memref<320x16xf32, #tpu.memory_space<hbm>>
      %dma_start3A_13 = arith.constant 0 : i32
      %dma_start3A_14 = arith.constant 0 : i32
      %dma_start3A_15 = tpu.memref_slice %arg4[%dma_start3A_13, %dma_start3A_14] : memref<640x16xf32, #tpu.memory_space<hbm>> -> memref<320x16xf32, #tpu.memory_space<hbm>>
      tpu.enqueue_dma source(%dma_start3A_15 : memref<320x16xf32, #tpu.memory_space<hbm>>) target(%arg10 : memref<320x16xf32, #tpu.memory_space<vmem>>) target_semaphore(%run_scoped3A : memref<!tpu.dma_semaphore, #tpu.memory_space<semaphore_mem>>)
      %dma_wait3A = arith.constant 0 : i32
      %dma_wait3A_16 = arith.constant 0 : i32
      %dma_wait3A_17 = tpu.memref_slice %arg4[%dma_wait3A, %dma_wait3A_16] : memref<640x16xf32, #tpu.memory_space<hbm>> -> memref<320x16xf32, #tpu.memory_space<hbm>>
      %dma_wait3A_18 = arith.constant 0 : i32
      %dma_wait3A_19 = arith.constant 0 : i32
      %dma_wait3A_20 = tpu.memref_slice %arg4[%dma_wait3A_18, %dma_wait3A_19] : memref<640x16xf32, #tpu.memory_space<hbm>> -> memref<320x16xf32, #tpu.memory_space<hbm>>
      tpu.wait_dma2 semaphore(%run_scoped3A : memref<!tpu.dma_semaphore, #tpu.memory_space<semaphore_mem>>) src(%dma_wait3A_20 : memref<320x16xf32, #tpu.memory_space<hbm>>) dst(%arg10 : memref<320x16xf32, #tpu.memory_space<vmem>>)
      tpu.yield
    }) : () -> ()
    %mul3A_1 = arith.constant 112 : i32
    %mul3A_2 = arith.muli %arg0, %mul3A_1 : i32
    "tpu.region"() ({
      %run_scoped3A = tpu.sem_alloc : memref<!tpu.dma_semaphore, #tpu.memory_space<semaphore_mem>>
      %dma_start3A = arith.constant 0 : i32
      %dma_start3A_11 = tpu.memref_slice %arg2[%arg1, %mul3A_2, %dma_start3A] : memref<16x224x96xi32, #tpu.memory_space<hbm>> -> memref<1x112x96xi32, #tpu.memory_space<hbm>>
      %dma_start3A_12 = tpu.memref_squeeze %dma_start3A_11 : memref<1x112x96xi32, #tpu.memory_space<hbm>> -> memref<112x96xi32, #tpu.memory_space<hbm>>
      %dma_start3A_13 = arith.constant 0 : i32
      %dma_start3A_14 = tpu.memref_slice %arg2[%arg1, %mul3A_2, %dma_start3A_13] : memref<16x224x96xi32, #tpu.memory_space<hbm>> -> memref<1x112x96xi32, #tpu.memory_space<hbm>>
      %dma_start3A_15 = tpu.memref_squeeze %dma_start3A_14 : memref<1x112x96xi32, #tpu.memory_space<hbm>> -> memref<112x96xi32, #tpu.memory_space<hbm>>
      tpu.enqueue_dma source(%dma_start3A_15 : memref<112x96xi32, #tpu.memory_space<hbm>>) target(%arg7 : memref<112x96xi32, #tpu.memory_space<vmem>>) target_semaphore(%run_scoped3A : memref<!tpu.dma_semaphore, #tpu.memory_space<semaphore_mem>>)
      %dma_wait3A = arith.constant 0 : i32
      %dma_wait3A_16 = tpu.memref_slice %arg2[%arg1, %mul3A_2, %dma_wait3A] : memref<16x224x96xi32, #tpu.memory_space<hbm>> -> memref<1x112x96xi32, #tpu.memory_space<hbm>>
      %dma_wait3A_17 = tpu.memref_squeeze %dma_wait3A_16 : memref<1x112x96xi32, #tpu.memory_space<hbm>> -> memref<112x96xi32, #tpu.memory_space<hbm>>
      %dma_wait3A_18 = arith.constant 0 : i32
      %dma_wait3A_19 = tpu.memref_slice %arg2[%arg1, %mul3A_2, %dma_wait3A_18] : memref<16x224x96xi32, #tpu.memory_space<hbm>> -> memref<1x112x96xi32, #tpu.memory_space<hbm>>
      %dma_wait3A_20 = tpu.memref_squeeze %dma_wait3A_19 : memref<1x112x96xi32, #tpu.memory_space<hbm>> -> memref<112x96xi32, #tpu.memory_space<hbm>>
      tpu.wait_dma2 semaphore(%run_scoped3A : memref<!tpu.dma_semaphore, #tpu.memory_space<semaphore_mem>>) src(%dma_wait3A_20 : memref<112x96xi32, #tpu.memory_space<hbm>>) dst(%arg7 : memref<112x96xi32, #tpu.memory_space<vmem>>)
      tpu.yield
    }) : () -> ()
    %mul3A_3 = arith.constant 112 : i32
    %mul3A_4 = arith.muli %arg0, %mul3A_3 : i32
    "tpu.region"() ({
      %run_scoped3A = tpu.sem_alloc : memref<!tpu.dma_semaphore, #tpu.memory_space<semaphore_mem>>
      %dma_start3A = arith.constant 0 : i32
      %dma_start3A_11 = tpu.memref_slice %arg3[%arg1, %mul3A_4, %dma_start3A] : memref<16x224x96xi32, #tpu.memory_space<hbm>> -> memref<1x112x96xi32, #tpu.memory_space<hbm>>
      %dma_start3A_12 = tpu.memref_squeeze %dma_start3A_11 : memref<1x112x96xi32, #tpu.memory_space<hbm>> -> memref<112x96xi32, #tpu.memory_space<hbm>>
      %dma_start3A_13 = arith.constant 0 : i32
      %dma_start3A_14 = tpu.memref_slice %arg3[%arg1, %mul3A_4, %dma_start3A_13] : memref<16x224x96xi32, #tpu.memory_space<hbm>> -> memref<1x112x96xi32, #tpu.memory_space<hbm>>
      %dma_start3A_15 = tpu.memref_squeeze %dma_start3A_14 : memref<1x112x96xi32, #tpu.memory_space<hbm>> -> memref<112x96xi32, #tpu.memory_space<hbm>>
      tpu.enqueue_dma source(%dma_start3A_15 : memref<112x96xi32, #tpu.memory_space<hbm>>) target(%arg8 : memref<112x96xi32, #tpu.memory_space<vmem>>) target_semaphore(%run_scoped3A : memref<!tpu.dma_semaphore, #tpu.memory_space<semaphore_mem>>)
      %dma_wait3A = arith.constant 0 : i32
      %dma_wait3A_16 = tpu.memref_slice %arg3[%arg1, %mul3A_4, %dma_wait3A] : memref<16x224x96xi32, #tpu.memory_space<hbm>> -> memref<1x112x96xi32, #tpu.memory_space<hbm>>
      %dma_wait3A_17 = tpu.memref_squeeze %dma_wait3A_16 : memref<1x112x96xi32, #tpu.memory_space<hbm>> -> memref<112x96xi32, #tpu.memory_space<hbm>>
      %dma_wait3A_18 = arith.constant 0 : i32
      %dma_wait3A_19 = tpu.memref_slice %arg3[%arg1, %mul3A_4, %dma_wait3A_18] : memref<16x224x96xi32, #tpu.memory_space<hbm>> -> memref<1x112x96xi32, #tpu.memory_space<hbm>>
      %dma_wait3A_20 = tpu.memref_squeeze %dma_wait3A_19 : memref<1x112x96xi32, #tpu.memory_space<hbm>> -> memref<112x96xi32, #tpu.memory_space<hbm>>
      tpu.wait_dma2 semaphore(%run_scoped3A : memref<!tpu.dma_semaphore, #tpu.memory_space<semaphore_mem>>) src(%dma_wait3A_20 : memref<112x96xi32, #tpu.memory_space<hbm>>) dst(%arg8 : memref<112x96xi32, #tpu.memory_space<vmem>>)
      tpu.yield
    }) : () -> ()
    %broadcast_in_dim3A = arith.constant 1.000000e+00 : f32
    %broadcast_in_dim3A_5 = vector.broadcast %broadcast_in_dim3A : f32 to vector<16xf32>
    %scan3A = arith.constant 0 : i32
    %scan3A_6 = arith.constant 0 : i32
    %scan3A_7 = arith.constant 112 : i32
    %scan3A_8 = arith.addi %scan3A_6, %scan3A_7 : i32
    %scan3A_9 = arith.constant 1 : i32
    scf.for %scan3A_11 = %scan3A_6 to %scan3A_8 step %scan3A_9  : i32 {
      %get3A = arith.index_cast %scan3A_11 : i32 to index
      %get3A_12 = arith.constant 0 : index
      %get3A_13 = tpu.vector_load %arg7[%get3A, %get3A_12] {strides = array<i32>} : memref<112x96xi32, #tpu.memory_space<vmem>>, vector<16xi32>,
      %shift_right_arithmetic3A = arith.constant 4 : i32
      %shift_right_arithmetic3A_14 = vector.broadcast %shift_right_arithmetic3A : i32 to vector<16xi32>
      %shift_right_arithmetic3A_15 = arith.shrsi %get3A_13, %shift_right_arithmetic3A_14 : vector<16xi32>
      %and3A = arith.constant 15 : i32
      %and3A_16 = vector.broadcast %and3A : i32 to vector<16xi32>
      %and3A_17 = arith.andi %get3A_13, %and3A_16 : vector<16xi32>
      tpu.vector_store_idx %arg9[%shift_right_arithmetic3A_15, %and3A_17], %broadcast_in_dim3A_5 {add = true} : memref<640x16xf32, #tpu.memory_space<vmem>>[vector<16xi32>, vector<16xi32>], vector<16xf32>,
      %get3A_18 = arith.index_cast %scan3A_11 : i32 to index
      %get3A_19 = arith.constant 0 : index
      %get3A_20 = tpu.vector_load %arg8[%get3A_18, %get3A_19] {strides = array<i32>} : memref<112x96xi32, #tpu.memory_space<vmem>>, vector<16xi32>,
      %shift_right_arithmetic3A_21 = arith.constant 4 : i32
      %shift_right_arithmetic3A_22 = vector.broadcast %shift_right_arithmetic3A_21 : i32 to vector<16xi32>
      %shift_right_arithmetic3A_23 = arith.shrsi %get3A_20, %shift_right_arithmetic3A_22 : vector<16xi32>
      %and3A_24 = arith.constant 15 : i32
      %and3A_25 = vector.broadcast %and3A_24 : i32 to vector<16xi32>
      %and3A_26 = arith.andi %get3A_20, %and3A_25 : vector<16xi32>
      tpu.vector_store_idx %arg10[%shift_right_arithmetic3A_23, %and3A_26], %broadcast_in_dim3A_5 {add = true} : memref<320x16xf32, #tpu.memory_space<vmem>>[vector<16xi32>, vector<16xi32>], vector<16xf32>,
      %get3A_27 = arith.index_cast %scan3A_11 : i32 to index
      %get3A_28 = arith.constant 16 : index
      %get3A_29 = tpu.vector_load %arg7[%get3A_27, %get3A_28] {strides = array<i32>} : memref<112x96xi32, #tpu.memory_space<vmem>>, vector<16xi32>,
      %shift_right_arithmetic3A_30 = arith.constant 4 : i32
      %shift_right_arithmetic3A_31 = vector.broadcast %shift_right_arithmetic3A_30 : i32 to vector<16xi32>
      %shift_right_arithmetic3A_32 = arith.shrsi %get3A_29, %shift_right_arithmetic3A_31 : vector<16xi32>
      %and3A_33 = arith.constant 15 : i32
      %and3A_34 = vector.broadcast %and3A_33 : i32 to vector<16xi32>
      %and3A_35 = arith.andi %get3A_29, %and3A_34 : vector<16xi32>
      tpu.vector_store_idx %arg9[%shift_right_arithmetic3A_32, %and3A_35], %broadcast_in_dim3A_5 {add = true} : memref<640x16xf32, #tpu.memory_space<vmem>>[vector<16xi32>, vector<16xi32>], vector<16xf32>,
      %get3A_36 = arith.index_cast %scan3A_11 : i32 to index
      %get3A_37 = arith.constant 16 : index
      %get3A_38 = tpu.vector_load %arg8[%get3A_36, %get3A_37] {strides = array<i32>} : memref<112x96xi32, #tpu.memory_space<vmem>>, vector<16xi32>,
      %shift_right_arithmetic3A_39 = arith.constant 4 : i32
      %shift_right_arithmetic3A_40 = vector.broadcast %shift_right_arithmetic3A_39 : i32 to vector<16xi32>
      %shift_right_arithmetic3A_41 = arith.shrsi %get3A_38, %shift_right_arithmetic3A_40 : vector<16xi32>
      %and3A_42 = arith.constant 15 : i32
      %and3A_43 = vector.broadcast %and3A_42 : i32 to vector<16xi32>
      %and3A_44 = arith.andi %get3A_38, %and3A_43 : vector<16xi32>
      tpu.vector_store_idx %arg10[%shift_right_arithmetic3A_41, %and3A_44], %broadcast_in_dim3A_5 {add = true} : memref<320x16xf32, #tpu.memory_space<vmem>>[vector<16xi32>, vector<16xi32>], vector<16xf32>,
      %get3A_45 = arith.index_cast %scan3A_11 : i32 to index
      %get3A_46 = arith.constant 32 : index
      %get3A_47 = tpu.vector_load %arg7[%get3A_45, %get3A_46] {strides = array<i32>} : memref<112x96xi32, #tpu.memory_space<vmem>>, vector<16xi32>,
      %shift_right_arithmetic3A_48 = arith.constant 4 : i32
      %shift_right_arithmetic3A_49 = vector.broadcast %shift_right_arithmetic3A_48 : i32 to vector<16xi32>
      %shift_right_arithmetic3A_50 = arith.shrsi %get3A_47, %shift_right_arithmetic3A_49 : vector<16xi32>
      %and3A_51 = arith.constant 15 : i32
      %and3A_52 = vector.broadcast %and3A_51 : i32 to vector<16xi32>
      %and3A_53 = arith.andi %get3A_47, %and3A_52 : vector<16xi32>
      tpu.vector_store_idx %arg9[%shift_right_arithmetic3A_50, %and3A_53], %broadcast_in_dim3A_5 {add = true} : memref<640x16xf32, #tpu.memory_space<vmem>>[vector<16xi32>, vector<16xi32>], vector<16xf32>,
      %get3A_54 = arith.index_cast %scan3A_11 : i32 to index
      %get3A_55 = arith.constant 32 : index
      %get3A_56 = tpu.vector_load %arg8[%get3A_54, %get3A_55] {strides = array<i32>} : memref<112x96xi32, #tpu.memory_space<vmem>>, vector<16xi32>,
      %shift_right_arithmetic3A_57 = arith.constant 4 : i32
      %shift_right_arithmetic3A_58 = vector.broadcast %shift_right_arithmetic3A_57 : i32 to vector<16xi32>
      %shift_right_arithmetic3A_59 = arith.shrsi %get3A_56, %shift_right_arithmetic3A_58 : vector<16xi32>
      %and3A_60 = arith.constant 15 : i32
      %and3A_61 = vector.broadcast %and3A_60 : i32 to vector<16xi32>
      %and3A_62 = arith.andi %get3A_56, %and3A_61 : vector<16xi32>
      tpu.vector_store_idx %arg10[%shift_right_arithmetic3A_59, %and3A_62], %broadcast_in_dim3A_5 {add = true} : memref<320x16xf32, #tpu.memory_space<vmem>>[vector<16xi32>, vector<16xi32>], vector<16xf32>,
      %get3A_63 = arith.index_cast %scan3A_11 : i32 to index
      %get3A_64 = arith.constant 48 : index
      %get3A_65 = tpu.vector_load %arg7[%get3A_63, %get3A_64] {strides = array<i32>} : memref<112x96xi32, #tpu.memory_space<vmem>>, vector<16xi32>,
      %shift_right_arithmetic3A_66 = arith.constant 4 : i32
      %shift_right_arithmetic3A_67 = vector.broadcast %shift_right_arithmetic3A_66 : i32 to vector<16xi32>
      %shift_right_arithmetic3A_68 = arith.shrsi %get3A_65, %shift_right_arithmetic3A_67 : vector<16xi32>
      %and3A_69 = arith.constant 15 : i32
      %and3A_70 = vector.broadcast %and3A_69 : i32 to vector<16xi32>
      %and3A_71 = arith.andi %get3A_65, %and3A_70 : vector<16xi32>
      tpu.vector_store_idx %arg9[%shift_right_arithmetic3A_68, %and3A_71], %broadcast_in_dim3A_5 {add = true} : memref<640x16xf32, #tpu.memory_space<vmem>>[vector<16xi32>, vector<16xi32>], vector<16xf32>,
      %get3A_72 = arith.index_cast %scan3A_11 : i32 to index
      %get3A_73 = arith.constant 48 : index
      %get3A_74 = tpu.vector_load %arg8[%get3A_72, %get3A_73] {strides = array<i32>} : memref<112x96xi32, #tpu.memory_space<vmem>>, vector<16xi32>,
      %shift_right_arithmetic3A_75 = arith.constant 4 : i32
      %shift_right_arithmetic3A_76 = vector.broadcast %shift_right_arithmetic3A_75 : i32 to vector<16xi32>
      %shift_right_arithmetic3A_77 = arith.shrsi %get3A_74, %shift_right_arithmetic3A_76 : vector<16xi32>
      %and3A_78 = arith.constant 15 : i32
      %and3A_79 = vector.broadcast %and3A_78 : i32 to vector<16xi32>
      %and3A_80 = arith.andi %get3A_74, %and3A_79 : vector<16xi32>
      tpu.vector_store_idx %arg10[%shift_right_arithmetic3A_77, %and3A_80], %broadcast_in_dim3A_5 {add = true} : memref<320x16xf32, #tpu.memory_space<vmem>>[vector<16xi32>, vector<16xi32>], vector<16xf32>,
      %get3A_81 = arith.index_cast %scan3A_11 : i32 to index
      %get3A_82 = arith.constant 64 : index
      %get3A_83 = tpu.vector_load %arg7[%get3A_81, %get3A_82] {strides = array<i32>} : memref<112x96xi32, #tpu.memory_space<vmem>>, vector<16xi32>,
      %shift_right_arithmetic3A_84 = arith.constant 4 : i32
      %shift_right_arithmetic3A_85 = vector.broadcast %shift_right_arithmetic3A_84 : i32 to vector<16xi32>
      %shift_right_arithmetic3A_86 = arith.shrsi %get3A_83, %shift_right_arithmetic3A_85 : vector<16xi32>
      %and3A_87 = arith.constant 15 : i32
      %and3A_88 = vector.broadcast %and3A_87 : i32 to vector<16xi32>
      %and3A_89 = arith.andi %get3A_83, %and3A_88 : vector<16xi32>
      tpu.vector_store_idx %arg9[%shift_right_arithmetic3A_86, %and3A_89], %broadcast_in_dim3A_5 {add = true} : memref<640x16xf32, #tpu.memory_space<vmem>>[vector<16xi32>, vector<16xi32>], vector<16xf32>,
      %get3A_90 = arith.index_cast %scan3A_11 : i32 to index
      %get3A_91 = arith.constant 64 : index
      %get3A_92 = tpu.vector_load %arg8[%get3A_90, %get3A_91] {strides = array<i32>} : memref<112x96xi32, #tpu.memory_space<vmem>>, vector<16xi32>,
      %shift_right_arithmetic3A_93 = arith.constant 4 : i32
      %shift_right_arithmetic3A_94 = vector.broadcast %shift_right_arithmetic3A_93 : i32 to vector<16xi32>
      %shift_right_arithmetic3A_95 = arith.shrsi %get3A_92, %shift_right_arithmetic3A_94 : vector<16xi32>
      %and3A_96 = arith.constant 15 : i32
      %and3A_97 = vector.broadcast %and3A_96 : i32 to vector<16xi32>
      %and3A_98 = arith.andi %get3A_92, %and3A_97 : vector<16xi32>
      tpu.vector_store_idx %arg10[%shift_right_arithmetic3A_95, %and3A_98], %broadcast_in_dim3A_5 {add = true} : memref<320x16xf32, #tpu.memory_space<vmem>>[vector<16xi32>, vector<16xi32>], vector<16xf32>,
      %get3A_99 = arith.index_cast %scan3A_11 : i32 to index
      %get3A_100 = arith.constant 80 : index
      %get3A_101 = tpu.vector_load %arg7[%get3A_99, %get3A_100] {strides = array<i32>} : memref<112x96xi32, #tpu.memory_space<vmem>>, vector<16xi32>,
      %shift_right_arithmetic3A_102 = arith.constant 4 : i32
      %shift_right_arithmetic3A_103 = vector.broadcast %shift_right_arithmetic3A_102 : i32 to vector<16xi32>
      %shift_right_arithmetic3A_104 = arith.shrsi %get3A_101, %shift_right_arithmetic3A_103 : vector<16xi32>
      %and3A_105 = arith.constant 15 : i32
      %and3A_106 = vector.broadcast %and3A_105 : i32 to vector<16xi32>
      %and3A_107 = arith.andi %get3A_101, %and3A_106 : vector<16xi32>
      tpu.vector_store_idx %arg9[%shift_right_arithmetic3A_104, %and3A_107], %broadcast_in_dim3A_5 {add = true} : memref<640x16xf32, #tpu.memory_space<vmem>>[vector<16xi32>, vector<16xi32>], vector<16xf32>,
      %get3A_108 = arith.index_cast %scan3A_11 : i32 to index
      %get3A_109 = arith.constant 80 : index
      %get3A_110 = tpu.vector_load %arg8[%get3A_108, %get3A_109] {strides = array<i32>} : memref<112x96xi32, #tpu.memory_space<vmem>>, vector<16xi32>,
      %shift_right_arithmetic3A_111 = arith.constant 4 : i32
      %shift_right_arithmetic3A_112 = vector.broadcast %shift_right_arithmetic3A_111 : i32 to vector<16xi32>
      %shift_right_arithmetic3A_113 = arith.shrsi %get3A_110, %shift_right_arithmetic3A_112 : vector<16xi32>
      %and3A_114 = arith.constant 15 : i32
      %and3A_115 = vector.broadcast %and3A_114 : i32 to vector<16xi32>
      %and3A_116 = arith.andi %get3A_110, %and3A_115 : vector<16xi32>
      tpu.vector_store_idx %arg10[%shift_right_arithmetic3A_113, %and3A_116], %broadcast_in_dim3A_5 {add = true} : memref<320x16xf32, #tpu.memory_space<vmem>>[vector<16xi32>, vector<16xi32>], vector<16xf32>,
    }
    %scan3A_10 = arith.constant 112 : i32
    "tpu.region"() ({
      %run_scoped3A = tpu.sem_alloc : memref<!tpu.dma_semaphore, #tpu.memory_space<semaphore_mem>>
      %dma_start3A = arith.constant 0 : i32
      %dma_start3A_11 = arith.constant 0 : i32
      %dma_start3A_12 = tpu.memref_slice %arg5[%add3A, %dma_start3A, %dma_start3A_11] : memref<32x640x16xf32, #tpu.memory_space<hbm>> -> memref<1x640x16xf32, #tpu.memory_space<hbm>>
      %dma_start3A_13 = tpu.memref_squeeze %dma_start3A_12 : memref<1x640x16xf32, #tpu.memory_space<hbm>> -> memref<640x16xf32, #tpu.memory_space<hbm>>
      %dma_start3A_14 = arith.constant 0 : i32
      %dma_start3A_15 = arith.constant 0 : i32
      %dma_start3A_16 = tpu.memref_slice %arg5[%add3A, %dma_start3A_14, %dma_start3A_15] : memref<32x640x16xf32, #tpu.memory_space<hbm>> -> memref<1x640x16xf32, #tpu.memory_space<hbm>>
      %dma_start3A_17 = tpu.memref_squeeze %dma_start3A_16 : memref<1x640x16xf32, #tpu.memory_space<hbm>> -> memref<640x16xf32, #tpu.memory_space<hbm>>
      tpu.enqueue_dma source(%arg9 : memref<640x16xf32, #tpu.memory_space<vmem>>) target(%dma_start3A_17 : memref<640x16xf32, #tpu.memory_space<hbm>>) target_semaphore(%run_scoped3A : memref<!tpu.dma_semaphore, #tpu.memory_space<semaphore_mem>>)
      %dma_wait3A = arith.constant 0 : i32
      %dma_wait3A_18 = arith.constant 0 : i32
      %dma_wait3A_19 = tpu.memref_slice %arg5[%add3A, %dma_wait3A, %dma_wait3A_18] : memref<32x640x16xf32, #tpu.memory_space<hbm>> -> memref<1x640x16xf32, #tpu.memory_space<hbm>>
      %dma_wait3A_20 = tpu.memref_squeeze %dma_wait3A_19 : memref<1x640x16xf32, #tpu.memory_space<hbm>> -> memref<640x16xf32, #tpu.memory_space<hbm>>
      %dma_wait3A_21 = arith.constant 0 : i32
      %dma_wait3A_22 = arith.constant 0 : i32
      %dma_wait3A_23 = tpu.memref_slice %arg5[%add3A, %dma_wait3A_21, %dma_wait3A_22] : memref<32x640x16xf32, #tpu.memory_space<hbm>> -> memref<1x640x16xf32, #tpu.memory_space<hbm>>
      %dma_wait3A_24 = tpu.memref_squeeze %dma_wait3A_23 : memref<1x640x16xf32, #tpu.memory_space<hbm>> -> memref<640x16xf32, #tpu.memory_space<hbm>>
      tpu.wait_dma2 semaphore(%run_scoped3A : memref<!tpu.dma_semaphore, #tpu.memory_space<semaphore_mem>>) src(%arg9 : memref<640x16xf32, #tpu.memory_space<vmem>>) dst(%dma_wait3A_24 : memref<640x16xf32, #tpu.memory_space<hbm>>)
      tpu.yield
    }) : () -> ()
    "tpu.region"() ({
      %run_scoped3A = tpu.sem_alloc : memref<!tpu.dma_semaphore, #tpu.memory_space<semaphore_mem>>
      %dma_start3A = arith.constant 0 : i32
      %dma_start3A_11 = arith.constant 0 : i32
      %dma_start3A_12 = tpu.memref_slice %arg6[%add3A, %dma_start3A, %dma_start3A_11] : memref<32x320x16xf32, #tpu.memory_space<hbm>> -> memref<1x320x16xf32, #tpu.memory_space<hbm>>
      %dma_start3A_13 = tpu.memref_squeeze %dma_start3A_12 : memref<1x320x16xf32, #tpu.memory_space<hbm>> -> memref<320x16xf32, #tpu.memory_space<hbm>>
      %dma_start3A_14 = arith.constant 0 : i32
      %dma_start3A_15 = arith.constant 0 : i32
      %dma_start3A_16 = tpu.memref_slice %arg6[%add3A, %dma_start3A_14, %dma_start3A_15] : memref<32x320x16xf32, #tpu.memory_space<hbm>> -> memref<1x320x16xf32, #tpu.memory_space<hbm>>
      %dma_start3A_17 = tpu.memref_squeeze %dma_start3A_16 : memref<1x320x16xf32, #tpu.memory_space<hbm>> -> memref<320x16xf32, #tpu.memory_space<hbm>>
      tpu.enqueue_dma source(%arg10 : memref<320x16xf32, #tpu.memory_space<vmem>>) target(%dma_start3A_17 : memref<320x16xf32, #tpu.memory_space<hbm>>) target_semaphore(%run_scoped3A : memref<!tpu.dma_semaphore, #tpu.memory_space<semaphore_mem>>)
      %dma_wait3A = arith.constant 0 : i32
      %dma_wait3A_18 = arith.constant 0 : i32
      %dma_wait3A_19 = tpu.memref_slice %arg6[%add3A, %dma_wait3A, %dma_wait3A_18] : memref<32x320x16xf32, #tpu.memory_space<hbm>> -> memref<1x320x16xf32, #tpu.memory_space<hbm>>
      %dma_wait3A_20 = tpu.memref_squeeze %dma_wait3A_19 : memref<1x320x16xf32, #tpu.memory_space<hbm>> -> memref<320x16xf32, #tpu.memory_space<hbm>>
      %dma_wait3A_21 = arith.constant 0 : i32
      %dma_wait3A_22 = arith.constant 0 : i32
      %dma_wait3A_23 = tpu.memref_slice %arg6[%add3A, %dma_wait3A_21, %dma_wait3A_22] : memref<32x320x16xf32, #tpu.memory_space<hbm>> -> memref<1x320x16xf32, #tpu.memory_space<hbm>>
      %dma_wait3A_24 = tpu.memref_squeeze %dma_wait3A_23 : memref<1x320x16xf32, #tpu.memory_space<hbm>> -> memref<320x16xf32, #tpu.memory_space<hbm>>
      tpu.wait_dma2 semaphore(%run_scoped3A : memref<!tpu.dma_semaphore, #tpu.memory_space<semaphore_mem>>) src(%arg10 : memref<320x16xf32, #tpu.memory_space<vmem>>) dst(%dma_wait3A_24 : memref<320x16xf32, #tpu.memory_space<hbm>>)
      tpu.yield
    }) : () -> ()
    return
  }
}

#map = affine_map<(d0, d1) -> (0, 0, 0)>
#map1 = affine_map<(d0, d1) -> (0, 0)>
module attributes {stable_mosaic.version = 14 : i64} {
  func.func @_main_body(%arg0: i32, %arg1: i32, %arg2: memref<2x10240x64xf32, #tpu.memory_space<hbm>>, %arg3: memref<5120x64xf32, #tpu.memory_space<hbm>>, %arg4: memref<16x224x96xi32, #tpu.memory_space<hbm>>, %arg5: memref<16x224x96xi32, #tpu.memory_space<hbm>>, %arg6: memref<64x64xf32, #tpu.memory_space<hbm>>, %arg7: memref<2x10240x64xf32, #tpu.memory_space<hbm>>, %arg8: memref<224x96xi32, #tpu.memory_space<vmem>>, %arg9: memref<224x96xi32, #tpu.memory_space<vmem>>, %arg10: memref<96x64xf32, #tpu.memory_space<vmem>>, %arg11: memref<96x64xf32, #tpu.memory_space<vmem>>, %arg12: memref<96x64xf32, #tpu.memory_space<vmem>>, %arg13: memref<96x64xf32, #tpu.memory_space<vmem>>, %arg14: memref<5120x64xf32, #tpu.memory_space<vmem_shared>>, %arg15: memref<10240x64xf32, #tpu.memory_space<vmem_shared>>, %arg16: memref<!tpu.dma_semaphore, #tpu.memory_space<semaphore_mem>>, %arg17: memref<!tpu.dma_semaphore, #tpu.memory_space<semaphore_mem>>, %arg18: memref<!tpu.dma_semaphore, #tpu.memory_space<semaphore_mem>>, %arg19: memref<!tpu.dma_semaphore, #tpu.memory_space<semaphore_mem>>, %arg20: memref<!tpu.dma_semaphore, #tpu.memory_space<semaphore_mem>>, %arg21: memref<!tpu.dma_semaphore, #tpu.memory_space<semaphore_mem>>, %arg22: memref<!tpu.dma_semaphore, #tpu.memory_space<semaphore_mem>>, %arg23: memref<!tpu.dma_semaphore, #tpu.memory_space<semaphore_mem>>) attributes {dimension_semantics = [#tpu.dimension_semantics<core_parallel>, #tpu.dimension_semantics<subcore_parallel>], iteration_bounds = array<i64: 2, 16>, scalar_prefetch = 0 : i64, scratch_operands = 16 : i64, tpu.core_type = #tpu.core_type<sc_vector_subcore>, window_params = [{transform_indices = #map}, {transform_indices = #map1}, {transform_indices = #map}, {transform_indices = #map}, {transform_indices = #map1}, {transform_indices = #map}]} {
    %dma_start3A = arith.constant 0 : i32
    %dma_start3A_0 = arith.constant 0 : i32
    %dma_start3A_1 = tpu.memref_slice %arg4[%arg1, %dma_start3A, %dma_start3A_0] : memref<16x224x96xi32, #tpu.memory_space<hbm>> -> memref<1x224x96xi32, #tpu.memory_space<hbm>>
    %dma_start3A_2 = tpu.memref_squeeze %dma_start3A_1 : memref<1x224x96xi32, #tpu.memory_space<hbm>> -> memref<224x96xi32, #tpu.memory_space<hbm>>
    %dma_start3A_3 = arith.constant 0 : i32
    %dma_start3A_4 = arith.constant 0 : i32
    %dma_start3A_5 = tpu.memref_slice %arg4[%arg1, %dma_start3A_3, %dma_start3A_4] : memref<16x224x96xi32, #tpu.memory_space<hbm>> -> memref<1x224x96xi32, #tpu.memory_space<hbm>>
    %dma_start3A_6 = tpu.memref_squeeze %dma_start3A_5 : memref<1x224x96xi32, #tpu.memory_space<hbm>> -> memref<224x96xi32, #tpu.memory_space<hbm>>
    tpu.enqueue_dma source(%dma_start3A_6 : memref<224x96xi32, #tpu.memory_space<hbm>>) target(%arg8 : memref<224x96xi32, #tpu.memory_space<vmem>>) target_semaphore(%arg16 : memref<!tpu.dma_semaphore, #tpu.memory_space<semaphore_mem>>)
    %dma_start3A_7 = arith.constant 0 : i32
    %dma_start3A_8 = arith.constant 0 : i32
    %dma_start3A_9 = tpu.memref_slice %arg5[%arg1, %dma_start3A_7, %dma_start3A_8] : memref<16x224x96xi32, #tpu.memory_space<hbm>> -> memref<1x224x96xi32, #tpu.memory_space<hbm>>
    %dma_start3A_10 = tpu.memref_squeeze %dma_start3A_9 : memref<1x224x96xi32, #tpu.memory_space<hbm>> -> memref<224x96xi32, #tpu.memory_space<hbm>>
    %dma_start3A_11 = arith.constant 0 : i32
    %dma_start3A_12 = arith.constant 0 : i32
    %dma_start3A_13 = tpu.memref_slice %arg5[%arg1, %dma_start3A_11, %dma_start3A_12] : memref<16x224x96xi32, #tpu.memory_space<hbm>> -> memref<1x224x96xi32, #tpu.memory_space<hbm>>
    %dma_start3A_14 = tpu.memref_squeeze %dma_start3A_13 : memref<1x224x96xi32, #tpu.memory_space<hbm>> -> memref<224x96xi32, #tpu.memory_space<hbm>>
    tpu.enqueue_dma source(%dma_start3A_14 : memref<224x96xi32, #tpu.memory_space<hbm>>) target(%arg9 : memref<224x96xi32, #tpu.memory_space<vmem>>) target_semaphore(%arg17 : memref<!tpu.dma_semaphore, #tpu.memory_space<semaphore_mem>>)
    %mul3A = arith.constant 640 : i32
    %mul3A_15 = arith.muli %arg1, %mul3A : i32
    %add3A = arith.constant 0 : i32
    %add3A_16 = arith.addi %mul3A_15, %add3A : i32
    %dma_start3A_17 = arith.constant 0 : i32
    %dma_start3A_18 = tpu.memref_slice %arg15[%add3A_16, %dma_start3A_17] : memref<10240x64xf32, #tpu.memory_space<vmem_shared>> -> memref<64x64xf32, #tpu.memory_space<vmem_shared>>
    %dma_start3A_19 = arith.constant 0 : i32
    %dma_start3A_20 = tpu.memref_slice %arg2[%arg0, %add3A_16, %dma_start3A_19] : memref<2x10240x64xf32, #tpu.memory_space<hbm>> -> memref<1x64x64xf32, #tpu.memory_space<hbm>>
    %dma_start3A_21 = tpu.memref_squeeze %dma_start3A_20 : memref<1x64x64xf32, #tpu.memory_space<hbm>> -> memref<64x64xf32, #tpu.memory_space<hbm>>
    tpu.enqueue_dma source(%dma_start3A_21 : memref<64x64xf32, #tpu.memory_space<hbm>>) target(%dma_start3A_18 : memref<64x64xf32, #tpu.memory_space<vmem_shared>>) target_semaphore(%arg18 : memref<!tpu.dma_semaphore, #tpu.memory_space<semaphore_mem>>)
    %mul3A_22 = arith.constant 640 : i32
    %mul3A_23 = arith.muli %arg1, %mul3A_22 : i32
    %add3A_24 = arith.constant 64 : i32
    %add3A_25 = arith.addi %mul3A_23, %add3A_24 : i32
    %dma_start3A_26 = arith.constant 0 : i32
    %dma_start3A_27 = tpu.memref_slice %arg15[%add3A_25, %dma_start3A_26] : memref<10240x64xf32, #tpu.memory_space<vmem_shared>> -> memref<64x64xf32, #tpu.memory_space<vmem_shared>>
    %dma_start3A_28 = arith.constant 0 : i32
    %dma_start3A_29 = tpu.memref_slice %arg2[%arg0, %add3A_25, %dma_start3A_28] : memref<2x10240x64xf32, #tpu.memory_space<hbm>> -> memref<1x64x64xf32, #tpu.memory_space<hbm>>
    %dma_start3A_30 = tpu.memref_squeeze %dma_start3A_29 : memref<1x64x64xf32, #tpu.memory_space<hbm>> -> memref<64x64xf32, #tpu.memory_space<hbm>>
    tpu.enqueue_dma source(%dma_start3A_30 : memref<64x64xf32, #tpu.memory_space<hbm>>) target(%dma_start3A_27 : memref<64x64xf32, #tpu.memory_space<vmem_shared>>) target_semaphore(%arg18 : memref<!tpu.dma_semaphore, #tpu.memory_space<semaphore_mem>>)
    %mul3A_31 = arith.constant 640 : i32
    %mul3A_32 = arith.muli %arg1, %mul3A_31 : i32
    %add3A_33 = arith.constant 128 : i32
    %add3A_34 = arith.addi %mul3A_32, %add3A_33 : i32
    %dma_start3A_35 = arith.constant 0 : i32
    %dma_start3A_36 = tpu.memref_slice %arg15[%add3A_34, %dma_start3A_35] : memref<10240x64xf32, #tpu.memory_space<vmem_shared>> -> memref<64x64xf32, #tpu.memory_space<vmem_shared>>
    %dma_start3A_37 = arith.constant 0 : i32
    %dma_start3A_38 = tpu.memref_slice %arg2[%arg0, %add3A_34, %dma_start3A_37] : memref<2x10240x64xf32, #tpu.memory_space<hbm>> -> memref<1x64x64xf32, #tpu.memory_space<hbm>>
    %dma_start3A_39 = tpu.memref_squeeze %dma_start3A_38 : memref<1x64x64xf32, #tpu.memory_space<hbm>> -> memref<64x64xf32, #tpu.memory_space<hbm>>
    tpu.enqueue_dma source(%dma_start3A_39 : memref<64x64xf32, #tpu.memory_space<hbm>>) target(%dma_start3A_36 : memref<64x64xf32, #tpu.memory_space<vmem_shared>>) target_semaphore(%arg18 : memref<!tpu.dma_semaphore, #tpu.memory_space<semaphore_mem>>)
    %mul3A_40 = arith.constant 640 : i32
    %mul3A_41 = arith.muli %arg1, %mul3A_40 : i32
    %add3A_42 = arith.constant 192 : i32
    %add3A_43 = arith.addi %mul3A_41, %add3A_42 : i32
    %dma_start3A_44 = arith.constant 0 : i32
    %dma_start3A_45 = tpu.memref_slice %arg15[%add3A_43, %dma_start3A_44] : memref<10240x64xf32, #tpu.memory_space<vmem_shared>> -> memref<64x64xf32, #tpu.memory_space<vmem_shared>>
    %dma_start3A_46 = arith.constant 0 : i32
    %dma_start3A_47 = tpu.memref_slice %arg2[%arg0, %add3A_43, %dma_start3A_46] : memref<2x10240x64xf32, #tpu.memory_space<hbm>> -> memref<1x64x64xf32, #tpu.memory_space<hbm>>
    %dma_start3A_48 = tpu.memref_squeeze %dma_start3A_47 : memref<1x64x64xf32, #tpu.memory_space<hbm>> -> memref<64x64xf32, #tpu.memory_space<hbm>>
    tpu.enqueue_dma source(%dma_start3A_48 : memref<64x64xf32, #tpu.memory_space<hbm>>) target(%dma_start3A_45 : memref<64x64xf32, #tpu.memory_space<vmem_shared>>) target_semaphore(%arg18 : memref<!tpu.dma_semaphore, #tpu.memory_space<semaphore_mem>>)
    %mul3A_49 = arith.constant 640 : i32
    %mul3A_50 = arith.muli %arg1, %mul3A_49 : i32
    %add3A_51 = arith.constant 256 : i32
    %add3A_52 = arith.addi %mul3A_50, %add3A_51 : i32
    %dma_start3A_53 = arith.constant 0 : i32
    %dma_start3A_54 = tpu.memref_slice %arg15[%add3A_52, %dma_start3A_53] : memref<10240x64xf32, #tpu.memory_space<vmem_shared>> -> memref<64x64xf32, #tpu.memory_space<vmem_shared>>
    %dma_start3A_55 = arith.constant 0 : i32
    %dma_start3A_56 = tpu.memref_slice %arg2[%arg0, %add3A_52, %dma_start3A_55] : memref<2x10240x64xf32, #tpu.memory_space<hbm>> -> memref<1x64x64xf32, #tpu.memory_space<hbm>>
    %dma_start3A_57 = tpu.memref_squeeze %dma_start3A_56 : memref<1x64x64xf32, #tpu.memory_space<hbm>> -> memref<64x64xf32, #tpu.memory_space<hbm>>
    tpu.enqueue_dma source(%dma_start3A_57 : memref<64x64xf32, #tpu.memory_space<hbm>>) target(%dma_start3A_54 : memref<64x64xf32, #tpu.memory_space<vmem_shared>>) target_semaphore(%arg18 : memref<!tpu.dma_semaphore, #tpu.memory_space<semaphore_mem>>)
    %mul3A_58 = arith.constant 640 : i32
    %mul3A_59 = arith.muli %arg1, %mul3A_58 : i32
    %add3A_60 = arith.constant 320 : i32
    %add3A_61 = arith.addi %mul3A_59, %add3A_60 : i32
    %dma_start3A_62 = arith.constant 0 : i32
    %dma_start3A_63 = tpu.memref_slice %arg15[%add3A_61, %dma_start3A_62] : memref<10240x64xf32, #tpu.memory_space<vmem_shared>> -> memref<64x64xf32, #tpu.memory_space<vmem_shared>>
    %dma_start3A_64 = arith.constant 0 : i32
    %dma_start3A_65 = tpu.memref_slice %arg2[%arg0, %add3A_61, %dma_start3A_64] : memref<2x10240x64xf32, #tpu.memory_space<hbm>> -> memref<1x64x64xf32, #tpu.memory_space<hbm>>
    %dma_start3A_66 = tpu.memref_squeeze %dma_start3A_65 : memref<1x64x64xf32, #tpu.memory_space<hbm>> -> memref<64x64xf32, #tpu.memory_space<hbm>>
    tpu.enqueue_dma source(%dma_start3A_66 : memref<64x64xf32, #tpu.memory_space<hbm>>) target(%dma_start3A_63 : memref<64x64xf32, #tpu.memory_space<vmem_shared>>) target_semaphore(%arg18 : memref<!tpu.dma_semaphore, #tpu.memory_space<semaphore_mem>>)
    %mul3A_67 = arith.constant 640 : i32
    %mul3A_68 = arith.muli %arg1, %mul3A_67 : i32
    %add3A_69 = arith.constant 384 : i32
    %add3A_70 = arith.addi %mul3A_68, %add3A_69 : i32
    %dma_start3A_71 = arith.constant 0 : i32
    %dma_start3A_72 = tpu.memref_slice %arg15[%add3A_70, %dma_start3A_71] : memref<10240x64xf32, #tpu.memory_space<vmem_shared>> -> memref<64x64xf32, #tpu.memory_space<vmem_shared>>
    %dma_start3A_73 = arith.constant 0 : i32
    %dma_start3A_74 = tpu.memref_slice %arg2[%arg0, %add3A_70, %dma_start3A_73] : memref<2x10240x64xf32, #tpu.memory_space<hbm>> -> memref<1x64x64xf32, #tpu.memory_space<hbm>>
    %dma_start3A_75 = tpu.memref_squeeze %dma_start3A_74 : memref<1x64x64xf32, #tpu.memory_space<hbm>> -> memref<64x64xf32, #tpu.memory_space<hbm>>
    tpu.enqueue_dma source(%dma_start3A_75 : memref<64x64xf32, #tpu.memory_space<hbm>>) target(%dma_start3A_72 : memref<64x64xf32, #tpu.memory_space<vmem_shared>>) target_semaphore(%arg18 : memref<!tpu.dma_semaphore, #tpu.memory_space<semaphore_mem>>)
    %mul3A_76 = arith.constant 640 : i32
    %mul3A_77 = arith.muli %arg1, %mul3A_76 : i32
    %add3A_78 = arith.constant 448 : i32
    %add3A_79 = arith.addi %mul3A_77, %add3A_78 : i32
    %dma_start3A_80 = arith.constant 0 : i32
    %dma_start3A_81 = tpu.memref_slice %arg15[%add3A_79, %dma_start3A_80] : memref<10240x64xf32, #tpu.memory_space<vmem_shared>> -> memref<64x64xf32, #tpu.memory_space<vmem_shared>>
    %dma_start3A_82 = arith.constant 0 : i32
    %dma_start3A_83 = tpu.memref_slice %arg2[%arg0, %add3A_79, %dma_start3A_82] : memref<2x10240x64xf32, #tpu.memory_space<hbm>> -> memref<1x64x64xf32, #tpu.memory_space<hbm>>
    %dma_start3A_84 = tpu.memref_squeeze %dma_start3A_83 : memref<1x64x64xf32, #tpu.memory_space<hbm>> -> memref<64x64xf32, #tpu.memory_space<hbm>>
    tpu.enqueue_dma source(%dma_start3A_84 : memref<64x64xf32, #tpu.memory_space<hbm>>) target(%dma_start3A_81 : memref<64x64xf32, #tpu.memory_space<vmem_shared>>) target_semaphore(%arg18 : memref<!tpu.dma_semaphore, #tpu.memory_space<semaphore_mem>>)
    %mul3A_85 = arith.constant 640 : i32
    %mul3A_86 = arith.muli %arg1, %mul3A_85 : i32
    %add3A_87 = arith.constant 512 : i32
    %add3A_88 = arith.addi %mul3A_86, %add3A_87 : i32
    %dma_start3A_89 = arith.constant 0 : i32
    %dma_start3A_90 = tpu.memref_slice %arg15[%add3A_88, %dma_start3A_89] : memref<10240x64xf32, #tpu.memory_space<vmem_shared>> -> memref<64x64xf32, #tpu.memory_space<vmem_shared>>
    %dma_start3A_91 = arith.constant 0 : i32
    %dma_start3A_92 = tpu.memref_slice %arg2[%arg0, %add3A_88, %dma_start3A_91] : memref<2x10240x64xf32, #tpu.memory_space<hbm>> -> memref<1x64x64xf32, #tpu.memory_space<hbm>>
    %dma_start3A_93 = tpu.memref_squeeze %dma_start3A_92 : memref<1x64x64xf32, #tpu.memory_space<hbm>> -> memref<64x64xf32, #tpu.memory_space<hbm>>
    tpu.enqueue_dma source(%dma_start3A_93 : memref<64x64xf32, #tpu.memory_space<hbm>>) target(%dma_start3A_90 : memref<64x64xf32, #tpu.memory_space<vmem_shared>>) target_semaphore(%arg18 : memref<!tpu.dma_semaphore, #tpu.memory_space<semaphore_mem>>)
    %mul3A_94 = arith.constant 640 : i32
    %mul3A_95 = arith.muli %arg1, %mul3A_94 : i32
    %add3A_96 = arith.constant 576 : i32
    %add3A_97 = arith.addi %mul3A_95, %add3A_96 : i32
    %dma_start3A_98 = arith.constant 0 : i32
    %dma_start3A_99 = tpu.memref_slice %arg15[%add3A_97, %dma_start3A_98] : memref<10240x64xf32, #tpu.memory_space<vmem_shared>> -> memref<64x64xf32, #tpu.memory_space<vmem_shared>>
    %dma_start3A_100 = arith.constant 0 : i32
    %dma_start3A_101 = tpu.memref_slice %arg2[%arg0, %add3A_97, %dma_start3A_100] : memref<2x10240x64xf32, #tpu.memory_space<hbm>> -> memref<1x64x64xf32, #tpu.memory_space<hbm>>
    %dma_start3A_102 = tpu.memref_squeeze %dma_start3A_101 : memref<1x64x64xf32, #tpu.memory_space<hbm>> -> memref<64x64xf32, #tpu.memory_space<hbm>>
    tpu.enqueue_dma source(%dma_start3A_102 : memref<64x64xf32, #tpu.memory_space<hbm>>) target(%dma_start3A_99 : memref<64x64xf32, #tpu.memory_space<vmem_shared>>) target_semaphore(%arg18 : memref<!tpu.dma_semaphore, #tpu.memory_space<semaphore_mem>>)
    "tpu.region"() ({
      %run_scoped3A = tpu.sem_alloc : memref<!tpu.dma_semaphore, #tpu.memory_space<semaphore_mem>>
      %dma_start3A_1320 = arith.constant 0 : i32
      %dma_start3A_1321 = arith.constant 0 : i32
      %dma_start3A_1322 = tpu.memref_slice %arg10[%dma_start3A_1320, %dma_start3A_1321] : memref<96x64xf32, #tpu.memory_space<vmem>> -> memref<64x64xf32, #tpu.memory_space<vmem>>
      %dma_start3A_1323 = arith.constant 0 : i32
      %dma_start3A_1324 = arith.constant 0 : i32
      %dma_start3A_1325 = tpu.memref_slice %arg10[%dma_start3A_1323, %dma_start3A_1324] : memref<96x64xf32, #tpu.memory_space<vmem>> -> memref<64x64xf32, #tpu.memory_space<vmem>>
      tpu.enqueue_dma source(%arg6 : memref<64x64xf32, #tpu.memory_space<hbm>>) target(%dma_start3A_1325 : memref<64x64xf32, #tpu.memory_space<vmem>>) target_semaphore(%run_scoped3A : memref<!tpu.dma_semaphore, #tpu.memory_space<semaphore_mem>>)
      %dma_wait3A_1326 = arith.constant 0 : i32
      %dma_wait3A_1327 = arith.constant 0 : i32
      %dma_wait3A_1328 = tpu.memref_slice %arg10[%dma_wait3A_1326, %dma_wait3A_1327] : memref<96x64xf32, #tpu.memory_space<vmem>> -> memref<64x64xf32, #tpu.memory_space<vmem>>
      %dma_wait3A_1329 = arith.constant 0 : i32
      %dma_wait3A_1330 = arith.constant 0 : i32
      %dma_wait3A_1331 = tpu.memref_slice %arg10[%dma_wait3A_1329, %dma_wait3A_1330] : memref<96x64xf32, #tpu.memory_space<vmem>> -> memref<64x64xf32, #tpu.memory_space<vmem>>
      tpu.wait_dma2 semaphore(%run_scoped3A : memref<!tpu.dma_semaphore, #tpu.memory_space<semaphore_mem>>) src(%arg6 : memref<64x64xf32, #tpu.memory_space<hbm>>) dst(%dma_wait3A_1331 : memref<64x64xf32, #tpu.memory_space<vmem>>)
      tpu.yield
    }) : () -> ()
    %mul3A_103 = arith.constant 320 : i32
    %mul3A_104 = arith.muli %arg1, %mul3A_103 : i32
    %add3A_105 = arith.constant 0 : i32
    %add3A_106 = arith.addi %mul3A_104, %add3A_105 : i32
    %dma_start3A_107 = arith.constant 0 : i32
    %dma_start3A_108 = arith.constant 0 : i32
    %dma_start3A_109 = tpu.memref_slice %arg10[%dma_start3A_107, %dma_start3A_108] : memref<96x64xf32, #tpu.memory_space<vmem>> -> memref<64x64xf32, #tpu.memory_space<vmem>>
    %dma_start3A_110 = arith.constant 0 : i32
    %dma_start3A_111 = tpu.memref_slice %arg14[%add3A_106, %dma_start3A_110] : memref<5120x64xf32, #tpu.memory_space<vmem_shared>> -> memref<64x64xf32, #tpu.memory_space<vmem_shared>>
    %dma_start3A_112 = arith.constant 0 : i32
    %dma_start3A_113 = tpu.memref_slice %arg14[%add3A_106, %dma_start3A_112] : memref<5120x64xf32, #tpu.memory_space<vmem_shared>> -> memref<64x64xf32, #tpu.memory_space<vmem_shared>>
    %dma_start3A_114 = arith.constant 0 : i32
    %dma_start3A_115 = arith.constant 0 : i32
    %dma_start3A_116 = tpu.memref_slice %arg10[%dma_start3A_114, %dma_start3A_115] : memref<96x64xf32, #tpu.memory_space<vmem>> -> memref<64x64xf32, #tpu.memory_space<vmem>>
    tpu.enqueue_dma source(%dma_start3A_116 : memref<64x64xf32, #tpu.memory_space<vmem>>) target(%dma_start3A_113 : memref<64x64xf32, #tpu.memory_space<vmem_shared>>) target_semaphore(%arg20 : memref<!tpu.dma_semaphore, #tpu.memory_space<semaphore_mem>>)
    %mul3A_117 = arith.constant 320 : i32
    %mul3A_118 = arith.muli %arg1, %mul3A_117 : i32
    %add3A_119 = arith.constant 64 : i32
    %add3A_120 = arith.addi %mul3A_118, %add3A_119 : i32
    %dma_start3A_121 = arith.constant 0 : i32
    %dma_start3A_122 = arith.constant 0 : i32
    %dma_start3A_123 = tpu.memref_slice %arg10[%dma_start3A_121, %dma_start3A_122] : memref<96x64xf32, #tpu.memory_space<vmem>> -> memref<64x64xf32, #tpu.memory_space<vmem>>
    %dma_start3A_124 = arith.constant 0 : i32
    %dma_start3A_125 = tpu.memref_slice %arg14[%add3A_120, %dma_start3A_124] : memref<5120x64xf32, #tpu.memory_space<vmem_shared>> -> memref<64x64xf32, #tpu.memory_space<vmem_shared>>
    %dma_start3A_126 = arith.constant 0 : i32
    %dma_start3A_127 = tpu.memref_slice %arg14[%add3A_120, %dma_start3A_126] : memref<5120x64xf32, #tpu.memory_space<vmem_shared>> -> memref<64x64xf32, #tpu.memory_space<vmem_shared>>
    %dma_start3A_128 = arith.constant 0 : i32
    %dma_start3A_129 = arith.constant 0 : i32
    %dma_start3A_130 = tpu.memref_slice %arg10[%dma_start3A_128, %dma_start3A_129] : memref<96x64xf32, #tpu.memory_space<vmem>> -> memref<64x64xf32, #tpu.memory_space<vmem>>
    tpu.enqueue_dma source(%dma_start3A_130 : memref<64x64xf32, #tpu.memory_space<vmem>>) target(%dma_start3A_127 : memref<64x64xf32, #tpu.memory_space<vmem_shared>>) target_semaphore(%arg20 : memref<!tpu.dma_semaphore, #tpu.memory_space<semaphore_mem>>)
    %mul3A_131 = arith.constant 320 : i32
    %mul3A_132 = arith.muli %arg1, %mul3A_131 : i32
    %add3A_133 = arith.constant 128 : i32
    %add3A_134 = arith.addi %mul3A_132, %add3A_133 : i32
    %dma_start3A_135 = arith.constant 0 : i32
    %dma_start3A_136 = arith.constant 0 : i32
    %dma_start3A_137 = tpu.memref_slice %arg10[%dma_start3A_135, %dma_start3A_136] : memref<96x64xf32, #tpu.memory_space<vmem>> -> memref<64x64xf32, #tpu.memory_space<vmem>>
    %dma_start3A_138 = arith.constant 0 : i32
    %dma_start3A_139 = tpu.memref_slice %arg14[%add3A_134, %dma_start3A_138] : memref<5120x64xf32, #tpu.memory_space<vmem_shared>> -> memref<64x64xf32, #tpu.memory_space<vmem_shared>>
    %dma_start3A_140 = arith.constant 0 : i32
    %dma_start3A_141 = tpu.memref_slice %arg14[%add3A_134, %dma_start3A_140] : memref<5120x64xf32, #tpu.memory_space<vmem_shared>> -> memref<64x64xf32, #tpu.memory_space<vmem_shared>>
    %dma_start3A_142 = arith.constant 0 : i32
    %dma_start3A_143 = arith.constant 0 : i32
    %dma_start3A_144 = tpu.memref_slice %arg10[%dma_start3A_142, %dma_start3A_143] : memref<96x64xf32, #tpu.memory_space<vmem>> -> memref<64x64xf32, #tpu.memory_space<vmem>>
    tpu.enqueue_dma source(%dma_start3A_144 : memref<64x64xf32, #tpu.memory_space<vmem>>) target(%dma_start3A_141 : memref<64x64xf32, #tpu.memory_space<vmem_shared>>) target_semaphore(%arg20 : memref<!tpu.dma_semaphore, #tpu.memory_space<semaphore_mem>>)
    %mul3A_145 = arith.constant 320 : i32
    %mul3A_146 = arith.muli %arg1, %mul3A_145 : i32
    %add3A_147 = arith.constant 192 : i32
    %add3A_148 = arith.addi %mul3A_146, %add3A_147 : i32
    %dma_start3A_149 = arith.constant 0 : i32
    %dma_start3A_150 = arith.constant 0 : i32
    %dma_start3A_151 = tpu.memref_slice %arg10[%dma_start3A_149, %dma_start3A_150] : memref<96x64xf32, #tpu.memory_space<vmem>> -> memref<64x64xf32, #tpu.memory_space<vmem>>
    %dma_start3A_152 = arith.constant 0 : i32
    %dma_start3A_153 = tpu.memref_slice %arg14[%add3A_148, %dma_start3A_152] : memref<5120x64xf32, #tpu.memory_space<vmem_shared>> -> memref<64x64xf32, #tpu.memory_space<vmem_shared>>
    %dma_start3A_154 = arith.constant 0 : i32
    %dma_start3A_155 = tpu.memref_slice %arg14[%add3A_148, %dma_start3A_154] : memref<5120x64xf32, #tpu.memory_space<vmem_shared>> -> memref<64x64xf32, #tpu.memory_space<vmem_shared>>
    %dma_start3A_156 = arith.constant 0 : i32
    %dma_start3A_157 = arith.constant 0 : i32
    %dma_start3A_158 = tpu.memref_slice %arg10[%dma_start3A_156, %dma_start3A_157] : memref<96x64xf32, #tpu.memory_space<vmem>> -> memref<64x64xf32, #tpu.memory_space<vmem>>
    tpu.enqueue_dma source(%dma_start3A_158 : memref<64x64xf32, #tpu.memory_space<vmem>>) target(%dma_start3A_155 : memref<64x64xf32, #tpu.memory_space<vmem_shared>>) target_semaphore(%arg20 : memref<!tpu.dma_semaphore, #tpu.memory_space<semaphore_mem>>)
    %mul3A_159 = arith.constant 320 : i32
    %mul3A_160 = arith.muli %arg1, %mul3A_159 : i32
    %add3A_161 = arith.constant 256 : i32
    %add3A_162 = arith.addi %mul3A_160, %add3A_161 : i32
    %dma_start3A_163 = arith.constant 0 : i32
    %dma_start3A_164 = arith.constant 0 : i32
    %dma_start3A_165 = tpu.memref_slice %arg10[%dma_start3A_163, %dma_start3A_164] : memref<96x64xf32, #tpu.memory_space<vmem>> -> memref<64x64xf32, #tpu.memory_space<vmem>>
    %dma_start3A_166 = arith.constant 0 : i32
    %dma_start3A_167 = tpu.memref_slice %arg14[%add3A_162, %dma_start3A_166] : memref<5120x64xf32, #tpu.memory_space<vmem_shared>> -> memref<64x64xf32, #tpu.memory_space<vmem_shared>>
    %dma_start3A_168 = arith.constant 0 : i32
    %dma_start3A_169 = tpu.memref_slice %arg14[%add3A_162, %dma_start3A_168] : memref<5120x64xf32, #tpu.memory_space<vmem_shared>> -> memref<64x64xf32, #tpu.memory_space<vmem_shared>>
    %dma_start3A_170 = arith.constant 0 : i32
    %dma_start3A_171 = arith.constant 0 : i32
    %dma_start3A_172 = tpu.memref_slice %arg10[%dma_start3A_170, %dma_start3A_171] : memref<96x64xf32, #tpu.memory_space<vmem>> -> memref<64x64xf32, #tpu.memory_space<vmem>>
    tpu.enqueue_dma source(%dma_start3A_172 : memref<64x64xf32, #tpu.memory_space<vmem>>) target(%dma_start3A_169 : memref<64x64xf32, #tpu.memory_space<vmem_shared>>) target_semaphore(%arg20 : memref<!tpu.dma_semaphore, #tpu.memory_space<semaphore_mem>>)
    %mul3A_173 = arith.constant 640 : i32
    %mul3A_174 = arith.muli %arg1, %mul3A_173 : i32
    %add3A_175 = arith.constant 0 : i32
    %add3A_176 = arith.addi %mul3A_174, %add3A_175 : i32
    %dma_wait3A = arith.constant 0 : i32
    %dma_wait3A_177 = tpu.memref_slice %arg15[%add3A_176, %dma_wait3A] : memref<10240x64xf32, #tpu.memory_space<vmem_shared>> -> memref<64x64xf32, #tpu.memory_space<vmem_shared>>
    %dma_wait3A_178 = arith.constant 0 : i32
    %dma_wait3A_179 = tpu.memref_slice %arg2[%arg0, %add3A_176, %dma_wait3A_178] : memref<2x10240x64xf32, #tpu.memory_space<hbm>> -> memref<1x64x64xf32, #tpu.memory_space<hbm>>
    %dma_wait3A_180 = tpu.memref_squeeze %dma_wait3A_179 : memref<1x64x64xf32, #tpu.memory_space<hbm>> -> memref<64x64xf32, #tpu.memory_space<hbm>>
    tpu.wait_dma2 semaphore(%arg18 : memref<!tpu.dma_semaphore, #tpu.memory_space<semaphore_mem>>) src(%dma_wait3A_180 : memref<64x64xf32, #tpu.memory_space<hbm>>) dst(%dma_wait3A_177 : memref<64x64xf32, #tpu.memory_space<vmem_shared>>)
    %mul3A_181 = arith.constant 640 : i32
    %mul3A_182 = arith.muli %arg1, %mul3A_181 : i32
    %add3A_183 = arith.constant 64 : i32
    %add3A_184 = arith.addi %mul3A_182, %add3A_183 : i32
    %dma_wait3A_185 = arith.constant 0 : i32
    %dma_wait3A_186 = tpu.memref_slice %arg15[%add3A_184, %dma_wait3A_185] : memref<10240x64xf32, #tpu.memory_space<vmem_shared>> -> memref<64x64xf32, #tpu.memory_space<vmem_shared>>
    %dma_wait3A_187 = arith.constant 0 : i32
    %dma_wait3A_188 = tpu.memref_slice %arg2[%arg0, %add3A_184, %dma_wait3A_187] : memref<2x10240x64xf32, #tpu.memory_space<hbm>> -> memref<1x64x64xf32, #tpu.memory_space<hbm>>
    %dma_wait3A_189 = tpu.memref_squeeze %dma_wait3A_188 : memref<1x64x64xf32, #tpu.memory_space<hbm>> -> memref<64x64xf32, #tpu.memory_space<hbm>>
    tpu.wait_dma2 semaphore(%arg18 : memref<!tpu.dma_semaphore, #tpu.memory_space<semaphore_mem>>) src(%dma_wait3A_189 : memref<64x64xf32, #tpu.memory_space<hbm>>) dst(%dma_wait3A_186 : memref<64x64xf32, #tpu.memory_space<vmem_shared>>)
    %mul3A_190 = arith.constant 640 : i32
    %mul3A_191 = arith.muli %arg1, %mul3A_190 : i32
    %add3A_192 = arith.constant 128 : i32
    %add3A_193 = arith.addi %mul3A_191, %add3A_192 : i32
    %dma_wait3A_194 = arith.constant 0 : i32
    %dma_wait3A_195 = tpu.memref_slice %arg15[%add3A_193, %dma_wait3A_194] : memref<10240x64xf32, #tpu.memory_space<vmem_shared>> -> memref<64x64xf32, #tpu.memory_space<vmem_shared>>
    %dma_wait3A_196 = arith.constant 0 : i32
    %dma_wait3A_197 = tpu.memref_slice %arg2[%arg0, %add3A_193, %dma_wait3A_196] : memref<2x10240x64xf32, #tpu.memory_space<hbm>> -> memref<1x64x64xf32, #tpu.memory_space<hbm>>
    %dma_wait3A_198 = tpu.memref_squeeze %dma_wait3A_197 : memref<1x64x64xf32, #tpu.memory_space<hbm>> -> memref<64x64xf32, #tpu.memory_space<hbm>>
    tpu.wait_dma2 semaphore(%arg18 : memref<!tpu.dma_semaphore, #tpu.memory_space<semaphore_mem>>) src(%dma_wait3A_198 : memref<64x64xf32, #tpu.memory_space<hbm>>) dst(%dma_wait3A_195 : memref<64x64xf32, #tpu.memory_space<vmem_shared>>)
    %mul3A_199 = arith.constant 640 : i32
    %mul3A_200 = arith.muli %arg1, %mul3A_199 : i32
    %add3A_201 = arith.constant 192 : i32
    %add3A_202 = arith.addi %mul3A_200, %add3A_201 : i32
    %dma_wait3A_203 = arith.constant 0 : i32
    %dma_wait3A_204 = tpu.memref_slice %arg15[%add3A_202, %dma_wait3A_203] : memref<10240x64xf32, #tpu.memory_space<vmem_shared>> -> memref<64x64xf32, #tpu.memory_space<vmem_shared>>
    %dma_wait3A_205 = arith.constant 0 : i32
    %dma_wait3A_206 = tpu.memref_slice %arg2[%arg0, %add3A_202, %dma_wait3A_205] : memref<2x10240x64xf32, #tpu.memory_space<hbm>> -> memref<1x64x64xf32, #tpu.memory_space<hbm>>
    %dma_wait3A_207 = tpu.memref_squeeze %dma_wait3A_206 : memref<1x64x64xf32, #tpu.memory_space<hbm>> -> memref<64x64xf32, #tpu.memory_space<hbm>>
    tpu.wait_dma2 semaphore(%arg18 : memref<!tpu.dma_semaphore, #tpu.memory_space<semaphore_mem>>) src(%dma_wait3A_207 : memref<64x64xf32, #tpu.memory_space<hbm>>) dst(%dma_wait3A_204 : memref<64x64xf32, #tpu.memory_space<vmem_shared>>)
    %mul3A_208 = arith.constant 640 : i32
    %mul3A_209 = arith.muli %arg1, %mul3A_208 : i32
    %add3A_210 = arith.constant 256 : i32
    %add3A_211 = arith.addi %mul3A_209, %add3A_210 : i32
    %dma_wait3A_212 = arith.constant 0 : i32
    %dma_wait3A_213 = tpu.memref_slice %arg15[%add3A_211, %dma_wait3A_212] : memref<10240x64xf32, #tpu.memory_space<vmem_shared>> -> memref<64x64xf32, #tpu.memory_space<vmem_shared>>
    %dma_wait3A_214 = arith.constant 0 : i32
    %dma_wait3A_215 = tpu.memref_slice %arg2[%arg0, %add3A_211, %dma_wait3A_214] : memref<2x10240x64xf32, #tpu.memory_space<hbm>> -> memref<1x64x64xf32, #tpu.memory_space<hbm>>
    %dma_wait3A_216 = tpu.memref_squeeze %dma_wait3A_215 : memref<1x64x64xf32, #tpu.memory_space<hbm>> -> memref<64x64xf32, #tpu.memory_space<hbm>>
    tpu.wait_dma2 semaphore(%arg18 : memref<!tpu.dma_semaphore, #tpu.memory_space<semaphore_mem>>) src(%dma_wait3A_216 : memref<64x64xf32, #tpu.memory_space<hbm>>) dst(%dma_wait3A_213 : memref<64x64xf32, #tpu.memory_space<vmem_shared>>)
    %mul3A_217 = arith.constant 640 : i32
    %mul3A_218 = arith.muli %arg1, %mul3A_217 : i32
    %add3A_219 = arith.constant 320 : i32
    %add3A_220 = arith.addi %mul3A_218, %add3A_219 : i32
    %dma_wait3A_221 = arith.constant 0 : i32
    %dma_wait3A_222 = tpu.memref_slice %arg15[%add3A_220, %dma_wait3A_221] : memref<10240x64xf32, #tpu.memory_space<vmem_shared>> -> memref<64x64xf32, #tpu.memory_space<vmem_shared>>
    %dma_wait3A_223 = arith.constant 0 : i32
    %dma_wait3A_224 = tpu.memref_slice %arg2[%arg0, %add3A_220, %dma_wait3A_223] : memref<2x10240x64xf32, #tpu.memory_space<hbm>> -> memref<1x64x64xf32, #tpu.memory_space<hbm>>
    %dma_wait3A_225 = tpu.memref_squeeze %dma_wait3A_224 : memref<1x64x64xf32, #tpu.memory_space<hbm>> -> memref<64x64xf32, #tpu.memory_space<hbm>>
    tpu.wait_dma2 semaphore(%arg18 : memref<!tpu.dma_semaphore, #tpu.memory_space<semaphore_mem>>) src(%dma_wait3A_225 : memref<64x64xf32, #tpu.memory_space<hbm>>) dst(%dma_wait3A_222 : memref<64x64xf32, #tpu.memory_space<vmem_shared>>)
    %mul3A_226 = arith.constant 640 : i32
    %mul3A_227 = arith.muli %arg1, %mul3A_226 : i32
    %add3A_228 = arith.constant 384 : i32
    %add3A_229 = arith.addi %mul3A_227, %add3A_228 : i32
    %dma_wait3A_230 = arith.constant 0 : i32
    %dma_wait3A_231 = tpu.memref_slice %arg15[%add3A_229, %dma_wait3A_230] : memref<10240x64xf32, #tpu.memory_space<vmem_shared>> -> memref<64x64xf32, #tpu.memory_space<vmem_shared>>
    %dma_wait3A_232 = arith.constant 0 : i32
    %dma_wait3A_233 = tpu.memref_slice %arg2[%arg0, %add3A_229, %dma_wait3A_232] : memref<2x10240x64xf32, #tpu.memory_space<hbm>> -> memref<1x64x64xf32, #tpu.memory_space<hbm>>
    %dma_wait3A_234 = tpu.memref_squeeze %dma_wait3A_233 : memref<1x64x64xf32, #tpu.memory_space<hbm>> -> memref<64x64xf32, #tpu.memory_space<hbm>>
    tpu.wait_dma2 semaphore(%arg18 : memref<!tpu.dma_semaphore, #tpu.memory_space<semaphore_mem>>) src(%dma_wait3A_234 : memref<64x64xf32, #tpu.memory_space<hbm>>) dst(%dma_wait3A_231 : memref<64x64xf32, #tpu.memory_space<vmem_shared>>)
    %mul3A_235 = arith.constant 640 : i32
    %mul3A_236 = arith.muli %arg1, %mul3A_235 : i32
    %add3A_237 = arith.constant 448 : i32
    %add3A_238 = arith.addi %mul3A_236, %add3A_237 : i32
    %dma_wait3A_239 = arith.constant 0 : i32
    %dma_wait3A_240 = tpu.memref_slice %arg15[%add3A_238, %dma_wait3A_239] : memref<10240x64xf32, #tpu.memory_space<vmem_shared>> -> memref<64x64xf32, #tpu.memory_space<vmem_shared>>
    %dma_wait3A_241 = arith.constant 0 : i32
    %dma_wait3A_242 = tpu.memref_slice %arg2[%arg0, %add3A_238, %dma_wait3A_241] : memref<2x10240x64xf32, #tpu.memory_space<hbm>> -> memref<1x64x64xf32, #tpu.memory_space<hbm>>
    %dma_wait3A_243 = tpu.memref_squeeze %dma_wait3A_242 : memref<1x64x64xf32, #tpu.memory_space<hbm>> -> memref<64x64xf32, #tpu.memory_space<hbm>>
    tpu.wait_dma2 semaphore(%arg18 : memref<!tpu.dma_semaphore, #tpu.memory_space<semaphore_mem>>) src(%dma_wait3A_243 : memref<64x64xf32, #tpu.memory_space<hbm>>) dst(%dma_wait3A_240 : memref<64x64xf32, #tpu.memory_space<vmem_shared>>)
    %mul3A_244 = arith.constant 640 : i32
    %mul3A_245 = arith.muli %arg1, %mul3A_244 : i32
    %add3A_246 = arith.constant 512 : i32
    %add3A_247 = arith.addi %mul3A_245, %add3A_246 : i32
    %dma_wait3A_248 = arith.constant 0 : i32
    %dma_wait3A_249 = tpu.memref_slice %arg15[%add3A_247, %dma_wait3A_248] : memref<10240x64xf32, #tpu.memory_space<vmem_shared>> -> memref<64x64xf32, #tpu.memory_space<vmem_shared>>
    %dma_wait3A_250 = arith.constant 0 : i32
    %dma_wait3A_251 = tpu.memref_slice %arg2[%arg0, %add3A_247, %dma_wait3A_250] : memref<2x10240x64xf32, #tpu.memory_space<hbm>> -> memref<1x64x64xf32, #tpu.memory_space<hbm>>
    %dma_wait3A_252 = tpu.memref_squeeze %dma_wait3A_251 : memref<1x64x64xf32, #tpu.memory_space<hbm>> -> memref<64x64xf32, #tpu.memory_space<hbm>>
    tpu.wait_dma2 semaphore(%arg18 : memref<!tpu.dma_semaphore, #tpu.memory_space<semaphore_mem>>) src(%dma_wait3A_252 : memref<64x64xf32, #tpu.memory_space<hbm>>) dst(%dma_wait3A_249 : memref<64x64xf32, #tpu.memory_space<vmem_shared>>)
    %mul3A_253 = arith.constant 640 : i32
    %mul3A_254 = arith.muli %arg1, %mul3A_253 : i32
    %add3A_255 = arith.constant 576 : i32
    %add3A_256 = arith.addi %mul3A_254, %add3A_255 : i32
    %dma_wait3A_257 = arith.constant 0 : i32
    %dma_wait3A_258 = tpu.memref_slice %arg15[%add3A_256, %dma_wait3A_257] : memref<10240x64xf32, #tpu.memory_space<vmem_shared>> -> memref<64x64xf32, #tpu.memory_space<vmem_shared>>
    %dma_wait3A_259 = arith.constant 0 : i32
    %dma_wait3A_260 = tpu.memref_slice %arg2[%arg0, %add3A_256, %dma_wait3A_259] : memref<2x10240x64xf32, #tpu.memory_space<hbm>> -> memref<1x64x64xf32, #tpu.memory_space<hbm>>
    %dma_wait3A_261 = tpu.memref_squeeze %dma_wait3A_260 : memref<1x64x64xf32, #tpu.memory_space<hbm>> -> memref<64x64xf32, #tpu.memory_space<hbm>>
    tpu.wait_dma2 semaphore(%arg18 : memref<!tpu.dma_semaphore, #tpu.memory_space<semaphore_mem>>) src(%dma_wait3A_261 : memref<64x64xf32, #tpu.memory_space<hbm>>) dst(%dma_wait3A_258 : memref<64x64xf32, #tpu.memory_space<vmem_shared>>)
    %mul3A_262 = arith.constant 320 : i32
    %mul3A_263 = arith.muli %arg1, %mul3A_262 : i32
    %add3A_264 = arith.constant 0 : i32
    %add3A_265 = arith.addi %mul3A_263, %add3A_264 : i32
    %dma_wait3A_266 = arith.constant 0 : i32
    %dma_wait3A_267 = arith.constant 0 : i32
    %dma_wait3A_268 = tpu.memref_slice %arg10[%dma_wait3A_266, %dma_wait3A_267] : memref<96x64xf32, #tpu.memory_space<vmem>> -> memref<64x64xf32, #tpu.memory_space<vmem>>
    %dma_wait3A_269 = arith.constant 0 : i32
    %dma_wait3A_270 = tpu.memref_slice %arg14[%add3A_265, %dma_wait3A_269] : memref<5120x64xf32, #tpu.memory_space<vmem_shared>> -> memref<64x64xf32, #tpu.memory_space<vmem_shared>>
    %dma_wait3A_271 = arith.constant 0 : i32
    %dma_wait3A_272 = tpu.memref_slice %arg14[%add3A_265, %dma_wait3A_271] : memref<5120x64xf32, #tpu.memory_space<vmem_shared>> -> memref<64x64xf32, #tpu.memory_space<vmem_shared>>
    %dma_wait3A_273 = arith.constant 0 : i32
    %dma_wait3A_274 = arith.constant 0 : i32
    %dma_wait3A_275 = tpu.memref_slice %arg10[%dma_wait3A_273, %dma_wait3A_274] : memref<96x64xf32, #tpu.memory_space<vmem>> -> memref<64x64xf32, #tpu.memory_space<vmem>>
    tpu.wait_dma2 semaphore(%arg20 : memref<!tpu.dma_semaphore, #tpu.memory_space<semaphore_mem>>) src(%dma_wait3A_275 : memref<64x64xf32, #tpu.memory_space<vmem>>) dst(%dma_wait3A_272 : memref<64x64xf32, #tpu.memory_space<vmem_shared>>)
    %mul3A_276 = arith.constant 320 : i32
    %mul3A_277 = arith.muli %arg1, %mul3A_276 : i32
    %add3A_278 = arith.constant 64 : i32
    %add3A_279 = arith.addi %mul3A_277, %add3A_278 : i32
    %dma_wait3A_280 = arith.constant 0 : i32
    %dma_wait3A_281 = arith.constant 0 : i32
    %dma_wait3A_282 = tpu.memref_slice %arg10[%dma_wait3A_280, %dma_wait3A_281] : memref<96x64xf32, #tpu.memory_space<vmem>> -> memref<64x64xf32, #tpu.memory_space<vmem>>
    %dma_wait3A_283 = arith.constant 0 : i32
    %dma_wait3A_284 = tpu.memref_slice %arg14[%add3A_279, %dma_wait3A_283] : memref<5120x64xf32, #tpu.memory_space<vmem_shared>> -> memref<64x64xf32, #tpu.memory_space<vmem_shared>>
    %dma_wait3A_285 = arith.constant 0 : i32
    %dma_wait3A_286 = tpu.memref_slice %arg14[%add3A_279, %dma_wait3A_285] : memref<5120x64xf32, #tpu.memory_space<vmem_shared>> -> memref<64x64xf32, #tpu.memory_space<vmem_shared>>
    %dma_wait3A_287 = arith.constant 0 : i32
    %dma_wait3A_288 = arith.constant 0 : i32
    %dma_wait3A_289 = tpu.memref_slice %arg10[%dma_wait3A_287, %dma_wait3A_288] : memref<96x64xf32, #tpu.memory_space<vmem>> -> memref<64x64xf32, #tpu.memory_space<vmem>>
    tpu.wait_dma2 semaphore(%arg20 : memref<!tpu.dma_semaphore, #tpu.memory_space<semaphore_mem>>) src(%dma_wait3A_289 : memref<64x64xf32, #tpu.memory_space<vmem>>) dst(%dma_wait3A_286 : memref<64x64xf32, #tpu.memory_space<vmem_shared>>)
    %mul3A_290 = arith.constant 320 : i32
    %mul3A_291 = arith.muli %arg1, %mul3A_290 : i32
    %add3A_292 = arith.constant 128 : i32
    %add3A_293 = arith.addi %mul3A_291, %add3A_292 : i32
    %dma_wait3A_294 = arith.constant 0 : i32
    %dma_wait3A_295 = arith.constant 0 : i32
    %dma_wait3A_296 = tpu.memref_slice %arg10[%dma_wait3A_294, %dma_wait3A_295] : memref<96x64xf32, #tpu.memory_space<vmem>> -> memref<64x64xf32, #tpu.memory_space<vmem>>
    %dma_wait3A_297 = arith.constant 0 : i32
    %dma_wait3A_298 = tpu.memref_slice %arg14[%add3A_293, %dma_wait3A_297] : memref<5120x64xf32, #tpu.memory_space<vmem_shared>> -> memref<64x64xf32, #tpu.memory_space<vmem_shared>>
    %dma_wait3A_299 = arith.constant 0 : i32
    %dma_wait3A_300 = tpu.memref_slice %arg14[%add3A_293, %dma_wait3A_299] : memref<5120x64xf32, #tpu.memory_space<vmem_shared>> -> memref<64x64xf32, #tpu.memory_space<vmem_shared>>
    %dma_wait3A_301 = arith.constant 0 : i32
    %dma_wait3A_302 = arith.constant 0 : i32
    %dma_wait3A_303 = tpu.memref_slice %arg10[%dma_wait3A_301, %dma_wait3A_302] : memref<96x64xf32, #tpu.memory_space<vmem>> -> memref<64x64xf32, #tpu.memory_space<vmem>>
    tpu.wait_dma2 semaphore(%arg20 : memref<!tpu.dma_semaphore, #tpu.memory_space<semaphore_mem>>) src(%dma_wait3A_303 : memref<64x64xf32, #tpu.memory_space<vmem>>) dst(%dma_wait3A_300 : memref<64x64xf32, #tpu.memory_space<vmem_shared>>)
    %mul3A_304 = arith.constant 320 : i32
    %mul3A_305 = arith.muli %arg1, %mul3A_304 : i32
    %add3A_306 = arith.constant 192 : i32
    %add3A_307 = arith.addi %mul3A_305, %add3A_306 : i32
    %dma_wait3A_308 = arith.constant 0 : i32
    %dma_wait3A_309 = arith.constant 0 : i32
    %dma_wait3A_310 = tpu.memref_slice %arg10[%dma_wait3A_308, %dma_wait3A_309] : memref<96x64xf32, #tpu.memory_space<vmem>> -> memref<64x64xf32, #tpu.memory_space<vmem>>
    %dma_wait3A_311 = arith.constant 0 : i32
    %dma_wait3A_312 = tpu.memref_slice %arg14[%add3A_307, %dma_wait3A_311] : memref<5120x64xf32, #tpu.memory_space<vmem_shared>> -> memref<64x64xf32, #tpu.memory_space<vmem_shared>>
    %dma_wait3A_313 = arith.constant 0 : i32
    %dma_wait3A_314 = tpu.memref_slice %arg14[%add3A_307, %dma_wait3A_313] : memref<5120x64xf32, #tpu.memory_space<vmem_shared>> -> memref<64x64xf32, #tpu.memory_space<vmem_shared>>
    %dma_wait3A_315 = arith.constant 0 : i32
    %dma_wait3A_316 = arith.constant 0 : i32
    %dma_wait3A_317 = tpu.memref_slice %arg10[%dma_wait3A_315, %dma_wait3A_316] : memref<96x64xf32, #tpu.memory_space<vmem>> -> memref<64x64xf32, #tpu.memory_space<vmem>>
    tpu.wait_dma2 semaphore(%arg20 : memref<!tpu.dma_semaphore, #tpu.memory_space<semaphore_mem>>) src(%dma_wait3A_317 : memref<64x64xf32, #tpu.memory_space<vmem>>) dst(%dma_wait3A_314 : memref<64x64xf32, #tpu.memory_space<vmem_shared>>)
    %mul3A_318 = arith.constant 320 : i32
    %mul3A_319 = arith.muli %arg1, %mul3A_318 : i32
    %add3A_320 = arith.constant 256 : i32
    %add3A_321 = arith.addi %mul3A_319, %add3A_320 : i32
    %dma_wait3A_322 = arith.constant 0 : i32
    %dma_wait3A_323 = arith.constant 0 : i32
    %dma_wait3A_324 = tpu.memref_slice %arg10[%dma_wait3A_322, %dma_wait3A_323] : memref<96x64xf32, #tpu.memory_space<vmem>> -> memref<64x64xf32, #tpu.memory_space<vmem>>
    %dma_wait3A_325 = arith.constant 0 : i32
    %dma_wait3A_326 = tpu.memref_slice %arg14[%add3A_321, %dma_wait3A_325] : memref<5120x64xf32, #tpu.memory_space<vmem_shared>> -> memref<64x64xf32, #tpu.memory_space<vmem_shared>>
    %dma_wait3A_327 = arith.constant 0 : i32
    %dma_wait3A_328 = tpu.memref_slice %arg14[%add3A_321, %dma_wait3A_327] : memref<5120x64xf32, #tpu.memory_space<vmem_shared>> -> memref<64x64xf32, #tpu.memory_space<vmem_shared>>
    %dma_wait3A_329 = arith.constant 0 : i32
    %dma_wait3A_330 = arith.constant 0 : i32
    %dma_wait3A_331 = tpu.memref_slice %arg10[%dma_wait3A_329, %dma_wait3A_330] : memref<96x64xf32, #tpu.memory_space<vmem>> -> memref<64x64xf32, #tpu.memory_space<vmem>>
    tpu.wait_dma2 semaphore(%arg20 : memref<!tpu.dma_semaphore, #tpu.memory_space<semaphore_mem>>) src(%dma_wait3A_331 : memref<64x64xf32, #tpu.memory_space<vmem>>) dst(%dma_wait3A_328 : memref<64x64xf32, #tpu.memory_space<vmem_shared>>)
    %dma_wait3A_332 = arith.constant 0 : i32
    %dma_wait3A_333 = arith.constant 0 : i32
    %dma_wait3A_334 = tpu.memref_slice %arg4[%arg1, %dma_wait3A_332, %dma_wait3A_333] : memref<16x224x96xi32, #tpu.memory_space<hbm>> -> memref<1x224x96xi32, #tpu.memory_space<hbm>>
    %dma_wait3A_335 = tpu.memref_squeeze %dma_wait3A_334 : memref<1x224x96xi32, #tpu.memory_space<hbm>> -> memref<224x96xi32, #tpu.memory_space<hbm>>
    %dma_wait3A_336 = arith.constant 0 : i32
    %dma_wait3A_337 = arith.constant 0 : i32
    %dma_wait3A_338 = tpu.memref_slice %arg4[%arg1, %dma_wait3A_336, %dma_wait3A_337] : memref<16x224x96xi32, #tpu.memory_space<hbm>> -> memref<1x224x96xi32, #tpu.memory_space<hbm>>
    %dma_wait3A_339 = tpu.memref_squeeze %dma_wait3A_338 : memref<1x224x96xi32, #tpu.memory_space<hbm>> -> memref<224x96xi32, #tpu.memory_space<hbm>>
    tpu.wait_dma2 semaphore(%arg16 : memref<!tpu.dma_semaphore, #tpu.memory_space<semaphore_mem>>) src(%dma_wait3A_339 : memref<224x96xi32, #tpu.memory_space<hbm>>) dst(%arg8 : memref<224x96xi32, #tpu.memory_space<vmem>>)
    %dma_wait3A_340 = arith.constant 0 : i32
    %dma_wait3A_341 = arith.constant 0 : i32
    %dma_wait3A_342 = tpu.memref_slice %arg5[%arg1, %dma_wait3A_340, %dma_wait3A_341] : memref<16x224x96xi32, #tpu.memory_space<hbm>> -> memref<1x224x96xi32, #tpu.memory_space<hbm>>
    %dma_wait3A_343 = tpu.memref_squeeze %dma_wait3A_342 : memref<1x224x96xi32, #tpu.memory_space<hbm>> -> memref<224x96xi32, #tpu.memory_space<hbm>>
    %dma_wait3A_344 = arith.constant 0 : i32
    %dma_wait3A_345 = arith.constant 0 : i32
    %dma_wait3A_346 = tpu.memref_slice %arg5[%arg1, %dma_wait3A_344, %dma_wait3A_345] : memref<16x224x96xi32, #tpu.memory_space<hbm>> -> memref<1x224x96xi32, #tpu.memory_space<hbm>>
    %dma_wait3A_347 = tpu.memref_squeeze %dma_wait3A_346 : memref<1x224x96xi32, #tpu.memory_space<hbm>> -> memref<224x96xi32, #tpu.memory_space<hbm>>
    tpu.wait_dma2 semaphore(%arg17 : memref<!tpu.dma_semaphore, #tpu.memory_space<semaphore_mem>>) src(%dma_wait3A_347 : memref<224x96xi32, #tpu.memory_space<hbm>>) dst(%arg9 : memref<224x96xi32, #tpu.memory_space<vmem>>)
    %barrier3A = arith.constant 0 : index
    tpu.barrier barrier_id(%barrier3A)
    %dma_start3A_348 = arith.constant 0 : i32
    %dma_start3A_349 = arith.constant 0 : i32
    %dma_start3A_350 = tpu.memref_slice %arg8[%dma_start3A_348, %dma_start3A_349] : memref<224x96xi32, #tpu.memory_space<vmem>> -> memref<1x96xi32, #tpu.memory_space<vmem>>
    %dma_start3A_351 = tpu.memref_squeeze %dma_start3A_350 : memref<1x96xi32, #tpu.memory_space<vmem>> -> memref<96xi32, #tpu.memory_space<vmem>>
    %dma_start3A_352 = arith.constant 0 : i32
    %dma_start3A_353 = arith.constant 0 : i32
    %dma_start3A_354 = tpu.memref_slice %arg15[%dma_start3A_352, %dma_start3A_353] : memref<10240x64xf32, #tpu.memory_space<vmem_shared>> -> memref<10240x64xf32, #tpu.memory_space<vmem_shared>>
    tpu.enqueue_indirect_dma source(%dma_start3A_354 : memref<10240x64xf32, #tpu.memory_space<vmem_shared>>) target(%arg10 : memref<96x64xf32, #tpu.memory_space<vmem>>) offsets(%dma_start3A_351 : memref<96xi32, #tpu.memory_space<vmem>>) semaphore(%arg16 : memref<!tpu.dma_semaphore, #tpu.memory_space<semaphore_mem>>)
    %dma_start3A_355 = arith.constant 1 : i32
    %dma_start3A_356 = arith.constant 0 : i32
    %dma_start3A_357 = tpu.memref_slice %arg8[%dma_start3A_355, %dma_start3A_356] : memref<224x96xi32, #tpu.memory_space<vmem>> -> memref<1x96xi32, #tpu.memory_space<vmem>>
    %dma_start3A_358 = tpu.memref_squeeze %dma_start3A_357 : memref<1x96xi32, #tpu.memory_space<vmem>> -> memref<96xi32, #tpu.memory_space<vmem>>
    %dma_start3A_359 = arith.constant 0 : i32
    %dma_start3A_360 = arith.constant 0 : i32
    %dma_start3A_361 = tpu.memref_slice %arg15[%dma_start3A_359, %dma_start3A_360] : memref<10240x64xf32, #tpu.memory_space<vmem_shared>> -> memref<10240x64xf32, #tpu.memory_space<vmem_shared>>
    tpu.enqueue_indirect_dma source(%dma_start3A_361 : memref<10240x64xf32, #tpu.memory_space<vmem_shared>>) target(%arg11 : memref<96x64xf32, #tpu.memory_space<vmem>>) offsets(%dma_start3A_358 : memref<96xi32, #tpu.memory_space<vmem>>) semaphore(%arg17 : memref<!tpu.dma_semaphore, #tpu.memory_space<semaphore_mem>>)
    %dma_wait3A_362 = arith.constant 0 : i32
    %dma_wait3A_363 = arith.constant 0 : i32
    %dma_wait3A_364 = tpu.memref_slice %arg8[%dma_wait3A_362, %dma_wait3A_363] : memref<224x96xi32, #tpu.memory_space<vmem>> -> memref<1x96xi32, #tpu.memory_space<vmem>>
    %dma_wait3A_365 = tpu.memref_squeeze %dma_wait3A_364 : memref<1x96xi32, #tpu.memory_space<vmem>> -> memref<96xi32, #tpu.memory_space<vmem>>
    %dma_wait3A_366 = arith.constant 0 : i32
    %dma_wait3A_367 = arith.constant 0 : i32
    %dma_wait3A_368 = tpu.memref_slice %arg15[%dma_wait3A_366, %dma_wait3A_367] : memref<10240x64xf32, #tpu.memory_space<vmem_shared>> -> memref<10240x64xf32, #tpu.memory_space<vmem_shared>>
    tpu.wait_indirect_dma semaphore(%arg16 : memref<!tpu.dma_semaphore, #tpu.memory_space<semaphore_mem>>) src(%dma_wait3A_368 : memref<10240x64xf32, #tpu.memory_space<vmem_shared>>) dst(%arg10 : memref<96x64xf32, #tpu.memory_space<vmem>>)
    %dma_start3A_369 = arith.constant 0 : i32
    %dma_start3A_370 = arith.constant 0 : i32
    %dma_start3A_371 = tpu.memref_slice %arg9[%dma_start3A_369, %dma_start3A_370] : memref<224x96xi32, #tpu.memory_space<vmem>> -> memref<1x96xi32, #tpu.memory_space<vmem>>
    %dma_start3A_372 = tpu.memref_squeeze %dma_start3A_371 : memref<1x96xi32, #tpu.memory_space<vmem>> -> memref<96xi32, #tpu.memory_space<vmem>>
    %dma_start3A_373 = arith.constant 0 : i32
    %dma_start3A_374 = arith.constant 0 : i32
    %dma_start3A_375 = tpu.memref_slice %arg14[%dma_start3A_373, %dma_start3A_374] : memref<5120x64xf32, #tpu.memory_space<vmem_shared>> -> memref<5120x64xf32, #tpu.memory_space<vmem_shared>>
    tpu.enqueue_indirect_dma source(%arg10 : memref<96x64xf32, #tpu.memory_space<vmem>>) target(%dma_start3A_375 : memref<5120x64xf32, #tpu.memory_space<vmem_shared>>) offsets(%dma_start3A_372 : memref<96xi32, #tpu.memory_space<vmem>>) semaphore(%arg20 : memref<!tpu.dma_semaphore, #tpu.memory_space<semaphore_mem>>) {add = true}
    %dma_start3A_376 = arith.constant 2 : i32
    %dma_start3A_377 = arith.constant 0 : i32
    %dma_start3A_378 = tpu.memref_slice %arg8[%dma_start3A_376, %dma_start3A_377] : memref<224x96xi32, #tpu.memory_space<vmem>> -> memref<1x96xi32, #tpu.memory_space<vmem>>
    %dma_start3A_379 = tpu.memref_squeeze %dma_start3A_378 : memref<1x96xi32, #tpu.memory_space<vmem>> -> memref<96xi32, #tpu.memory_space<vmem>>
    %dma_start3A_380 = arith.constant 0 : i32
    %dma_start3A_381 = arith.constant 0 : i32
    %dma_start3A_382 = tpu.memref_slice %arg15[%dma_start3A_380, %dma_start3A_381] : memref<10240x64xf32, #tpu.memory_space<vmem_shared>> -> memref<10240x64xf32, #tpu.memory_space<vmem_shared>>
    tpu.enqueue_indirect_dma source(%dma_start3A_382 : memref<10240x64xf32, #tpu.memory_space<vmem_shared>>) target(%arg12 : memref<96x64xf32, #tpu.memory_space<vmem>>) offsets(%dma_start3A_379 : memref<96xi32, #tpu.memory_space<vmem>>) semaphore(%arg18 : memref<!tpu.dma_semaphore, #tpu.memory_space<semaphore_mem>>)
    %dma_wait3A_383 = arith.constant 1 : i32
    %dma_wait3A_384 = arith.constant 0 : i32
    %dma_wait3A_385 = tpu.memref_slice %arg8[%dma_wait3A_383, %dma_wait3A_384] : memref<224x96xi32, #tpu.memory_space<vmem>> -> memref<1x96xi32, #tpu.memory_space<vmem>>
    %dma_wait3A_386 = tpu.memref_squeeze %dma_wait3A_385 : memref<1x96xi32, #tpu.memory_space<vmem>> -> memref<96xi32, #tpu.memory_space<vmem>>
    %dma_wait3A_387 = arith.constant 0 : i32
    %dma_wait3A_388 = arith.constant 0 : i32
    %dma_wait3A_389 = tpu.memref_slice %arg15[%dma_wait3A_387, %dma_wait3A_388] : memref<10240x64xf32, #tpu.memory_space<vmem_shared>> -> memref<10240x64xf32, #tpu.memory_space<vmem_shared>>
    tpu.wait_indirect_dma semaphore(%arg17 : memref<!tpu.dma_semaphore, #tpu.memory_space<semaphore_mem>>) src(%dma_wait3A_389 : memref<10240x64xf32, #tpu.memory_space<vmem_shared>>) dst(%arg11 : memref<96x64xf32, #tpu.memory_space<vmem>>)
    %dma_start3A_390 = arith.constant 1 : i32
    %dma_start3A_391 = arith.constant 0 : i32
    %dma_start3A_392 = tpu.memref_slice %arg9[%dma_start3A_390, %dma_start3A_391] : memref<224x96xi32, #tpu.memory_space<vmem>> -> memref<1x96xi32, #tpu.memory_space<vmem>>
    %dma_start3A_393 = tpu.memref_squeeze %dma_start3A_392 : memref<1x96xi32, #tpu.memory_space<vmem>> -> memref<96xi32, #tpu.memory_space<vmem>>
    %dma_start3A_394 = arith.constant 0 : i32
    %dma_start3A_395 = arith.constant 0 : i32
    %dma_start3A_396 = tpu.memref_slice %arg14[%dma_start3A_394, %dma_start3A_395] : memref<5120x64xf32, #tpu.memory_space<vmem_shared>> -> memref<5120x64xf32, #tpu.memory_space<vmem_shared>>
    tpu.enqueue_indirect_dma source(%arg11 : memref<96x64xf32, #tpu.memory_space<vmem>>) target(%dma_start3A_396 : memref<5120x64xf32, #tpu.memory_space<vmem_shared>>) offsets(%dma_start3A_393 : memref<96xi32, #tpu.memory_space<vmem>>) semaphore(%arg21 : memref<!tpu.dma_semaphore, #tpu.memory_space<semaphore_mem>>) {add = true}
    %dma_start3A_397 = arith.constant 3 : i32
    %dma_start3A_398 = arith.constant 0 : i32
    %dma_start3A_399 = tpu.memref_slice %arg8[%dma_start3A_397, %dma_start3A_398] : memref<224x96xi32, #tpu.memory_space<vmem>> -> memref<1x96xi32, #tpu.memory_space<vmem>>
    %dma_start3A_400 = tpu.memref_squeeze %dma_start3A_399 : memref<1x96xi32, #tpu.memory_space<vmem>> -> memref<96xi32, #tpu.memory_space<vmem>>
    %dma_start3A_401 = arith.constant 0 : i32
    %dma_start3A_402 = arith.constant 0 : i32
    %dma_start3A_403 = tpu.memref_slice %arg15[%dma_start3A_401, %dma_start3A_402] : memref<10240x64xf32, #tpu.memory_space<vmem_shared>> -> memref<10240x64xf32, #tpu.memory_space<vmem_shared>>
    tpu.enqueue_indirect_dma source(%dma_start3A_403 : memref<10240x64xf32, #tpu.memory_space<vmem_shared>>) target(%arg13 : memref<96x64xf32, #tpu.memory_space<vmem>>) offsets(%dma_start3A_400 : memref<96xi32, #tpu.memory_space<vmem>>) semaphore(%arg19 : memref<!tpu.dma_semaphore, #tpu.memory_space<semaphore_mem>>)
    %scan3A = arith.constant 0 : i32
    %scan3A_404 = arith.constant 0 : i32
    %scan3A_405 = arith.constant 51 : i32
    %scan3A_406 = arith.addi %scan3A_404, %scan3A_405 : i32
    %scan3A_407 = arith.constant 1 : i32
    scf.for %scan3A_1320 = %scan3A_404 to %scan3A_406 step %scan3A_407  : i32 {
      %mul3A_1321 = arith.constant 4 : i32
      %mul3A_1322 = arith.muli %mul3A_1321, %scan3A_1320 : i32
      %add3A_1323 = arith.constant 2 : i32
      %add3A_1324 = arith.addi %add3A_1323, %mul3A_1322 : i32
      %add3A_1325 = arith.constant 0 : i32
      %add3A_1326 = arith.addi %add3A_1324, %add3A_1325 : i32
      %dma_wait3A_1327 = arith.constant 0 : i32
      %dma_wait3A_1328 = tpu.memref_slice %arg8[%add3A_1326, %dma_wait3A_1327] : memref<224x96xi32, #tpu.memory_space<vmem>> -> memref<1x96xi32, #tpu.memory_space<vmem>>
      %dma_wait3A_1329 = tpu.memref_squeeze %dma_wait3A_1328 : memref<1x96xi32, #tpu.memory_space<vmem>> -> memref<96xi32, #tpu.memory_space<vmem>>
      %dma_wait3A_1330 = arith.constant 0 : i32
      %dma_wait3A_1331 = arith.constant 0 : i32
      %dma_wait3A_1332 = tpu.memref_slice %arg15[%dma_wait3A_1330, %dma_wait3A_1331] : memref<10240x64xf32, #tpu.memory_space<vmem_shared>> -> memref<10240x64xf32, #tpu.memory_space<vmem_shared>>
      tpu.wait_indirect_dma semaphore(%arg18 : memref<!tpu.dma_semaphore, #tpu.memory_space<semaphore_mem>>) src(%dma_wait3A_1332 : memref<10240x64xf32, #tpu.memory_space<vmem_shared>>) dst(%arg12 : memref<96x64xf32, #tpu.memory_space<vmem>>)
      %dma_start3A_1333 = arith.constant 0 : i32
      %dma_start3A_1334 = tpu.memref_slice %arg9[%add3A_1326, %dma_start3A_1333] : memref<224x96xi32, #tpu.memory_space<vmem>> -> memref<1x96xi32, #tpu.memory_space<vmem>>
      %dma_start3A_1335 = tpu.memref_squeeze %dma_start3A_1334 : memref<1x96xi32, #tpu.memory_space<vmem>> -> memref<96xi32, #tpu.memory_space<vmem>>
      %dma_start3A_1336 = arith.constant 0 : i32
      %dma_start3A_1337 = arith.constant 0 : i32
      %dma_start3A_1338 = tpu.memref_slice %arg14[%dma_start3A_1336, %dma_start3A_1337] : memref<5120x64xf32, #tpu.memory_space<vmem_shared>> -> memref<5120x64xf32, #tpu.memory_space<vmem_shared>>
      tpu.enqueue_indirect_dma source(%arg12 : memref<96x64xf32, #tpu.memory_space<vmem>>) target(%dma_start3A_1338 : memref<5120x64xf32, #tpu.memory_space<vmem_shared>>) offsets(%dma_start3A_1335 : memref<96xi32, #tpu.memory_space<vmem>>) semaphore(%arg22 : memref<!tpu.dma_semaphore, #tpu.memory_space<semaphore_mem>>) {add = true}
      %sub3A = arith.constant 2 : i32
      %sub3A_1339 = arith.subi %add3A_1326, %sub3A : i32
      %dma_wait3A_1340 = arith.constant 0 : i32
      %dma_wait3A_1341 = tpu.memref_slice %arg9[%sub3A_1339, %dma_wait3A_1340] : memref<224x96xi32, #tpu.memory_space<vmem>> -> memref<1x96xi32, #tpu.memory_space<vmem>>
      %dma_wait3A_1342 = tpu.memref_squeeze %dma_wait3A_1341 : memref<1x96xi32, #tpu.memory_space<vmem>> -> memref<96xi32, #tpu.memory_space<vmem>>
      %dma_wait3A_1343 = arith.constant 0 : i32
      %dma_wait3A_1344 = arith.constant 0 : i32
      %dma_wait3A_1345 = tpu.memref_slice %arg14[%dma_wait3A_1343, %dma_wait3A_1344] : memref<5120x64xf32, #tpu.memory_space<vmem_shared>> -> memref<5120x64xf32, #tpu.memory_space<vmem_shared>>
      tpu.wait_indirect_dma semaphore(%arg20 : memref<!tpu.dma_semaphore, #tpu.memory_space<semaphore_mem>>) src(%arg10 : memref<96x64xf32, #tpu.memory_space<vmem>>) dst(%dma_wait3A_1345 : memref<5120x64xf32, #tpu.memory_space<vmem_shared>>)
      %add3A_1346 = arith.constant 2 : i32
      %add3A_1347 = arith.addi %add3A_1326, %add3A_1346 : i32
      %dma_start3A_1348 = arith.constant 0 : i32
      %dma_start3A_1349 = tpu.memref_slice %arg8[%add3A_1347, %dma_start3A_1348] : memref<224x96xi32, #tpu.memory_space<vmem>> -> memref<1x96xi32, #tpu.memory_space<vmem>>
      %dma_start3A_1350 = tpu.memref_squeeze %dma_start3A_1349 : memref<1x96xi32, #tpu.memory_space<vmem>> -> memref<96xi32, #tpu.memory_space<vmem>>
      %dma_start3A_1351 = arith.constant 0 : i32
      %dma_start3A_1352 = arith.constant 0 : i32
      %dma_start3A_1353 = tpu.memref_slice %arg15[%dma_start3A_1351, %dma_start3A_1352] : memref<10240x64xf32, #tpu.memory_space<vmem_shared>> -> memref<10240x64xf32, #tpu.memory_space<vmem_shared>>
      tpu.enqueue_indirect_dma source(%dma_start3A_1353 : memref<10240x64xf32, #tpu.memory_space<vmem_shared>>) target(%arg10 : memref<96x64xf32, #tpu.memory_space<vmem>>) offsets(%dma_start3A_1350 : memref<96xi32, #tpu.memory_space<vmem>>) semaphore(%arg16 : memref<!tpu.dma_semaphore, #tpu.memory_space<semaphore_mem>>)
      %add3A_1354 = arith.constant 1 : i32
      %add3A_1355 = arith.addi %add3A_1324, %add3A_1354 : i32
      %dma_wait3A_1356 = arith.constant 0 : i32
      %dma_wait3A_1357 = tpu.memref_slice %arg8[%add3A_1355, %dma_wait3A_1356] : memref<224x96xi32, #tpu.memory_space<vmem>> -> memref<1x96xi32, #tpu.memory_space<vmem>>
      %dma_wait3A_1358 = tpu.memref_squeeze %dma_wait3A_1357 : memref<1x96xi32, #tpu.memory_space<vmem>> -> memref<96xi32, #tpu.memory_space<vmem>>
      %dma_wait3A_1359 = arith.constant 0 : i32
      %dma_wait3A_1360 = arith.constant 0 : i32
      %dma_wait3A_1361 = tpu.memref_slice %arg15[%dma_wait3A_1359, %dma_wait3A_1360] : memref<10240x64xf32, #tpu.memory_space<vmem_shared>> -> memref<10240x64xf32, #tpu.memory_space<vmem_shared>>
      tpu.wait_indirect_dma semaphore(%arg19 : memref<!tpu.dma_semaphore, #tpu.memory_space<semaphore_mem>>) src(%dma_wait3A_1361 : memref<10240x64xf32, #tpu.memory_space<vmem_shared>>) dst(%arg13 : memref<96x64xf32, #tpu.memory_space<vmem>>)
      %dma_start3A_1362 = arith.constant 0 : i32
      %dma_start3A_1363 = tpu.memref_slice %arg9[%add3A_1355, %dma_start3A_1362] : memref<224x96xi32, #tpu.memory_space<vmem>> -> memref<1x96xi32, #tpu.memory_space<vmem>>
      %dma_start3A_1364 = tpu.memref_squeeze %dma_start3A_1363 : memref<1x96xi32, #tpu.memory_space<vmem>> -> memref<96xi32, #tpu.memory_space<vmem>>
      %dma_start3A_1365 = arith.constant 0 : i32
      %dma_start3A_1366 = arith.constant 0 : i32
      %dma_start3A_1367 = tpu.memref_slice %arg14[%dma_start3A_1365, %dma_start3A_1366] : memref<5120x64xf32, #tpu.memory_space<vmem_shared>> -> memref<5120x64xf32, #tpu.memory_space<vmem_shared>>
      tpu.enqueue_indirect_dma source(%arg13 : memref<96x64xf32, #tpu.memory_space<vmem>>) target(%dma_start3A_1367 : memref<5120x64xf32, #tpu.memory_space<vmem_shared>>) offsets(%dma_start3A_1364 : memref<96xi32, #tpu.memory_space<vmem>>) semaphore(%arg23 : memref<!tpu.dma_semaphore, #tpu.memory_space<semaphore_mem>>) {add = true}
      %sub3A_1368 = arith.constant 2 : i32
      %sub3A_1369 = arith.subi %add3A_1355, %sub3A_1368 : i32
      %dma_wait3A_1370 = arith.constant 0 : i32
      %dma_wait3A_1371 = tpu.memref_slice %arg9[%sub3A_1369, %dma_wait3A_1370] : memref<224x96xi32, #tpu.memory_space<vmem>> -> memref<1x96xi32, #tpu.memory_space<vmem>>
      %dma_wait3A_1372 = tpu.memref_squeeze %dma_wait3A_1371 : memref<1x96xi32, #tpu.memory_space<vmem>> -> memref<96xi32, #tpu.memory_space<vmem>>
      %dma_wait3A_1373 = arith.constant 0 : i32
      %dma_wait3A_1374 = arith.constant 0 : i32
      %dma_wait3A_1375 = tpu.memref_slice %arg14[%dma_wait3A_1373, %dma_wait3A_1374] : memref<5120x64xf32, #tpu.memory_space<vmem_shared>> -> memref<5120x64xf32, #tpu.memory_space<vmem_shared>>
      tpu.wait_indirect_dma semaphore(%arg21 : memref<!tpu.dma_semaphore, #tpu.memory_space<semaphore_mem>>) src(%arg11 : memref<96x64xf32, #tpu.memory_space<vmem>>) dst(%dma_wait3A_1375 : memref<5120x64xf32, #tpu.memory_space<vmem_shared>>)
      %add3A_1376 = arith.constant 2 : i32
      %add3A_1377 = arith.addi %add3A_1355, %add3A_1376 : i32
      %dma_start3A_1378 = arith.constant 0 : i32
      %dma_start3A_1379 = tpu.memref_slice %arg8[%add3A_1377, %dma_start3A_1378] : memref<224x96xi32, #tpu.memory_space<vmem>> -> memref<1x96xi32, #tpu.memory_space<vmem>>
      %dma_start3A_1380 = tpu.memref_squeeze %dma_start3A_1379 : memref<1x96xi32, #tpu.memory_space<vmem>> -> memref<96xi32, #tpu.memory_space<vmem>>
      %dma_start3A_1381 = arith.constant 0 : i32
      %dma_start3A_1382 = arith.constant 0 : i32
      %dma_start3A_1383 = tpu.memref_slice %arg15[%dma_start3A_1381, %dma_start3A_1382] : memref<10240x64xf32, #tpu.memory_space<vmem_shared>> -> memref<10240x64xf32, #tpu.memory_space<vmem_shared>>
      tpu.enqueue_indirect_dma source(%dma_start3A_1383 : memref<10240x64xf32, #tpu.memory_space<vmem_shared>>) target(%arg11 : memref<96x64xf32, #tpu.memory_space<vmem>>) offsets(%dma_start3A_1380 : memref<96xi32, #tpu.memory_space<vmem>>) semaphore(%arg17 : memref<!tpu.dma_semaphore, #tpu.memory_space<semaphore_mem>>)
      %add3A_1384 = arith.constant 2 : i32
      %add3A_1385 = arith.addi %add3A_1324, %add3A_1384 : i32
      %dma_wait3A_1386 = arith.constant 0 : i32
      %dma_wait3A_1387 = tpu.memref_slice %arg8[%add3A_1385, %dma_wait3A_1386] : memref<224x96xi32, #tpu.memory_space<vmem>> -> memref<1x96xi32, #tpu.memory_space<vmem>>
      %dma_wait3A_1388 = tpu.memref_squeeze %dma_wait3A_1387 : memref<1x96xi32, #tpu.memory_space<vmem>> -> memref<96xi32, #tpu.memory_space<vmem>>
      %dma_wait3A_1389 = arith.constant 0 : i32
      %dma_wait3A_1390 = arith.constant 0 : i32
      %dma_wait3A_1391 = tpu.memref_slice %arg15[%dma_wait3A_1389, %dma_wait3A_1390] : memref<10240x64xf32, #tpu.memory_space<vmem_shared>> -> memref<10240x64xf32, #tpu.memory_space<vmem_shared>>
      tpu.wait_indirect_dma semaphore(%arg16 : memref<!tpu.dma_semaphore, #tpu.memory_space<semaphore_mem>>) src(%dma_wait3A_1391 : memref<10240x64xf32, #tpu.memory_space<vmem_shared>>) dst(%arg10 : memref<96x64xf32, #tpu.memory_space<vmem>>)
      %dma_start3A_1392 = arith.constant 0 : i32
      %dma_start3A_1393 = tpu.memref_slice %arg9[%add3A_1385, %dma_start3A_1392] : memref<224x96xi32, #tpu.memory_space<vmem>> -> memref<1x96xi32, #tpu.memory_space<vmem>>
      %dma_start3A_1394 = tpu.memref_squeeze %dma_start3A_1393 : memref<1x96xi32, #tpu.memory_space<vmem>> -> memref<96xi32, #tpu.memory_space<vmem>>
      %dma_start3A_1395 = arith.constant 0 : i32
      %dma_start3A_1396 = arith.constant 0 : i32
      %dma_start3A_1397 = tpu.memref_slice %arg14[%dma_start3A_1395, %dma_start3A_1396] : memref<5120x64xf32, #tpu.memory_space<vmem_shared>> -> memref<5120x64xf32, #tpu.memory_space<vmem_shared>>
      tpu.enqueue_indirect_dma source(%arg10 : memref<96x64xf32, #tpu.memory_space<vmem>>) target(%dma_start3A_1397 : memref<5120x64xf32, #tpu.memory_space<vmem_shared>>) offsets(%dma_start3A_1394 : memref<96xi32, #tpu.memory_space<vmem>>) semaphore(%arg20 : memref<!tpu.dma_semaphore, #tpu.memory_space<semaphore_mem>>) {add = true}
      %sub3A_1398 = arith.constant 2 : i32
      %sub3A_1399 = arith.subi %add3A_1385, %sub3A_1398 : i32
      %dma_wait3A_1400 = arith.constant 0 : i32
      %dma_wait3A_1401 = tpu.memref_slice %arg9[%sub3A_1399, %dma_wait3A_1400] : memref<224x96xi32, #tpu.memory_space<vmem>> -> memref<1x96xi32, #tpu.memory_space<vmem>>
      %dma_wait3A_1402 = tpu.memref_squeeze %dma_wait3A_1401 : memref<1x96xi32, #tpu.memory_space<vmem>> -> memref<96xi32, #tpu.memory_space<vmem>>
      %dma_wait3A_1403 = arith.constant 0 : i32
      %dma_wait3A_1404 = arith.constant 0 : i32
      %dma_wait3A_1405 = tpu.memref_slice %arg14[%dma_wait3A_1403, %dma_wait3A_1404] : memref<5120x64xf32, #tpu.memory_space<vmem_shared>> -> memref<5120x64xf32, #tpu.memory_space<vmem_shared>>
      tpu.wait_indirect_dma semaphore(%arg22 : memref<!tpu.dma_semaphore, #tpu.memory_space<semaphore_mem>>) src(%arg12 : memref<96x64xf32, #tpu.memory_space<vmem>>) dst(%dma_wait3A_1405 : memref<5120x64xf32, #tpu.memory_space<vmem_shared>>)
      %add3A_1406 = arith.constant 2 : i32
      %add3A_1407 = arith.addi %add3A_1385, %add3A_1406 : i32
      %dma_start3A_1408 = arith.constant 0 : i32
      %dma_start3A_1409 = tpu.memref_slice %arg8[%add3A_1407, %dma_start3A_1408] : memref<224x96xi32, #tpu.memory_space<vmem>> -> memref<1x96xi32, #tpu.memory_space<vmem>>
      %dma_start3A_1410 = tpu.memref_squeeze %dma_start3A_1409 : memref<1x96xi32, #tpu.memory_space<vmem>> -> memref<96xi32, #tpu.memory_space<vmem>>
      %dma_start3A_1411 = arith.constant 0 : i32
      %dma_start3A_1412 = arith.constant 0 : i32
      %dma_start3A_1413 = tpu.memref_slice %arg15[%dma_start3A_1411, %dma_start3A_1412] : memref<10240x64xf32, #tpu.memory_space<vmem_shared>> -> memref<10240x64xf32, #tpu.memory_space<vmem_shared>>
      tpu.enqueue_indirect_dma source(%dma_start3A_1413 : memref<10240x64xf32, #tpu.memory_space<vmem_shared>>) target(%arg12 : memref<96x64xf32, #tpu.memory_space<vmem>>) offsets(%dma_start3A_1410 : memref<96xi32, #tpu.memory_space<vmem>>) semaphore(%arg18 : memref<!tpu.dma_semaphore, #tpu.memory_space<semaphore_mem>>)
      %add3A_1414 = arith.constant 3 : i32
      %add3A_1415 = arith.addi %add3A_1324, %add3A_1414 : i32
      %dma_wait3A_1416 = arith.constant 0 : i32
      %dma_wait3A_1417 = tpu.memref_slice %arg8[%add3A_1415, %dma_wait3A_1416] : memref<224x96xi32, #tpu.memory_space<vmem>> -> memref<1x96xi32, #tpu.memory_space<vmem>>
      %dma_wait3A_1418 = tpu.memref_squeeze %dma_wait3A_1417 : memref<1x96xi32, #tpu.memory_space<vmem>> -> memref<96xi32, #tpu.memory_space<vmem>>
      %dma_wait3A_1419 = arith.constant 0 : i32
      %dma_wait3A_1420 = arith.constant 0 : i32
      %dma_wait3A_1421 = tpu.memref_slice %arg15[%dma_wait3A_1419, %dma_wait3A_1420] : memref<10240x64xf32, #tpu.memory_space<vmem_shared>> -> memref<10240x64xf32, #tpu.memory_space<vmem_shared>>
      tpu.wait_indirect_dma semaphore(%arg17 : memref<!tpu.dma_semaphore, #tpu.memory_space<semaphore_mem>>) src(%dma_wait3A_1421 : memref<10240x64xf32, #tpu.memory_space<vmem_shared>>) dst(%arg11 : memref<96x64xf32, #tpu.memory_space<vmem>>)
      %dma_start3A_1422 = arith.constant 0 : i32
      %dma_start3A_1423 = tpu.memref_slice %arg9[%add3A_1415, %dma_start3A_1422] : memref<224x96xi32, #tpu.memory_space<vmem>> -> memref<1x96xi32, #tpu.memory_space<vmem>>
      %dma_start3A_1424 = tpu.memref_squeeze %dma_start3A_1423 : memref<1x96xi32, #tpu.memory_space<vmem>> -> memref<96xi32, #tpu.memory_space<vmem>>
      %dma_start3A_1425 = arith.constant 0 : i32
      %dma_start3A_1426 = arith.constant 0 : i32
      %dma_start3A_1427 = tpu.memref_slice %arg14[%dma_start3A_1425, %dma_start3A_1426] : memref<5120x64xf32, #tpu.memory_space<vmem_shared>> -> memref<5120x64xf32, #tpu.memory_space<vmem_shared>>
      tpu.enqueue_indirect_dma source(%arg11 : memref<96x64xf32, #tpu.memory_space<vmem>>) target(%dma_start3A_1427 : memref<5120x64xf32, #tpu.memory_space<vmem_shared>>) offsets(%dma_start3A_1424 : memref<96xi32, #tpu.memory_space<vmem>>) semaphore(%arg21 : memref<!tpu.dma_semaphore, #tpu.memory_space<semaphore_mem>>) {add = true}
      %sub3A_1428 = arith.constant 2 : i32
      %sub3A_1429 = arith.subi %add3A_1415, %sub3A_1428 : i32
      %dma_wait3A_1430 = arith.constant 0 : i32
      %dma_wait3A_1431 = tpu.memref_slice %arg9[%sub3A_1429, %dma_wait3A_1430] : memref<224x96xi32, #tpu.memory_space<vmem>> -> memref<1x96xi32, #tpu.memory_space<vmem>>
      %dma_wait3A_1432 = tpu.memref_squeeze %dma_wait3A_1431 : memref<1x96xi32, #tpu.memory_space<vmem>> -> memref<96xi32, #tpu.memory_space<vmem>>
      %dma_wait3A_1433 = arith.constant 0 : i32
      %dma_wait3A_1434 = arith.constant 0 : i32
      %dma_wait3A_1435 = tpu.memref_slice %arg14[%dma_wait3A_1433, %dma_wait3A_1434] : memref<5120x64xf32, #tpu.memory_space<vmem_shared>> -> memref<5120x64xf32, #tpu.memory_space<vmem_shared>>
      tpu.wait_indirect_dma semaphore(%arg23 : memref<!tpu.dma_semaphore, #tpu.memory_space<semaphore_mem>>) src(%arg13 : memref<96x64xf32, #tpu.memory_space<vmem>>) dst(%dma_wait3A_1435 : memref<5120x64xf32, #tpu.memory_space<vmem_shared>>)
      %add3A_1436 = arith.constant 2 : i32
      %add3A_1437 = arith.addi %add3A_1415, %add3A_1436 : i32
      %dma_start3A_1438 = arith.constant 0 : i32
      %dma_start3A_1439 = tpu.memref_slice %arg8[%add3A_1437, %dma_start3A_1438] : memref<224x96xi32, #tpu.memory_space<vmem>> -> memref<1x96xi32, #tpu.memory_space<vmem>>
      %dma_start3A_1440 = tpu.memref_squeeze %dma_start3A_1439 : memref<1x96xi32, #tpu.memory_space<vmem>> -> memref<96xi32, #tpu.memory_space<vmem>>
      %dma_start3A_1441 = arith.constant 0 : i32
      %dma_start3A_1442 = arith.constant 0 : i32
      %dma_start3A_1443 = tpu.memref_slice %arg15[%dma_start3A_1441, %dma_start3A_1442] : memref<10240x64xf32, #tpu.memory_space<vmem_shared>> -> memref<10240x64xf32, #tpu.memory_space<vmem_shared>>
      tpu.enqueue_indirect_dma source(%dma_start3A_1443 : memref<10240x64xf32, #tpu.memory_space<vmem_shared>>) target(%arg13 : memref<96x64xf32, #tpu.memory_space<vmem>>) offsets(%dma_start3A_1440 : memref<96xi32, #tpu.memory_space<vmem>>) semaphore(%arg19 : memref<!tpu.dma_semaphore, #tpu.memory_space<semaphore_mem>>)
    }
    %scan3A_408 = arith.constant 51 : i32
    %dma_wait3A_409 = arith.constant 206 : i32
    %dma_wait3A_410 = arith.constant 0 : i32
    %dma_wait3A_411 = tpu.memref_slice %arg8[%dma_wait3A_409, %dma_wait3A_410] : memref<224x96xi32, #tpu.memory_space<vmem>> -> memref<1x96xi32, #tpu.memory_space<vmem>>
    %dma_wait3A_412 = tpu.memref_squeeze %dma_wait3A_411 : memref<1x96xi32, #tpu.memory_space<vmem>> -> memref<96xi32, #tpu.memory_space<vmem>>
    %dma_wait3A_413 = arith.constant 0 : i32
    %dma_wait3A_414 = arith.constant 0 : i32
    %dma_wait3A_415 = tpu.memref_slice %arg15[%dma_wait3A_413, %dma_wait3A_414] : memref<10240x64xf32, #tpu.memory_space<vmem_shared>> -> memref<10240x64xf32, #tpu.memory_space<vmem_shared>>
    tpu.wait_indirect_dma semaphore(%arg18 : memref<!tpu.dma_semaphore, #tpu.memory_space<semaphore_mem>>) src(%dma_wait3A_415 : memref<10240x64xf32, #tpu.memory_space<vmem_shared>>) dst(%arg12 : memref<96x64xf32, #tpu.memory_space<vmem>>)
    %dma_start3A_416 = arith.constant 206 : i32
    %dma_start3A_417 = arith.constant 0 : i32
    %dma_start3A_418 = tpu.memref_slice %arg9[%dma_start3A_416, %dma_start3A_417] : memref<224x96xi32, #tpu.memory_space<vmem>> -> memref<1x96xi32, #tpu.memory_space<vmem>>
    %dma_start3A_419 = tpu.memref_squeeze %dma_start3A_418 : memref<1x96xi32, #tpu.memory_space<vmem>> -> memref<96xi32, #tpu.memory_space<vmem>>
    %dma_start3A_420 = arith.constant 0 : i32
    %dma_start3A_421 = arith.constant 0 : i32
    %dma_start3A_422 = tpu.memref_slice %arg14[%dma_start3A_420, %dma_start3A_421] : memref<5120x64xf32, #tpu.memory_space<vmem_shared>> -> memref<5120x64xf32, #tpu.memory_space<vmem_shared>>
    tpu.enqueue_indirect_dma source(%arg12 : memref<96x64xf32, #tpu.memory_space<vmem>>) target(%dma_start3A_422 : memref<5120x64xf32, #tpu.memory_space<vmem_shared>>) offsets(%dma_start3A_419 : memref<96xi32, #tpu.memory_space<vmem>>) semaphore(%arg22 : memref<!tpu.dma_semaphore, #tpu.memory_space<semaphore_mem>>) {add = true}
    %dma_wait3A_423 = arith.constant 204 : i32
    %dma_wait3A_424 = arith.constant 0 : i32
    %dma_wait3A_425 = tpu.memref_slice %arg9[%dma_wait3A_423, %dma_wait3A_424] : memref<224x96xi32, #tpu.memory_space<vmem>> -> memref<1x96xi32, #tpu.memory_space<vmem>>
    %dma_wait3A_426 = tpu.memref_squeeze %dma_wait3A_425 : memref<1x96xi32, #tpu.memory_space<vmem>> -> memref<96xi32, #tpu.memory_space<vmem>>
    %dma_wait3A_427 = arith.constant 0 : i32
    %dma_wait3A_428 = arith.constant 0 : i32
    %dma_wait3A_429 = tpu.memref_slice %arg14[%dma_wait3A_427, %dma_wait3A_428] : memref<5120x64xf32, #tpu.memory_space<vmem_shared>> -> memref<5120x64xf32, #tpu.memory_space<vmem_shared>>
    tpu.wait_indirect_dma semaphore(%arg20 : memref<!tpu.dma_semaphore, #tpu.memory_space<semaphore_mem>>) src(%arg10 : memref<96x64xf32, #tpu.memory_space<vmem>>) dst(%dma_wait3A_429 : memref<5120x64xf32, #tpu.memory_space<vmem_shared>>)
    %dma_start3A_430 = arith.constant 208 : i32
    %dma_start3A_431 = arith.constant 0 : i32
    %dma_start3A_432 = tpu.memref_slice %arg8[%dma_start3A_430, %dma_start3A_431] : memref<224x96xi32, #tpu.memory_space<vmem>> -> memref<1x96xi32, #tpu.memory_space<vmem>>
    %dma_start3A_433 = tpu.memref_squeeze %dma_start3A_432 : memref<1x96xi32, #tpu.memory_space<vmem>> -> memref<96xi32, #tpu.memory_space<vmem>>
    %dma_start3A_434 = arith.constant 0 : i32
    %dma_start3A_435 = arith.constant 0 : i32
    %dma_start3A_436 = tpu.memref_slice %arg15[%dma_start3A_434, %dma_start3A_435] : memref<10240x64xf32, #tpu.memory_space<vmem_shared>> -> memref<10240x64xf32, #tpu.memory_space<vmem_shared>>
    tpu.enqueue_indirect_dma source(%dma_start3A_436 : memref<10240x64xf32, #tpu.memory_space<vmem_shared>>) target(%arg10 : memref<96x64xf32, #tpu.memory_space<vmem>>) offsets(%dma_start3A_433 : memref<96xi32, #tpu.memory_space<vmem>>) semaphore(%arg16 : memref<!tpu.dma_semaphore, #tpu.memory_space<semaphore_mem>>)
    %dma_wait3A_437 = arith.constant 207 : i32
    %dma_wait3A_438 = arith.constant 0 : i32
    %dma_wait3A_439 = tpu.memref_slice %arg8[%dma_wait3A_437, %dma_wait3A_438] : memref<224x96xi32, #tpu.memory_space<vmem>> -> memref<1x96xi32, #tpu.memory_space<vmem>>
    %dma_wait3A_440 = tpu.memref_squeeze %dma_wait3A_439 : memref<1x96xi32, #tpu.memory_space<vmem>> -> memref<96xi32, #tpu.memory_space<vmem>>
    %dma_wait3A_441 = arith.constant 0 : i32
    %dma_wait3A_442 = arith.constant 0 : i32
    %dma_wait3A_443 = tpu.memref_slice %arg15[%dma_wait3A_441, %dma_wait3A_442] : memref<10240x64xf32, #tpu.memory_space<vmem_shared>> -> memref<10240x64xf32, #tpu.memory_space<vmem_shared>>
    tpu.wait_indirect_dma semaphore(%arg19 : memref<!tpu.dma_semaphore, #tpu.memory_space<semaphore_mem>>) src(%dma_wait3A_443 : memref<10240x64xf32, #tpu.memory_space<vmem_shared>>) dst(%arg13 : memref<96x64xf32, #tpu.memory_space<vmem>>)
    %dma_start3A_444 = arith.constant 207 : i32
    %dma_start3A_445 = arith.constant 0 : i32
    %dma_start3A_446 = tpu.memref_slice %arg9[%dma_start3A_444, %dma_start3A_445] : memref<224x96xi32, #tpu.memory_space<vmem>> -> memref<1x96xi32, #tpu.memory_space<vmem>>
    %dma_start3A_447 = tpu.memref_squeeze %dma_start3A_446 : memref<1x96xi32, #tpu.memory_space<vmem>> -> memref<96xi32, #tpu.memory_space<vmem>>
    %dma_start3A_448 = arith.constant 0 : i32
    %dma_start3A_449 = arith.constant 0 : i32
    %dma_start3A_450 = tpu.memref_slice %arg14[%dma_start3A_448, %dma_start3A_449] : memref<5120x64xf32, #tpu.memory_space<vmem_shared>> -> memref<5120x64xf32, #tpu.memory_space<vmem_shared>>
    tpu.enqueue_indirect_dma source(%arg13 : memref<96x64xf32, #tpu.memory_space<vmem>>) target(%dma_start3A_450 : memref<5120x64xf32, #tpu.memory_space<vmem_shared>>) offsets(%dma_start3A_447 : memref<96xi32, #tpu.memory_space<vmem>>) semaphore(%arg23 : memref<!tpu.dma_semaphore, #tpu.memory_space<semaphore_mem>>) {add = true}
    %dma_wait3A_451 = arith.constant 205 : i32
    %dma_wait3A_452 = arith.constant 0 : i32
    %dma_wait3A_453 = tpu.memref_slice %arg9[%dma_wait3A_451, %dma_wait3A_452] : memref<224x96xi32, #tpu.memory_space<vmem>> -> memref<1x96xi32, #tpu.memory_space<vmem>>
    %dma_wait3A_454 = tpu.memref_squeeze %dma_wait3A_453 : memref<1x96xi32, #tpu.memory_space<vmem>> -> memref<96xi32, #tpu.memory_space<vmem>>
    %dma_wait3A_455 = arith.constant 0 : i32
    %dma_wait3A_456 = arith.constant 0 : i32
    %dma_wait3A_457 = tpu.memref_slice %arg14[%dma_wait3A_455, %dma_wait3A_456] : memref<5120x64xf32, #tpu.memory_space<vmem_shared>> -> memref<5120x64xf32, #tpu.memory_space<vmem_shared>>
    tpu.wait_indirect_dma semaphore(%arg21 : memref<!tpu.dma_semaphore, #tpu.memory_space<semaphore_mem>>) src(%arg11 : memref<96x64xf32, #tpu.memory_space<vmem>>) dst(%dma_wait3A_457 : memref<5120x64xf32, #tpu.memory_space<vmem_shared>>)
    %dma_start3A_458 = arith.constant 209 : i32
    %dma_start3A_459 = arith.constant 0 : i32
    %dma_start3A_460 = tpu.memref_slice %arg8[%dma_start3A_458, %dma_start3A_459] : memref<224x96xi32, #tpu.memory_space<vmem>> -> memref<1x96xi32, #tpu.memory_space<vmem>>
    %dma_start3A_461 = tpu.memref_squeeze %dma_start3A_460 : memref<1x96xi32, #tpu.memory_space<vmem>> -> memref<96xi32, #tpu.memory_space<vmem>>
    %dma_start3A_462 = arith.constant 0 : i32
    %dma_start3A_463 = arith.constant 0 : i32
    %dma_start3A_464 = tpu.memref_slice %arg15[%dma_start3A_462, %dma_start3A_463] : memref<10240x64xf32, #tpu.memory_space<vmem_shared>> -> memref<10240x64xf32, #tpu.memory_space<vmem_shared>>
    tpu.enqueue_indirect_dma source(%dma_start3A_464 : memref<10240x64xf32, #tpu.memory_space<vmem_shared>>) target(%arg11 : memref<96x64xf32, #tpu.memory_space<vmem>>) offsets(%dma_start3A_461 : memref<96xi32, #tpu.memory_space<vmem>>) semaphore(%arg17 : memref<!tpu.dma_semaphore, #tpu.memory_space<semaphore_mem>>)
    %dma_wait3A_465 = arith.constant 208 : i32
    %dma_wait3A_466 = arith.constant 0 : i32
    %dma_wait3A_467 = tpu.memref_slice %arg8[%dma_wait3A_465, %dma_wait3A_466] : memref<224x96xi32, #tpu.memory_space<vmem>> -> memref<1x96xi32, #tpu.memory_space<vmem>>
    %dma_wait3A_468 = tpu.memref_squeeze %dma_wait3A_467 : memref<1x96xi32, #tpu.memory_space<vmem>> -> memref<96xi32, #tpu.memory_space<vmem>>
    %dma_wait3A_469 = arith.constant 0 : i32
    %dma_wait3A_470 = arith.constant 0 : i32
    %dma_wait3A_471 = tpu.memref_slice %arg15[%dma_wait3A_469, %dma_wait3A_470] : memref<10240x64xf32, #tpu.memory_space<vmem_shared>> -> memref<10240x64xf32, #tpu.memory_space<vmem_shared>>
    tpu.wait_indirect_dma semaphore(%arg16 : memref<!tpu.dma_semaphore, #tpu.memory_space<semaphore_mem>>) src(%dma_wait3A_471 : memref<10240x64xf32, #tpu.memory_space<vmem_shared>>) dst(%arg10 : memref<96x64xf32, #tpu.memory_space<vmem>>)
    %dma_start3A_472 = arith.constant 208 : i32
    %dma_start3A_473 = arith.constant 0 : i32
    %dma_start3A_474 = tpu.memref_slice %arg9[%dma_start3A_472, %dma_start3A_473] : memref<224x96xi32, #tpu.memory_space<vmem>> -> memref<1x96xi32, #tpu.memory_space<vmem>>
    %dma_start3A_475 = tpu.memref_squeeze %dma_start3A_474 : memref<1x96xi32, #tpu.memory_space<vmem>> -> memref<96xi32, #tpu.memory_space<vmem>>
    %dma_start3A_476 = arith.constant 0 : i32
    %dma_start3A_477 = arith.constant 0 : i32
    %dma_start3A_478 = tpu.memref_slice %arg14[%dma_start3A_476, %dma_start3A_477] : memref<5120x64xf32, #tpu.memory_space<vmem_shared>> -> memref<5120x64xf32, #tpu.memory_space<vmem_shared>>
    tpu.enqueue_indirect_dma source(%arg10 : memref<96x64xf32, #tpu.memory_space<vmem>>) target(%dma_start3A_478 : memref<5120x64xf32, #tpu.memory_space<vmem_shared>>) offsets(%dma_start3A_475 : memref<96xi32, #tpu.memory_space<vmem>>) semaphore(%arg20 : memref<!tpu.dma_semaphore, #tpu.memory_space<semaphore_mem>>) {add = true}
    %dma_wait3A_479 = arith.constant 206 : i32
    %dma_wait3A_480 = arith.constant 0 : i32
    %dma_wait3A_481 = tpu.memref_slice %arg9[%dma_wait3A_479, %dma_wait3A_480] : memref<224x96xi32, #tpu.memory_space<vmem>> -> memref<1x96xi32, #tpu.memory_space<vmem>>
    %dma_wait3A_482 = tpu.memref_squeeze %dma_wait3A_481 : memref<1x96xi32, #tpu.memory_space<vmem>> -> memref<96xi32, #tpu.memory_space<vmem>>
    %dma_wait3A_483 = arith.constant 0 : i32
    %dma_wait3A_484 = arith.constant 0 : i32
    %dma_wait3A_485 = tpu.memref_slice %arg14[%dma_wait3A_483, %dma_wait3A_484] : memref<5120x64xf32, #tpu.memory_space<vmem_shared>> -> memref<5120x64xf32, #tpu.memory_space<vmem_shared>>
    tpu.wait_indirect_dma semaphore(%arg22 : memref<!tpu.dma_semaphore, #tpu.memory_space<semaphore_mem>>) src(%arg12 : memref<96x64xf32, #tpu.memory_space<vmem>>) dst(%dma_wait3A_485 : memref<5120x64xf32, #tpu.memory_space<vmem_shared>>)
    %dma_wait3A_486 = arith.constant 207 : i32
    %dma_wait3A_487 = arith.constant 0 : i32
    %dma_wait3A_488 = tpu.memref_slice %arg9[%dma_wait3A_486, %dma_wait3A_487] : memref<224x96xi32, #tpu.memory_space<vmem>> -> memref<1x96xi32, #tpu.memory_space<vmem>>
    %dma_wait3A_489 = tpu.memref_squeeze %dma_wait3A_488 : memref<1x96xi32, #tpu.memory_space<vmem>> -> memref<96xi32, #tpu.memory_space<vmem>>
    %dma_wait3A_490 = arith.constant 0 : i32
    %dma_wait3A_491 = arith.constant 0 : i32
    %dma_wait3A_492 = tpu.memref_slice %arg14[%dma_wait3A_490, %dma_wait3A_491] : memref<5120x64xf32, #tpu.memory_space<vmem_shared>> -> memref<5120x64xf32, #tpu.memory_space<vmem_shared>>
    tpu.wait_indirect_dma semaphore(%arg23 : memref<!tpu.dma_semaphore, #tpu.memory_space<semaphore_mem>>) src(%arg13 : memref<96x64xf32, #tpu.memory_space<vmem>>) dst(%dma_wait3A_492 : memref<5120x64xf32, #tpu.memory_space<vmem_shared>>)
    %dma_wait3A_493 = arith.constant 209 : i32
    %dma_wait3A_494 = arith.constant 0 : i32
    %dma_wait3A_495 = tpu.memref_slice %arg8[%dma_wait3A_493, %dma_wait3A_494] : memref<224x96xi32, #tpu.memory_space<vmem>> -> memref<1x96xi32, #tpu.memory_space<vmem>>
    %dma_wait3A_496 = tpu.memref_squeeze %dma_wait3A_495 : memref<1x96xi32, #tpu.memory_space<vmem>> -> memref<96xi32, #tpu.memory_space<vmem>>
    %dma_wait3A_497 = arith.constant 0 : i32
    %dma_wait3A_498 = arith.constant 0 : i32
    %dma_wait3A_499 = tpu.memref_slice %arg15[%dma_wait3A_497, %dma_wait3A_498] : memref<10240x64xf32, #tpu.memory_space<vmem_shared>> -> memref<10240x64xf32, #tpu.memory_space<vmem_shared>>
    tpu.wait_indirect_dma semaphore(%arg17 : memref<!tpu.dma_semaphore, #tpu.memory_space<semaphore_mem>>) src(%dma_wait3A_499 : memref<10240x64xf32, #tpu.memory_space<vmem_shared>>) dst(%arg11 : memref<96x64xf32, #tpu.memory_space<vmem>>)
    %dma_wait3A_500 = arith.constant 208 : i32
    %dma_wait3A_501 = arith.constant 0 : i32
    %dma_wait3A_502 = tpu.memref_slice %arg9[%dma_wait3A_500, %dma_wait3A_501] : memref<224x96xi32, #tpu.memory_space<vmem>> -> memref<1x96xi32, #tpu.memory_space<vmem>>
    %dma_wait3A_503 = tpu.memref_squeeze %dma_wait3A_502 : memref<1x96xi32, #tpu.memory_space<vmem>> -> memref<96xi32, #tpu.memory_space<vmem>>
    %dma_wait3A_504 = arith.constant 0 : i32
    %dma_wait3A_505 = arith.constant 0 : i32
    %dma_wait3A_506 = tpu.memref_slice %arg14[%dma_wait3A_504, %dma_wait3A_505] : memref<5120x64xf32, #tpu.memory_space<vmem_shared>> -> memref<5120x64xf32, #tpu.memory_space<vmem_shared>>
    tpu.wait_indirect_dma semaphore(%arg20 : memref<!tpu.dma_semaphore, #tpu.memory_space<semaphore_mem>>) src(%arg10 : memref<96x64xf32, #tpu.memory_space<vmem>>) dst(%dma_wait3A_506 : memref<5120x64xf32, #tpu.memory_space<vmem_shared>>)
    %barrier3A_507 = arith.constant 0 : index
    tpu.barrier barrier_id(%barrier3A_507)
    %mul3A_508 = arith.constant 320 : i32
    %mul3A_509 = arith.muli %arg1, %mul3A_508 : i32
    %add3A_510 = arith.constant 0 : i32
    %add3A_511 = arith.addi %mul3A_509, %add3A_510 : i32
    "tpu.region"() ({
      %run_scoped3A = tpu.sem_alloc : memref<!tpu.dma_semaphore, #tpu.memory_space<semaphore_mem>>
      %dma_start3A_1320 = arith.constant 0 : i32
      %dma_start3A_1321 = arith.constant 0 : i32
      %dma_start3A_1322 = tpu.memref_slice %arg10[%dma_start3A_1320, %dma_start3A_1321] : memref<96x64xf32, #tpu.memory_space<vmem>> -> memref<64x64xf32, #tpu.memory_space<vmem>>
      %dma_start3A_1323 = arith.constant 0 : i32
      %dma_start3A_1324 = tpu.memref_slice %arg14[%add3A_511, %dma_start3A_1323] : memref<5120x64xf32, #tpu.memory_space<vmem_shared>> -> memref<64x64xf32, #tpu.memory_space<vmem_shared>>
      %dma_start3A_1325 = arith.constant 0 : i32
      %dma_start3A_1326 = arith.constant 0 : i32
      %dma_start3A_1327 = tpu.memref_slice %arg10[%dma_start3A_1325, %dma_start3A_1326] : memref<96x64xf32, #tpu.memory_space<vmem>> -> memref<64x64xf32, #tpu.memory_space<vmem>>
      %dma_start3A_1328 = arith.constant 0 : i32
      %dma_start3A_1329 = tpu.memref_slice %arg14[%add3A_511, %dma_start3A_1328] : memref<5120x64xf32, #tpu.memory_space<vmem_shared>> -> memref<64x64xf32, #tpu.memory_space<vmem_shared>>
      tpu.enqueue_dma source(%dma_start3A_1329 : memref<64x64xf32, #tpu.memory_space<vmem_shared>>) target(%dma_start3A_1327 : memref<64x64xf32, #tpu.memory_space<vmem>>) target_semaphore(%run_scoped3A : memref<!tpu.dma_semaphore, #tpu.memory_space<semaphore_mem>>)
      %dma_wait3A_1330 = arith.constant 0 : i32
      %dma_wait3A_1331 = arith.constant 0 : i32
      %dma_wait3A_1332 = tpu.memref_slice %arg10[%dma_wait3A_1330, %dma_wait3A_1331] : memref<96x64xf32, #tpu.memory_space<vmem>> -> memref<64x64xf32, #tpu.memory_space<vmem>>
      %dma_wait3A_1333 = arith.constant 0 : i32
      %dma_wait3A_1334 = tpu.memref_slice %arg14[%add3A_511, %dma_wait3A_1333] : memref<5120x64xf32, #tpu.memory_space<vmem_shared>> -> memref<64x64xf32, #tpu.memory_space<vmem_shared>>
      %dma_wait3A_1335 = arith.constant 0 : i32
      %dma_wait3A_1336 = arith.constant 0 : i32
      %dma_wait3A_1337 = tpu.memref_slice %arg10[%dma_wait3A_1335, %dma_wait3A_1336] : memref<96x64xf32, #tpu.memory_space<vmem>> -> memref<64x64xf32, #tpu.memory_space<vmem>>
      %dma_wait3A_1338 = arith.constant 0 : i32
      %dma_wait3A_1339 = tpu.memref_slice %arg14[%add3A_511, %dma_wait3A_1338] : memref<5120x64xf32, #tpu.memory_space<vmem_shared>> -> memref<64x64xf32, #tpu.memory_space<vmem_shared>>
      tpu.wait_dma2 semaphore(%run_scoped3A : memref<!tpu.dma_semaphore, #tpu.memory_space<semaphore_mem>>) src(%dma_wait3A_1339 : memref<64x64xf32, #tpu.memory_space<vmem_shared>>) dst(%dma_wait3A_1337 : memref<64x64xf32, #tpu.memory_space<vmem>>)
      tpu.yield
    }) : () -> ()
    "tpu.region"() ({
      %run_scoped3A = tpu.sem_alloc : memref<!tpu.dma_semaphore, #tpu.memory_space<semaphore_mem>>
      %dma_start3A_1320 = arith.constant 0 : i32
      %dma_start3A_1321 = arith.constant 0 : i32
      %dma_start3A_1322 = tpu.memref_slice %arg11[%dma_start3A_1320, %dma_start3A_1321] : memref<96x64xf32, #tpu.memory_space<vmem>> -> memref<64x64xf32, #tpu.memory_space<vmem>>
      %dma_start3A_1323 = arith.constant 0 : i32
      %dma_start3A_1324 = tpu.memref_slice %arg3[%add3A_511, %dma_start3A_1323] : memref<5120x64xf32, #tpu.memory_space<hbm>> -> memref<64x64xf32, #tpu.memory_space<hbm>>
      %dma_start3A_1325 = arith.constant 0 : i32
      %dma_start3A_1326 = arith.constant 0 : i32
      %dma_start3A_1327 = tpu.memref_slice %arg11[%dma_start3A_1325, %dma_start3A_1326] : memref<96x64xf32, #tpu.memory_space<vmem>> -> memref<64x64xf32, #tpu.memory_space<vmem>>
      %dma_start3A_1328 = arith.constant 0 : i32
      %dma_start3A_1329 = tpu.memref_slice %arg3[%add3A_511, %dma_start3A_1328] : memref<5120x64xf32, #tpu.memory_space<hbm>> -> memref<64x64xf32, #tpu.memory_space<hbm>>
      tpu.enqueue_dma source(%dma_start3A_1329 : memref<64x64xf32, #tpu.memory_space<hbm>>) target(%dma_start3A_1327 : memref<64x64xf32, #tpu.memory_space<vmem>>) target_semaphore(%run_scoped3A : memref<!tpu.dma_semaphore, #tpu.memory_space<semaphore_mem>>)
      %dma_wait3A_1330 = arith.constant 0 : i32
      %dma_wait3A_1331 = arith.constant 0 : i32
      %dma_wait3A_1332 = tpu.memref_slice %arg11[%dma_wait3A_1330, %dma_wait3A_1331] : memref<96x64xf32, #tpu.memory_space<vmem>> -> memref<64x64xf32, #tpu.memory_space<vmem>>
      %dma_wait3A_1333 = arith.constant 0 : i32
      %dma_wait3A_1334 = tpu.memref_slice %arg3[%add3A_511, %dma_wait3A_1333] : memref<5120x64xf32, #tpu.memory_space<hbm>> -> memref<64x64xf32, #tpu.memory_space<hbm>>
      %dma_wait3A_1335 = arith.constant 0 : i32
      %dma_wait3A_1336 = arith.constant 0 : i32
      %dma_wait3A_1337 = tpu.memref_slice %arg11[%dma_wait3A_1335, %dma_wait3A_1336] : memref<96x64xf32, #tpu.memory_space<vmem>> -> memref<64x64xf32, #tpu.memory_space<vmem>>
      %dma_wait3A_1338 = arith.constant 0 : i32
      %dma_wait3A_1339 = tpu.memref_slice %arg3[%add3A_511, %dma_wait3A_1338] : memref<5120x64xf32, #tpu.memory_space<hbm>> -> memref<64x64xf32, #tpu.memory_space<hbm>>
      tpu.wait_dma2 semaphore(%run_scoped3A : memref<!tpu.dma_semaphore, #tpu.memory_space<semaphore_mem>>) src(%dma_wait3A_1339 : memref<64x64xf32, #tpu.memory_space<hbm>>) dst(%dma_wait3A_1337 : memref<64x64xf32, #tpu.memory_space<vmem>>)
      tpu.yield
    }) : () -> ()
    %scan3A_512 = arith.constant 0 : i32
    %scan3A_513 = arith.constant 0 : i32
    %scan3A_514 = arith.constant 64 : i32
    %scan3A_515 = arith.addi %scan3A_513, %scan3A_514 : i32
    %scan3A_516 = arith.constant 1 : i32
    scf.for %scan3A_1320 = %scan3A_513 to %scan3A_515 step %scan3A_516  : i32 {
      %get3A = arith.index_cast %scan3A_1320 : i32 to index
      %get3A_1321 = arith.constant 0 : index
      %get3A_1322 = tpu.vector_load %arg10[%get3A, %get3A_1321] {strides = array<i32>} : memref<96x64xf32, #tpu.memory_space<vmem>>, vector<16xf32>,
      %get3A_1323 = arith.index_cast %scan3A_1320 : i32 to index
      %get3A_1324 = arith.constant 0 : index
      %get3A_1325 = tpu.vector_load %arg11[%get3A_1323, %get3A_1324] {strides = array<i32>} : memref<96x64xf32, #tpu.memory_space<vmem>>, vector<16xf32>,
      %mul3A_1326 = arith.mulf %get3A_1322, %get3A_1325 : vector<16xf32>
      %swap3A = arith.index_cast %scan3A_1320 : i32 to index
      %swap3A_1327 = arith.constant 0 : index
      %swap3A_1328 = tpu.vector_load %arg10[%swap3A, %swap3A_1327] {strides = array<i32>} : memref<96x64xf32, #tpu.memory_space<vmem>>, vector<16xf32>,
      tpu.vector_store %arg10[%swap3A, %swap3A_1327], %mul3A_1326 {strides = array<i32>} : memref<96x64xf32, #tpu.memory_space<vmem>>, vector<16xf32>,
      %get3A_1329 = arith.index_cast %scan3A_1320 : i32 to index
      %get3A_1330 = arith.constant 16 : index
      %get3A_1331 = tpu.vector_load %arg10[%get3A_1329, %get3A_1330] {strides = array<i32>} : memref<96x64xf32, #tpu.memory_space<vmem>>, vector<16xf32>,
      %get3A_1332 = arith.index_cast %scan3A_1320 : i32 to index
      %get3A_1333 = arith.constant 16 : index
      %get3A_1334 = tpu.vector_load %arg11[%get3A_1332, %get3A_1333] {strides = array<i32>} : memref<96x64xf32, #tpu.memory_space<vmem>>, vector<16xf32>,
      %mul3A_1335 = arith.mulf %get3A_1331, %get3A_1334 : vector<16xf32>
      %swap3A_1336 = arith.index_cast %scan3A_1320 : i32 to index
      %swap3A_1337 = arith.constant 16 : index
      %swap3A_1338 = tpu.vector_load %arg10[%swap3A_1336, %swap3A_1337] {strides = array<i32>} : memref<96x64xf32, #tpu.memory_space<vmem>>, vector<16xf32>,
      tpu.vector_store %arg10[%swap3A_1336, %swap3A_1337], %mul3A_1335 {strides = array<i32>} : memref<96x64xf32, #tpu.memory_space<vmem>>, vector<16xf32>,
      %get3A_1339 = arith.index_cast %scan3A_1320 : i32 to index
      %get3A_1340 = arith.constant 32 : index
      %get3A_1341 = tpu.vector_load %arg10[%get3A_1339, %get3A_1340] {strides = array<i32>} : memref<96x64xf32, #tpu.memory_space<vmem>>, vector<16xf32>,
      %get3A_1342 = arith.index_cast %scan3A_1320 : i32 to index
      %get3A_1343 = arith.constant 32 : index
      %get3A_1344 = tpu.vector_load %arg11[%get3A_1342, %get3A_1343] {strides = array<i32>} : memref<96x64xf32, #tpu.memory_space<vmem>>, vector<16xf32>,
      %mul3A_1345 = arith.mulf %get3A_1341, %get3A_1344 : vector<16xf32>
      %swap3A_1346 = arith.index_cast %scan3A_1320 : i32 to index
      %swap3A_1347 = arith.constant 32 : index
      %swap3A_1348 = tpu.vector_load %arg10[%swap3A_1346, %swap3A_1347] {strides = array<i32>} : memref<96x64xf32, #tpu.memory_space<vmem>>, vector<16xf32>,
      tpu.vector_store %arg10[%swap3A_1346, %swap3A_1347], %mul3A_1345 {strides = array<i32>} : memref<96x64xf32, #tpu.memory_space<vmem>>, vector<16xf32>,
      %get3A_1349 = arith.index_cast %scan3A_1320 : i32 to index
      %get3A_1350 = arith.constant 48 : index
      %get3A_1351 = tpu.vector_load %arg10[%get3A_1349, %get3A_1350] {strides = array<i32>} : memref<96x64xf32, #tpu.memory_space<vmem>>, vector<16xf32>,
      %get3A_1352 = arith.index_cast %scan3A_1320 : i32 to index
      %get3A_1353 = arith.constant 48 : index
      %get3A_1354 = tpu.vector_load %arg11[%get3A_1352, %get3A_1353] {strides = array<i32>} : memref<96x64xf32, #tpu.memory_space<vmem>>, vector<16xf32>,
      %mul3A_1355 = arith.mulf %get3A_1351, %get3A_1354 : vector<16xf32>
      %swap3A_1356 = arith.index_cast %scan3A_1320 : i32 to index
      %swap3A_1357 = arith.constant 48 : index
      %swap3A_1358 = tpu.vector_load %arg10[%swap3A_1356, %swap3A_1357] {strides = array<i32>} : memref<96x64xf32, #tpu.memory_space<vmem>>, vector<16xf32>,
      tpu.vector_store %arg10[%swap3A_1356, %swap3A_1357], %mul3A_1355 {strides = array<i32>} : memref<96x64xf32, #tpu.memory_space<vmem>>, vector<16xf32>,
    }
    %scan3A_517 = arith.constant 64 : i32
    "tpu.region"() ({
      %run_scoped3A = tpu.sem_alloc : memref<!tpu.dma_semaphore, #tpu.memory_space<semaphore_mem>>
      %dma_start3A_1320 = arith.constant 0 : i32
      %dma_start3A_1321 = arith.constant 0 : i32
      %dma_start3A_1322 = tpu.memref_slice %arg10[%dma_start3A_1320, %dma_start3A_1321] : memref<96x64xf32, #tpu.memory_space<vmem>> -> memref<64x64xf32, #tpu.memory_space<vmem>>
      %dma_start3A_1323 = arith.constant 0 : i32
      %dma_start3A_1324 = tpu.memref_slice %arg14[%add3A_511, %dma_start3A_1323] : memref<5120x64xf32, #tpu.memory_space<vmem_shared>> -> memref<64x64xf32, #tpu.memory_space<vmem_shared>>
      %dma_start3A_1325 = arith.constant 0 : i32
      %dma_start3A_1326 = tpu.memref_slice %arg14[%add3A_511, %dma_start3A_1325] : memref<5120x64xf32, #tpu.memory_space<vmem_shared>> -> memref<64x64xf32, #tpu.memory_space<vmem_shared>>
      %dma_start3A_1327 = arith.constant 0 : i32
      %dma_start3A_1328 = arith.constant 0 : i32
      %dma_start3A_1329 = tpu.memref_slice %arg10[%dma_start3A_1327, %dma_start3A_1328] : memref<96x64xf32, #tpu.memory_space<vmem>> -> memref<64x64xf32, #tpu.memory_space<vmem>>
      tpu.enqueue_dma source(%dma_start3A_1329 : memref<64x64xf32, #tpu.memory_space<vmem>>) target(%dma_start3A_1326 : memref<64x64xf32, #tpu.memory_space<vmem_shared>>) target_semaphore(%run_scoped3A : memref<!tpu.dma_semaphore, #tpu.memory_space<semaphore_mem>>)
      %dma_wait3A_1330 = arith.constant 0 : i32
      %dma_wait3A_1331 = arith.constant 0 : i32
      %dma_wait3A_1332 = tpu.memref_slice %arg10[%dma_wait3A_1330, %dma_wait3A_1331] : memref<96x64xf32, #tpu.memory_space<vmem>> -> memref<64x64xf32, #tpu.memory_space<vmem>>
      %dma_wait3A_1333 = arith.constant 0 : i32
      %dma_wait3A_1334 = tpu.memref_slice %arg14[%add3A_511, %dma_wait3A_1333] : memref<5120x64xf32, #tpu.memory_space<vmem_shared>> -> memref<64x64xf32, #tpu.memory_space<vmem_shared>>
      %dma_wait3A_1335 = arith.constant 0 : i32
      %dma_wait3A_1336 = tpu.memref_slice %arg14[%add3A_511, %dma_wait3A_1335] : memref<5120x64xf32, #tpu.memory_space<vmem_shared>> -> memref<64x64xf32, #tpu.memory_space<vmem_shared>>
      %dma_wait3A_1337 = arith.constant 0 : i32
      %dma_wait3A_1338 = arith.constant 0 : i32
      %dma_wait3A_1339 = tpu.memref_slice %arg10[%dma_wait3A_1337, %dma_wait3A_1338] : memref<96x64xf32, #tpu.memory_space<vmem>> -> memref<64x64xf32, #tpu.memory_space<vmem>>
      tpu.wait_dma2 semaphore(%run_scoped3A : memref<!tpu.dma_semaphore, #tpu.memory_space<semaphore_mem>>) src(%dma_wait3A_1339 : memref<64x64xf32, #tpu.memory_space<vmem>>) dst(%dma_wait3A_1336 : memref<64x64xf32, #tpu.memory_space<vmem_shared>>)
      tpu.yield
    }) : () -> ()
    %mul3A_518 = arith.constant 320 : i32
    %mul3A_519 = arith.muli %arg1, %mul3A_518 : i32
    %add3A_520 = arith.constant 64 : i32
    %add3A_521 = arith.addi %mul3A_519, %add3A_520 : i32
    "tpu.region"() ({
      %run_scoped3A = tpu.sem_alloc : memref<!tpu.dma_semaphore, #tpu.memory_space<semaphore_mem>>
      %dma_start3A_1320 = arith.constant 0 : i32
      %dma_start3A_1321 = arith.constant 0 : i32
      %dma_start3A_1322 = tpu.memref_slice %arg10[%dma_start3A_1320, %dma_start3A_1321] : memref<96x64xf32, #tpu.memory_space<vmem>> -> memref<64x64xf32, #tpu.memory_space<vmem>>
      %dma_start3A_1323 = arith.constant 0 : i32
      %dma_start3A_1324 = tpu.memref_slice %arg14[%add3A_521, %dma_start3A_1323] : memref<5120x64xf32, #tpu.memory_space<vmem_shared>> -> memref<64x64xf32, #tpu.memory_space<vmem_shared>>
      %dma_start3A_1325 = arith.constant 0 : i32
      %dma_start3A_1326 = arith.constant 0 : i32
      %dma_start3A_1327 = tpu.memref_slice %arg10[%dma_start3A_1325, %dma_start3A_1326] : memref<96x64xf32, #tpu.memory_space<vmem>> -> memref<64x64xf32, #tpu.memory_space<vmem>>
      %dma_start3A_1328 = arith.constant 0 : i32
      %dma_start3A_1329 = tpu.memref_slice %arg14[%add3A_521, %dma_start3A_1328] : memref<5120x64xf32, #tpu.memory_space<vmem_shared>> -> memref<64x64xf32, #tpu.memory_space<vmem_shared>>
      tpu.enqueue_dma source(%dma_start3A_1329 : memref<64x64xf32, #tpu.memory_space<vmem_shared>>) target(%dma_start3A_1327 : memref<64x64xf32, #tpu.memory_space<vmem>>) target_semaphore(%run_scoped3A : memref<!tpu.dma_semaphore, #tpu.memory_space<semaphore_mem>>)
      %dma_wait3A_1330 = arith.constant 0 : i32
      %dma_wait3A_1331 = arith.constant 0 : i32
      %dma_wait3A_1332 = tpu.memref_slice %arg10[%dma_wait3A_1330, %dma_wait3A_1331] : memref<96x64xf32, #tpu.memory_space<vmem>> -> memref<64x64xf32, #tpu.memory_space<vmem>>
      %dma_wait3A_1333 = arith.constant 0 : i32
      %dma_wait3A_1334 = tpu.memref_slice %arg14[%add3A_521, %dma_wait3A_1333] : memref<5120x64xf32, #tpu.memory_space<vmem_shared>> -> memref<64x64xf32, #tpu.memory_space<vmem_shared>>
      %dma_wait3A_1335 = arith.constant 0 : i32
      %dma_wait3A_1336 = arith.constant 0 : i32
      %dma_wait3A_1337 = tpu.memref_slice %arg10[%dma_wait3A_1335, %dma_wait3A_1336] : memref<96x64xf32, #tpu.memory_space<vmem>> -> memref<64x64xf32, #tpu.memory_space<vmem>>
      %dma_wait3A_1338 = arith.constant 0 : i32
      %dma_wait3A_1339 = tpu.memref_slice %arg14[%add3A_521, %dma_wait3A_1338] : memref<5120x64xf32, #tpu.memory_space<vmem_shared>> -> memref<64x64xf32, #tpu.memory_space<vmem_shared>>
      tpu.wait_dma2 semaphore(%run_scoped3A : memref<!tpu.dma_semaphore, #tpu.memory_space<semaphore_mem>>) src(%dma_wait3A_1339 : memref<64x64xf32, #tpu.memory_space<vmem_shared>>) dst(%dma_wait3A_1337 : memref<64x64xf32, #tpu.memory_space<vmem>>)
      tpu.yield
    }) : () -> ()
    "tpu.region"() ({
      %run_scoped3A = tpu.sem_alloc : memref<!tpu.dma_semaphore, #tpu.memory_space<semaphore_mem>>
      %dma_start3A_1320 = arith.constant 0 : i32
      %dma_start3A_1321 = arith.constant 0 : i32
      %dma_start3A_1322 = tpu.memref_slice %arg11[%dma_start3A_1320, %dma_start3A_1321] : memref<96x64xf32, #tpu.memory_space<vmem>> -> memref<64x64xf32, #tpu.memory_space<vmem>>
      %dma_start3A_1323 = arith.constant 0 : i32
      %dma_start3A_1324 = tpu.memref_slice %arg3[%add3A_521, %dma_start3A_1323] : memref<5120x64xf32, #tpu.memory_space<hbm>> -> memref<64x64xf32, #tpu.memory_space<hbm>>
      %dma_start3A_1325 = arith.constant 0 : i32
      %dma_start3A_1326 = arith.constant 0 : i32
      %dma_start3A_1327 = tpu.memref_slice %arg11[%dma_start3A_1325, %dma_start3A_1326] : memref<96x64xf32, #tpu.memory_space<vmem>> -> memref<64x64xf32, #tpu.memory_space<vmem>>
      %dma_start3A_1328 = arith.constant 0 : i32
      %dma_start3A_1329 = tpu.memref_slice %arg3[%add3A_521, %dma_start3A_1328] : memref<5120x64xf32, #tpu.memory_space<hbm>> -> memref<64x64xf32, #tpu.memory_space<hbm>>
      tpu.enqueue_dma source(%dma_start3A_1329 : memref<64x64xf32, #tpu.memory_space<hbm>>) target(%dma_start3A_1327 : memref<64x64xf32, #tpu.memory_space<vmem>>) target_semaphore(%run_scoped3A : memref<!tpu.dma_semaphore, #tpu.memory_space<semaphore_mem>>)
      %dma_wait3A_1330 = arith.constant 0 : i32
      %dma_wait3A_1331 = arith.constant 0 : i32
      %dma_wait3A_1332 = tpu.memref_slice %arg11[%dma_wait3A_1330, %dma_wait3A_1331] : memref<96x64xf32, #tpu.memory_space<vmem>> -> memref<64x64xf32, #tpu.memory_space<vmem>>
      %dma_wait3A_1333 = arith.constant 0 : i32
      %dma_wait3A_1334 = tpu.memref_slice %arg3[%add3A_521, %dma_wait3A_1333] : memref<5120x64xf32, #tpu.memory_space<hbm>> -> memref<64x64xf32, #tpu.memory_space<hbm>>
      %dma_wait3A_1335 = arith.constant 0 : i32
      %dma_wait3A_1336 = arith.constant 0 : i32
      %dma_wait3A_1337 = tpu.memref_slice %arg11[%dma_wait3A_1335, %dma_wait3A_1336] : memref<96x64xf32, #tpu.memory_space<vmem>> -> memref<64x64xf32, #tpu.memory_space<vmem>>
      %dma_wait3A_1338 = arith.constant 0 : i32
      %dma_wait3A_1339 = tpu.memref_slice %arg3[%add3A_521, %dma_wait3A_1338] : memref<5120x64xf32, #tpu.memory_space<hbm>> -> memref<64x64xf32, #tpu.memory_space<hbm>>
      tpu.wait_dma2 semaphore(%run_scoped3A : memref<!tpu.dma_semaphore, #tpu.memory_space<semaphore_mem>>) src(%dma_wait3A_1339 : memref<64x64xf32, #tpu.memory_space<hbm>>) dst(%dma_wait3A_1337 : memref<64x64xf32, #tpu.memory_space<vmem>>)
      tpu.yield
    }) : () -> ()
    %scan3A_522 = arith.constant 0 : i32
    %scan3A_523 = arith.constant 0 : i32
    %scan3A_524 = arith.constant 64 : i32
    %scan3A_525 = arith.addi %scan3A_523, %scan3A_524 : i32
    %scan3A_526 = arith.constant 1 : i32
    scf.for %scan3A_1320 = %scan3A_523 to %scan3A_525 step %scan3A_526  : i32 {
      %get3A = arith.index_cast %scan3A_1320 : i32 to index
      %get3A_1321 = arith.constant 0 : index
      %get3A_1322 = tpu.vector_load %arg10[%get3A, %get3A_1321] {strides = array<i32>} : memref<96x64xf32, #tpu.memory_space<vmem>>, vector<16xf32>,
      %get3A_1323 = arith.index_cast %scan3A_1320 : i32 to index
      %get3A_1324 = arith.constant 0 : index
      %get3A_1325 = tpu.vector_load %arg11[%get3A_1323, %get3A_1324] {strides = array<i32>} : memref<96x64xf32, #tpu.memory_space<vmem>>, vector<16xf32>,
      %mul3A_1326 = arith.mulf %get3A_1322, %get3A_1325 : vector<16xf32>
      %swap3A = arith.index_cast %scan3A_1320 : i32 to index
      %swap3A_1327 = arith.constant 0 : index
      %swap3A_1328 = tpu.vector_load %arg10[%swap3A, %swap3A_1327] {strides = array<i32>} : memref<96x64xf32, #tpu.memory_space<vmem>>, vector<16xf32>,
      tpu.vector_store %arg10[%swap3A, %swap3A_1327], %mul3A_1326 {strides = array<i32>} : memref<96x64xf32, #tpu.memory_space<vmem>>, vector<16xf32>,
      %get3A_1329 = arith.index_cast %scan3A_1320 : i32 to index
      %get3A_1330 = arith.constant 16 : index
      %get3A_1331 = tpu.vector_load %arg10[%get3A_1329, %get3A_1330] {strides = array<i32>} : memref<96x64xf32, #tpu.memory_space<vmem>>, vector<16xf32>,
      %get3A_1332 = arith.index_cast %scan3A_1320 : i32 to index
      %get3A_1333 = arith.constant 16 : index
      %get3A_1334 = tpu.vector_load %arg11[%get3A_1332, %get3A_1333] {strides = array<i32>} : memref<96x64xf32, #tpu.memory_space<vmem>>, vector<16xf32>,
      %mul3A_1335 = arith.mulf %get3A_1331, %get3A_1334 : vector<16xf32>
      %swap3A_1336 = arith.index_cast %scan3A_1320 : i32 to index
      %swap3A_1337 = arith.constant 16 : index
      %swap3A_1338 = tpu.vector_load %arg10[%swap3A_1336, %swap3A_1337] {strides = array<i32>} : memref<96x64xf32, #tpu.memory_space<vmem>>, vector<16xf32>,
      tpu.vector_store %arg10[%swap3A_1336, %swap3A_1337], %mul3A_1335 {strides = array<i32>} : memref<96x64xf32, #tpu.memory_space<vmem>>, vector<16xf32>,
      %get3A_1339 = arith.index_cast %scan3A_1320 : i32 to index
      %get3A_1340 = arith.constant 32 : index
      %get3A_1341 = tpu.vector_load %arg10[%get3A_1339, %get3A_1340] {strides = array<i32>} : memref<96x64xf32, #tpu.memory_space<vmem>>, vector<16xf32>,
      %get3A_1342 = arith.index_cast %scan3A_1320 : i32 to index
      %get3A_1343 = arith.constant 32 : index
      %get3A_1344 = tpu.vector_load %arg11[%get3A_1342, %get3A_1343] {strides = array<i32>} : memref<96x64xf32, #tpu.memory_space<vmem>>, vector<16xf32>,
      %mul3A_1345 = arith.mulf %get3A_1341, %get3A_1344 : vector<16xf32>
      %swap3A_1346 = arith.index_cast %scan3A_1320 : i32 to index
      %swap3A_1347 = arith.constant 32 : index
      %swap3A_1348 = tpu.vector_load %arg10[%swap3A_1346, %swap3A_1347] {strides = array<i32>} : memref<96x64xf32, #tpu.memory_space<vmem>>, vector<16xf32>,
      tpu.vector_store %arg10[%swap3A_1346, %swap3A_1347], %mul3A_1345 {strides = array<i32>} : memref<96x64xf32, #tpu.memory_space<vmem>>, vector<16xf32>,
      %get3A_1349 = arith.index_cast %scan3A_1320 : i32 to index
      %get3A_1350 = arith.constant 48 : index
      %get3A_1351 = tpu.vector_load %arg10[%get3A_1349, %get3A_1350] {strides = array<i32>} : memref<96x64xf32, #tpu.memory_space<vmem>>, vector<16xf32>,
      %get3A_1352 = arith.index_cast %scan3A_1320 : i32 to index
      %get3A_1353 = arith.constant 48 : index
      %get3A_1354 = tpu.vector_load %arg11[%get3A_1352, %get3A_1353] {strides = array<i32>} : memref<96x64xf32, #tpu.memory_space<vmem>>, vector<16xf32>,
      %mul3A_1355 = arith.mulf %get3A_1351, %get3A_1354 : vector<16xf32>
      %swap3A_1356 = arith.index_cast %scan3A_1320 : i32 to index
      %swap3A_1357 = arith.constant 48 : index
      %swap3A_1358 = tpu.vector_load %arg10[%swap3A_1356, %swap3A_1357] {strides = array<i32>} : memref<96x64xf32, #tpu.memory_space<vmem>>, vector<16xf32>,
      tpu.vector_store %arg10[%swap3A_1356, %swap3A_1357], %mul3A_1355 {strides = array<i32>} : memref<96x64xf32, #tpu.memory_space<vmem>>, vector<16xf32>,
    }
    %scan3A_527 = arith.constant 64 : i32
    "tpu.region"() ({
      %run_scoped3A = tpu.sem_alloc : memref<!tpu.dma_semaphore, #tpu.memory_space<semaphore_mem>>
      %dma_start3A_1320 = arith.constant 0 : i32
      %dma_start3A_1321 = arith.constant 0 : i32
      %dma_start3A_1322 = tpu.memref_slice %arg10[%dma_start3A_1320, %dma_start3A_1321] : memref<96x64xf32, #tpu.memory_space<vmem>> -> memref<64x64xf32, #tpu.memory_space<vmem>>
      %dma_start3A_1323 = arith.constant 0 : i32
      %dma_start3A_1324 = tpu.memref_slice %arg14[%add3A_521, %dma_start3A_1323] : memref<5120x64xf32, #tpu.memory_space<vmem_shared>> -> memref<64x64xf32, #tpu.memory_space<vmem_shared>>
      %dma_start3A_1325 = arith.constant 0 : i32
      %dma_start3A_1326 = tpu.memref_slice %arg14[%add3A_521, %dma_start3A_1325] : memref<5120x64xf32, #tpu.memory_space<vmem_shared>> -> memref<64x64xf32, #tpu.memory_space<vmem_shared>>
      %dma_start3A_1327 = arith.constant 0 : i32
      %dma_start3A_1328 = arith.constant 0 : i32
      %dma_start3A_1329 = tpu.memref_slice %arg10[%dma_start3A_1327, %dma_start3A_1328] : memref<96x64xf32, #tpu.memory_space<vmem>> -> memref<64x64xf32, #tpu.memory_space<vmem>>
      tpu.enqueue_dma source(%dma_start3A_1329 : memref<64x64xf32, #tpu.memory_space<vmem>>) target(%dma_start3A_1326 : memref<64x64xf32, #tpu.memory_space<vmem_shared>>) target_semaphore(%run_scoped3A : memref<!tpu.dma_semaphore, #tpu.memory_space<semaphore_mem>>)
      %dma_wait3A_1330 = arith.constant 0 : i32
      %dma_wait3A_1331 = arith.constant 0 : i32
      %dma_wait3A_1332 = tpu.memref_slice %arg10[%dma_wait3A_1330, %dma_wait3A_1331] : memref<96x64xf32, #tpu.memory_space<vmem>> -> memref<64x64xf32, #tpu.memory_space<vmem>>
      %dma_wait3A_1333 = arith.constant 0 : i32
      %dma_wait3A_1334 = tpu.memref_slice %arg14[%add3A_521, %dma_wait3A_1333] : memref<5120x64xf32, #tpu.memory_space<vmem_shared>> -> memref<64x64xf32, #tpu.memory_space<vmem_shared>>
      %dma_wait3A_1335 = arith.constant 0 : i32
      %dma_wait3A_1336 = tpu.memref_slice %arg14[%add3A_521, %dma_wait3A_1335] : memref<5120x64xf32, #tpu.memory_space<vmem_shared>> -> memref<64x64xf32, #tpu.memory_space<vmem_shared>>
      %dma_wait3A_1337 = arith.constant 0 : i32
      %dma_wait3A_1338 = arith.constant 0 : i32
      %dma_wait3A_1339 = tpu.memref_slice %arg10[%dma_wait3A_1337, %dma_wait3A_1338] : memref<96x64xf32, #tpu.memory_space<vmem>> -> memref<64x64xf32, #tpu.memory_space<vmem>>
      tpu.wait_dma2 semaphore(%run_scoped3A : memref<!tpu.dma_semaphore, #tpu.memory_space<semaphore_mem>>) src(%dma_wait3A_1339 : memref<64x64xf32, #tpu.memory_space<vmem>>) dst(%dma_wait3A_1336 : memref<64x64xf32, #tpu.memory_space<vmem_shared>>)
      tpu.yield
    }) : () -> ()
    %mul3A_528 = arith.constant 320 : i32
    %mul3A_529 = arith.muli %arg1, %mul3A_528 : i32
    %add3A_530 = arith.constant 128 : i32
    %add3A_531 = arith.addi %mul3A_529, %add3A_530 : i32
    "tpu.region"() ({
      %run_scoped3A = tpu.sem_alloc : memref<!tpu.dma_semaphore, #tpu.memory_space<semaphore_mem>>
      %dma_start3A_1320 = arith.constant 0 : i32
      %dma_start3A_1321 = arith.constant 0 : i32
      %dma_start3A_1322 = tpu.memref_slice %arg10[%dma_start3A_1320, %dma_start3A_1321] : memref<96x64xf32, #tpu.memory_space<vmem>> -> memref<64x64xf32, #tpu.memory_space<vmem>>
      %dma_start3A_1323 = arith.constant 0 : i32
      %dma_start3A_1324 = tpu.memref_slice %arg14[%add3A_531, %dma_start3A_1323] : memref<5120x64xf32, #tpu.memory_space<vmem_shared>> -> memref<64x64xf32, #tpu.memory_space<vmem_shared>>
      %dma_start3A_1325 = arith.constant 0 : i32
      %dma_start3A_1326 = arith.constant 0 : i32
      %dma_start3A_1327 = tpu.memref_slice %arg10[%dma_start3A_1325, %dma_start3A_1326] : memref<96x64xf32, #tpu.memory_space<vmem>> -> memref<64x64xf32, #tpu.memory_space<vmem>>
      %dma_start3A_1328 = arith.constant 0 : i32
      %dma_start3A_1329 = tpu.memref_slice %arg14[%add3A_531, %dma_start3A_1328] : memref<5120x64xf32, #tpu.memory_space<vmem_shared>> -> memref<64x64xf32, #tpu.memory_space<vmem_shared>>
      tpu.enqueue_dma source(%dma_start3A_1329 : memref<64x64xf32, #tpu.memory_space<vmem_shared>>) target(%dma_start3A_1327 : memref<64x64xf32, #tpu.memory_space<vmem>>) target_semaphore(%run_scoped3A : memref<!tpu.dma_semaphore, #tpu.memory_space<semaphore_mem>>)
      %dma_wait3A_1330 = arith.constant 0 : i32
      %dma_wait3A_1331 = arith.constant 0 : i32
      %dma_wait3A_1332 = tpu.memref_slice %arg10[%dma_wait3A_1330, %dma_wait3A_1331] : memref<96x64xf32, #tpu.memory_space<vmem>> -> memref<64x64xf32, #tpu.memory_space<vmem>>
      %dma_wait3A_1333 = arith.constant 0 : i32
      %dma_wait3A_1334 = tpu.memref_slice %arg14[%add3A_531, %dma_wait3A_1333] : memref<5120x64xf32, #tpu.memory_space<vmem_shared>> -> memref<64x64xf32, #tpu.memory_space<vmem_shared>>
      %dma_wait3A_1335 = arith.constant 0 : i32
      %dma_wait3A_1336 = arith.constant 0 : i32
      %dma_wait3A_1337 = tpu.memref_slice %arg10[%dma_wait3A_1335, %dma_wait3A_1336] : memref<96x64xf32, #tpu.memory_space<vmem>> -> memref<64x64xf32, #tpu.memory_space<vmem>>
      %dma_wait3A_1338 = arith.constant 0 : i32
      %dma_wait3A_1339 = tpu.memref_slice %arg14[%add3A_531, %dma_wait3A_1338] : memref<5120x64xf32, #tpu.memory_space<vmem_shared>> -> memref<64x64xf32, #tpu.memory_space<vmem_shared>>
      tpu.wait_dma2 semaphore(%run_scoped3A : memref<!tpu.dma_semaphore, #tpu.memory_space<semaphore_mem>>) src(%dma_wait3A_1339 : memref<64x64xf32, #tpu.memory_space<vmem_shared>>) dst(%dma_wait3A_1337 : memref<64x64xf32, #tpu.memory_space<vmem>>)
      tpu.yield
    }) : () -> ()
    "tpu.region"() ({
      %run_scoped3A = tpu.sem_alloc : memref<!tpu.dma_semaphore, #tpu.memory_space<semaphore_mem>>
      %dma_start3A_1320 = arith.constant 0 : i32
      %dma_start3A_1321 = arith.constant 0 : i32
      %dma_start3A_1322 = tpu.memref_slice %arg11[%dma_start3A_1320, %dma_start3A_1321] : memref<96x64xf32, #tpu.memory_space<vmem>> -> memref<64x64xf32, #tpu.memory_space<vmem>>
      %dma_start3A_1323 = arith.constant 0 : i32
      %dma_start3A_1324 = tpu.memref_slice %arg3[%add3A_531, %dma_start3A_1323] : memref<5120x64xf32, #tpu.memory_space<hbm>> -> memref<64x64xf32, #tpu.memory_space<hbm>>
      %dma_start3A_1325 = arith.constant 0 : i32
      %dma_start3A_1326 = arith.constant 0 : i32
      %dma_start3A_1327 = tpu.memref_slice %arg11[%dma_start3A_1325, %dma_start3A_1326] : memref<96x64xf32, #tpu.memory_space<vmem>> -> memref<64x64xf32, #tpu.memory_space<vmem>>
      %dma_start3A_1328 = arith.constant 0 : i32
      %dma_start3A_1329 = tpu.memref_slice %arg3[%add3A_531, %dma_start3A_1328] : memref<5120x64xf32, #tpu.memory_space<hbm>> -> memref<64x64xf32, #tpu.memory_space<hbm>>
      tpu.enqueue_dma source(%dma_start3A_1329 : memref<64x64xf32, #tpu.memory_space<hbm>>) target(%dma_start3A_1327 : memref<64x64xf32, #tpu.memory_space<vmem>>) target_semaphore(%run_scoped3A : memref<!tpu.dma_semaphore, #tpu.memory_space<semaphore_mem>>)
      %dma_wait3A_1330 = arith.constant 0 : i32
      %dma_wait3A_1331 = arith.constant 0 : i32
      %dma_wait3A_1332 = tpu.memref_slice %arg11[%dma_wait3A_1330, %dma_wait3A_1331] : memref<96x64xf32, #tpu.memory_space<vmem>> -> memref<64x64xf32, #tpu.memory_space<vmem>>
      %dma_wait3A_1333 = arith.constant 0 : i32
      %dma_wait3A_1334 = tpu.memref_slice %arg3[%add3A_531, %dma_wait3A_1333] : memref<5120x64xf32, #tpu.memory_space<hbm>> -> memref<64x64xf32, #tpu.memory_space<hbm>>
      %dma_wait3A_1335 = arith.constant 0 : i32
      %dma_wait3A_1336 = arith.constant 0 : i32
      %dma_wait3A_1337 = tpu.memref_slice %arg11[%dma_wait3A_1335, %dma_wait3A_1336] : memref<96x64xf32, #tpu.memory_space<vmem>> -> memref<64x64xf32, #tpu.memory_space<vmem>>
      %dma_wait3A_1338 = arith.constant 0 : i32
      %dma_wait3A_1339 = tpu.memref_slice %arg3[%add3A_531, %dma_wait3A_1338] : memref<5120x64xf32, #tpu.memory_space<hbm>> -> memref<64x64xf32, #tpu.memory_space<hbm>>
      tpu.wait_dma2 semaphore(%run_scoped3A : memref<!tpu.dma_semaphore, #tpu.memory_space<semaphore_mem>>) src(%dma_wait3A_1339 : memref<64x64xf32, #tpu.memory_space<hbm>>) dst(%dma_wait3A_1337 : memref<64x64xf32, #tpu.memory_space<vmem>>)
      tpu.yield
    }) : () -> ()
    %scan3A_532 = arith.constant 0 : i32
    %scan3A_533 = arith.constant 0 : i32
    %scan3A_534 = arith.constant 64 : i32
    %scan3A_535 = arith.addi %scan3A_533, %scan3A_534 : i32
    %scan3A_536 = arith.constant 1 : i32
    scf.for %scan3A_1320 = %scan3A_533 to %scan3A_535 step %scan3A_536  : i32 {
      %get3A = arith.index_cast %scan3A_1320 : i32 to index
      %get3A_1321 = arith.constant 0 : index
      %get3A_1322 = tpu.vector_load %arg10[%get3A, %get3A_1321] {strides = array<i32>} : memref<96x64xf32, #tpu.memory_space<vmem>>, vector<16xf32>,
      %get3A_1323 = arith.index_cast %scan3A_1320 : i32 to index
      %get3A_1324 = arith.constant 0 : index
      %get3A_1325 = tpu.vector_load %arg11[%get3A_1323, %get3A_1324] {strides = array<i32>} : memref<96x64xf32, #tpu.memory_space<vmem>>, vector<16xf32>,
      %mul3A_1326 = arith.mulf %get3A_1322, %get3A_1325 : vector<16xf32>
      %swap3A = arith.index_cast %scan3A_1320 : i32 to index
      %swap3A_1327 = arith.constant 0 : index
      %swap3A_1328 = tpu.vector_load %arg10[%swap3A, %swap3A_1327] {strides = array<i32>} : memref<96x64xf32, #tpu.memory_space<vmem>>, vector<16xf32>,
      tpu.vector_store %arg10[%swap3A, %swap3A_1327], %mul3A_1326 {strides = array<i32>} : memref<96x64xf32, #tpu.memory_space<vmem>>, vector<16xf32>,
      %get3A_1329 = arith.index_cast %scan3A_1320 : i32 to index
      %get3A_1330 = arith.constant 16 : index
      %get3A_1331 = tpu.vector_load %arg10[%get3A_1329, %get3A_1330] {strides = array<i32>} : memref<96x64xf32, #tpu.memory_space<vmem>>, vector<16xf32>,
      %get3A_1332 = arith.index_cast %scan3A_1320 : i32 to index
      %get3A_1333 = arith.constant 16 : index
      %get3A_1334 = tpu.vector_load %arg11[%get3A_1332, %get3A_1333] {strides = array<i32>} : memref<96x64xf32, #tpu.memory_space<vmem>>, vector<16xf32>,
      %mul3A_1335 = arith.mulf %get3A_1331, %get3A_1334 : vector<16xf32>
      %swap3A_1336 = arith.index_cast %scan3A_1320 : i32 to index
      %swap3A_1337 = arith.constant 16 : index
      %swap3A_1338 = tpu.vector_load %arg10[%swap3A_1336, %swap3A_1337] {strides = array<i32>} : memref<96x64xf32, #tpu.memory_space<vmem>>, vector<16xf32>,
      tpu.vector_store %arg10[%swap3A_1336, %swap3A_1337], %mul3A_1335 {strides = array<i32>} : memref<96x64xf32, #tpu.memory_space<vmem>>, vector<16xf32>,
      %get3A_1339 = arith.index_cast %scan3A_1320 : i32 to index
      %get3A_1340 = arith.constant 32 : index
      %get3A_1341 = tpu.vector_load %arg10[%get3A_1339, %get3A_1340] {strides = array<i32>} : memref<96x64xf32, #tpu.memory_space<vmem>>, vector<16xf32>,
      %get3A_1342 = arith.index_cast %scan3A_1320 : i32 to index
      %get3A_1343 = arith.constant 32 : index
      %get3A_1344 = tpu.vector_load %arg11[%get3A_1342, %get3A_1343] {strides = array<i32>} : memref<96x64xf32, #tpu.memory_space<vmem>>, vector<16xf32>,
      %mul3A_1345 = arith.mulf %get3A_1341, %get3A_1344 : vector<16xf32>
      %swap3A_1346 = arith.index_cast %scan3A_1320 : i32 to index
      %swap3A_1347 = arith.constant 32 : index
      %swap3A_1348 = tpu.vector_load %arg10[%swap3A_1346, %swap3A_1347] {strides = array<i32>} : memref<96x64xf32, #tpu.memory_space<vmem>>, vector<16xf32>,
      tpu.vector_store %arg10[%swap3A_1346, %swap3A_1347], %mul3A_1345 {strides = array<i32>} : memref<96x64xf32, #tpu.memory_space<vmem>>, vector<16xf32>,
      %get3A_1349 = arith.index_cast %scan3A_1320 : i32 to index
      %get3A_1350 = arith.constant 48 : index
      %get3A_1351 = tpu.vector_load %arg10[%get3A_1349, %get3A_1350] {strides = array<i32>} : memref<96x64xf32, #tpu.memory_space<vmem>>, vector<16xf32>,
      %get3A_1352 = arith.index_cast %scan3A_1320 : i32 to index
      %get3A_1353 = arith.constant 48 : index
      %get3A_1354 = tpu.vector_load %arg11[%get3A_1352, %get3A_1353] {strides = array<i32>} : memref<96x64xf32, #tpu.memory_space<vmem>>, vector<16xf32>,
      %mul3A_1355 = arith.mulf %get3A_1351, %get3A_1354 : vector<16xf32>
      %swap3A_1356 = arith.index_cast %scan3A_1320 : i32 to index
      %swap3A_1357 = arith.constant 48 : index
      %swap3A_1358 = tpu.vector_load %arg10[%swap3A_1356, %swap3A_1357] {strides = array<i32>} : memref<96x64xf32, #tpu.memory_space<vmem>>, vector<16xf32>,
      tpu.vector_store %arg10[%swap3A_1356, %swap3A_1357], %mul3A_1355 {strides = array<i32>} : memref<96x64xf32, #tpu.memory_space<vmem>>, vector<16xf32>,
    }
    %scan3A_537 = arith.constant 64 : i32
    "tpu.region"() ({
      %run_scoped3A = tpu.sem_alloc : memref<!tpu.dma_semaphore, #tpu.memory_space<semaphore_mem>>
      %dma_start3A_1320 = arith.constant 0 : i32
      %dma_start3A_1321 = arith.constant 0 : i32
      %dma_start3A_1322 = tpu.memref_slice %arg10[%dma_start3A_1320, %dma_start3A_1321] : memref<96x64xf32, #tpu.memory_space<vmem>> -> memref<64x64xf32, #tpu.memory_space<vmem>>
      %dma_start3A_1323 = arith.constant 0 : i32
      %dma_start3A_1324 = tpu.memref_slice %arg14[%add3A_531, %dma_start3A_1323] : memref<5120x64xf32, #tpu.memory_space<vmem_shared>> -> memref<64x64xf32, #tpu.memory_space<vmem_shared>>
      %dma_start3A_1325 = arith.constant 0 : i32
      %dma_start3A_1326 = tpu.memref_slice %arg14[%add3A_531, %dma_start3A_1325] : memref<5120x64xf32, #tpu.memory_space<vmem_shared>> -> memref<64x64xf32, #tpu.memory_space<vmem_shared>>
      %dma_start3A_1327 = arith.constant 0 : i32
      %dma_start3A_1328 = arith.constant 0 : i32
      %dma_start3A_1329 = tpu.memref_slice %arg10[%dma_start3A_1327, %dma_start3A_1328] : memref<96x64xf32, #tpu.memory_space<vmem>> -> memref<64x64xf32, #tpu.memory_space<vmem>>
      tpu.enqueue_dma source(%dma_start3A_1329 : memref<64x64xf32, #tpu.memory_space<vmem>>) target(%dma_start3A_1326 : memref<64x64xf32, #tpu.memory_space<vmem_shared>>) target_semaphore(%run_scoped3A : memref<!tpu.dma_semaphore, #tpu.memory_space<semaphore_mem>>)
      %dma_wait3A_1330 = arith.constant 0 : i32
      %dma_wait3A_1331 = arith.constant 0 : i32
      %dma_wait3A_1332 = tpu.memref_slice %arg10[%dma_wait3A_1330, %dma_wait3A_1331] : memref<96x64xf32, #tpu.memory_space<vmem>> -> memref<64x64xf32, #tpu.memory_space<vmem>>
      %dma_wait3A_1333 = arith.constant 0 : i32
      %dma_wait3A_1334 = tpu.memref_slice %arg14[%add3A_531, %dma_wait3A_1333] : memref<5120x64xf32, #tpu.memory_space<vmem_shared>> -> memref<64x64xf32, #tpu.memory_space<vmem_shared>>
      %dma_wait3A_1335 = arith.constant 0 : i32
      %dma_wait3A_1336 = tpu.memref_slice %arg14[%add3A_531, %dma_wait3A_1335] : memref<5120x64xf32, #tpu.memory_space<vmem_shared>> -> memref<64x64xf32, #tpu.memory_space<vmem_shared>>
      %dma_wait3A_1337 = arith.constant 0 : i32
      %dma_wait3A_1338 = arith.constant 0 : i32
      %dma_wait3A_1339 = tpu.memref_slice %arg10[%dma_wait3A_1337, %dma_wait3A_1338] : memref<96x64xf32, #tpu.memory_space<vmem>> -> memref<64x64xf32, #tpu.memory_space<vmem>>
      tpu.wait_dma2 semaphore(%run_scoped3A : memref<!tpu.dma_semaphore, #tpu.memory_space<semaphore_mem>>) src(%dma_wait3A_1339 : memref<64x64xf32, #tpu.memory_space<vmem>>) dst(%dma_wait3A_1336 : memref<64x64xf32, #tpu.memory_space<vmem_shared>>)
      tpu.yield
    }) : () -> ()
    %mul3A_538 = arith.constant 320 : i32
    %mul3A_539 = arith.muli %arg1, %mul3A_538 : i32
    %add3A_540 = arith.constant 192 : i32
    %add3A_541 = arith.addi %mul3A_539, %add3A_540 : i32
    "tpu.region"() ({
      %run_scoped3A = tpu.sem_alloc : memref<!tpu.dma_semaphore, #tpu.memory_space<semaphore_mem>>
      %dma_start3A_1320 = arith.constant 0 : i32
      %dma_start3A_1321 = arith.constant 0 : i32
      %dma_start3A_1322 = tpu.memref_slice %arg10[%dma_start3A_1320, %dma_start3A_1321] : memref<96x64xf32, #tpu.memory_space<vmem>> -> memref<64x64xf32, #tpu.memory_space<vmem>>
      %dma_start3A_1323 = arith.constant 0 : i32
      %dma_start3A_1324 = tpu.memref_slice %arg14[%add3A_541, %dma_start3A_1323] : memref<5120x64xf32, #tpu.memory_space<vmem_shared>> -> memref<64x64xf32, #tpu.memory_space<vmem_shared>>
      %dma_start3A_1325 = arith.constant 0 : i32
      %dma_start3A_1326 = arith.constant 0 : i32
      %dma_start3A_1327 = tpu.memref_slice %arg10[%dma_start3A_1325, %dma_start3A_1326] : memref<96x64xf32, #tpu.memory_space<vmem>> -> memref<64x64xf32, #tpu.memory_space<vmem>>
      %dma_start3A_1328 = arith.constant 0 : i32
      %dma_start3A_1329 = tpu.memref_slice %arg14[%add3A_541, %dma_start3A_1328] : memref<5120x64xf32, #tpu.memory_space<vmem_shared>> -> memref<64x64xf32, #tpu.memory_space<vmem_shared>>
      tpu.enqueue_dma source(%dma_start3A_1329 : memref<64x64xf32, #tpu.memory_space<vmem_shared>>) target(%dma_start3A_1327 : memref<64x64xf32, #tpu.memory_space<vmem>>) target_semaphore(%run_scoped3A : memref<!tpu.dma_semaphore, #tpu.memory_space<semaphore_mem>>)
      %dma_wait3A_1330 = arith.constant 0 : i32
      %dma_wait3A_1331 = arith.constant 0 : i32
      %dma_wait3A_1332 = tpu.memref_slice %arg10[%dma_wait3A_1330, %dma_wait3A_1331] : memref<96x64xf32, #tpu.memory_space<vmem>> -> memref<64x64xf32, #tpu.memory_space<vmem>>
      %dma_wait3A_1333 = arith.constant 0 : i32
      %dma_wait3A_1334 = tpu.memref_slice %arg14[%add3A_541, %dma_wait3A_1333] : memref<5120x64xf32, #tpu.memory_space<vmem_shared>> -> memref<64x64xf32, #tpu.memory_space<vmem_shared>>
      %dma_wait3A_1335 = arith.constant 0 : i32
      %dma_wait3A_1336 = arith.constant 0 : i32
      %dma_wait3A_1337 = tpu.memref_slice %arg10[%dma_wait3A_1335, %dma_wait3A_1336] : memref<96x64xf32, #tpu.memory_space<vmem>> -> memref<64x64xf32, #tpu.memory_space<vmem>>
      %dma_wait3A_1338 = arith.constant 0 : i32
      %dma_wait3A_1339 = tpu.memref_slice %arg14[%add3A_541, %dma_wait3A_1338] : memref<5120x64xf32, #tpu.memory_space<vmem_shared>> -> memref<64x64xf32, #tpu.memory_space<vmem_shared>>
      tpu.wait_dma2 semaphore(%run_scoped3A : memref<!tpu.dma_semaphore, #tpu.memory_space<semaphore_mem>>) src(%dma_wait3A_1339 : memref<64x64xf32, #tpu.memory_space<vmem_shared>>) dst(%dma_wait3A_1337 : memref<64x64xf32, #tpu.memory_space<vmem>>)
      tpu.yield
    }) : () -> ()
    "tpu.region"() ({
      %run_scoped3A = tpu.sem_alloc : memref<!tpu.dma_semaphore, #tpu.memory_space<semaphore_mem>>
      %dma_start3A_1320 = arith.constant 0 : i32
      %dma_start3A_1321 = arith.constant 0 : i32
      %dma_start3A_1322 = tpu.memref_slice %arg11[%dma_start3A_1320, %dma_start3A_1321] : memref<96x64xf32, #tpu.memory_space<vmem>> -> memref<64x64xf32, #tpu.memory_space<vmem>>
      %dma_start3A_1323 = arith.constant 0 : i32
      %dma_start3A_1324 = tpu.memref_slice %arg3[%add3A_541, %dma_start3A_1323] : memref<5120x64xf32, #tpu.memory_space<hbm>> -> memref<64x64xf32, #tpu.memory_space<hbm>>
      %dma_start3A_1325 = arith.constant 0 : i32
      %dma_start3A_1326 = arith.constant 0 : i32
      %dma_start3A_1327 = tpu.memref_slice %arg11[%dma_start3A_1325, %dma_start3A_1326] : memref<96x64xf32, #tpu.memory_space<vmem>> -> memref<64x64xf32, #tpu.memory_space<vmem>>
      %dma_start3A_1328 = arith.constant 0 : i32
      %dma_start3A_1329 = tpu.memref_slice %arg3[%add3A_541, %dma_start3A_1328] : memref<5120x64xf32, #tpu.memory_space<hbm>> -> memref<64x64xf32, #tpu.memory_space<hbm>>
      tpu.enqueue_dma source(%dma_start3A_1329 : memref<64x64xf32, #tpu.memory_space<hbm>>) target(%dma_start3A_1327 : memref<64x64xf32, #tpu.memory_space<vmem>>) target_semaphore(%run_scoped3A : memref<!tpu.dma_semaphore, #tpu.memory_space<semaphore_mem>>)
      %dma_wait3A_1330 = arith.constant 0 : i32
      %dma_wait3A_1331 = arith.constant 0 : i32
      %dma_wait3A_1332 = tpu.memref_slice %arg11[%dma_wait3A_1330, %dma_wait3A_1331] : memref<96x64xf32, #tpu.memory_space<vmem>> -> memref<64x64xf32, #tpu.memory_space<vmem>>
      %dma_wait3A_1333 = arith.constant 0 : i32
      %dma_wait3A_1334 = tpu.memref_slice %arg3[%add3A_541, %dma_wait3A_1333] : memref<5120x64xf32, #tpu.memory_space<hbm>> -> memref<64x64xf32, #tpu.memory_space<hbm>>
      %dma_wait3A_1335 = arith.constant 0 : i32
      %dma_wait3A_1336 = arith.constant 0 : i32
      %dma_wait3A_1337 = tpu.memref_slice %arg11[%dma_wait3A_1335, %dma_wait3A_1336] : memref<96x64xf32, #tpu.memory_space<vmem>> -> memref<64x64xf32, #tpu.memory_space<vmem>>
      %dma_wait3A_1338 = arith.constant 0 : i32
      %dma_wait3A_1339 = tpu.memref_slice %arg3[%add3A_541, %dma_wait3A_1338] : memref<5120x64xf32, #tpu.memory_space<hbm>> -> memref<64x64xf32, #tpu.memory_space<hbm>>
      tpu.wait_dma2 semaphore(%run_scoped3A : memref<!tpu.dma_semaphore, #tpu.memory_space<semaphore_mem>>) src(%dma_wait3A_1339 : memref<64x64xf32, #tpu.memory_space<hbm>>) dst(%dma_wait3A_1337 : memref<64x64xf32, #tpu.memory_space<vmem>>)
      tpu.yield
    }) : () -> ()
    %scan3A_542 = arith.constant 0 : i32
    %scan3A_543 = arith.constant 0 : i32
    %scan3A_544 = arith.constant 64 : i32
    %scan3A_545 = arith.addi %scan3A_543, %scan3A_544 : i32
    %scan3A_546 = arith.constant 1 : i32
    scf.for %scan3A_1320 = %scan3A_543 to %scan3A_545 step %scan3A_546  : i32 {
      %get3A = arith.index_cast %scan3A_1320 : i32 to index
      %get3A_1321 = arith.constant 0 : index
      %get3A_1322 = tpu.vector_load %arg10[%get3A, %get3A_1321] {strides = array<i32>} : memref<96x64xf32, #tpu.memory_space<vmem>>, vector<16xf32>,
      %get3A_1323 = arith.index_cast %scan3A_1320 : i32 to index
      %get3A_1324 = arith.constant 0 : index
      %get3A_1325 = tpu.vector_load %arg11[%get3A_1323, %get3A_1324] {strides = array<i32>} : memref<96x64xf32, #tpu.memory_space<vmem>>, vector<16xf32>,
      %mul3A_1326 = arith.mulf %get3A_1322, %get3A_1325 : vector<16xf32>
      %swap3A = arith.index_cast %scan3A_1320 : i32 to index
      %swap3A_1327 = arith.constant 0 : index
      %swap3A_1328 = tpu.vector_load %arg10[%swap3A, %swap3A_1327] {strides = array<i32>} : memref<96x64xf32, #tpu.memory_space<vmem>>, vector<16xf32>,
      tpu.vector_store %arg10[%swap3A, %swap3A_1327], %mul3A_1326 {strides = array<i32>} : memref<96x64xf32, #tpu.memory_space<vmem>>, vector<16xf32>,
      %get3A_1329 = arith.index_cast %scan3A_1320 : i32 to index
      %get3A_1330 = arith.constant 16 : index
      %get3A_1331 = tpu.vector_load %arg10[%get3A_1329, %get3A_1330] {strides = array<i32>} : memref<96x64xf32, #tpu.memory_space<vmem>>, vector<16xf32>,
      %get3A_1332 = arith.index_cast %scan3A_1320 : i32 to index
      %get3A_1333 = arith.constant 16 : index
      %get3A_1334 = tpu.vector_load %arg11[%get3A_1332, %get3A_1333] {strides = array<i32>} : memref<96x64xf32, #tpu.memory_space<vmem>>, vector<16xf32>,
      %mul3A_1335 = arith.mulf %get3A_1331, %get3A_1334 : vector<16xf32>
      %swap3A_1336 = arith.index_cast %scan3A_1320 : i32 to index
      %swap3A_1337 = arith.constant 16 : index
      %swap3A_1338 = tpu.vector_load %arg10[%swap3A_1336, %swap3A_1337] {strides = array<i32>} : memref<96x64xf32, #tpu.memory_space<vmem>>, vector<16xf32>,
      tpu.vector_store %arg10[%swap3A_1336, %swap3A_1337], %mul3A_1335 {strides = array<i32>} : memref<96x64xf32, #tpu.memory_space<vmem>>, vector<16xf32>,
      %get3A_1339 = arith.index_cast %scan3A_1320 : i32 to index
      %get3A_1340 = arith.constant 32 : index
      %get3A_1341 = tpu.vector_load %arg10[%get3A_1339, %get3A_1340] {strides = array<i32>} : memref<96x64xf32, #tpu.memory_space<vmem>>, vector<16xf32>,
      %get3A_1342 = arith.index_cast %scan3A_1320 : i32 to index
      %get3A_1343 = arith.constant 32 : index
      %get3A_1344 = tpu.vector_load %arg11[%get3A_1342, %get3A_1343] {strides = array<i32>} : memref<96x64xf32, #tpu.memory_space<vmem>>, vector<16xf32>,
      %mul3A_1345 = arith.mulf %get3A_1341, %get3A_1344 : vector<16xf32>
      %swap3A_1346 = arith.index_cast %scan3A_1320 : i32 to index
      %swap3A_1347 = arith.constant 32 : index
      %swap3A_1348 = tpu.vector_load %arg10[%swap3A_1346, %swap3A_1347] {strides = array<i32>} : memref<96x64xf32, #tpu.memory_space<vmem>>, vector<16xf32>,
      tpu.vector_store %arg10[%swap3A_1346, %swap3A_1347], %mul3A_1345 {strides = array<i32>} : memref<96x64xf32, #tpu.memory_space<vmem>>, vector<16xf32>,
      %get3A_1349 = arith.index_cast %scan3A_1320 : i32 to index
      %get3A_1350 = arith.constant 48 : index
      %get3A_1351 = tpu.vector_load %arg10[%get3A_1349, %get3A_1350] {strides = array<i32>} : memref<96x64xf32, #tpu.memory_space<vmem>>, vector<16xf32>,
      %get3A_1352 = arith.index_cast %scan3A_1320 : i32 to index
      %get3A_1353 = arith.constant 48 : index
      %get3A_1354 = tpu.vector_load %arg11[%get3A_1352, %get3A_1353] {strides = array<i32>} : memref<96x64xf32, #tpu.memory_space<vmem>>, vector<16xf32>,
      %mul3A_1355 = arith.mulf %get3A_1351, %get3A_1354 : vector<16xf32>
      %swap3A_1356 = arith.index_cast %scan3A_1320 : i32 to index
      %swap3A_1357 = arith.constant 48 : index
      %swap3A_1358 = tpu.vector_load %arg10[%swap3A_1356, %swap3A_1357] {strides = array<i32>} : memref<96x64xf32, #tpu.memory_space<vmem>>, vector<16xf32>,
      tpu.vector_store %arg10[%swap3A_1356, %swap3A_1357], %mul3A_1355 {strides = array<i32>} : memref<96x64xf32, #tpu.memory_space<vmem>>, vector<16xf32>,
    }
    %scan3A_547 = arith.constant 64 : i32
    "tpu.region"() ({
      %run_scoped3A = tpu.sem_alloc : memref<!tpu.dma_semaphore, #tpu.memory_space<semaphore_mem>>
      %dma_start3A_1320 = arith.constant 0 : i32
      %dma_start3A_1321 = arith.constant 0 : i32
      %dma_start3A_1322 = tpu.memref_slice %arg10[%dma_start3A_1320, %dma_start3A_1321] : memref<96x64xf32, #tpu.memory_space<vmem>> -> memref<64x64xf32, #tpu.memory_space<vmem>>
      %dma_start3A_1323 = arith.constant 0 : i32
      %dma_start3A_1324 = tpu.memref_slice %arg14[%add3A_541, %dma_start3A_1323] : memref<5120x64xf32, #tpu.memory_space<vmem_shared>> -> memref<64x64xf32, #tpu.memory_space<vmem_shared>>
      %dma_start3A_1325 = arith.constant 0 : i32
      %dma_start3A_1326 = tpu.memref_slice %arg14[%add3A_541, %dma_start3A_1325] : memref<5120x64xf32, #tpu.memory_space<vmem_shared>> -> memref<64x64xf32, #tpu.memory_space<vmem_shared>>
      %dma_start3A_1327 = arith.constant 0 : i32
      %dma_start3A_1328 = arith.constant 0 : i32
      %dma_start3A_1329 = tpu.memref_slice %arg10[%dma_start3A_1327, %dma_start3A_1328] : memref<96x64xf32, #tpu.memory_space<vmem>> -> memref<64x64xf32, #tpu.memory_space<vmem>>
      tpu.enqueue_dma source(%dma_start3A_1329 : memref<64x64xf32, #tpu.memory_space<vmem>>) target(%dma_start3A_1326 : memref<64x64xf32, #tpu.memory_space<vmem_shared>>) target_semaphore(%run_scoped3A : memref<!tpu.dma_semaphore, #tpu.memory_space<semaphore_mem>>)
      %dma_wait3A_1330 = arith.constant 0 : i32
      %dma_wait3A_1331 = arith.constant 0 : i32
      %dma_wait3A_1332 = tpu.memref_slice %arg10[%dma_wait3A_1330, %dma_wait3A_1331] : memref<96x64xf32, #tpu.memory_space<vmem>> -> memref<64x64xf32, #tpu.memory_space<vmem>>
      %dma_wait3A_1333 = arith.constant 0 : i32
      %dma_wait3A_1334 = tpu.memref_slice %arg14[%add3A_541, %dma_wait3A_1333] : memref<5120x64xf32, #tpu.memory_space<vmem_shared>> -> memref<64x64xf32, #tpu.memory_space<vmem_shared>>
      %dma_wait3A_1335 = arith.constant 0 : i32
      %dma_wait3A_1336 = tpu.memref_slice %arg14[%add3A_541, %dma_wait3A_1335] : memref<5120x64xf32, #tpu.memory_space<vmem_shared>> -> memref<64x64xf32, #tpu.memory_space<vmem_shared>>
      %dma_wait3A_1337 = arith.constant 0 : i32
      %dma_wait3A_1338 = arith.constant 0 : i32
      %dma_wait3A_1339 = tpu.memref_slice %arg10[%dma_wait3A_1337, %dma_wait3A_1338] : memref<96x64xf32, #tpu.memory_space<vmem>> -> memref<64x64xf32, #tpu.memory_space<vmem>>
      tpu.wait_dma2 semaphore(%run_scoped3A : memref<!tpu.dma_semaphore, #tpu.memory_space<semaphore_mem>>) src(%dma_wait3A_1339 : memref<64x64xf32, #tpu.memory_space<vmem>>) dst(%dma_wait3A_1336 : memref<64x64xf32, #tpu.memory_space<vmem_shared>>)
      tpu.yield
    }) : () -> ()
    %mul3A_548 = arith.constant 320 : i32
    %mul3A_549 = arith.muli %arg1, %mul3A_548 : i32
    %add3A_550 = arith.constant 256 : i32
    %add3A_551 = arith.addi %mul3A_549, %add3A_550 : i32
    "tpu.region"() ({
      %run_scoped3A = tpu.sem_alloc : memref<!tpu.dma_semaphore, #tpu.memory_space<semaphore_mem>>
      %dma_start3A_1320 = arith.constant 0 : i32
      %dma_start3A_1321 = arith.constant 0 : i32
      %dma_start3A_1322 = tpu.memref_slice %arg10[%dma_start3A_1320, %dma_start3A_1321] : memref<96x64xf32, #tpu.memory_space<vmem>> -> memref<64x64xf32, #tpu.memory_space<vmem>>
      %dma_start3A_1323 = arith.constant 0 : i32
      %dma_start3A_1324 = tpu.memref_slice %arg14[%add3A_551, %dma_start3A_1323] : memref<5120x64xf32, #tpu.memory_space<vmem_shared>> -> memref<64x64xf32, #tpu.memory_space<vmem_shared>>
      %dma_start3A_1325 = arith.constant 0 : i32
      %dma_start3A_1326 = arith.constant 0 : i32
      %dma_start3A_1327 = tpu.memref_slice %arg10[%dma_start3A_1325, %dma_start3A_1326] : memref<96x64xf32, #tpu.memory_space<vmem>> -> memref<64x64xf32, #tpu.memory_space<vmem>>
      %dma_start3A_1328 = arith.constant 0 : i32
      %dma_start3A_1329 = tpu.memref_slice %arg14[%add3A_551, %dma_start3A_1328] : memref<5120x64xf32, #tpu.memory_space<vmem_shared>> -> memref<64x64xf32, #tpu.memory_space<vmem_shared>>
      tpu.enqueue_dma source(%dma_start3A_1329 : memref<64x64xf32, #tpu.memory_space<vmem_shared>>) target(%dma_start3A_1327 : memref<64x64xf32, #tpu.memory_space<vmem>>) target_semaphore(%run_scoped3A : memref<!tpu.dma_semaphore, #tpu.memory_space<semaphore_mem>>)
      %dma_wait3A_1330 = arith.constant 0 : i32
      %dma_wait3A_1331 = arith.constant 0 : i32
      %dma_wait3A_1332 = tpu.memref_slice %arg10[%dma_wait3A_1330, %dma_wait3A_1331] : memref<96x64xf32, #tpu.memory_space<vmem>> -> memref<64x64xf32, #tpu.memory_space<vmem>>
      %dma_wait3A_1333 = arith.constant 0 : i32
      %dma_wait3A_1334 = tpu.memref_slice %arg14[%add3A_551, %dma_wait3A_1333] : memref<5120x64xf32, #tpu.memory_space<vmem_shared>> -> memref<64x64xf32, #tpu.memory_space<vmem_shared>>
      %dma_wait3A_1335 = arith.constant 0 : i32
      %dma_wait3A_1336 = arith.constant 0 : i32
      %dma_wait3A_1337 = tpu.memref_slice %arg10[%dma_wait3A_1335, %dma_wait3A_1336] : memref<96x64xf32, #tpu.memory_space<vmem>> -> memref<64x64xf32, #tpu.memory_space<vmem>>
      %dma_wait3A_1338 = arith.constant 0 : i32
      %dma_wait3A_1339 = tpu.memref_slice %arg14[%add3A_551, %dma_wait3A_1338] : memref<5120x64xf32, #tpu.memory_space<vmem_shared>> -> memref<64x64xf32, #tpu.memory_space<vmem_shared>>
      tpu.wait_dma2 semaphore(%run_scoped3A : memref<!tpu.dma_semaphore, #tpu.memory_space<semaphore_mem>>) src(%dma_wait3A_1339 : memref<64x64xf32, #tpu.memory_space<vmem_shared>>) dst(%dma_wait3A_1337 : memref<64x64xf32, #tpu.memory_space<vmem>>)
      tpu.yield
    }) : () -> ()
    "tpu.region"() ({
      %run_scoped3A = tpu.sem_alloc : memref<!tpu.dma_semaphore, #tpu.memory_space<semaphore_mem>>
      %dma_start3A_1320 = arith.constant 0 : i32
      %dma_start3A_1321 = arith.constant 0 : i32
      %dma_start3A_1322 = tpu.memref_slice %arg11[%dma_start3A_1320, %dma_start3A_1321] : memref<96x64xf32, #tpu.memory_space<vmem>> -> memref<64x64xf32, #tpu.memory_space<vmem>>
      %dma_start3A_1323 = arith.constant 0 : i32
      %dma_start3A_1324 = tpu.memref_slice %arg3[%add3A_551, %dma_start3A_1323] : memref<5120x64xf32, #tpu.memory_space<hbm>> -> memref<64x64xf32, #tpu.memory_space<hbm>>
      %dma_start3A_1325 = arith.constant 0 : i32
      %dma_start3A_1326 = arith.constant 0 : i32
      %dma_start3A_1327 = tpu.memref_slice %arg11[%dma_start3A_1325, %dma_start3A_1326] : memref<96x64xf32, #tpu.memory_space<vmem>> -> memref<64x64xf32, #tpu.memory_space<vmem>>
      %dma_start3A_1328 = arith.constant 0 : i32
      %dma_start3A_1329 = tpu.memref_slice %arg3[%add3A_551, %dma_start3A_1328] : memref<5120x64xf32, #tpu.memory_space<hbm>> -> memref<64x64xf32, #tpu.memory_space<hbm>>
      tpu.enqueue_dma source(%dma_start3A_1329 : memref<64x64xf32, #tpu.memory_space<hbm>>) target(%dma_start3A_1327 : memref<64x64xf32, #tpu.memory_space<vmem>>) target_semaphore(%run_scoped3A : memref<!tpu.dma_semaphore, #tpu.memory_space<semaphore_mem>>)
      %dma_wait3A_1330 = arith.constant 0 : i32
      %dma_wait3A_1331 = arith.constant 0 : i32
      %dma_wait3A_1332 = tpu.memref_slice %arg11[%dma_wait3A_1330, %dma_wait3A_1331] : memref<96x64xf32, #tpu.memory_space<vmem>> -> memref<64x64xf32, #tpu.memory_space<vmem>>
      %dma_wait3A_1333 = arith.constant 0 : i32
      %dma_wait3A_1334 = tpu.memref_slice %arg3[%add3A_551, %dma_wait3A_1333] : memref<5120x64xf32, #tpu.memory_space<hbm>> -> memref<64x64xf32, #tpu.memory_space<hbm>>
      %dma_wait3A_1335 = arith.constant 0 : i32
      %dma_wait3A_1336 = arith.constant 0 : i32
      %dma_wait3A_1337 = tpu.memref_slice %arg11[%dma_wait3A_1335, %dma_wait3A_1336] : memref<96x64xf32, #tpu.memory_space<vmem>> -> memref<64x64xf32, #tpu.memory_space<vmem>>
      %dma_wait3A_1338 = arith.constant 0 : i32
      %dma_wait3A_1339 = tpu.memref_slice %arg3[%add3A_551, %dma_wait3A_1338] : memref<5120x64xf32, #tpu.memory_space<hbm>> -> memref<64x64xf32, #tpu.memory_space<hbm>>
      tpu.wait_dma2 semaphore(%run_scoped3A : memref<!tpu.dma_semaphore, #tpu.memory_space<semaphore_mem>>) src(%dma_wait3A_1339 : memref<64x64xf32, #tpu.memory_space<hbm>>) dst(%dma_wait3A_1337 : memref<64x64xf32, #tpu.memory_space<vmem>>)
      tpu.yield
    }) : () -> ()
    %scan3A_552 = arith.constant 0 : i32
    %scan3A_553 = arith.constant 0 : i32
    %scan3A_554 = arith.constant 64 : i32
    %scan3A_555 = arith.addi %scan3A_553, %scan3A_554 : i32
    %scan3A_556 = arith.constant 1 : i32
    scf.for %scan3A_1320 = %scan3A_553 to %scan3A_555 step %scan3A_556  : i32 {
      %get3A = arith.index_cast %scan3A_1320 : i32 to index
      %get3A_1321 = arith.constant 0 : index
      %get3A_1322 = tpu.vector_load %arg10[%get3A, %get3A_1321] {strides = array<i32>} : memref<96x64xf32, #tpu.memory_space<vmem>>, vector<16xf32>,
      %get3A_1323 = arith.index_cast %scan3A_1320 : i32 to index
      %get3A_1324 = arith.constant 0 : index
      %get3A_1325 = tpu.vector_load %arg11[%get3A_1323, %get3A_1324] {strides = array<i32>} : memref<96x64xf32, #tpu.memory_space<vmem>>, vector<16xf32>,
      %mul3A_1326 = arith.mulf %get3A_1322, %get3A_1325 : vector<16xf32>
      %swap3A = arith.index_cast %scan3A_1320 : i32 to index
      %swap3A_1327 = arith.constant 0 : index
      %swap3A_1328 = tpu.vector_load %arg10[%swap3A, %swap3A_1327] {strides = array<i32>} : memref<96x64xf32, #tpu.memory_space<vmem>>, vector<16xf32>,
      tpu.vector_store %arg10[%swap3A, %swap3A_1327], %mul3A_1326 {strides = array<i32>} : memref<96x64xf32, #tpu.memory_space<vmem>>, vector<16xf32>,
      %get3A_1329 = arith.index_cast %scan3A_1320 : i32 to index
      %get3A_1330 = arith.constant 16 : index
      %get3A_1331 = tpu.vector_load %arg10[%get3A_1329, %get3A_1330] {strides = array<i32>} : memref<96x64xf32, #tpu.memory_space<vmem>>, vector<16xf32>,
      %get3A_1332 = arith.index_cast %scan3A_1320 : i32 to index
      %get3A_1333 = arith.constant 16 : index
      %get3A_1334 = tpu.vector_load %arg11[%get3A_1332, %get3A_1333] {strides = array<i32>} : memref<96x64xf32, #tpu.memory_space<vmem>>, vector<16xf32>,
      %mul3A_1335 = arith.mulf %get3A_1331, %get3A_1334 : vector<16xf32>
      %swap3A_1336 = arith.index_cast %scan3A_1320 : i32 to index
      %swap3A_1337 = arith.constant 16 : index
      %swap3A_1338 = tpu.vector_load %arg10[%swap3A_1336, %swap3A_1337] {strides = array<i32>} : memref<96x64xf32, #tpu.memory_space<vmem>>, vector<16xf32>,
      tpu.vector_store %arg10[%swap3A_1336, %swap3A_1337], %mul3A_1335 {strides = array<i32>} : memref<96x64xf32, #tpu.memory_space<vmem>>, vector<16xf32>,
      %get3A_1339 = arith.index_cast %scan3A_1320 : i32 to index
      %get3A_1340 = arith.constant 32 : index
      %get3A_1341 = tpu.vector_load %arg10[%get3A_1339, %get3A_1340] {strides = array<i32>} : memref<96x64xf32, #tpu.memory_space<vmem>>, vector<16xf32>,
      %get3A_1342 = arith.index_cast %scan3A_1320 : i32 to index
      %get3A_1343 = arith.constant 32 : index
      %get3A_1344 = tpu.vector_load %arg11[%get3A_1342, %get3A_1343] {strides = array<i32>} : memref<96x64xf32, #tpu.memory_space<vmem>>, vector<16xf32>,
      %mul3A_1345 = arith.mulf %get3A_1341, %get3A_1344 : vector<16xf32>
      %swap3A_1346 = arith.index_cast %scan3A_1320 : i32 to index
      %swap3A_1347 = arith.constant 32 : index
      %swap3A_1348 = tpu.vector_load %arg10[%swap3A_1346, %swap3A_1347] {strides = array<i32>} : memref<96x64xf32, #tpu.memory_space<vmem>>, vector<16xf32>,
      tpu.vector_store %arg10[%swap3A_1346, %swap3A_1347], %mul3A_1345 {strides = array<i32>} : memref<96x64xf32, #tpu.memory_space<vmem>>, vector<16xf32>,
      %get3A_1349 = arith.index_cast %scan3A_1320 : i32 to index
      %get3A_1350 = arith.constant 48 : index
      %get3A_1351 = tpu.vector_load %arg10[%get3A_1349, %get3A_1350] {strides = array<i32>} : memref<96x64xf32, #tpu.memory_space<vmem>>, vector<16xf32>,
      %get3A_1352 = arith.index_cast %scan3A_1320 : i32 to index
      %get3A_1353 = arith.constant 48 : index
      %get3A_1354 = tpu.vector_load %arg11[%get3A_1352, %get3A_1353] {strides = array<i32>} : memref<96x64xf32, #tpu.memory_space<vmem>>, vector<16xf32>,
      %mul3A_1355 = arith.mulf %get3A_1351, %get3A_1354 : vector<16xf32>
      %swap3A_1356 = arith.index_cast %scan3A_1320 : i32 to index
      %swap3A_1357 = arith.constant 48 : index
      %swap3A_1358 = tpu.vector_load %arg10[%swap3A_1356, %swap3A_1357] {strides = array<i32>} : memref<96x64xf32, #tpu.memory_space<vmem>>, vector<16xf32>,
      tpu.vector_store %arg10[%swap3A_1356, %swap3A_1357], %mul3A_1355 {strides = array<i32>} : memref<96x64xf32, #tpu.memory_space<vmem>>, vector<16xf32>,
    }
    %scan3A_557 = arith.constant 64 : i32
    "tpu.region"() ({
      %run_scoped3A = tpu.sem_alloc : memref<!tpu.dma_semaphore, #tpu.memory_space<semaphore_mem>>
      %dma_start3A_1320 = arith.constant 0 : i32
      %dma_start3A_1321 = arith.constant 0 : i32
      %dma_start3A_1322 = tpu.memref_slice %arg10[%dma_start3A_1320, %dma_start3A_1321] : memref<96x64xf32, #tpu.memory_space<vmem>> -> memref<64x64xf32, #tpu.memory_space<vmem>>
      %dma_start3A_1323 = arith.constant 0 : i32
      %dma_start3A_1324 = tpu.memref_slice %arg14[%add3A_551, %dma_start3A_1323] : memref<5120x64xf32, #tpu.memory_space<vmem_shared>> -> memref<64x64xf32, #tpu.memory_space<vmem_shared>>
      %dma_start3A_1325 = arith.constant 0 : i32
      %dma_start3A_1326 = tpu.memref_slice %arg14[%add3A_551, %dma_start3A_1325] : memref<5120x64xf32, #tpu.memory_space<vmem_shared>> -> memref<64x64xf32, #tpu.memory_space<vmem_shared>>
      %dma_start3A_1327 = arith.constant 0 : i32
      %dma_start3A_1328 = arith.constant 0 : i32
      %dma_start3A_1329 = tpu.memref_slice %arg10[%dma_start3A_1327, %dma_start3A_1328] : memref<96x64xf32, #tpu.memory_space<vmem>> -> memref<64x64xf32, #tpu.memory_space<vmem>>
      tpu.enqueue_dma source(%dma_start3A_1329 : memref<64x64xf32, #tpu.memory_space<vmem>>) target(%dma_start3A_1326 : memref<64x64xf32, #tpu.memory_space<vmem_shared>>) target_semaphore(%run_scoped3A : memref<!tpu.dma_semaphore, #tpu.memory_space<semaphore_mem>>)
      %dma_wait3A_1330 = arith.constant 0 : i32
      %dma_wait3A_1331 = arith.constant 0 : i32
      %dma_wait3A_1332 = tpu.memref_slice %arg10[%dma_wait3A_1330, %dma_wait3A_1331] : memref<96x64xf32, #tpu.memory_space<vmem>> -> memref<64x64xf32, #tpu.memory_space<vmem>>
      %dma_wait3A_1333 = arith.constant 0 : i32
      %dma_wait3A_1334 = tpu.memref_slice %arg14[%add3A_551, %dma_wait3A_1333] : memref<5120x64xf32, #tpu.memory_space<vmem_shared>> -> memref<64x64xf32, #tpu.memory_space<vmem_shared>>
      %dma_wait3A_1335 = arith.constant 0 : i32
      %dma_wait3A_1336 = tpu.memref_slice %arg14[%add3A_551, %dma_wait3A_1335] : memref<5120x64xf32, #tpu.memory_space<vmem_shared>> -> memref<64x64xf32, #tpu.memory_space<vmem_shared>>
      %dma_wait3A_1337 = arith.constant 0 : i32
      %dma_wait3A_1338 = arith.constant 0 : i32
      %dma_wait3A_1339 = tpu.memref_slice %arg10[%dma_wait3A_1337, %dma_wait3A_1338] : memref<96x64xf32, #tpu.memory_space<vmem>> -> memref<64x64xf32, #tpu.memory_space<vmem>>
      tpu.wait_dma2 semaphore(%run_scoped3A : memref<!tpu.dma_semaphore, #tpu.memory_space<semaphore_mem>>) src(%dma_wait3A_1339 : memref<64x64xf32, #tpu.memory_space<vmem>>) dst(%dma_wait3A_1336 : memref<64x64xf32, #tpu.memory_space<vmem_shared>>)
      tpu.yield
    }) : () -> ()
    "tpu.region"() ({
      %run_scoped3A = tpu.sem_alloc : memref<!tpu.dma_semaphore, #tpu.memory_space<semaphore_mem>>
      %dma_start3A_1320 = arith.constant 0 : i32
      %dma_start3A_1321 = arith.constant 0 : i32
      %dma_start3A_1322 = tpu.memref_slice %arg10[%dma_start3A_1320, %dma_start3A_1321] : memref<96x64xf32, #tpu.memory_space<vmem>> -> memref<64x64xf32, #tpu.memory_space<vmem>>
      %dma_start3A_1323 = arith.constant 0 : i32
      %dma_start3A_1324 = arith.constant 0 : i32
      %dma_start3A_1325 = tpu.memref_slice %arg10[%dma_start3A_1323, %dma_start3A_1324] : memref<96x64xf32, #tpu.memory_space<vmem>> -> memref<64x64xf32, #tpu.memory_space<vmem>>
      tpu.enqueue_dma source(%arg6 : memref<64x64xf32, #tpu.memory_space<hbm>>) target(%dma_start3A_1325 : memref<64x64xf32, #tpu.memory_space<vmem>>) target_semaphore(%run_scoped3A : memref<!tpu.dma_semaphore, #tpu.memory_space<semaphore_mem>>)
      %dma_wait3A_1326 = arith.constant 0 : i32
      %dma_wait3A_1327 = arith.constant 0 : i32
      %dma_wait3A_1328 = tpu.memref_slice %arg10[%dma_wait3A_1326, %dma_wait3A_1327] : memref<96x64xf32, #tpu.memory_space<vmem>> -> memref<64x64xf32, #tpu.memory_space<vmem>>
      %dma_wait3A_1329 = arith.constant 0 : i32
      %dma_wait3A_1330 = arith.constant 0 : i32
      %dma_wait3A_1331 = tpu.memref_slice %arg10[%dma_wait3A_1329, %dma_wait3A_1330] : memref<96x64xf32, #tpu.memory_space<vmem>> -> memref<64x64xf32, #tpu.memory_space<vmem>>
      tpu.wait_dma2 semaphore(%run_scoped3A : memref<!tpu.dma_semaphore, #tpu.memory_space<semaphore_mem>>) src(%arg6 : memref<64x64xf32, #tpu.memory_space<hbm>>) dst(%dma_wait3A_1331 : memref<64x64xf32, #tpu.memory_space<vmem>>)
      tpu.yield
    }) : () -> ()
    %mul3A_558 = arith.constant 640 : i32
    %mul3A_559 = arith.muli %arg1, %mul3A_558 : i32
    %add3A_560 = arith.constant 0 : i32
    %add3A_561 = arith.addi %mul3A_559, %add3A_560 : i32
    %dma_start3A_562 = arith.constant 0 : i32
    %dma_start3A_563 = arith.constant 0 : i32
    %dma_start3A_564 = tpu.memref_slice %arg10[%dma_start3A_562, %dma_start3A_563] : memref<96x64xf32, #tpu.memory_space<vmem>> -> memref<64x64xf32, #tpu.memory_space<vmem>>
    %dma_start3A_565 = arith.constant 0 : i32
    %dma_start3A_566 = tpu.memref_slice %arg15[%add3A_561, %dma_start3A_565] : memref<10240x64xf32, #tpu.memory_space<vmem_shared>> -> memref<64x64xf32, #tpu.memory_space<vmem_shared>>
    %dma_start3A_567 = arith.constant 0 : i32
    %dma_start3A_568 = tpu.memref_slice %arg15[%add3A_561, %dma_start3A_567] : memref<10240x64xf32, #tpu.memory_space<vmem_shared>> -> memref<64x64xf32, #tpu.memory_space<vmem_shared>>
    %dma_start3A_569 = arith.constant 0 : i32
    %dma_start3A_570 = arith.constant 0 : i32
    %dma_start3A_571 = tpu.memref_slice %arg10[%dma_start3A_569, %dma_start3A_570] : memref<96x64xf32, #tpu.memory_space<vmem>> -> memref<64x64xf32, #tpu.memory_space<vmem>>
    tpu.enqueue_dma source(%dma_start3A_571 : memref<64x64xf32, #tpu.memory_space<vmem>>) target(%dma_start3A_568 : memref<64x64xf32, #tpu.memory_space<vmem_shared>>) target_semaphore(%arg20 : memref<!tpu.dma_semaphore, #tpu.memory_space<semaphore_mem>>)
    %mul3A_572 = arith.constant 640 : i32
    %mul3A_573 = arith.muli %arg1, %mul3A_572 : i32
    %add3A_574 = arith.constant 64 : i32
    %add3A_575 = arith.addi %mul3A_573, %add3A_574 : i32
    %dma_start3A_576 = arith.constant 0 : i32
    %dma_start3A_577 = arith.constant 0 : i32
    %dma_start3A_578 = tpu.memref_slice %arg10[%dma_start3A_576, %dma_start3A_577] : memref<96x64xf32, #tpu.memory_space<vmem>> -> memref<64x64xf32, #tpu.memory_space<vmem>>
    %dma_start3A_579 = arith.constant 0 : i32
    %dma_start3A_580 = tpu.memref_slice %arg15[%add3A_575, %dma_start3A_579] : memref<10240x64xf32, #tpu.memory_space<vmem_shared>> -> memref<64x64xf32, #tpu.memory_space<vmem_shared>>
    %dma_start3A_581 = arith.constant 0 : i32
    %dma_start3A_582 = tpu.memref_slice %arg15[%add3A_575, %dma_start3A_581] : memref<10240x64xf32, #tpu.memory_space<vmem_shared>> -> memref<64x64xf32, #tpu.memory_space<vmem_shared>>
    %dma_start3A_583 = arith.constant 0 : i32
    %dma_start3A_584 = arith.constant 0 : i32
    %dma_start3A_585 = tpu.memref_slice %arg10[%dma_start3A_583, %dma_start3A_584] : memref<96x64xf32, #tpu.memory_space<vmem>> -> memref<64x64xf32, #tpu.memory_space<vmem>>
    tpu.enqueue_dma source(%dma_start3A_585 : memref<64x64xf32, #tpu.memory_space<vmem>>) target(%dma_start3A_582 : memref<64x64xf32, #tpu.memory_space<vmem_shared>>) target_semaphore(%arg20 : memref<!tpu.dma_semaphore, #tpu.memory_space<semaphore_mem>>)
    %mul3A_586 = arith.constant 640 : i32
    %mul3A_587 = arith.muli %arg1, %mul3A_586 : i32
    %add3A_588 = arith.constant 128 : i32
    %add3A_589 = arith.addi %mul3A_587, %add3A_588 : i32
    %dma_start3A_590 = arith.constant 0 : i32
    %dma_start3A_591 = arith.constant 0 : i32
    %dma_start3A_592 = tpu.memref_slice %arg10[%dma_start3A_590, %dma_start3A_591] : memref<96x64xf32, #tpu.memory_space<vmem>> -> memref<64x64xf32, #tpu.memory_space<vmem>>
    %dma_start3A_593 = arith.constant 0 : i32
    %dma_start3A_594 = tpu.memref_slice %arg15[%add3A_589, %dma_start3A_593] : memref<10240x64xf32, #tpu.memory_space<vmem_shared>> -> memref<64x64xf32, #tpu.memory_space<vmem_shared>>
    %dma_start3A_595 = arith.constant 0 : i32
    %dma_start3A_596 = tpu.memref_slice %arg15[%add3A_589, %dma_start3A_595] : memref<10240x64xf32, #tpu.memory_space<vmem_shared>> -> memref<64x64xf32, #tpu.memory_space<vmem_shared>>
    %dma_start3A_597 = arith.constant 0 : i32
    %dma_start3A_598 = arith.constant 0 : i32
    %dma_start3A_599 = tpu.memref_slice %arg10[%dma_start3A_597, %dma_start3A_598] : memref<96x64xf32, #tpu.memory_space<vmem>> -> memref<64x64xf32, #tpu.memory_space<vmem>>
    tpu.enqueue_dma source(%dma_start3A_599 : memref<64x64xf32, #tpu.memory_space<vmem>>) target(%dma_start3A_596 : memref<64x64xf32, #tpu.memory_space<vmem_shared>>) target_semaphore(%arg20 : memref<!tpu.dma_semaphore, #tpu.memory_space<semaphore_mem>>)
    %mul3A_600 = arith.constant 640 : i32
    %mul3A_601 = arith.muli %arg1, %mul3A_600 : i32
    %add3A_602 = arith.constant 192 : i32
    %add3A_603 = arith.addi %mul3A_601, %add3A_602 : i32
    %dma_start3A_604 = arith.constant 0 : i32
    %dma_start3A_605 = arith.constant 0 : i32
    %dma_start3A_606 = tpu.memref_slice %arg10[%dma_start3A_604, %dma_start3A_605] : memref<96x64xf32, #tpu.memory_space<vmem>> -> memref<64x64xf32, #tpu.memory_space<vmem>>
    %dma_start3A_607 = arith.constant 0 : i32
    %dma_start3A_608 = tpu.memref_slice %arg15[%add3A_603, %dma_start3A_607] : memref<10240x64xf32, #tpu.memory_space<vmem_shared>> -> memref<64x64xf32, #tpu.memory_space<vmem_shared>>
    %dma_start3A_609 = arith.constant 0 : i32
    %dma_start3A_610 = tpu.memref_slice %arg15[%add3A_603, %dma_start3A_609] : memref<10240x64xf32, #tpu.memory_space<vmem_shared>> -> memref<64x64xf32, #tpu.memory_space<vmem_shared>>
    %dma_start3A_611 = arith.constant 0 : i32
    %dma_start3A_612 = arith.constant 0 : i32
    %dma_start3A_613 = tpu.memref_slice %arg10[%dma_start3A_611, %dma_start3A_612] : memref<96x64xf32, #tpu.memory_space<vmem>> -> memref<64x64xf32, #tpu.memory_space<vmem>>
    tpu.enqueue_dma source(%dma_start3A_613 : memref<64x64xf32, #tpu.memory_space<vmem>>) target(%dma_start3A_610 : memref<64x64xf32, #tpu.memory_space<vmem_shared>>) target_semaphore(%arg20 : memref<!tpu.dma_semaphore, #tpu.memory_space<semaphore_mem>>)
    %mul3A_614 = arith.constant 640 : i32
    %mul3A_615 = arith.muli %arg1, %mul3A_614 : i32
    %add3A_616 = arith.constant 256 : i32
    %add3A_617 = arith.addi %mul3A_615, %add3A_616 : i32
    %dma_start3A_618 = arith.constant 0 : i32
    %dma_start3A_619 = arith.constant 0 : i32
    %dma_start3A_620 = tpu.memref_slice %arg10[%dma_start3A_618, %dma_start3A_619] : memref<96x64xf32, #tpu.memory_space<vmem>> -> memref<64x64xf32, #tpu.memory_space<vmem>>
    %dma_start3A_621 = arith.constant 0 : i32
    %dma_start3A_622 = tpu.memref_slice %arg15[%add3A_617, %dma_start3A_621] : memref<10240x64xf32, #tpu.memory_space<vmem_shared>> -> memref<64x64xf32, #tpu.memory_space<vmem_shared>>
    %dma_start3A_623 = arith.constant 0 : i32
    %dma_start3A_624 = tpu.memref_slice %arg15[%add3A_617, %dma_start3A_623] : memref<10240x64xf32, #tpu.memory_space<vmem_shared>> -> memref<64x64xf32, #tpu.memory_space<vmem_shared>>
    %dma_start3A_625 = arith.constant 0 : i32
    %dma_start3A_626 = arith.constant 0 : i32
    %dma_start3A_627 = tpu.memref_slice %arg10[%dma_start3A_625, %dma_start3A_626] : memref<96x64xf32, #tpu.memory_space<vmem>> -> memref<64x64xf32, #tpu.memory_space<vmem>>
    tpu.enqueue_dma source(%dma_start3A_627 : memref<64x64xf32, #tpu.memory_space<vmem>>) target(%dma_start3A_624 : memref<64x64xf32, #tpu.memory_space<vmem_shared>>) target_semaphore(%arg20 : memref<!tpu.dma_semaphore, #tpu.memory_space<semaphore_mem>>)
    %mul3A_628 = arith.constant 640 : i32
    %mul3A_629 = arith.muli %arg1, %mul3A_628 : i32
    %add3A_630 = arith.constant 320 : i32
    %add3A_631 = arith.addi %mul3A_629, %add3A_630 : i32
    %dma_start3A_632 = arith.constant 0 : i32
    %dma_start3A_633 = arith.constant 0 : i32
    %dma_start3A_634 = tpu.memref_slice %arg10[%dma_start3A_632, %dma_start3A_633] : memref<96x64xf32, #tpu.memory_space<vmem>> -> memref<64x64xf32, #tpu.memory_space<vmem>>
    %dma_start3A_635 = arith.constant 0 : i32
    %dma_start3A_636 = tpu.memref_slice %arg15[%add3A_631, %dma_start3A_635] : memref<10240x64xf32, #tpu.memory_space<vmem_shared>> -> memref<64x64xf32, #tpu.memory_space<vmem_shared>>
    %dma_start3A_637 = arith.constant 0 : i32
    %dma_start3A_638 = tpu.memref_slice %arg15[%add3A_631, %dma_start3A_637] : memref<10240x64xf32, #tpu.memory_space<vmem_shared>> -> memref<64x64xf32, #tpu.memory_space<vmem_shared>>
    %dma_start3A_639 = arith.constant 0 : i32
    %dma_start3A_640 = arith.constant 0 : i32
    %dma_start3A_641 = tpu.memref_slice %arg10[%dma_start3A_639, %dma_start3A_640] : memref<96x64xf32, #tpu.memory_space<vmem>> -> memref<64x64xf32, #tpu.memory_space<vmem>>
    tpu.enqueue_dma source(%dma_start3A_641 : memref<64x64xf32, #tpu.memory_space<vmem>>) target(%dma_start3A_638 : memref<64x64xf32, #tpu.memory_space<vmem_shared>>) target_semaphore(%arg20 : memref<!tpu.dma_semaphore, #tpu.memory_space<semaphore_mem>>)
    %mul3A_642 = arith.constant 640 : i32
    %mul3A_643 = arith.muli %arg1, %mul3A_642 : i32
    %add3A_644 = arith.constant 384 : i32
    %add3A_645 = arith.addi %mul3A_643, %add3A_644 : i32
    %dma_start3A_646 = arith.constant 0 : i32
    %dma_start3A_647 = arith.constant 0 : i32
    %dma_start3A_648 = tpu.memref_slice %arg10[%dma_start3A_646, %dma_start3A_647] : memref<96x64xf32, #tpu.memory_space<vmem>> -> memref<64x64xf32, #tpu.memory_space<vmem>>
    %dma_start3A_649 = arith.constant 0 : i32
    %dma_start3A_650 = tpu.memref_slice %arg15[%add3A_645, %dma_start3A_649] : memref<10240x64xf32, #tpu.memory_space<vmem_shared>> -> memref<64x64xf32, #tpu.memory_space<vmem_shared>>
    %dma_start3A_651 = arith.constant 0 : i32
    %dma_start3A_652 = tpu.memref_slice %arg15[%add3A_645, %dma_start3A_651] : memref<10240x64xf32, #tpu.memory_space<vmem_shared>> -> memref<64x64xf32, #tpu.memory_space<vmem_shared>>
    %dma_start3A_653 = arith.constant 0 : i32
    %dma_start3A_654 = arith.constant 0 : i32
    %dma_start3A_655 = tpu.memref_slice %arg10[%dma_start3A_653, %dma_start3A_654] : memref<96x64xf32, #tpu.memory_space<vmem>> -> memref<64x64xf32, #tpu.memory_space<vmem>>
    tpu.enqueue_dma source(%dma_start3A_655 : memref<64x64xf32, #tpu.memory_space<vmem>>) target(%dma_start3A_652 : memref<64x64xf32, #tpu.memory_space<vmem_shared>>) target_semaphore(%arg20 : memref<!tpu.dma_semaphore, #tpu.memory_space<semaphore_mem>>)
    %mul3A_656 = arith.constant 640 : i32
    %mul3A_657 = arith.muli %arg1, %mul3A_656 : i32
    %add3A_658 = arith.constant 448 : i32
    %add3A_659 = arith.addi %mul3A_657, %add3A_658 : i32
    %dma_start3A_660 = arith.constant 0 : i32
    %dma_start3A_661 = arith.constant 0 : i32
    %dma_start3A_662 = tpu.memref_slice %arg10[%dma_start3A_660, %dma_start3A_661] : memref<96x64xf32, #tpu.memory_space<vmem>> -> memref<64x64xf32, #tpu.memory_space<vmem>>
    %dma_start3A_663 = arith.constant 0 : i32
    %dma_start3A_664 = tpu.memref_slice %arg15[%add3A_659, %dma_start3A_663] : memref<10240x64xf32, #tpu.memory_space<vmem_shared>> -> memref<64x64xf32, #tpu.memory_space<vmem_shared>>
    %dma_start3A_665 = arith.constant 0 : i32
    %dma_start3A_666 = tpu.memref_slice %arg15[%add3A_659, %dma_start3A_665] : memref<10240x64xf32, #tpu.memory_space<vmem_shared>> -> memref<64x64xf32, #tpu.memory_space<vmem_shared>>
    %dma_start3A_667 = arith.constant 0 : i32
    %dma_start3A_668 = arith.constant 0 : i32
    %dma_start3A_669 = tpu.memref_slice %arg10[%dma_start3A_667, %dma_start3A_668] : memref<96x64xf32, #tpu.memory_space<vmem>> -> memref<64x64xf32, #tpu.memory_space<vmem>>
    tpu.enqueue_dma source(%dma_start3A_669 : memref<64x64xf32, #tpu.memory_space<vmem>>) target(%dma_start3A_666 : memref<64x64xf32, #tpu.memory_space<vmem_shared>>) target_semaphore(%arg20 : memref<!tpu.dma_semaphore, #tpu.memory_space<semaphore_mem>>)
    %mul3A_670 = arith.constant 640 : i32
    %mul3A_671 = arith.muli %arg1, %mul3A_670 : i32
    %add3A_672 = arith.constant 512 : i32
    %add3A_673 = arith.addi %mul3A_671, %add3A_672 : i32
    %dma_start3A_674 = arith.constant 0 : i32
    %dma_start3A_675 = arith.constant 0 : i32
    %dma_start3A_676 = tpu.memref_slice %arg10[%dma_start3A_674, %dma_start3A_675] : memref<96x64xf32, #tpu.memory_space<vmem>> -> memref<64x64xf32, #tpu.memory_space<vmem>>
    %dma_start3A_677 = arith.constant 0 : i32
    %dma_start3A_678 = tpu.memref_slice %arg15[%add3A_673, %dma_start3A_677] : memref<10240x64xf32, #tpu.memory_space<vmem_shared>> -> memref<64x64xf32, #tpu.memory_space<vmem_shared>>
    %dma_start3A_679 = arith.constant 0 : i32
    %dma_start3A_680 = tpu.memref_slice %arg15[%add3A_673, %dma_start3A_679] : memref<10240x64xf32, #tpu.memory_space<vmem_shared>> -> memref<64x64xf32, #tpu.memory_space<vmem_shared>>
    %dma_start3A_681 = arith.constant 0 : i32
    %dma_start3A_682 = arith.constant 0 : i32
    %dma_start3A_683 = tpu.memref_slice %arg10[%dma_start3A_681, %dma_start3A_682] : memref<96x64xf32, #tpu.memory_space<vmem>> -> memref<64x64xf32, #tpu.memory_space<vmem>>
    tpu.enqueue_dma source(%dma_start3A_683 : memref<64x64xf32, #tpu.memory_space<vmem>>) target(%dma_start3A_680 : memref<64x64xf32, #tpu.memory_space<vmem_shared>>) target_semaphore(%arg20 : memref<!tpu.dma_semaphore, #tpu.memory_space<semaphore_mem>>)
    %mul3A_684 = arith.constant 640 : i32
    %mul3A_685 = arith.muli %arg1, %mul3A_684 : i32
    %add3A_686 = arith.constant 576 : i32
    %add3A_687 = arith.addi %mul3A_685, %add3A_686 : i32
    %dma_start3A_688 = arith.constant 0 : i32
    %dma_start3A_689 = arith.constant 0 : i32
    %dma_start3A_690 = tpu.memref_slice %arg10[%dma_start3A_688, %dma_start3A_689] : memref<96x64xf32, #tpu.memory_space<vmem>> -> memref<64x64xf32, #tpu.memory_space<vmem>>
    %dma_start3A_691 = arith.constant 0 : i32
    %dma_start3A_692 = tpu.memref_slice %arg15[%add3A_687, %dma_start3A_691] : memref<10240x64xf32, #tpu.memory_space<vmem_shared>> -> memref<64x64xf32, #tpu.memory_space<vmem_shared>>
    %dma_start3A_693 = arith.constant 0 : i32
    %dma_start3A_694 = tpu.memref_slice %arg15[%add3A_687, %dma_start3A_693] : memref<10240x64xf32, #tpu.memory_space<vmem_shared>> -> memref<64x64xf32, #tpu.memory_space<vmem_shared>>
    %dma_start3A_695 = arith.constant 0 : i32
    %dma_start3A_696 = arith.constant 0 : i32
    %dma_start3A_697 = tpu.memref_slice %arg10[%dma_start3A_695, %dma_start3A_696] : memref<96x64xf32, #tpu.memory_space<vmem>> -> memref<64x64xf32, #tpu.memory_space<vmem>>
    tpu.enqueue_dma source(%dma_start3A_697 : memref<64x64xf32, #tpu.memory_space<vmem>>) target(%dma_start3A_694 : memref<64x64xf32, #tpu.memory_space<vmem_shared>>) target_semaphore(%arg20 : memref<!tpu.dma_semaphore, #tpu.memory_space<semaphore_mem>>)
    %mul3A_698 = arith.constant 640 : i32
    %mul3A_699 = arith.muli %arg1, %mul3A_698 : i32
    %add3A_700 = arith.constant 0 : i32
    %add3A_701 = arith.addi %mul3A_699, %add3A_700 : i32
    %dma_wait3A_702 = arith.constant 0 : i32
    %dma_wait3A_703 = arith.constant 0 : i32
    %dma_wait3A_704 = tpu.memref_slice %arg10[%dma_wait3A_702, %dma_wait3A_703] : memref<96x64xf32, #tpu.memory_space<vmem>> -> memref<64x64xf32, #tpu.memory_space<vmem>>
    %dma_wait3A_705 = arith.constant 0 : i32
    %dma_wait3A_706 = tpu.memref_slice %arg15[%add3A_701, %dma_wait3A_705] : memref<10240x64xf32, #tpu.memory_space<vmem_shared>> -> memref<64x64xf32, #tpu.memory_space<vmem_shared>>
    %dma_wait3A_707 = arith.constant 0 : i32
    %dma_wait3A_708 = tpu.memref_slice %arg15[%add3A_701, %dma_wait3A_707] : memref<10240x64xf32, #tpu.memory_space<vmem_shared>> -> memref<64x64xf32, #tpu.memory_space<vmem_shared>>
    %dma_wait3A_709 = arith.constant 0 : i32
    %dma_wait3A_710 = arith.constant 0 : i32
    %dma_wait3A_711 = tpu.memref_slice %arg10[%dma_wait3A_709, %dma_wait3A_710] : memref<96x64xf32, #tpu.memory_space<vmem>> -> memref<64x64xf32, #tpu.memory_space<vmem>>
    tpu.wait_dma2 semaphore(%arg20 : memref<!tpu.dma_semaphore, #tpu.memory_space<semaphore_mem>>) src(%dma_wait3A_711 : memref<64x64xf32, #tpu.memory_space<vmem>>) dst(%dma_wait3A_708 : memref<64x64xf32, #tpu.memory_space<vmem_shared>>)
    %mul3A_712 = arith.constant 640 : i32
    %mul3A_713 = arith.muli %arg1, %mul3A_712 : i32
    %add3A_714 = arith.constant 64 : i32
    %add3A_715 = arith.addi %mul3A_713, %add3A_714 : i32
    %dma_wait3A_716 = arith.constant 0 : i32
    %dma_wait3A_717 = arith.constant 0 : i32
    %dma_wait3A_718 = tpu.memref_slice %arg10[%dma_wait3A_716, %dma_wait3A_717] : memref<96x64xf32, #tpu.memory_space<vmem>> -> memref<64x64xf32, #tpu.memory_space<vmem>>
    %dma_wait3A_719 = arith.constant 0 : i32
    %dma_wait3A_720 = tpu.memref_slice %arg15[%add3A_715, %dma_wait3A_719] : memref<10240x64xf32, #tpu.memory_space<vmem_shared>> -> memref<64x64xf32, #tpu.memory_space<vmem_shared>>
    %dma_wait3A_721 = arith.constant 0 : i32
    %dma_wait3A_722 = tpu.memref_slice %arg15[%add3A_715, %dma_wait3A_721] : memref<10240x64xf32, #tpu.memory_space<vmem_shared>> -> memref<64x64xf32, #tpu.memory_space<vmem_shared>>
    %dma_wait3A_723 = arith.constant 0 : i32
    %dma_wait3A_724 = arith.constant 0 : i32
    %dma_wait3A_725 = tpu.memref_slice %arg10[%dma_wait3A_723, %dma_wait3A_724] : memref<96x64xf32, #tpu.memory_space<vmem>> -> memref<64x64xf32, #tpu.memory_space<vmem>>
    tpu.wait_dma2 semaphore(%arg20 : memref<!tpu.dma_semaphore, #tpu.memory_space<semaphore_mem>>) src(%dma_wait3A_725 : memref<64x64xf32, #tpu.memory_space<vmem>>) dst(%dma_wait3A_722 : memref<64x64xf32, #tpu.memory_space<vmem_shared>>)
    %mul3A_726 = arith.constant 640 : i32
    %mul3A_727 = arith.muli %arg1, %mul3A_726 : i32
    %add3A_728 = arith.constant 128 : i32
    %add3A_729 = arith.addi %mul3A_727, %add3A_728 : i32
    %dma_wait3A_730 = arith.constant 0 : i32
    %dma_wait3A_731 = arith.constant 0 : i32
    %dma_wait3A_732 = tpu.memref_slice %arg10[%dma_wait3A_730, %dma_wait3A_731] : memref<96x64xf32, #tpu.memory_space<vmem>> -> memref<64x64xf32, #tpu.memory_space<vmem>>
    %dma_wait3A_733 = arith.constant 0 : i32
    %dma_wait3A_734 = tpu.memref_slice %arg15[%add3A_729, %dma_wait3A_733] : memref<10240x64xf32, #tpu.memory_space<vmem_shared>> -> memref<64x64xf32, #tpu.memory_space<vmem_shared>>
    %dma_wait3A_735 = arith.constant 0 : i32
    %dma_wait3A_736 = tpu.memref_slice %arg15[%add3A_729, %dma_wait3A_735] : memref<10240x64xf32, #tpu.memory_space<vmem_shared>> -> memref<64x64xf32, #tpu.memory_space<vmem_shared>>
    %dma_wait3A_737 = arith.constant 0 : i32
    %dma_wait3A_738 = arith.constant 0 : i32
    %dma_wait3A_739 = tpu.memref_slice %arg10[%dma_wait3A_737, %dma_wait3A_738] : memref<96x64xf32, #tpu.memory_space<vmem>> -> memref<64x64xf32, #tpu.memory_space<vmem>>
    tpu.wait_dma2 semaphore(%arg20 : memref<!tpu.dma_semaphore, #tpu.memory_space<semaphore_mem>>) src(%dma_wait3A_739 : memref<64x64xf32, #tpu.memory_space<vmem>>) dst(%dma_wait3A_736 : memref<64x64xf32, #tpu.memory_space<vmem_shared>>)
    %mul3A_740 = arith.constant 640 : i32
    %mul3A_741 = arith.muli %arg1, %mul3A_740 : i32
    %add3A_742 = arith.constant 192 : i32
    %add3A_743 = arith.addi %mul3A_741, %add3A_742 : i32
    %dma_wait3A_744 = arith.constant 0 : i32
    %dma_wait3A_745 = arith.constant 0 : i32
    %dma_wait3A_746 = tpu.memref_slice %arg10[%dma_wait3A_744, %dma_wait3A_745] : memref<96x64xf32, #tpu.memory_space<vmem>> -> memref<64x64xf32, #tpu.memory_space<vmem>>
    %dma_wait3A_747 = arith.constant 0 : i32
    %dma_wait3A_748 = tpu.memref_slice %arg15[%add3A_743, %dma_wait3A_747] : memref<10240x64xf32, #tpu.memory_space<vmem_shared>> -> memref<64x64xf32, #tpu.memory_space<vmem_shared>>
    %dma_wait3A_749 = arith.constant 0 : i32
    %dma_wait3A_750 = tpu.memref_slice %arg15[%add3A_743, %dma_wait3A_749] : memref<10240x64xf32, #tpu.memory_space<vmem_shared>> -> memref<64x64xf32, #tpu.memory_space<vmem_shared>>
    %dma_wait3A_751 = arith.constant 0 : i32
    %dma_wait3A_752 = arith.constant 0 : i32
    %dma_wait3A_753 = tpu.memref_slice %arg10[%dma_wait3A_751, %dma_wait3A_752] : memref<96x64xf32, #tpu.memory_space<vmem>> -> memref<64x64xf32, #tpu.memory_space<vmem>>
    tpu.wait_dma2 semaphore(%arg20 : memref<!tpu.dma_semaphore, #tpu.memory_space<semaphore_mem>>) src(%dma_wait3A_753 : memref<64x64xf32, #tpu.memory_space<vmem>>) dst(%dma_wait3A_750 : memref<64x64xf32, #tpu.memory_space<vmem_shared>>)
    %mul3A_754 = arith.constant 640 : i32
    %mul3A_755 = arith.muli %arg1, %mul3A_754 : i32
    %add3A_756 = arith.constant 256 : i32
    %add3A_757 = arith.addi %mul3A_755, %add3A_756 : i32
    %dma_wait3A_758 = arith.constant 0 : i32
    %dma_wait3A_759 = arith.constant 0 : i32
    %dma_wait3A_760 = tpu.memref_slice %arg10[%dma_wait3A_758, %dma_wait3A_759] : memref<96x64xf32, #tpu.memory_space<vmem>> -> memref<64x64xf32, #tpu.memory_space<vmem>>
    %dma_wait3A_761 = arith.constant 0 : i32
    %dma_wait3A_762 = tpu.memref_slice %arg15[%add3A_757, %dma_wait3A_761] : memref<10240x64xf32, #tpu.memory_space<vmem_shared>> -> memref<64x64xf32, #tpu.memory_space<vmem_shared>>
    %dma_wait3A_763 = arith.constant 0 : i32
    %dma_wait3A_764 = tpu.memref_slice %arg15[%add3A_757, %dma_wait3A_763] : memref<10240x64xf32, #tpu.memory_space<vmem_shared>> -> memref<64x64xf32, #tpu.memory_space<vmem_shared>>
    %dma_wait3A_765 = arith.constant 0 : i32
    %dma_wait3A_766 = arith.constant 0 : i32
    %dma_wait3A_767 = tpu.memref_slice %arg10[%dma_wait3A_765, %dma_wait3A_766] : memref<96x64xf32, #tpu.memory_space<vmem>> -> memref<64x64xf32, #tpu.memory_space<vmem>>
    tpu.wait_dma2 semaphore(%arg20 : memref<!tpu.dma_semaphore, #tpu.memory_space<semaphore_mem>>) src(%dma_wait3A_767 : memref<64x64xf32, #tpu.memory_space<vmem>>) dst(%dma_wait3A_764 : memref<64x64xf32, #tpu.memory_space<vmem_shared>>)
    %mul3A_768 = arith.constant 640 : i32
    %mul3A_769 = arith.muli %arg1, %mul3A_768 : i32
    %add3A_770 = arith.constant 320 : i32
    %add3A_771 = arith.addi %mul3A_769, %add3A_770 : i32
    %dma_wait3A_772 = arith.constant 0 : i32
    %dma_wait3A_773 = arith.constant 0 : i32
    %dma_wait3A_774 = tpu.memref_slice %arg10[%dma_wait3A_772, %dma_wait3A_773] : memref<96x64xf32, #tpu.memory_space<vmem>> -> memref<64x64xf32, #tpu.memory_space<vmem>>
    %dma_wait3A_775 = arith.constant 0 : i32
    %dma_wait3A_776 = tpu.memref_slice %arg15[%add3A_771, %dma_wait3A_775] : memref<10240x64xf32, #tpu.memory_space<vmem_shared>> -> memref<64x64xf32, #tpu.memory_space<vmem_shared>>
    %dma_wait3A_777 = arith.constant 0 : i32
    %dma_wait3A_778 = tpu.memref_slice %arg15[%add3A_771, %dma_wait3A_777] : memref<10240x64xf32, #tpu.memory_space<vmem_shared>> -> memref<64x64xf32, #tpu.memory_space<vmem_shared>>
    %dma_wait3A_779 = arith.constant 0 : i32
    %dma_wait3A_780 = arith.constant 0 : i32
    %dma_wait3A_781 = tpu.memref_slice %arg10[%dma_wait3A_779, %dma_wait3A_780] : memref<96x64xf32, #tpu.memory_space<vmem>> -> memref<64x64xf32, #tpu.memory_space<vmem>>
    tpu.wait_dma2 semaphore(%arg20 : memref<!tpu.dma_semaphore, #tpu.memory_space<semaphore_mem>>) src(%dma_wait3A_781 : memref<64x64xf32, #tpu.memory_space<vmem>>) dst(%dma_wait3A_778 : memref<64x64xf32, #tpu.memory_space<vmem_shared>>)
    %mul3A_782 = arith.constant 640 : i32
    %mul3A_783 = arith.muli %arg1, %mul3A_782 : i32
    %add3A_784 = arith.constant 384 : i32
    %add3A_785 = arith.addi %mul3A_783, %add3A_784 : i32
    %dma_wait3A_786 = arith.constant 0 : i32
    %dma_wait3A_787 = arith.constant 0 : i32
    %dma_wait3A_788 = tpu.memref_slice %arg10[%dma_wait3A_786, %dma_wait3A_787] : memref<96x64xf32, #tpu.memory_space<vmem>> -> memref<64x64xf32, #tpu.memory_space<vmem>>
    %dma_wait3A_789 = arith.constant 0 : i32
    %dma_wait3A_790 = tpu.memref_slice %arg15[%add3A_785, %dma_wait3A_789] : memref<10240x64xf32, #tpu.memory_space<vmem_shared>> -> memref<64x64xf32, #tpu.memory_space<vmem_shared>>
    %dma_wait3A_791 = arith.constant 0 : i32
    %dma_wait3A_792 = tpu.memref_slice %arg15[%add3A_785, %dma_wait3A_791] : memref<10240x64xf32, #tpu.memory_space<vmem_shared>> -> memref<64x64xf32, #tpu.memory_space<vmem_shared>>
    %dma_wait3A_793 = arith.constant 0 : i32
    %dma_wait3A_794 = arith.constant 0 : i32
    %dma_wait3A_795 = tpu.memref_slice %arg10[%dma_wait3A_793, %dma_wait3A_794] : memref<96x64xf32, #tpu.memory_space<vmem>> -> memref<64x64xf32, #tpu.memory_space<vmem>>
    tpu.wait_dma2 semaphore(%arg20 : memref<!tpu.dma_semaphore, #tpu.memory_space<semaphore_mem>>) src(%dma_wait3A_795 : memref<64x64xf32, #tpu.memory_space<vmem>>) dst(%dma_wait3A_792 : memref<64x64xf32, #tpu.memory_space<vmem_shared>>)
    %mul3A_796 = arith.constant 640 : i32
    %mul3A_797 = arith.muli %arg1, %mul3A_796 : i32
    %add3A_798 = arith.constant 448 : i32
    %add3A_799 = arith.addi %mul3A_797, %add3A_798 : i32
    %dma_wait3A_800 = arith.constant 0 : i32
    %dma_wait3A_801 = arith.constant 0 : i32
    %dma_wait3A_802 = tpu.memref_slice %arg10[%dma_wait3A_800, %dma_wait3A_801] : memref<96x64xf32, #tpu.memory_space<vmem>> -> memref<64x64xf32, #tpu.memory_space<vmem>>
    %dma_wait3A_803 = arith.constant 0 : i32
    %dma_wait3A_804 = tpu.memref_slice %arg15[%add3A_799, %dma_wait3A_803] : memref<10240x64xf32, #tpu.memory_space<vmem_shared>> -> memref<64x64xf32, #tpu.memory_space<vmem_shared>>
    %dma_wait3A_805 = arith.constant 0 : i32
    %dma_wait3A_806 = tpu.memref_slice %arg15[%add3A_799, %dma_wait3A_805] : memref<10240x64xf32, #tpu.memory_space<vmem_shared>> -> memref<64x64xf32, #tpu.memory_space<vmem_shared>>
    %dma_wait3A_807 = arith.constant 0 : i32
    %dma_wait3A_808 = arith.constant 0 : i32
    %dma_wait3A_809 = tpu.memref_slice %arg10[%dma_wait3A_807, %dma_wait3A_808] : memref<96x64xf32, #tpu.memory_space<vmem>> -> memref<64x64xf32, #tpu.memory_space<vmem>>
    tpu.wait_dma2 semaphore(%arg20 : memref<!tpu.dma_semaphore, #tpu.memory_space<semaphore_mem>>) src(%dma_wait3A_809 : memref<64x64xf32, #tpu.memory_space<vmem>>) dst(%dma_wait3A_806 : memref<64x64xf32, #tpu.memory_space<vmem_shared>>)
    %mul3A_810 = arith.constant 640 : i32
    %mul3A_811 = arith.muli %arg1, %mul3A_810 : i32
    %add3A_812 = arith.constant 512 : i32
    %add3A_813 = arith.addi %mul3A_811, %add3A_812 : i32
    %dma_wait3A_814 = arith.constant 0 : i32
    %dma_wait3A_815 = arith.constant 0 : i32
    %dma_wait3A_816 = tpu.memref_slice %arg10[%dma_wait3A_814, %dma_wait3A_815] : memref<96x64xf32, #tpu.memory_space<vmem>> -> memref<64x64xf32, #tpu.memory_space<vmem>>
    %dma_wait3A_817 = arith.constant 0 : i32
    %dma_wait3A_818 = tpu.memref_slice %arg15[%add3A_813, %dma_wait3A_817] : memref<10240x64xf32, #tpu.memory_space<vmem_shared>> -> memref<64x64xf32, #tpu.memory_space<vmem_shared>>
    %dma_wait3A_819 = arith.constant 0 : i32
    %dma_wait3A_820 = tpu.memref_slice %arg15[%add3A_813, %dma_wait3A_819] : memref<10240x64xf32, #tpu.memory_space<vmem_shared>> -> memref<64x64xf32, #tpu.memory_space<vmem_shared>>
    %dma_wait3A_821 = arith.constant 0 : i32
    %dma_wait3A_822 = arith.constant 0 : i32
    %dma_wait3A_823 = tpu.memref_slice %arg10[%dma_wait3A_821, %dma_wait3A_822] : memref<96x64xf32, #tpu.memory_space<vmem>> -> memref<64x64xf32, #tpu.memory_space<vmem>>
    tpu.wait_dma2 semaphore(%arg20 : memref<!tpu.dma_semaphore, #tpu.memory_space<semaphore_mem>>) src(%dma_wait3A_823 : memref<64x64xf32, #tpu.memory_space<vmem>>) dst(%dma_wait3A_820 : memref<64x64xf32, #tpu.memory_space<vmem_shared>>)
    %mul3A_824 = arith.constant 640 : i32
    %mul3A_825 = arith.muli %arg1, %mul3A_824 : i32
    %add3A_826 = arith.constant 576 : i32
    %add3A_827 = arith.addi %mul3A_825, %add3A_826 : i32
    %dma_wait3A_828 = arith.constant 0 : i32
    %dma_wait3A_829 = arith.constant 0 : i32
    %dma_wait3A_830 = tpu.memref_slice %arg10[%dma_wait3A_828, %dma_wait3A_829] : memref<96x64xf32, #tpu.memory_space<vmem>> -> memref<64x64xf32, #tpu.memory_space<vmem>>
    %dma_wait3A_831 = arith.constant 0 : i32
    %dma_wait3A_832 = tpu.memref_slice %arg15[%add3A_827, %dma_wait3A_831] : memref<10240x64xf32, #tpu.memory_space<vmem_shared>> -> memref<64x64xf32, #tpu.memory_space<vmem_shared>>
    %dma_wait3A_833 = arith.constant 0 : i32
    %dma_wait3A_834 = tpu.memref_slice %arg15[%add3A_827, %dma_wait3A_833] : memref<10240x64xf32, #tpu.memory_space<vmem_shared>> -> memref<64x64xf32, #tpu.memory_space<vmem_shared>>
    %dma_wait3A_835 = arith.constant 0 : i32
    %dma_wait3A_836 = arith.constant 0 : i32
    %dma_wait3A_837 = tpu.memref_slice %arg10[%dma_wait3A_835, %dma_wait3A_836] : memref<96x64xf32, #tpu.memory_space<vmem>> -> memref<64x64xf32, #tpu.memory_space<vmem>>
    tpu.wait_dma2 semaphore(%arg20 : memref<!tpu.dma_semaphore, #tpu.memory_space<semaphore_mem>>) src(%dma_wait3A_837 : memref<64x64xf32, #tpu.memory_space<vmem>>) dst(%dma_wait3A_834 : memref<64x64xf32, #tpu.memory_space<vmem_shared>>)
    %barrier3A_838 = arith.constant 0 : index
    tpu.barrier barrier_id(%barrier3A_838)
    %dma_start3A_839 = arith.constant 0 : i32
    %dma_start3A_840 = arith.constant 0 : i32
    %dma_start3A_841 = tpu.memref_slice %arg9[%dma_start3A_839, %dma_start3A_840] : memref<224x96xi32, #tpu.memory_space<vmem>> -> memref<1x96xi32, #tpu.memory_space<vmem>>
    %dma_start3A_842 = tpu.memref_squeeze %dma_start3A_841 : memref<1x96xi32, #tpu.memory_space<vmem>> -> memref<96xi32, #tpu.memory_space<vmem>>
    %dma_start3A_843 = arith.constant 0 : i32
    %dma_start3A_844 = arith.constant 0 : i32
    %dma_start3A_845 = tpu.memref_slice %arg14[%dma_start3A_843, %dma_start3A_844] : memref<5120x64xf32, #tpu.memory_space<vmem_shared>> -> memref<5120x64xf32, #tpu.memory_space<vmem_shared>>
    tpu.enqueue_indirect_dma source(%dma_start3A_845 : memref<5120x64xf32, #tpu.memory_space<vmem_shared>>) target(%arg10 : memref<96x64xf32, #tpu.memory_space<vmem>>) offsets(%dma_start3A_842 : memref<96xi32, #tpu.memory_space<vmem>>) semaphore(%arg16 : memref<!tpu.dma_semaphore, #tpu.memory_space<semaphore_mem>>)
    %dma_start3A_846 = arith.constant 1 : i32
    %dma_start3A_847 = arith.constant 0 : i32
    %dma_start3A_848 = tpu.memref_slice %arg9[%dma_start3A_846, %dma_start3A_847] : memref<224x96xi32, #tpu.memory_space<vmem>> -> memref<1x96xi32, #tpu.memory_space<vmem>>
    %dma_start3A_849 = tpu.memref_squeeze %dma_start3A_848 : memref<1x96xi32, #tpu.memory_space<vmem>> -> memref<96xi32, #tpu.memory_space<vmem>>
    %dma_start3A_850 = arith.constant 0 : i32
    %dma_start3A_851 = arith.constant 0 : i32
    %dma_start3A_852 = tpu.memref_slice %arg14[%dma_start3A_850, %dma_start3A_851] : memref<5120x64xf32, #tpu.memory_space<vmem_shared>> -> memref<5120x64xf32, #tpu.memory_space<vmem_shared>>
    tpu.enqueue_indirect_dma source(%dma_start3A_852 : memref<5120x64xf32, #tpu.memory_space<vmem_shared>>) target(%arg11 : memref<96x64xf32, #tpu.memory_space<vmem>>) offsets(%dma_start3A_849 : memref<96xi32, #tpu.memory_space<vmem>>) semaphore(%arg17 : memref<!tpu.dma_semaphore, #tpu.memory_space<semaphore_mem>>)
    %dma_wait3A_853 = arith.constant 0 : i32
    %dma_wait3A_854 = arith.constant 0 : i32
    %dma_wait3A_855 = tpu.memref_slice %arg9[%dma_wait3A_853, %dma_wait3A_854] : memref<224x96xi32, #tpu.memory_space<vmem>> -> memref<1x96xi32, #tpu.memory_space<vmem>>
    %dma_wait3A_856 = tpu.memref_squeeze %dma_wait3A_855 : memref<1x96xi32, #tpu.memory_space<vmem>> -> memref<96xi32, #tpu.memory_space<vmem>>
    %dma_wait3A_857 = arith.constant 0 : i32
    %dma_wait3A_858 = arith.constant 0 : i32
    %dma_wait3A_859 = tpu.memref_slice %arg14[%dma_wait3A_857, %dma_wait3A_858] : memref<5120x64xf32, #tpu.memory_space<vmem_shared>> -> memref<5120x64xf32, #tpu.memory_space<vmem_shared>>
    tpu.wait_indirect_dma semaphore(%arg16 : memref<!tpu.dma_semaphore, #tpu.memory_space<semaphore_mem>>) src(%dma_wait3A_859 : memref<5120x64xf32, #tpu.memory_space<vmem_shared>>) dst(%arg10 : memref<96x64xf32, #tpu.memory_space<vmem>>)
    %dma_start3A_860 = arith.constant 0 : i32
    %dma_start3A_861 = arith.constant 0 : i32
    %dma_start3A_862 = tpu.memref_slice %arg8[%dma_start3A_860, %dma_start3A_861] : memref<224x96xi32, #tpu.memory_space<vmem>> -> memref<1x96xi32, #tpu.memory_space<vmem>>
    %dma_start3A_863 = tpu.memref_squeeze %dma_start3A_862 : memref<1x96xi32, #tpu.memory_space<vmem>> -> memref<96xi32, #tpu.memory_space<vmem>>
    %dma_start3A_864 = arith.constant 0 : i32
    %dma_start3A_865 = arith.constant 0 : i32
    %dma_start3A_866 = tpu.memref_slice %arg15[%dma_start3A_864, %dma_start3A_865] : memref<10240x64xf32, #tpu.memory_space<vmem_shared>> -> memref<10240x64xf32, #tpu.memory_space<vmem_shared>>
    tpu.enqueue_indirect_dma source(%arg10 : memref<96x64xf32, #tpu.memory_space<vmem>>) target(%dma_start3A_866 : memref<10240x64xf32, #tpu.memory_space<vmem_shared>>) offsets(%dma_start3A_863 : memref<96xi32, #tpu.memory_space<vmem>>) semaphore(%arg20 : memref<!tpu.dma_semaphore, #tpu.memory_space<semaphore_mem>>) {add = true}
    %dma_start3A_867 = arith.constant 2 : i32
    %dma_start3A_868 = arith.constant 0 : i32
    %dma_start3A_869 = tpu.memref_slice %arg9[%dma_start3A_867, %dma_start3A_868] : memref<224x96xi32, #tpu.memory_space<vmem>> -> memref<1x96xi32, #tpu.memory_space<vmem>>
    %dma_start3A_870 = tpu.memref_squeeze %dma_start3A_869 : memref<1x96xi32, #tpu.memory_space<vmem>> -> memref<96xi32, #tpu.memory_space<vmem>>
    %dma_start3A_871 = arith.constant 0 : i32
    %dma_start3A_872 = arith.constant 0 : i32
    %dma_start3A_873 = tpu.memref_slice %arg14[%dma_start3A_871, %dma_start3A_872] : memref<5120x64xf32, #tpu.memory_space<vmem_shared>> -> memref<5120x64xf32, #tpu.memory_space<vmem_shared>>
    tpu.enqueue_indirect_dma source(%dma_start3A_873 : memref<5120x64xf32, #tpu.memory_space<vmem_shared>>) target(%arg12 : memref<96x64xf32, #tpu.memory_space<vmem>>) offsets(%dma_start3A_870 : memref<96xi32, #tpu.memory_space<vmem>>) semaphore(%arg18 : memref<!tpu.dma_semaphore, #tpu.memory_space<semaphore_mem>>)
    %dma_wait3A_874 = arith.constant 1 : i32
    %dma_wait3A_875 = arith.constant 0 : i32
    %dma_wait3A_876 = tpu.memref_slice %arg9[%dma_wait3A_874, %dma_wait3A_875] : memref<224x96xi32, #tpu.memory_space<vmem>> -> memref<1x96xi32, #tpu.memory_space<vmem>>
    %dma_wait3A_877 = tpu.memref_squeeze %dma_wait3A_876 : memref<1x96xi32, #tpu.memory_space<vmem>> -> memref<96xi32, #tpu.memory_space<vmem>>
    %dma_wait3A_878 = arith.constant 0 : i32
    %dma_wait3A_879 = arith.constant 0 : i32
    %dma_wait3A_880 = tpu.memref_slice %arg14[%dma_wait3A_878, %dma_wait3A_879] : memref<5120x64xf32, #tpu.memory_space<vmem_shared>> -> memref<5120x64xf32, #tpu.memory_space<vmem_shared>>
    tpu.wait_indirect_dma semaphore(%arg17 : memref<!tpu.dma_semaphore, #tpu.memory_space<semaphore_mem>>) src(%dma_wait3A_880 : memref<5120x64xf32, #tpu.memory_space<vmem_shared>>) dst(%arg11 : memref<96x64xf32, #tpu.memory_space<vmem>>)
    %dma_start3A_881 = arith.constant 1 : i32
    %dma_start3A_882 = arith.constant 0 : i32
    %dma_start3A_883 = tpu.memref_slice %arg8[%dma_start3A_881, %dma_start3A_882] : memref<224x96xi32, #tpu.memory_space<vmem>> -> memref<1x96xi32, #tpu.memory_space<vmem>>
    %dma_start3A_884 = tpu.memref_squeeze %dma_start3A_883 : memref<1x96xi32, #tpu.memory_space<vmem>> -> memref<96xi32, #tpu.memory_space<vmem>>
    %dma_start3A_885 = arith.constant 0 : i32
    %dma_start3A_886 = arith.constant 0 : i32
    %dma_start3A_887 = tpu.memref_slice %arg15[%dma_start3A_885, %dma_start3A_886] : memref<10240x64xf32, #tpu.memory_space<vmem_shared>> -> memref<10240x64xf32, #tpu.memory_space<vmem_shared>>
    tpu.enqueue_indirect_dma source(%arg11 : memref<96x64xf32, #tpu.memory_space<vmem>>) target(%dma_start3A_887 : memref<10240x64xf32, #tpu.memory_space<vmem_shared>>) offsets(%dma_start3A_884 : memref<96xi32, #tpu.memory_space<vmem>>) semaphore(%arg21 : memref<!tpu.dma_semaphore, #tpu.memory_space<semaphore_mem>>) {add = true}
    %dma_start3A_888 = arith.constant 3 : i32
    %dma_start3A_889 = arith.constant 0 : i32
    %dma_start3A_890 = tpu.memref_slice %arg9[%dma_start3A_888, %dma_start3A_889] : memref<224x96xi32, #tpu.memory_space<vmem>> -> memref<1x96xi32, #tpu.memory_space<vmem>>
    %dma_start3A_891 = tpu.memref_squeeze %dma_start3A_890 : memref<1x96xi32, #tpu.memory_space<vmem>> -> memref<96xi32, #tpu.memory_space<vmem>>
    %dma_start3A_892 = arith.constant 0 : i32
    %dma_start3A_893 = arith.constant 0 : i32
    %dma_start3A_894 = tpu.memref_slice %arg14[%dma_start3A_892, %dma_start3A_893] : memref<5120x64xf32, #tpu.memory_space<vmem_shared>> -> memref<5120x64xf32, #tpu.memory_space<vmem_shared>>
    tpu.enqueue_indirect_dma source(%dma_start3A_894 : memref<5120x64xf32, #tpu.memory_space<vmem_shared>>) target(%arg13 : memref<96x64xf32, #tpu.memory_space<vmem>>) offsets(%dma_start3A_891 : memref<96xi32, #tpu.memory_space<vmem>>) semaphore(%arg19 : memref<!tpu.dma_semaphore, #tpu.memory_space<semaphore_mem>>)
    %scan3A_895 = arith.constant 0 : i32
    %scan3A_896 = arith.constant 0 : i32
    %scan3A_897 = arith.constant 51 : i32
    %scan3A_898 = arith.addi %scan3A_896, %scan3A_897 : i32
    %scan3A_899 = arith.constant 1 : i32
    scf.for %scan3A_1320 = %scan3A_896 to %scan3A_898 step %scan3A_899  : i32 {
      %mul3A_1321 = arith.constant 4 : i32
      %mul3A_1322 = arith.muli %mul3A_1321, %scan3A_1320 : i32
      %add3A_1323 = arith.constant 2 : i32
      %add3A_1324 = arith.addi %add3A_1323, %mul3A_1322 : i32
      %add3A_1325 = arith.constant 0 : i32
      %add3A_1326 = arith.addi %add3A_1324, %add3A_1325 : i32
      %dma_wait3A_1327 = arith.constant 0 : i32
      %dma_wait3A_1328 = tpu.memref_slice %arg9[%add3A_1326, %dma_wait3A_1327] : memref<224x96xi32, #tpu.memory_space<vmem>> -> memref<1x96xi32, #tpu.memory_space<vmem>>
      %dma_wait3A_1329 = tpu.memref_squeeze %dma_wait3A_1328 : memref<1x96xi32, #tpu.memory_space<vmem>> -> memref<96xi32, #tpu.memory_space<vmem>>
      %dma_wait3A_1330 = arith.constant 0 : i32
      %dma_wait3A_1331 = arith.constant 0 : i32
      %dma_wait3A_1332 = tpu.memref_slice %arg14[%dma_wait3A_1330, %dma_wait3A_1331] : memref<5120x64xf32, #tpu.memory_space<vmem_shared>> -> memref<5120x64xf32, #tpu.memory_space<vmem_shared>>
      tpu.wait_indirect_dma semaphore(%arg18 : memref<!tpu.dma_semaphore, #tpu.memory_space<semaphore_mem>>) src(%dma_wait3A_1332 : memref<5120x64xf32, #tpu.memory_space<vmem_shared>>) dst(%arg12 : memref<96x64xf32, #tpu.memory_space<vmem>>)
      %dma_start3A_1333 = arith.constant 0 : i32
      %dma_start3A_1334 = tpu.memref_slice %arg8[%add3A_1326, %dma_start3A_1333] : memref<224x96xi32, #tpu.memory_space<vmem>> -> memref<1x96xi32, #tpu.memory_space<vmem>>
      %dma_start3A_1335 = tpu.memref_squeeze %dma_start3A_1334 : memref<1x96xi32, #tpu.memory_space<vmem>> -> memref<96xi32, #tpu.memory_space<vmem>>
      %dma_start3A_1336 = arith.constant 0 : i32
      %dma_start3A_1337 = arith.constant 0 : i32
      %dma_start3A_1338 = tpu.memref_slice %arg15[%dma_start3A_1336, %dma_start3A_1337] : memref<10240x64xf32, #tpu.memory_space<vmem_shared>> -> memref<10240x64xf32, #tpu.memory_space<vmem_shared>>
      tpu.enqueue_indirect_dma source(%arg12 : memref<96x64xf32, #tpu.memory_space<vmem>>) target(%dma_start3A_1338 : memref<10240x64xf32, #tpu.memory_space<vmem_shared>>) offsets(%dma_start3A_1335 : memref<96xi32, #tpu.memory_space<vmem>>) semaphore(%arg22 : memref<!tpu.dma_semaphore, #tpu.memory_space<semaphore_mem>>) {add = true}
      %sub3A = arith.constant 2 : i32
      %sub3A_1339 = arith.subi %add3A_1326, %sub3A : i32
      %dma_wait3A_1340 = arith.constant 0 : i32
      %dma_wait3A_1341 = tpu.memref_slice %arg8[%sub3A_1339, %dma_wait3A_1340] : memref<224x96xi32, #tpu.memory_space<vmem>> -> memref<1x96xi32, #tpu.memory_space<vmem>>
      %dma_wait3A_1342 = tpu.memref_squeeze %dma_wait3A_1341 : memref<1x96xi32, #tpu.memory_space<vmem>> -> memref<96xi32, #tpu.memory_space<vmem>>
      %dma_wait3A_1343 = arith.constant 0 : i32
      %dma_wait3A_1344 = arith.constant 0 : i32
      %dma_wait3A_1345 = tpu.memref_slice %arg15[%dma_wait3A_1343, %dma_wait3A_1344] : memref<10240x64xf32, #tpu.memory_space<vmem_shared>> -> memref<10240x64xf32, #tpu.memory_space<vmem_shared>>
      tpu.wait_indirect_dma semaphore(%arg20 : memref<!tpu.dma_semaphore, #tpu.memory_space<semaphore_mem>>) src(%arg10 : memref<96x64xf32, #tpu.memory_space<vmem>>) dst(%dma_wait3A_1345 : memref<10240x64xf32, #tpu.memory_space<vmem_shared>>)
      %add3A_1346 = arith.constant 2 : i32
      %add3A_1347 = arith.addi %add3A_1326, %add3A_1346 : i32
      %dma_start3A_1348 = arith.constant 0 : i32
      %dma_start3A_1349 = tpu.memref_slice %arg9[%add3A_1347, %dma_start3A_1348] : memref<224x96xi32, #tpu.memory_space<vmem>> -> memref<1x96xi32, #tpu.memory_space<vmem>>
      %dma_start3A_1350 = tpu.memref_squeeze %dma_start3A_1349 : memref<1x96xi32, #tpu.memory_space<vmem>> -> memref<96xi32, #tpu.memory_space<vmem>>
      %dma_start3A_1351 = arith.constant 0 : i32
      %dma_start3A_1352 = arith.constant 0 : i32
      %dma_start3A_1353 = tpu.memref_slice %arg14[%dma_start3A_1351, %dma_start3A_1352] : memref<5120x64xf32, #tpu.memory_space<vmem_shared>> -> memref<5120x64xf32, #tpu.memory_space<vmem_shared>>
      tpu.enqueue_indirect_dma source(%dma_start3A_1353 : memref<5120x64xf32, #tpu.memory_space<vmem_shared>>) target(%arg10 : memref<96x64xf32, #tpu.memory_space<vmem>>) offsets(%dma_start3A_1350 : memref<96xi32, #tpu.memory_space<vmem>>) semaphore(%arg16 : memref<!tpu.dma_semaphore, #tpu.memory_space<semaphore_mem>>)
      %add3A_1354 = arith.constant 1 : i32
      %add3A_1355 = arith.addi %add3A_1324, %add3A_1354 : i32
      %dma_wait3A_1356 = arith.constant 0 : i32
      %dma_wait3A_1357 = tpu.memref_slice %arg9[%add3A_1355, %dma_wait3A_1356] : memref<224x96xi32, #tpu.memory_space<vmem>> -> memref<1x96xi32, #tpu.memory_space<vmem>>
      %dma_wait3A_1358 = tpu.memref_squeeze %dma_wait3A_1357 : memref<1x96xi32, #tpu.memory_space<vmem>> -> memref<96xi32, #tpu.memory_space<vmem>>
      %dma_wait3A_1359 = arith.constant 0 : i32
      %dma_wait3A_1360 = arith.constant 0 : i32
      %dma_wait3A_1361 = tpu.memref_slice %arg14[%dma_wait3A_1359, %dma_wait3A_1360] : memref<5120x64xf32, #tpu.memory_space<vmem_shared>> -> memref<5120x64xf32, #tpu.memory_space<vmem_shared>>
      tpu.wait_indirect_dma semaphore(%arg19 : memref<!tpu.dma_semaphore, #tpu.memory_space<semaphore_mem>>) src(%dma_wait3A_1361 : memref<5120x64xf32, #tpu.memory_space<vmem_shared>>) dst(%arg13 : memref<96x64xf32, #tpu.memory_space<vmem>>)
      %dma_start3A_1362 = arith.constant 0 : i32
      %dma_start3A_1363 = tpu.memref_slice %arg8[%add3A_1355, %dma_start3A_1362] : memref<224x96xi32, #tpu.memory_space<vmem>> -> memref<1x96xi32, #tpu.memory_space<vmem>>
      %dma_start3A_1364 = tpu.memref_squeeze %dma_start3A_1363 : memref<1x96xi32, #tpu.memory_space<vmem>> -> memref<96xi32, #tpu.memory_space<vmem>>
      %dma_start3A_1365 = arith.constant 0 : i32
      %dma_start3A_1366 = arith.constant 0 : i32
      %dma_start3A_1367 = tpu.memref_slice %arg15[%dma_start3A_1365, %dma_start3A_1366] : memref<10240x64xf32, #tpu.memory_space<vmem_shared>> -> memref<10240x64xf32, #tpu.memory_space<vmem_shared>>
      tpu.enqueue_indirect_dma source(%arg13 : memref<96x64xf32, #tpu.memory_space<vmem>>) target(%dma_start3A_1367 : memref<10240x64xf32, #tpu.memory_space<vmem_shared>>) offsets(%dma_start3A_1364 : memref<96xi32, #tpu.memory_space<vmem>>) semaphore(%arg23 : memref<!tpu.dma_semaphore, #tpu.memory_space<semaphore_mem>>) {add = true}
      %sub3A_1368 = arith.constant 2 : i32
      %sub3A_1369 = arith.subi %add3A_1355, %sub3A_1368 : i32
      %dma_wait3A_1370 = arith.constant 0 : i32
      %dma_wait3A_1371 = tpu.memref_slice %arg8[%sub3A_1369, %dma_wait3A_1370] : memref<224x96xi32, #tpu.memory_space<vmem>> -> memref<1x96xi32, #tpu.memory_space<vmem>>
      %dma_wait3A_1372 = tpu.memref_squeeze %dma_wait3A_1371 : memref<1x96xi32, #tpu.memory_space<vmem>> -> memref<96xi32, #tpu.memory_space<vmem>>
      %dma_wait3A_1373 = arith.constant 0 : i32
      %dma_wait3A_1374 = arith.constant 0 : i32
      %dma_wait3A_1375 = tpu.memref_slice %arg15[%dma_wait3A_1373, %dma_wait3A_1374] : memref<10240x64xf32, #tpu.memory_space<vmem_shared>> -> memref<10240x64xf32, #tpu.memory_space<vmem_shared>>
      tpu.wait_indirect_dma semaphore(%arg21 : memref<!tpu.dma_semaphore, #tpu.memory_space<semaphore_mem>>) src(%arg11 : memref<96x64xf32, #tpu.memory_space<vmem>>) dst(%dma_wait3A_1375 : memref<10240x64xf32, #tpu.memory_space<vmem_shared>>)
      %add3A_1376 = arith.constant 2 : i32
      %add3A_1377 = arith.addi %add3A_1355, %add3A_1376 : i32
      %dma_start3A_1378 = arith.constant 0 : i32
      %dma_start3A_1379 = tpu.memref_slice %arg9[%add3A_1377, %dma_start3A_1378] : memref<224x96xi32, #tpu.memory_space<vmem>> -> memref<1x96xi32, #tpu.memory_space<vmem>>
      %dma_start3A_1380 = tpu.memref_squeeze %dma_start3A_1379 : memref<1x96xi32, #tpu.memory_space<vmem>> -> memref<96xi32, #tpu.memory_space<vmem>>
      %dma_start3A_1381 = arith.constant 0 : i32
      %dma_start3A_1382 = arith.constant 0 : i32
      %dma_start3A_1383 = tpu.memref_slice %arg14[%dma_start3A_1381, %dma_start3A_1382] : memref<5120x64xf32, #tpu.memory_space<vmem_shared>> -> memref<5120x64xf32, #tpu.memory_space<vmem_shared>>
      tpu.enqueue_indirect_dma source(%dma_start3A_1383 : memref<5120x64xf32, #tpu.memory_space<vmem_shared>>) target(%arg11 : memref<96x64xf32, #tpu.memory_space<vmem>>) offsets(%dma_start3A_1380 : memref<96xi32, #tpu.memory_space<vmem>>) semaphore(%arg17 : memref<!tpu.dma_semaphore, #tpu.memory_space<semaphore_mem>>)
      %add3A_1384 = arith.constant 2 : i32
      %add3A_1385 = arith.addi %add3A_1324, %add3A_1384 : i32
      %dma_wait3A_1386 = arith.constant 0 : i32
      %dma_wait3A_1387 = tpu.memref_slice %arg9[%add3A_1385, %dma_wait3A_1386] : memref<224x96xi32, #tpu.memory_space<vmem>> -> memref<1x96xi32, #tpu.memory_space<vmem>>
      %dma_wait3A_1388 = tpu.memref_squeeze %dma_wait3A_1387 : memref<1x96xi32, #tpu.memory_space<vmem>> -> memref<96xi32, #tpu.memory_space<vmem>>
      %dma_wait3A_1389 = arith.constant 0 : i32
      %dma_wait3A_1390 = arith.constant 0 : i32
      %dma_wait3A_1391 = tpu.memref_slice %arg14[%dma_wait3A_1389, %dma_wait3A_1390] : memref<5120x64xf32, #tpu.memory_space<vmem_shared>> -> memref<5120x64xf32, #tpu.memory_space<vmem_shared>>
      tpu.wait_indirect_dma semaphore(%arg16 : memref<!tpu.dma_semaphore, #tpu.memory_space<semaphore_mem>>) src(%dma_wait3A_1391 : memref<5120x64xf32, #tpu.memory_space<vmem_shared>>) dst(%arg10 : memref<96x64xf32, #tpu.memory_space<vmem>>)
      %dma_start3A_1392 = arith.constant 0 : i32
      %dma_start3A_1393 = tpu.memref_slice %arg8[%add3A_1385, %dma_start3A_1392] : memref<224x96xi32, #tpu.memory_space<vmem>> -> memref<1x96xi32, #tpu.memory_space<vmem>>
      %dma_start3A_1394 = tpu.memref_squeeze %dma_start3A_1393 : memref<1x96xi32, #tpu.memory_space<vmem>> -> memref<96xi32, #tpu.memory_space<vmem>>
      %dma_start3A_1395 = arith.constant 0 : i32
      %dma_start3A_1396 = arith.constant 0 : i32
      %dma_start3A_1397 = tpu.memref_slice %arg15[%dma_start3A_1395, %dma_start3A_1396] : memref<10240x64xf32, #tpu.memory_space<vmem_shared>> -> memref<10240x64xf32, #tpu.memory_space<vmem_shared>>
      tpu.enqueue_indirect_dma source(%arg10 : memref<96x64xf32, #tpu.memory_space<vmem>>) target(%dma_start3A_1397 : memref<10240x64xf32, #tpu.memory_space<vmem_shared>>) offsets(%dma_start3A_1394 : memref<96xi32, #tpu.memory_space<vmem>>) semaphore(%arg20 : memref<!tpu.dma_semaphore, #tpu.memory_space<semaphore_mem>>) {add = true}
      %sub3A_1398 = arith.constant 2 : i32
      %sub3A_1399 = arith.subi %add3A_1385, %sub3A_1398 : i32
      %dma_wait3A_1400 = arith.constant 0 : i32
      %dma_wait3A_1401 = tpu.memref_slice %arg8[%sub3A_1399, %dma_wait3A_1400] : memref<224x96xi32, #tpu.memory_space<vmem>> -> memref<1x96xi32, #tpu.memory_space<vmem>>
      %dma_wait3A_1402 = tpu.memref_squeeze %dma_wait3A_1401 : memref<1x96xi32, #tpu.memory_space<vmem>> -> memref<96xi32, #tpu.memory_space<vmem>>
      %dma_wait3A_1403 = arith.constant 0 : i32
      %dma_wait3A_1404 = arith.constant 0 : i32
      %dma_wait3A_1405 = tpu.memref_slice %arg15[%dma_wait3A_1403, %dma_wait3A_1404] : memref<10240x64xf32, #tpu.memory_space<vmem_shared>> -> memref<10240x64xf32, #tpu.memory_space<vmem_shared>>
      tpu.wait_indirect_dma semaphore(%arg22 : memref<!tpu.dma_semaphore, #tpu.memory_space<semaphore_mem>>) src(%arg12 : memref<96x64xf32, #tpu.memory_space<vmem>>) dst(%dma_wait3A_1405 : memref<10240x64xf32, #tpu.memory_space<vmem_shared>>)
      %add3A_1406 = arith.constant 2 : i32
      %add3A_1407 = arith.addi %add3A_1385, %add3A_1406 : i32
      %dma_start3A_1408 = arith.constant 0 : i32
      %dma_start3A_1409 = tpu.memref_slice %arg9[%add3A_1407, %dma_start3A_1408] : memref<224x96xi32, #tpu.memory_space<vmem>> -> memref<1x96xi32, #tpu.memory_space<vmem>>
      %dma_start3A_1410 = tpu.memref_squeeze %dma_start3A_1409 : memref<1x96xi32, #tpu.memory_space<vmem>> -> memref<96xi32, #tpu.memory_space<vmem>>
      %dma_start3A_1411 = arith.constant 0 : i32
      %dma_start3A_1412 = arith.constant 0 : i32
      %dma_start3A_1413 = tpu.memref_slice %arg14[%dma_start3A_1411, %dma_start3A_1412] : memref<5120x64xf32, #tpu.memory_space<vmem_shared>> -> memref<5120x64xf32, #tpu.memory_space<vmem_shared>>
      tpu.enqueue_indirect_dma source(%dma_start3A_1413 : memref<5120x64xf32, #tpu.memory_space<vmem_shared>>) target(%arg12 : memref<96x64xf32, #tpu.memory_space<vmem>>) offsets(%dma_start3A_1410 : memref<96xi32, #tpu.memory_space<vmem>>) semaphore(%arg18 : memref<!tpu.dma_semaphore, #tpu.memory_space<semaphore_mem>>)
      %add3A_1414 = arith.constant 3 : i32
      %add3A_1415 = arith.addi %add3A_1324, %add3A_1414 : i32
      %dma_wait3A_1416 = arith.constant 0 : i32
      %dma_wait3A_1417 = tpu.memref_slice %arg9[%add3A_1415, %dma_wait3A_1416] : memref<224x96xi32, #tpu.memory_space<vmem>> -> memref<1x96xi32, #tpu.memory_space<vmem>>
      %dma_wait3A_1418 = tpu.memref_squeeze %dma_wait3A_1417 : memref<1x96xi32, #tpu.memory_space<vmem>> -> memref<96xi32, #tpu.memory_space<vmem>>
      %dma_wait3A_1419 = arith.constant 0 : i32
      %dma_wait3A_1420 = arith.constant 0 : i32
      %dma_wait3A_1421 = tpu.memref_slice %arg14[%dma_wait3A_1419, %dma_wait3A_1420] : memref<5120x64xf32, #tpu.memory_space<vmem_shared>> -> memref<5120x64xf32, #tpu.memory_space<vmem_shared>>
      tpu.wait_indirect_dma semaphore(%arg17 : memref<!tpu.dma_semaphore, #tpu.memory_space<semaphore_mem>>) src(%dma_wait3A_1421 : memref<5120x64xf32, #tpu.memory_space<vmem_shared>>) dst(%arg11 : memref<96x64xf32, #tpu.memory_space<vmem>>)
      %dma_start3A_1422 = arith.constant 0 : i32
      %dma_start3A_1423 = tpu.memref_slice %arg8[%add3A_1415, %dma_start3A_1422] : memref<224x96xi32, #tpu.memory_space<vmem>> -> memref<1x96xi32, #tpu.memory_space<vmem>>
      %dma_start3A_1424 = tpu.memref_squeeze %dma_start3A_1423 : memref<1x96xi32, #tpu.memory_space<vmem>> -> memref<96xi32, #tpu.memory_space<vmem>>
      %dma_start3A_1425 = arith.constant 0 : i32
      %dma_start3A_1426 = arith.constant 0 : i32
      %dma_start3A_1427 = tpu.memref_slice %arg15[%dma_start3A_1425, %dma_start3A_1426] : memref<10240x64xf32, #tpu.memory_space<vmem_shared>> -> memref<10240x64xf32, #tpu.memory_space<vmem_shared>>
      tpu.enqueue_indirect_dma source(%arg11 : memref<96x64xf32, #tpu.memory_space<vmem>>) target(%dma_start3A_1427 : memref<10240x64xf32, #tpu.memory_space<vmem_shared>>) offsets(%dma_start3A_1424 : memref<96xi32, #tpu.memory_space<vmem>>) semaphore(%arg21 : memref<!tpu.dma_semaphore, #tpu.memory_space<semaphore_mem>>) {add = true}
      %sub3A_1428 = arith.constant 2 : i32
      %sub3A_1429 = arith.subi %add3A_1415, %sub3A_1428 : i32
      %dma_wait3A_1430 = arith.constant 0 : i32
      %dma_wait3A_1431 = tpu.memref_slice %arg8[%sub3A_1429, %dma_wait3A_1430] : memref<224x96xi32, #tpu.memory_space<vmem>> -> memref<1x96xi32, #tpu.memory_space<vmem>>
      %dma_wait3A_1432 = tpu.memref_squeeze %dma_wait3A_1431 : memref<1x96xi32, #tpu.memory_space<vmem>> -> memref<96xi32, #tpu.memory_space<vmem>>
      %dma_wait3A_1433 = arith.constant 0 : i32
      %dma_wait3A_1434 = arith.constant 0 : i32
      %dma_wait3A_1435 = tpu.memref_slice %arg15[%dma_wait3A_1433, %dma_wait3A_1434] : memref<10240x64xf32, #tpu.memory_space<vmem_shared>> -> memref<10240x64xf32, #tpu.memory_space<vmem_shared>>
      tpu.wait_indirect_dma semaphore(%arg23 : memref<!tpu.dma_semaphore, #tpu.memory_space<semaphore_mem>>) src(%arg13 : memref<96x64xf32, #tpu.memory_space<vmem>>) dst(%dma_wait3A_1435 : memref<10240x64xf32, #tpu.memory_space<vmem_shared>>)
      %add3A_1436 = arith.constant 2 : i32
      %add3A_1437 = arith.addi %add3A_1415, %add3A_1436 : i32
      %dma_start3A_1438 = arith.constant 0 : i32
      %dma_start3A_1439 = tpu.memref_slice %arg9[%add3A_1437, %dma_start3A_1438] : memref<224x96xi32, #tpu.memory_space<vmem>> -> memref<1x96xi32, #tpu.memory_space<vmem>>
      %dma_start3A_1440 = tpu.memref_squeeze %dma_start3A_1439 : memref<1x96xi32, #tpu.memory_space<vmem>> -> memref<96xi32, #tpu.memory_space<vmem>>
      %dma_start3A_1441 = arith.constant 0 : i32
      %dma_start3A_1442 = arith.constant 0 : i32
      %dma_start3A_1443 = tpu.memref_slice %arg14[%dma_start3A_1441, %dma_start3A_1442] : memref<5120x64xf32, #tpu.memory_space<vmem_shared>> -> memref<5120x64xf32, #tpu.memory_space<vmem_shared>>
      tpu.enqueue_indirect_dma source(%dma_start3A_1443 : memref<5120x64xf32, #tpu.memory_space<vmem_shared>>) target(%arg13 : memref<96x64xf32, #tpu.memory_space<vmem>>) offsets(%dma_start3A_1440 : memref<96xi32, #tpu.memory_space<vmem>>) semaphore(%arg19 : memref<!tpu.dma_semaphore, #tpu.memory_space<semaphore_mem>>)
    }
    %scan3A_900 = arith.constant 51 : i32
    %dma_wait3A_901 = arith.constant 206 : i32
    %dma_wait3A_902 = arith.constant 0 : i32
    %dma_wait3A_903 = tpu.memref_slice %arg9[%dma_wait3A_901, %dma_wait3A_902] : memref<224x96xi32, #tpu.memory_space<vmem>> -> memref<1x96xi32, #tpu.memory_space<vmem>>
    %dma_wait3A_904 = tpu.memref_squeeze %dma_wait3A_903 : memref<1x96xi32, #tpu.memory_space<vmem>> -> memref<96xi32, #tpu.memory_space<vmem>>
    %dma_wait3A_905 = arith.constant 0 : i32
    %dma_wait3A_906 = arith.constant 0 : i32
    %dma_wait3A_907 = tpu.memref_slice %arg14[%dma_wait3A_905, %dma_wait3A_906] : memref<5120x64xf32, #tpu.memory_space<vmem_shared>> -> memref<5120x64xf32, #tpu.memory_space<vmem_shared>>
    tpu.wait_indirect_dma semaphore(%arg18 : memref<!tpu.dma_semaphore, #tpu.memory_space<semaphore_mem>>) src(%dma_wait3A_907 : memref<5120x64xf32, #tpu.memory_space<vmem_shared>>) dst(%arg12 : memref<96x64xf32, #tpu.memory_space<vmem>>)
    %dma_start3A_908 = arith.constant 206 : i32
    %dma_start3A_909 = arith.constant 0 : i32
    %dma_start3A_910 = tpu.memref_slice %arg8[%dma_start3A_908, %dma_start3A_909] : memref<224x96xi32, #tpu.memory_space<vmem>> -> memref<1x96xi32, #tpu.memory_space<vmem>>
    %dma_start3A_911 = tpu.memref_squeeze %dma_start3A_910 : memref<1x96xi32, #tpu.memory_space<vmem>> -> memref<96xi32, #tpu.memory_space<vmem>>
    %dma_start3A_912 = arith.constant 0 : i32
    %dma_start3A_913 = arith.constant 0 : i32
    %dma_start3A_914 = tpu.memref_slice %arg15[%dma_start3A_912, %dma_start3A_913] : memref<10240x64xf32, #tpu.memory_space<vmem_shared>> -> memref<10240x64xf32, #tpu.memory_space<vmem_shared>>
    tpu.enqueue_indirect_dma source(%arg12 : memref<96x64xf32, #tpu.memory_space<vmem>>) target(%dma_start3A_914 : memref<10240x64xf32, #tpu.memory_space<vmem_shared>>) offsets(%dma_start3A_911 : memref<96xi32, #tpu.memory_space<vmem>>) semaphore(%arg22 : memref<!tpu.dma_semaphore, #tpu.memory_space<semaphore_mem>>) {add = true}
    %dma_wait3A_915 = arith.constant 204 : i32
    %dma_wait3A_916 = arith.constant 0 : i32
    %dma_wait3A_917 = tpu.memref_slice %arg8[%dma_wait3A_915, %dma_wait3A_916] : memref<224x96xi32, #tpu.memory_space<vmem>> -> memref<1x96xi32, #tpu.memory_space<vmem>>
    %dma_wait3A_918 = tpu.memref_squeeze %dma_wait3A_917 : memref<1x96xi32, #tpu.memory_space<vmem>> -> memref<96xi32, #tpu.memory_space<vmem>>
    %dma_wait3A_919 = arith.constant 0 : i32
    %dma_wait3A_920 = arith.constant 0 : i32
    %dma_wait3A_921 = tpu.memref_slice %arg15[%dma_wait3A_919, %dma_wait3A_920] : memref<10240x64xf32, #tpu.memory_space<vmem_shared>> -> memref<10240x64xf32, #tpu.memory_space<vmem_shared>>
    tpu.wait_indirect_dma semaphore(%arg20 : memref<!tpu.dma_semaphore, #tpu.memory_space<semaphore_mem>>) src(%arg10 : memref<96x64xf32, #tpu.memory_space<vmem>>) dst(%dma_wait3A_921 : memref<10240x64xf32, #tpu.memory_space<vmem_shared>>)
    %dma_start3A_922 = arith.constant 208 : i32
    %dma_start3A_923 = arith.constant 0 : i32
    %dma_start3A_924 = tpu.memref_slice %arg9[%dma_start3A_922, %dma_start3A_923] : memref<224x96xi32, #tpu.memory_space<vmem>> -> memref<1x96xi32, #tpu.memory_space<vmem>>
    %dma_start3A_925 = tpu.memref_squeeze %dma_start3A_924 : memref<1x96xi32, #tpu.memory_space<vmem>> -> memref<96xi32, #tpu.memory_space<vmem>>
    %dma_start3A_926 = arith.constant 0 : i32
    %dma_start3A_927 = arith.constant 0 : i32
    %dma_start3A_928 = tpu.memref_slice %arg14[%dma_start3A_926, %dma_start3A_927] : memref<5120x64xf32, #tpu.memory_space<vmem_shared>> -> memref<5120x64xf32, #tpu.memory_space<vmem_shared>>
    tpu.enqueue_indirect_dma source(%dma_start3A_928 : memref<5120x64xf32, #tpu.memory_space<vmem_shared>>) target(%arg10 : memref<96x64xf32, #tpu.memory_space<vmem>>) offsets(%dma_start3A_925 : memref<96xi32, #tpu.memory_space<vmem>>) semaphore(%arg16 : memref<!tpu.dma_semaphore, #tpu.memory_space<semaphore_mem>>)
    %dma_wait3A_929 = arith.constant 207 : i32
    %dma_wait3A_930 = arith.constant 0 : i32
    %dma_wait3A_931 = tpu.memref_slice %arg9[%dma_wait3A_929, %dma_wait3A_930] : memref<224x96xi32, #tpu.memory_space<vmem>> -> memref<1x96xi32, #tpu.memory_space<vmem>>
    %dma_wait3A_932 = tpu.memref_squeeze %dma_wait3A_931 : memref<1x96xi32, #tpu.memory_space<vmem>> -> memref<96xi32, #tpu.memory_space<vmem>>
    %dma_wait3A_933 = arith.constant 0 : i32
    %dma_wait3A_934 = arith.constant 0 : i32
    %dma_wait3A_935 = tpu.memref_slice %arg14[%dma_wait3A_933, %dma_wait3A_934] : memref<5120x64xf32, #tpu.memory_space<vmem_shared>> -> memref<5120x64xf32, #tpu.memory_space<vmem_shared>>
    tpu.wait_indirect_dma semaphore(%arg19 : memref<!tpu.dma_semaphore, #tpu.memory_space<semaphore_mem>>) src(%dma_wait3A_935 : memref<5120x64xf32, #tpu.memory_space<vmem_shared>>) dst(%arg13 : memref<96x64xf32, #tpu.memory_space<vmem>>)
    %dma_start3A_936 = arith.constant 207 : i32
    %dma_start3A_937 = arith.constant 0 : i32
    %dma_start3A_938 = tpu.memref_slice %arg8[%dma_start3A_936, %dma_start3A_937] : memref<224x96xi32, #tpu.memory_space<vmem>> -> memref<1x96xi32, #tpu.memory_space<vmem>>
    %dma_start3A_939 = tpu.memref_squeeze %dma_start3A_938 : memref<1x96xi32, #tpu.memory_space<vmem>> -> memref<96xi32, #tpu.memory_space<vmem>>
    %dma_start3A_940 = arith.constant 0 : i32
    %dma_start3A_941 = arith.constant 0 : i32
    %dma_start3A_942 = tpu.memref_slice %arg15[%dma_start3A_940, %dma_start3A_941] : memref<10240x64xf32, #tpu.memory_space<vmem_shared>> -> memref<10240x64xf32, #tpu.memory_space<vmem_shared>>
    tpu.enqueue_indirect_dma source(%arg13 : memref<96x64xf32, #tpu.memory_space<vmem>>) target(%dma_start3A_942 : memref<10240x64xf32, #tpu.memory_space<vmem_shared>>) offsets(%dma_start3A_939 : memref<96xi32, #tpu.memory_space<vmem>>) semaphore(%arg23 : memref<!tpu.dma_semaphore, #tpu.memory_space<semaphore_mem>>) {add = true}
    %dma_wait3A_943 = arith.constant 205 : i32
    %dma_wait3A_944 = arith.constant 0 : i32
    %dma_wait3A_945 = tpu.memref_slice %arg8[%dma_wait3A_943, %dma_wait3A_944] : memref<224x96xi32, #tpu.memory_space<vmem>> -> memref<1x96xi32, #tpu.memory_space<vmem>>
    %dma_wait3A_946 = tpu.memref_squeeze %dma_wait3A_945 : memref<1x96xi32, #tpu.memory_space<vmem>> -> memref<96xi32, #tpu.memory_space<vmem>>
    %dma_wait3A_947 = arith.constant 0 : i32
    %dma_wait3A_948 = arith.constant 0 : i32
    %dma_wait3A_949 = tpu.memref_slice %arg15[%dma_wait3A_947, %dma_wait3A_948] : memref<10240x64xf32, #tpu.memory_space<vmem_shared>> -> memref<10240x64xf32, #tpu.memory_space<vmem_shared>>
    tpu.wait_indirect_dma semaphore(%arg21 : memref<!tpu.dma_semaphore, #tpu.memory_space<semaphore_mem>>) src(%arg11 : memref<96x64xf32, #tpu.memory_space<vmem>>) dst(%dma_wait3A_949 : memref<10240x64xf32, #tpu.memory_space<vmem_shared>>)
    %dma_start3A_950 = arith.constant 209 : i32
    %dma_start3A_951 = arith.constant 0 : i32
    %dma_start3A_952 = tpu.memref_slice %arg9[%dma_start3A_950, %dma_start3A_951] : memref<224x96xi32, #tpu.memory_space<vmem>> -> memref<1x96xi32, #tpu.memory_space<vmem>>
    %dma_start3A_953 = tpu.memref_squeeze %dma_start3A_952 : memref<1x96xi32, #tpu.memory_space<vmem>> -> memref<96xi32, #tpu.memory_space<vmem>>
    %dma_start3A_954 = arith.constant 0 : i32
    %dma_start3A_955 = arith.constant 0 : i32
    %dma_start3A_956 = tpu.memref_slice %arg14[%dma_start3A_954, %dma_start3A_955] : memref<5120x64xf32, #tpu.memory_space<vmem_shared>> -> memref<5120x64xf32, #tpu.memory_space<vmem_shared>>
    tpu.enqueue_indirect_dma source(%dma_start3A_956 : memref<5120x64xf32, #tpu.memory_space<vmem_shared>>) target(%arg11 : memref<96x64xf32, #tpu.memory_space<vmem>>) offsets(%dma_start3A_953 : memref<96xi32, #tpu.memory_space<vmem>>) semaphore(%arg17 : memref<!tpu.dma_semaphore, #tpu.memory_space<semaphore_mem>>)
    %dma_wait3A_957 = arith.constant 208 : i32
    %dma_wait3A_958 = arith.constant 0 : i32
    %dma_wait3A_959 = tpu.memref_slice %arg9[%dma_wait3A_957, %dma_wait3A_958] : memref<224x96xi32, #tpu.memory_space<vmem>> -> memref<1x96xi32, #tpu.memory_space<vmem>>
    %dma_wait3A_960 = tpu.memref_squeeze %dma_wait3A_959 : memref<1x96xi32, #tpu.memory_space<vmem>> -> memref<96xi32, #tpu.memory_space<vmem>>
    %dma_wait3A_961 = arith.constant 0 : i32
    %dma_wait3A_962 = arith.constant 0 : i32
    %dma_wait3A_963 = tpu.memref_slice %arg14[%dma_wait3A_961, %dma_wait3A_962] : memref<5120x64xf32, #tpu.memory_space<vmem_shared>> -> memref<5120x64xf32, #tpu.memory_space<vmem_shared>>
    tpu.wait_indirect_dma semaphore(%arg16 : memref<!tpu.dma_semaphore, #tpu.memory_space<semaphore_mem>>) src(%dma_wait3A_963 : memref<5120x64xf32, #tpu.memory_space<vmem_shared>>) dst(%arg10 : memref<96x64xf32, #tpu.memory_space<vmem>>)
    %dma_start3A_964 = arith.constant 208 : i32
    %dma_start3A_965 = arith.constant 0 : i32
    %dma_start3A_966 = tpu.memref_slice %arg8[%dma_start3A_964, %dma_start3A_965] : memref<224x96xi32, #tpu.memory_space<vmem>> -> memref<1x96xi32, #tpu.memory_space<vmem>>
    %dma_start3A_967 = tpu.memref_squeeze %dma_start3A_966 : memref<1x96xi32, #tpu.memory_space<vmem>> -> memref<96xi32, #tpu.memory_space<vmem>>
    %dma_start3A_968 = arith.constant 0 : i32
    %dma_start3A_969 = arith.constant 0 : i32
    %dma_start3A_970 = tpu.memref_slice %arg15[%dma_start3A_968, %dma_start3A_969] : memref<10240x64xf32, #tpu.memory_space<vmem_shared>> -> memref<10240x64xf32, #tpu.memory_space<vmem_shared>>
    tpu.enqueue_indirect_dma source(%arg10 : memref<96x64xf32, #tpu.memory_space<vmem>>) target(%dma_start3A_970 : memref<10240x64xf32, #tpu.memory_space<vmem_shared>>) offsets(%dma_start3A_967 : memref<96xi32, #tpu.memory_space<vmem>>) semaphore(%arg20 : memref<!tpu.dma_semaphore, #tpu.memory_space<semaphore_mem>>) {add = true}
    %dma_wait3A_971 = arith.constant 206 : i32
    %dma_wait3A_972 = arith.constant 0 : i32
    %dma_wait3A_973 = tpu.memref_slice %arg8[%dma_wait3A_971, %dma_wait3A_972] : memref<224x96xi32, #tpu.memory_space<vmem>> -> memref<1x96xi32, #tpu.memory_space<vmem>>
    %dma_wait3A_974 = tpu.memref_squeeze %dma_wait3A_973 : memref<1x96xi32, #tpu.memory_space<vmem>> -> memref<96xi32, #tpu.memory_space<vmem>>
    %dma_wait3A_975 = arith.constant 0 : i32
    %dma_wait3A_976 = arith.constant 0 : i32
    %dma_wait3A_977 = tpu.memref_slice %arg15[%dma_wait3A_975, %dma_wait3A_976] : memref<10240x64xf32, #tpu.memory_space<vmem_shared>> -> memref<10240x64xf32, #tpu.memory_space<vmem_shared>>
    tpu.wait_indirect_dma semaphore(%arg22 : memref<!tpu.dma_semaphore, #tpu.memory_space<semaphore_mem>>) src(%arg12 : memref<96x64xf32, #tpu.memory_space<vmem>>) dst(%dma_wait3A_977 : memref<10240x64xf32, #tpu.memory_space<vmem_shared>>)
    %dma_wait3A_978 = arith.constant 207 : i32
    %dma_wait3A_979 = arith.constant 0 : i32
    %dma_wait3A_980 = tpu.memref_slice %arg8[%dma_wait3A_978, %dma_wait3A_979] : memref<224x96xi32, #tpu.memory_space<vmem>> -> memref<1x96xi32, #tpu.memory_space<vmem>>
    %dma_wait3A_981 = tpu.memref_squeeze %dma_wait3A_980 : memref<1x96xi32, #tpu.memory_space<vmem>> -> memref<96xi32, #tpu.memory_space<vmem>>
    %dma_wait3A_982 = arith.constant 0 : i32
    %dma_wait3A_983 = arith.constant 0 : i32
    %dma_wait3A_984 = tpu.memref_slice %arg15[%dma_wait3A_982, %dma_wait3A_983] : memref<10240x64xf32, #tpu.memory_space<vmem_shared>> -> memref<10240x64xf32, #tpu.memory_space<vmem_shared>>
    tpu.wait_indirect_dma semaphore(%arg23 : memref<!tpu.dma_semaphore, #tpu.memory_space<semaphore_mem>>) src(%arg13 : memref<96x64xf32, #tpu.memory_space<vmem>>) dst(%dma_wait3A_984 : memref<10240x64xf32, #tpu.memory_space<vmem_shared>>)
    %dma_wait3A_985 = arith.constant 209 : i32
    %dma_wait3A_986 = arith.constant 0 : i32
    %dma_wait3A_987 = tpu.memref_slice %arg9[%dma_wait3A_985, %dma_wait3A_986] : memref<224x96xi32, #tpu.memory_space<vmem>> -> memref<1x96xi32, #tpu.memory_space<vmem>>
    %dma_wait3A_988 = tpu.memref_squeeze %dma_wait3A_987 : memref<1x96xi32, #tpu.memory_space<vmem>> -> memref<96xi32, #tpu.memory_space<vmem>>
    %dma_wait3A_989 = arith.constant 0 : i32
    %dma_wait3A_990 = arith.constant 0 : i32
    %dma_wait3A_991 = tpu.memref_slice %arg14[%dma_wait3A_989, %dma_wait3A_990] : memref<5120x64xf32, #tpu.memory_space<vmem_shared>> -> memref<5120x64xf32, #tpu.memory_space<vmem_shared>>
    tpu.wait_indirect_dma semaphore(%arg17 : memref<!tpu.dma_semaphore, #tpu.memory_space<semaphore_mem>>) src(%dma_wait3A_991 : memref<5120x64xf32, #tpu.memory_space<vmem_shared>>) dst(%arg11 : memref<96x64xf32, #tpu.memory_space<vmem>>)
    %dma_wait3A_992 = arith.constant 208 : i32
    %dma_wait3A_993 = arith.constant 0 : i32
    %dma_wait3A_994 = tpu.memref_slice %arg8[%dma_wait3A_992, %dma_wait3A_993] : memref<224x96xi32, #tpu.memory_space<vmem>> -> memref<1x96xi32, #tpu.memory_space<vmem>>
    %dma_wait3A_995 = tpu.memref_squeeze %dma_wait3A_994 : memref<1x96xi32, #tpu.memory_space<vmem>> -> memref<96xi32, #tpu.memory_space<vmem>>
    %dma_wait3A_996 = arith.constant 0 : i32
    %dma_wait3A_997 = arith.constant 0 : i32
    %dma_wait3A_998 = tpu.memref_slice %arg15[%dma_wait3A_996, %dma_wait3A_997] : memref<10240x64xf32, #tpu.memory_space<vmem_shared>> -> memref<10240x64xf32, #tpu.memory_space<vmem_shared>>
    tpu.wait_indirect_dma semaphore(%arg20 : memref<!tpu.dma_semaphore, #tpu.memory_space<semaphore_mem>>) src(%arg10 : memref<96x64xf32, #tpu.memory_space<vmem>>) dst(%dma_wait3A_998 : memref<10240x64xf32, #tpu.memory_space<vmem_shared>>)
    %barrier3A_999 = arith.constant 0 : index
    tpu.barrier barrier_id(%barrier3A_999)
    %mul3A_1000 = arith.constant 640 : i32
    %mul3A_1001 = arith.muli %arg1, %mul3A_1000 : i32
    %add3A_1002 = arith.constant 0 : i32
    %add3A_1003 = arith.addi %mul3A_1001, %add3A_1002 : i32
    "tpu.region"() ({
      %run_scoped3A = tpu.sem_alloc : memref<!tpu.dma_semaphore, #tpu.memory_space<semaphore_mem>>
      %dma_start3A_1320 = arith.constant 0 : i32
      %dma_start3A_1321 = arith.constant 0 : i32
      %dma_start3A_1322 = tpu.memref_slice %arg10[%dma_start3A_1320, %dma_start3A_1321] : memref<96x64xf32, #tpu.memory_space<vmem>> -> memref<64x64xf32, #tpu.memory_space<vmem>>
      %dma_start3A_1323 = arith.constant 0 : i32
      %dma_start3A_1324 = tpu.memref_slice %arg15[%add3A_1003, %dma_start3A_1323] : memref<10240x64xf32, #tpu.memory_space<vmem_shared>> -> memref<64x64xf32, #tpu.memory_space<vmem_shared>>
      %dma_start3A_1325 = arith.constant 0 : i32
      %dma_start3A_1326 = arith.constant 0 : i32
      %dma_start3A_1327 = tpu.memref_slice %arg10[%dma_start3A_1325, %dma_start3A_1326] : memref<96x64xf32, #tpu.memory_space<vmem>> -> memref<64x64xf32, #tpu.memory_space<vmem>>
      %dma_start3A_1328 = arith.constant 0 : i32
      %dma_start3A_1329 = tpu.memref_slice %arg15[%add3A_1003, %dma_start3A_1328] : memref<10240x64xf32, #tpu.memory_space<vmem_shared>> -> memref<64x64xf32, #tpu.memory_space<vmem_shared>>
      tpu.enqueue_dma source(%dma_start3A_1329 : memref<64x64xf32, #tpu.memory_space<vmem_shared>>) target(%dma_start3A_1327 : memref<64x64xf32, #tpu.memory_space<vmem>>) target_semaphore(%run_scoped3A : memref<!tpu.dma_semaphore, #tpu.memory_space<semaphore_mem>>)
      %dma_wait3A_1330 = arith.constant 0 : i32
      %dma_wait3A_1331 = arith.constant 0 : i32
      %dma_wait3A_1332 = tpu.memref_slice %arg10[%dma_wait3A_1330, %dma_wait3A_1331] : memref<96x64xf32, #tpu.memory_space<vmem>> -> memref<64x64xf32, #tpu.memory_space<vmem>>
      %dma_wait3A_1333 = arith.constant 0 : i32
      %dma_wait3A_1334 = tpu.memref_slice %arg15[%add3A_1003, %dma_wait3A_1333] : memref<10240x64xf32, #tpu.memory_space<vmem_shared>> -> memref<64x64xf32, #tpu.memory_space<vmem_shared>>
      %dma_wait3A_1335 = arith.constant 0 : i32
      %dma_wait3A_1336 = arith.constant 0 : i32
      %dma_wait3A_1337 = tpu.memref_slice %arg10[%dma_wait3A_1335, %dma_wait3A_1336] : memref<96x64xf32, #tpu.memory_space<vmem>> -> memref<64x64xf32, #tpu.memory_space<vmem>>
      %dma_wait3A_1338 = arith.constant 0 : i32
      %dma_wait3A_1339 = tpu.memref_slice %arg15[%add3A_1003, %dma_wait3A_1338] : memref<10240x64xf32, #tpu.memory_space<vmem_shared>> -> memref<64x64xf32, #tpu.memory_space<vmem_shared>>
      tpu.wait_dma2 semaphore(%run_scoped3A : memref<!tpu.dma_semaphore, #tpu.memory_space<semaphore_mem>>) src(%dma_wait3A_1339 : memref<64x64xf32, #tpu.memory_space<vmem_shared>>) dst(%dma_wait3A_1337 : memref<64x64xf32, #tpu.memory_space<vmem>>)
      tpu.yield
    }) : () -> ()
    %dma_start3A_1004 = arith.constant 0 : i32
    %dma_start3A_1005 = arith.constant 0 : i32
    %dma_start3A_1006 = tpu.memref_slice %arg10[%dma_start3A_1004, %dma_start3A_1005] : memref<96x64xf32, #tpu.memory_space<vmem>> -> memref<64x64xf32, #tpu.memory_space<vmem>>
    %dma_start3A_1007 = arith.constant 0 : i32
    %dma_start3A_1008 = tpu.memref_slice %arg7[%arg0, %add3A_1003, %dma_start3A_1007] : memref<2x10240x64xf32, #tpu.memory_space<hbm>> -> memref<1x64x64xf32, #tpu.memory_space<hbm>>
    %dma_start3A_1009 = tpu.memref_squeeze %dma_start3A_1008 : memref<1x64x64xf32, #tpu.memory_space<hbm>> -> memref<64x64xf32, #tpu.memory_space<hbm>>
    %dma_start3A_1010 = arith.constant 0 : i32
    %dma_start3A_1011 = tpu.memref_slice %arg7[%arg0, %add3A_1003, %dma_start3A_1010] : memref<2x10240x64xf32, #tpu.memory_space<hbm>> -> memref<1x64x64xf32, #tpu.memory_space<hbm>>
    %dma_start3A_1012 = tpu.memref_squeeze %dma_start3A_1011 : memref<1x64x64xf32, #tpu.memory_space<hbm>> -> memref<64x64xf32, #tpu.memory_space<hbm>>
    %dma_start3A_1013 = arith.constant 0 : i32
    %dma_start3A_1014 = arith.constant 0 : i32
    %dma_start3A_1015 = tpu.memref_slice %arg10[%dma_start3A_1013, %dma_start3A_1014] : memref<96x64xf32, #tpu.memory_space<vmem>> -> memref<64x64xf32, #tpu.memory_space<vmem>>
    tpu.enqueue_dma source(%dma_start3A_1015 : memref<64x64xf32, #tpu.memory_space<vmem>>) target(%dma_start3A_1012 : memref<64x64xf32, #tpu.memory_space<hbm>>) target_semaphore(%arg16 : memref<!tpu.dma_semaphore, #tpu.memory_space<semaphore_mem>>)
    %mul3A_1016 = arith.constant 640 : i32
    %mul3A_1017 = arith.muli %arg1, %mul3A_1016 : i32
    %add3A_1018 = arith.constant 64 : i32
    %add3A_1019 = arith.addi %mul3A_1017, %add3A_1018 : i32
    "tpu.region"() ({
      %run_scoped3A = tpu.sem_alloc : memref<!tpu.dma_semaphore, #tpu.memory_space<semaphore_mem>>
      %dma_start3A_1320 = arith.constant 0 : i32
      %dma_start3A_1321 = arith.constant 0 : i32
      %dma_start3A_1322 = tpu.memref_slice %arg11[%dma_start3A_1320, %dma_start3A_1321] : memref<96x64xf32, #tpu.memory_space<vmem>> -> memref<64x64xf32, #tpu.memory_space<vmem>>
      %dma_start3A_1323 = arith.constant 0 : i32
      %dma_start3A_1324 = tpu.memref_slice %arg15[%add3A_1019, %dma_start3A_1323] : memref<10240x64xf32, #tpu.memory_space<vmem_shared>> -> memref<64x64xf32, #tpu.memory_space<vmem_shared>>
      %dma_start3A_1325 = arith.constant 0 : i32
      %dma_start3A_1326 = arith.constant 0 : i32
      %dma_start3A_1327 = tpu.memref_slice %arg11[%dma_start3A_1325, %dma_start3A_1326] : memref<96x64xf32, #tpu.memory_space<vmem>> -> memref<64x64xf32, #tpu.memory_space<vmem>>
      %dma_start3A_1328 = arith.constant 0 : i32
      %dma_start3A_1329 = tpu.memref_slice %arg15[%add3A_1019, %dma_start3A_1328] : memref<10240x64xf32, #tpu.memory_space<vmem_shared>> -> memref<64x64xf32, #tpu.memory_space<vmem_shared>>
      tpu.enqueue_dma source(%dma_start3A_1329 : memref<64x64xf32, #tpu.memory_space<vmem_shared>>) target(%dma_start3A_1327 : memref<64x64xf32, #tpu.memory_space<vmem>>) target_semaphore(%run_scoped3A : memref<!tpu.dma_semaphore, #tpu.memory_space<semaphore_mem>>)
      %dma_wait3A_1330 = arith.constant 0 : i32
      %dma_wait3A_1331 = arith.constant 0 : i32
      %dma_wait3A_1332 = tpu.memref_slice %arg11[%dma_wait3A_1330, %dma_wait3A_1331] : memref<96x64xf32, #tpu.memory_space<vmem>> -> memref<64x64xf32, #tpu.memory_space<vmem>>
      %dma_wait3A_1333 = arith.constant 0 : i32
      %dma_wait3A_1334 = tpu.memref_slice %arg15[%add3A_1019, %dma_wait3A_1333] : memref<10240x64xf32, #tpu.memory_space<vmem_shared>> -> memref<64x64xf32, #tpu.memory_space<vmem_shared>>
      %dma_wait3A_1335 = arith.constant 0 : i32
      %dma_wait3A_1336 = arith.constant 0 : i32
      %dma_wait3A_1337 = tpu.memref_slice %arg11[%dma_wait3A_1335, %dma_wait3A_1336] : memref<96x64xf32, #tpu.memory_space<vmem>> -> memref<64x64xf32, #tpu.memory_space<vmem>>
      %dma_wait3A_1338 = arith.constant 0 : i32
      %dma_wait3A_1339 = tpu.memref_slice %arg15[%add3A_1019, %dma_wait3A_1338] : memref<10240x64xf32, #tpu.memory_space<vmem_shared>> -> memref<64x64xf32, #tpu.memory_space<vmem_shared>>
      tpu.wait_dma2 semaphore(%run_scoped3A : memref<!tpu.dma_semaphore, #tpu.memory_space<semaphore_mem>>) src(%dma_wait3A_1339 : memref<64x64xf32, #tpu.memory_space<vmem_shared>>) dst(%dma_wait3A_1337 : memref<64x64xf32, #tpu.memory_space<vmem>>)
      tpu.yield
    }) : () -> ()
    %dma_start3A_1020 = arith.constant 0 : i32
    %dma_start3A_1021 = arith.constant 0 : i32
    %dma_start3A_1022 = tpu.memref_slice %arg11[%dma_start3A_1020, %dma_start3A_1021] : memref<96x64xf32, #tpu.memory_space<vmem>> -> memref<64x64xf32, #tpu.memory_space<vmem>>
    %dma_start3A_1023 = arith.constant 0 : i32
    %dma_start3A_1024 = tpu.memref_slice %arg7[%arg0, %add3A_1019, %dma_start3A_1023] : memref<2x10240x64xf32, #tpu.memory_space<hbm>> -> memref<1x64x64xf32, #tpu.memory_space<hbm>>
    %dma_start3A_1025 = tpu.memref_squeeze %dma_start3A_1024 : memref<1x64x64xf32, #tpu.memory_space<hbm>> -> memref<64x64xf32, #tpu.memory_space<hbm>>
    %dma_start3A_1026 = arith.constant 0 : i32
    %dma_start3A_1027 = tpu.memref_slice %arg7[%arg0, %add3A_1019, %dma_start3A_1026] : memref<2x10240x64xf32, #tpu.memory_space<hbm>> -> memref<1x64x64xf32, #tpu.memory_space<hbm>>
    %dma_start3A_1028 = tpu.memref_squeeze %dma_start3A_1027 : memref<1x64x64xf32, #tpu.memory_space<hbm>> -> memref<64x64xf32, #tpu.memory_space<hbm>>
    %dma_start3A_1029 = arith.constant 0 : i32
    %dma_start3A_1030 = arith.constant 0 : i32
    %dma_start3A_1031 = tpu.memref_slice %arg11[%dma_start3A_1029, %dma_start3A_1030] : memref<96x64xf32, #tpu.memory_space<vmem>> -> memref<64x64xf32, #tpu.memory_space<vmem>>
    tpu.enqueue_dma source(%dma_start3A_1031 : memref<64x64xf32, #tpu.memory_space<vmem>>) target(%dma_start3A_1028 : memref<64x64xf32, #tpu.memory_space<hbm>>) target_semaphore(%arg17 : memref<!tpu.dma_semaphore, #tpu.memory_space<semaphore_mem>>)
    %mul3A_1032 = arith.constant 640 : i32
    %mul3A_1033 = arith.muli %arg1, %mul3A_1032 : i32
    %add3A_1034 = arith.constant 128 : i32
    %add3A_1035 = arith.addi %mul3A_1033, %add3A_1034 : i32
    %mul3A_1036 = arith.constant 640 : i32
    %mul3A_1037 = arith.muli %arg1, %mul3A_1036 : i32
    %add3A_1038 = arith.constant 0 : i32
    %add3A_1039 = arith.addi %mul3A_1037, %add3A_1038 : i32
    %dma_wait3A_1040 = arith.constant 0 : i32
    %dma_wait3A_1041 = arith.constant 0 : i32
    %dma_wait3A_1042 = tpu.memref_slice %arg10[%dma_wait3A_1040, %dma_wait3A_1041] : memref<96x64xf32, #tpu.memory_space<vmem>> -> memref<64x64xf32, #tpu.memory_space<vmem>>
    %dma_wait3A_1043 = arith.constant 0 : i32
    %dma_wait3A_1044 = tpu.memref_slice %arg7[%arg0, %add3A_1039, %dma_wait3A_1043] : memref<2x10240x64xf32, #tpu.memory_space<hbm>> -> memref<1x64x64xf32, #tpu.memory_space<hbm>>
    %dma_wait3A_1045 = tpu.memref_squeeze %dma_wait3A_1044 : memref<1x64x64xf32, #tpu.memory_space<hbm>> -> memref<64x64xf32, #tpu.memory_space<hbm>>
    %dma_wait3A_1046 = arith.constant 0 : i32
    %dma_wait3A_1047 = tpu.memref_slice %arg7[%arg0, %add3A_1039, %dma_wait3A_1046] : memref<2x10240x64xf32, #tpu.memory_space<hbm>> -> memref<1x64x64xf32, #tpu.memory_space<hbm>>
    %dma_wait3A_1048 = tpu.memref_squeeze %dma_wait3A_1047 : memref<1x64x64xf32, #tpu.memory_space<hbm>> -> memref<64x64xf32, #tpu.memory_space<hbm>>
    %dma_wait3A_1049 = arith.constant 0 : i32
    %dma_wait3A_1050 = arith.constant 0 : i32
    %dma_wait3A_1051 = tpu.memref_slice %arg10[%dma_wait3A_1049, %dma_wait3A_1050] : memref<96x64xf32, #tpu.memory_space<vmem>> -> memref<64x64xf32, #tpu.memory_space<vmem>>
    tpu.wait_dma2 semaphore(%arg16 : memref<!tpu.dma_semaphore, #tpu.memory_space<semaphore_mem>>) src(%dma_wait3A_1051 : memref<64x64xf32, #tpu.memory_space<vmem>>) dst(%dma_wait3A_1048 : memref<64x64xf32, #tpu.memory_space<hbm>>)
    "tpu.region"() ({
      %run_scoped3A = tpu.sem_alloc : memref<!tpu.dma_semaphore, #tpu.memory_space<semaphore_mem>>
      %dma_start3A_1320 = arith.constant 0 : i32
      %dma_start3A_1321 = arith.constant 0 : i32
      %dma_start3A_1322 = tpu.memref_slice %arg10[%dma_start3A_1320, %dma_start3A_1321] : memref<96x64xf32, #tpu.memory_space<vmem>> -> memref<64x64xf32, #tpu.memory_space<vmem>>
      %dma_start3A_1323 = arith.constant 0 : i32
      %dma_start3A_1324 = tpu.memref_slice %arg15[%add3A_1035, %dma_start3A_1323] : memref<10240x64xf32, #tpu.memory_space<vmem_shared>> -> memref<64x64xf32, #tpu.memory_space<vmem_shared>>
      %dma_start3A_1325 = arith.constant 0 : i32
      %dma_start3A_1326 = arith.constant 0 : i32
      %dma_start3A_1327 = tpu.memref_slice %arg10[%dma_start3A_1325, %dma_start3A_1326] : memref<96x64xf32, #tpu.memory_space<vmem>> -> memref<64x64xf32, #tpu.memory_space<vmem>>
      %dma_start3A_1328 = arith.constant 0 : i32
      %dma_start3A_1329 = tpu.memref_slice %arg15[%add3A_1035, %dma_start3A_1328] : memref<10240x64xf32, #tpu.memory_space<vmem_shared>> -> memref<64x64xf32, #tpu.memory_space<vmem_shared>>
      tpu.enqueue_dma source(%dma_start3A_1329 : memref<64x64xf32, #tpu.memory_space<vmem_shared>>) target(%dma_start3A_1327 : memref<64x64xf32, #tpu.memory_space<vmem>>) target_semaphore(%run_scoped3A : memref<!tpu.dma_semaphore, #tpu.memory_space<semaphore_mem>>)
      %dma_wait3A_1330 = arith.constant 0 : i32
      %dma_wait3A_1331 = arith.constant 0 : i32
      %dma_wait3A_1332 = tpu.memref_slice %arg10[%dma_wait3A_1330, %dma_wait3A_1331] : memref<96x64xf32, #tpu.memory_space<vmem>> -> memref<64x64xf32, #tpu.memory_space<vmem>>
      %dma_wait3A_1333 = arith.constant 0 : i32
      %dma_wait3A_1334 = tpu.memref_slice %arg15[%add3A_1035, %dma_wait3A_1333] : memref<10240x64xf32, #tpu.memory_space<vmem_shared>> -> memref<64x64xf32, #tpu.memory_space<vmem_shared>>
      %dma_wait3A_1335 = arith.constant 0 : i32
      %dma_wait3A_1336 = arith.constant 0 : i32
      %dma_wait3A_1337 = tpu.memref_slice %arg10[%dma_wait3A_1335, %dma_wait3A_1336] : memref<96x64xf32, #tpu.memory_space<vmem>> -> memref<64x64xf32, #tpu.memory_space<vmem>>
      %dma_wait3A_1338 = arith.constant 0 : i32
      %dma_wait3A_1339 = tpu.memref_slice %arg15[%add3A_1035, %dma_wait3A_1338] : memref<10240x64xf32, #tpu.memory_space<vmem_shared>> -> memref<64x64xf32, #tpu.memory_space<vmem_shared>>
      tpu.wait_dma2 semaphore(%run_scoped3A : memref<!tpu.dma_semaphore, #tpu.memory_space<semaphore_mem>>) src(%dma_wait3A_1339 : memref<64x64xf32, #tpu.memory_space<vmem_shared>>) dst(%dma_wait3A_1337 : memref<64x64xf32, #tpu.memory_space<vmem>>)
      tpu.yield
    }) : () -> ()
    %dma_start3A_1052 = arith.constant 0 : i32
    %dma_start3A_1053 = arith.constant 0 : i32
    %dma_start3A_1054 = tpu.memref_slice %arg10[%dma_start3A_1052, %dma_start3A_1053] : memref<96x64xf32, #tpu.memory_space<vmem>> -> memref<64x64xf32, #tpu.memory_space<vmem>>
    %dma_start3A_1055 = arith.constant 0 : i32
    %dma_start3A_1056 = tpu.memref_slice %arg7[%arg0, %add3A_1035, %dma_start3A_1055] : memref<2x10240x64xf32, #tpu.memory_space<hbm>> -> memref<1x64x64xf32, #tpu.memory_space<hbm>>
    %dma_start3A_1057 = tpu.memref_squeeze %dma_start3A_1056 : memref<1x64x64xf32, #tpu.memory_space<hbm>> -> memref<64x64xf32, #tpu.memory_space<hbm>>
    %dma_start3A_1058 = arith.constant 0 : i32
    %dma_start3A_1059 = tpu.memref_slice %arg7[%arg0, %add3A_1035, %dma_start3A_1058] : memref<2x10240x64xf32, #tpu.memory_space<hbm>> -> memref<1x64x64xf32, #tpu.memory_space<hbm>>
    %dma_start3A_1060 = tpu.memref_squeeze %dma_start3A_1059 : memref<1x64x64xf32, #tpu.memory_space<hbm>> -> memref<64x64xf32, #tpu.memory_space<hbm>>
    %dma_start3A_1061 = arith.constant 0 : i32
    %dma_start3A_1062 = arith.constant 0 : i32
    %dma_start3A_1063 = tpu.memref_slice %arg10[%dma_start3A_1061, %dma_start3A_1062] : memref<96x64xf32, #tpu.memory_space<vmem>> -> memref<64x64xf32, #tpu.memory_space<vmem>>
    tpu.enqueue_dma source(%dma_start3A_1063 : memref<64x64xf32, #tpu.memory_space<vmem>>) target(%dma_start3A_1060 : memref<64x64xf32, #tpu.memory_space<hbm>>) target_semaphore(%arg16 : memref<!tpu.dma_semaphore, #tpu.memory_space<semaphore_mem>>)
    %mul3A_1064 = arith.constant 640 : i32
    %mul3A_1065 = arith.muli %arg1, %mul3A_1064 : i32
    %add3A_1066 = arith.constant 192 : i32
    %add3A_1067 = arith.addi %mul3A_1065, %add3A_1066 : i32
    %mul3A_1068 = arith.constant 640 : i32
    %mul3A_1069 = arith.muli %arg1, %mul3A_1068 : i32
    %add3A_1070 = arith.constant 64 : i32
    %add3A_1071 = arith.addi %mul3A_1069, %add3A_1070 : i32
    %dma_wait3A_1072 = arith.constant 0 : i32
    %dma_wait3A_1073 = arith.constant 0 : i32
    %dma_wait3A_1074 = tpu.memref_slice %arg11[%dma_wait3A_1072, %dma_wait3A_1073] : memref<96x64xf32, #tpu.memory_space<vmem>> -> memref<64x64xf32, #tpu.memory_space<vmem>>
    %dma_wait3A_1075 = arith.constant 0 : i32
    %dma_wait3A_1076 = tpu.memref_slice %arg7[%arg0, %add3A_1071, %dma_wait3A_1075] : memref<2x10240x64xf32, #tpu.memory_space<hbm>> -> memref<1x64x64xf32, #tpu.memory_space<hbm>>
    %dma_wait3A_1077 = tpu.memref_squeeze %dma_wait3A_1076 : memref<1x64x64xf32, #tpu.memory_space<hbm>> -> memref<64x64xf32, #tpu.memory_space<hbm>>
    %dma_wait3A_1078 = arith.constant 0 : i32
    %dma_wait3A_1079 = tpu.memref_slice %arg7[%arg0, %add3A_1071, %dma_wait3A_1078] : memref<2x10240x64xf32, #tpu.memory_space<hbm>> -> memref<1x64x64xf32, #tpu.memory_space<hbm>>
    %dma_wait3A_1080 = tpu.memref_squeeze %dma_wait3A_1079 : memref<1x64x64xf32, #tpu.memory_space<hbm>> -> memref<64x64xf32, #tpu.memory_space<hbm>>
    %dma_wait3A_1081 = arith.constant 0 : i32
    %dma_wait3A_1082 = arith.constant 0 : i32
    %dma_wait3A_1083 = tpu.memref_slice %arg11[%dma_wait3A_1081, %dma_wait3A_1082] : memref<96x64xf32, #tpu.memory_space<vmem>> -> memref<64x64xf32, #tpu.memory_space<vmem>>
    tpu.wait_dma2 semaphore(%arg17 : memref<!tpu.dma_semaphore, #tpu.memory_space<semaphore_mem>>) src(%dma_wait3A_1083 : memref<64x64xf32, #tpu.memory_space<vmem>>) dst(%dma_wait3A_1080 : memref<64x64xf32, #tpu.memory_space<hbm>>)
    "tpu.region"() ({
      %run_scoped3A = tpu.sem_alloc : memref<!tpu.dma_semaphore, #tpu.memory_space<semaphore_mem>>
      %dma_start3A_1320 = arith.constant 0 : i32
      %dma_start3A_1321 = arith.constant 0 : i32
      %dma_start3A_1322 = tpu.memref_slice %arg11[%dma_start3A_1320, %dma_start3A_1321] : memref<96x64xf32, #tpu.memory_space<vmem>> -> memref<64x64xf32, #tpu.memory_space<vmem>>
      %dma_start3A_1323 = arith.constant 0 : i32
      %dma_start3A_1324 = tpu.memref_slice %arg15[%add3A_1067, %dma_start3A_1323] : memref<10240x64xf32, #tpu.memory_space<vmem_shared>> -> memref<64x64xf32, #tpu.memory_space<vmem_shared>>
      %dma_start3A_1325 = arith.constant 0 : i32
      %dma_start3A_1326 = arith.constant 0 : i32
      %dma_start3A_1327 = tpu.memref_slice %arg11[%dma_start3A_1325, %dma_start3A_1326] : memref<96x64xf32, #tpu.memory_space<vmem>> -> memref<64x64xf32, #tpu.memory_space<vmem>>
      %dma_start3A_1328 = arith.constant 0 : i32
      %dma_start3A_1329 = tpu.memref_slice %arg15[%add3A_1067, %dma_start3A_1328] : memref<10240x64xf32, #tpu.memory_space<vmem_shared>> -> memref<64x64xf32, #tpu.memory_space<vmem_shared>>
      tpu.enqueue_dma source(%dma_start3A_1329 : memref<64x64xf32, #tpu.memory_space<vmem_shared>>) target(%dma_start3A_1327 : memref<64x64xf32, #tpu.memory_space<vmem>>) target_semaphore(%run_scoped3A : memref<!tpu.dma_semaphore, #tpu.memory_space<semaphore_mem>>)
      %dma_wait3A_1330 = arith.constant 0 : i32
      %dma_wait3A_1331 = arith.constant 0 : i32
      %dma_wait3A_1332 = tpu.memref_slice %arg11[%dma_wait3A_1330, %dma_wait3A_1331] : memref<96x64xf32, #tpu.memory_space<vmem>> -> memref<64x64xf32, #tpu.memory_space<vmem>>
      %dma_wait3A_1333 = arith.constant 0 : i32
      %dma_wait3A_1334 = tpu.memref_slice %arg15[%add3A_1067, %dma_wait3A_1333] : memref<10240x64xf32, #tpu.memory_space<vmem_shared>> -> memref<64x64xf32, #tpu.memory_space<vmem_shared>>
      %dma_wait3A_1335 = arith.constant 0 : i32
      %dma_wait3A_1336 = arith.constant 0 : i32
      %dma_wait3A_1337 = tpu.memref_slice %arg11[%dma_wait3A_1335, %dma_wait3A_1336] : memref<96x64xf32, #tpu.memory_space<vmem>> -> memref<64x64xf32, #tpu.memory_space<vmem>>
      %dma_wait3A_1338 = arith.constant 0 : i32
      %dma_wait3A_1339 = tpu.memref_slice %arg15[%add3A_1067, %dma_wait3A_1338] : memref<10240x64xf32, #tpu.memory_space<vmem_shared>> -> memref<64x64xf32, #tpu.memory_space<vmem_shared>>
      tpu.wait_dma2 semaphore(%run_scoped3A : memref<!tpu.dma_semaphore, #tpu.memory_space<semaphore_mem>>) src(%dma_wait3A_1339 : memref<64x64xf32, #tpu.memory_space<vmem_shared>>) dst(%dma_wait3A_1337 : memref<64x64xf32, #tpu.memory_space<vmem>>)
      tpu.yield
    }) : () -> ()
    %dma_start3A_1084 = arith.constant 0 : i32
    %dma_start3A_1085 = arith.constant 0 : i32
    %dma_start3A_1086 = tpu.memref_slice %arg11[%dma_start3A_1084, %dma_start3A_1085] : memref<96x64xf32, #tpu.memory_space<vmem>> -> memref<64x64xf32, #tpu.memory_space<vmem>>
    %dma_start3A_1087 = arith.constant 0 : i32
    %dma_start3A_1088 = tpu.memref_slice %arg7[%arg0, %add3A_1067, %dma_start3A_1087] : memref<2x10240x64xf32, #tpu.memory_space<hbm>> -> memref<1x64x64xf32, #tpu.memory_space<hbm>>
    %dma_start3A_1089 = tpu.memref_squeeze %dma_start3A_1088 : memref<1x64x64xf32, #tpu.memory_space<hbm>> -> memref<64x64xf32, #tpu.memory_space<hbm>>
    %dma_start3A_1090 = arith.constant 0 : i32
    %dma_start3A_1091 = tpu.memref_slice %arg7[%arg0, %add3A_1067, %dma_start3A_1090] : memref<2x10240x64xf32, #tpu.memory_space<hbm>> -> memref<1x64x64xf32, #tpu.memory_space<hbm>>
    %dma_start3A_1092 = tpu.memref_squeeze %dma_start3A_1091 : memref<1x64x64xf32, #tpu.memory_space<hbm>> -> memref<64x64xf32, #tpu.memory_space<hbm>>
    %dma_start3A_1093 = arith.constant 0 : i32
    %dma_start3A_1094 = arith.constant 0 : i32
    %dma_start3A_1095 = tpu.memref_slice %arg11[%dma_start3A_1093, %dma_start3A_1094] : memref<96x64xf32, #tpu.memory_space<vmem>> -> memref<64x64xf32, #tpu.memory_space<vmem>>
    tpu.enqueue_dma source(%dma_start3A_1095 : memref<64x64xf32, #tpu.memory_space<vmem>>) target(%dma_start3A_1092 : memref<64x64xf32, #tpu.memory_space<hbm>>) target_semaphore(%arg17 : memref<!tpu.dma_semaphore, #tpu.memory_space<semaphore_mem>>)
    %mul3A_1096 = arith.constant 640 : i32
    %mul3A_1097 = arith.muli %arg1, %mul3A_1096 : i32
    %add3A_1098 = arith.constant 256 : i32
    %add3A_1099 = arith.addi %mul3A_1097, %add3A_1098 : i32
    %mul3A_1100 = arith.constant 640 : i32
    %mul3A_1101 = arith.muli %arg1, %mul3A_1100 : i32
    %add3A_1102 = arith.constant 128 : i32
    %add3A_1103 = arith.addi %mul3A_1101, %add3A_1102 : i32
    %dma_wait3A_1104 = arith.constant 0 : i32
    %dma_wait3A_1105 = arith.constant 0 : i32
    %dma_wait3A_1106 = tpu.memref_slice %arg10[%dma_wait3A_1104, %dma_wait3A_1105] : memref<96x64xf32, #tpu.memory_space<vmem>> -> memref<64x64xf32, #tpu.memory_space<vmem>>
    %dma_wait3A_1107 = arith.constant 0 : i32
    %dma_wait3A_1108 = tpu.memref_slice %arg7[%arg0, %add3A_1103, %dma_wait3A_1107] : memref<2x10240x64xf32, #tpu.memory_space<hbm>> -> memref<1x64x64xf32, #tpu.memory_space<hbm>>
    %dma_wait3A_1109 = tpu.memref_squeeze %dma_wait3A_1108 : memref<1x64x64xf32, #tpu.memory_space<hbm>> -> memref<64x64xf32, #tpu.memory_space<hbm>>
    %dma_wait3A_1110 = arith.constant 0 : i32
    %dma_wait3A_1111 = tpu.memref_slice %arg7[%arg0, %add3A_1103, %dma_wait3A_1110] : memref<2x10240x64xf32, #tpu.memory_space<hbm>> -> memref<1x64x64xf32, #tpu.memory_space<hbm>>
    %dma_wait3A_1112 = tpu.memref_squeeze %dma_wait3A_1111 : memref<1x64x64xf32, #tpu.memory_space<hbm>> -> memref<64x64xf32, #tpu.memory_space<hbm>>
    %dma_wait3A_1113 = arith.constant 0 : i32
    %dma_wait3A_1114 = arith.constant 0 : i32
    %dma_wait3A_1115 = tpu.memref_slice %arg10[%dma_wait3A_1113, %dma_wait3A_1114] : memref<96x64xf32, #tpu.memory_space<vmem>> -> memref<64x64xf32, #tpu.memory_space<vmem>>
    tpu.wait_dma2 semaphore(%arg16 : memref<!tpu.dma_semaphore, #tpu.memory_space<semaphore_mem>>) src(%dma_wait3A_1115 : memref<64x64xf32, #tpu.memory_space<vmem>>) dst(%dma_wait3A_1112 : memref<64x64xf32, #tpu.memory_space<hbm>>)
    "tpu.region"() ({
      %run_scoped3A = tpu.sem_alloc : memref<!tpu.dma_semaphore, #tpu.memory_space<semaphore_mem>>
      %dma_start3A_1320 = arith.constant 0 : i32
      %dma_start3A_1321 = arith.constant 0 : i32
      %dma_start3A_1322 = tpu.memref_slice %arg10[%dma_start3A_1320, %dma_start3A_1321] : memref<96x64xf32, #tpu.memory_space<vmem>> -> memref<64x64xf32, #tpu.memory_space<vmem>>
      %dma_start3A_1323 = arith.constant 0 : i32
      %dma_start3A_1324 = tpu.memref_slice %arg15[%add3A_1099, %dma_start3A_1323] : memref<10240x64xf32, #tpu.memory_space<vmem_shared>> -> memref<64x64xf32, #tpu.memory_space<vmem_shared>>
      %dma_start3A_1325 = arith.constant 0 : i32
      %dma_start3A_1326 = arith.constant 0 : i32
      %dma_start3A_1327 = tpu.memref_slice %arg10[%dma_start3A_1325, %dma_start3A_1326] : memref<96x64xf32, #tpu.memory_space<vmem>> -> memref<64x64xf32, #tpu.memory_space<vmem>>
      %dma_start3A_1328 = arith.constant 0 : i32
      %dma_start3A_1329 = tpu.memref_slice %arg15[%add3A_1099, %dma_start3A_1328] : memref<10240x64xf32, #tpu.memory_space<vmem_shared>> -> memref<64x64xf32, #tpu.memory_space<vmem_shared>>
      tpu.enqueue_dma source(%dma_start3A_1329 : memref<64x64xf32, #tpu.memory_space<vmem_shared>>) target(%dma_start3A_1327 : memref<64x64xf32, #tpu.memory_space<vmem>>) target_semaphore(%run_scoped3A : memref<!tpu.dma_semaphore, #tpu.memory_space<semaphore_mem>>)
      %dma_wait3A_1330 = arith.constant 0 : i32
      %dma_wait3A_1331 = arith.constant 0 : i32
      %dma_wait3A_1332 = tpu.memref_slice %arg10[%dma_wait3A_1330, %dma_wait3A_1331] : memref<96x64xf32, #tpu.memory_space<vmem>> -> memref<64x64xf32, #tpu.memory_space<vmem>>
      %dma_wait3A_1333 = arith.constant 0 : i32
      %dma_wait3A_1334 = tpu.memref_slice %arg15[%add3A_1099, %dma_wait3A_1333] : memref<10240x64xf32, #tpu.memory_space<vmem_shared>> -> memref<64x64xf32, #tpu.memory_space<vmem_shared>>
      %dma_wait3A_1335 = arith.constant 0 : i32
      %dma_wait3A_1336 = arith.constant 0 : i32
      %dma_wait3A_1337 = tpu.memref_slice %arg10[%dma_wait3A_1335, %dma_wait3A_1336] : memref<96x64xf32, #tpu.memory_space<vmem>> -> memref<64x64xf32, #tpu.memory_space<vmem>>
      %dma_wait3A_1338 = arith.constant 0 : i32
      %dma_wait3A_1339 = tpu.memref_slice %arg15[%add3A_1099, %dma_wait3A_1338] : memref<10240x64xf32, #tpu.memory_space<vmem_shared>> -> memref<64x64xf32, #tpu.memory_space<vmem_shared>>
      tpu.wait_dma2 semaphore(%run_scoped3A : memref<!tpu.dma_semaphore, #tpu.memory_space<semaphore_mem>>) src(%dma_wait3A_1339 : memref<64x64xf32, #tpu.memory_space<vmem_shared>>) dst(%dma_wait3A_1337 : memref<64x64xf32, #tpu.memory_space<vmem>>)
      tpu.yield
    }) : () -> ()
    %dma_start3A_1116 = arith.constant 0 : i32
    %dma_start3A_1117 = arith.constant 0 : i32
    %dma_start3A_1118 = tpu.memref_slice %arg10[%dma_start3A_1116, %dma_start3A_1117] : memref<96x64xf32, #tpu.memory_space<vmem>> -> memref<64x64xf32, #tpu.memory_space<vmem>>
    %dma_start3A_1119 = arith.constant 0 : i32
    %dma_start3A_1120 = tpu.memref_slice %arg7[%arg0, %add3A_1099, %dma_start3A_1119] : memref<2x10240x64xf32, #tpu.memory_space<hbm>> -> memref<1x64x64xf32, #tpu.memory_space<hbm>>
    %dma_start3A_1121 = tpu.memref_squeeze %dma_start3A_1120 : memref<1x64x64xf32, #tpu.memory_space<hbm>> -> memref<64x64xf32, #tpu.memory_space<hbm>>
    %dma_start3A_1122 = arith.constant 0 : i32
    %dma_start3A_1123 = tpu.memref_slice %arg7[%arg0, %add3A_1099, %dma_start3A_1122] : memref<2x10240x64xf32, #tpu.memory_space<hbm>> -> memref<1x64x64xf32, #tpu.memory_space<hbm>>
    %dma_start3A_1124 = tpu.memref_squeeze %dma_start3A_1123 : memref<1x64x64xf32, #tpu.memory_space<hbm>> -> memref<64x64xf32, #tpu.memory_space<hbm>>
    %dma_start3A_1125 = arith.constant 0 : i32
    %dma_start3A_1126 = arith.constant 0 : i32
    %dma_start3A_1127 = tpu.memref_slice %arg10[%dma_start3A_1125, %dma_start3A_1126] : memref<96x64xf32, #tpu.memory_space<vmem>> -> memref<64x64xf32, #tpu.memory_space<vmem>>
    tpu.enqueue_dma source(%dma_start3A_1127 : memref<64x64xf32, #tpu.memory_space<vmem>>) target(%dma_start3A_1124 : memref<64x64xf32, #tpu.memory_space<hbm>>) target_semaphore(%arg16 : memref<!tpu.dma_semaphore, #tpu.memory_space<semaphore_mem>>)
    %mul3A_1128 = arith.constant 640 : i32
    %mul3A_1129 = arith.muli %arg1, %mul3A_1128 : i32
    %add3A_1130 = arith.constant 320 : i32
    %add3A_1131 = arith.addi %mul3A_1129, %add3A_1130 : i32
    %mul3A_1132 = arith.constant 640 : i32
    %mul3A_1133 = arith.muli %arg1, %mul3A_1132 : i32
    %add3A_1134 = arith.constant 192 : i32
    %add3A_1135 = arith.addi %mul3A_1133, %add3A_1134 : i32
    %dma_wait3A_1136 = arith.constant 0 : i32
    %dma_wait3A_1137 = arith.constant 0 : i32
    %dma_wait3A_1138 = tpu.memref_slice %arg11[%dma_wait3A_1136, %dma_wait3A_1137] : memref<96x64xf32, #tpu.memory_space<vmem>> -> memref<64x64xf32, #tpu.memory_space<vmem>>
    %dma_wait3A_1139 = arith.constant 0 : i32
    %dma_wait3A_1140 = tpu.memref_slice %arg7[%arg0, %add3A_1135, %dma_wait3A_1139] : memref<2x10240x64xf32, #tpu.memory_space<hbm>> -> memref<1x64x64xf32, #tpu.memory_space<hbm>>
    %dma_wait3A_1141 = tpu.memref_squeeze %dma_wait3A_1140 : memref<1x64x64xf32, #tpu.memory_space<hbm>> -> memref<64x64xf32, #tpu.memory_space<hbm>>
    %dma_wait3A_1142 = arith.constant 0 : i32
    %dma_wait3A_1143 = tpu.memref_slice %arg7[%arg0, %add3A_1135, %dma_wait3A_1142] : memref<2x10240x64xf32, #tpu.memory_space<hbm>> -> memref<1x64x64xf32, #tpu.memory_space<hbm>>
    %dma_wait3A_1144 = tpu.memref_squeeze %dma_wait3A_1143 : memref<1x64x64xf32, #tpu.memory_space<hbm>> -> memref<64x64xf32, #tpu.memory_space<hbm>>
    %dma_wait3A_1145 = arith.constant 0 : i32
    %dma_wait3A_1146 = arith.constant 0 : i32
    %dma_wait3A_1147 = tpu.memref_slice %arg11[%dma_wait3A_1145, %dma_wait3A_1146] : memref<96x64xf32, #tpu.memory_space<vmem>> -> memref<64x64xf32, #tpu.memory_space<vmem>>
    tpu.wait_dma2 semaphore(%arg17 : memref<!tpu.dma_semaphore, #tpu.memory_space<semaphore_mem>>) src(%dma_wait3A_1147 : memref<64x64xf32, #tpu.memory_space<vmem>>) dst(%dma_wait3A_1144 : memref<64x64xf32, #tpu.memory_space<hbm>>)
    "tpu.region"() ({
      %run_scoped3A = tpu.sem_alloc : memref<!tpu.dma_semaphore, #tpu.memory_space<semaphore_mem>>
      %dma_start3A_1320 = arith.constant 0 : i32
      %dma_start3A_1321 = arith.constant 0 : i32
      %dma_start3A_1322 = tpu.memref_slice %arg11[%dma_start3A_1320, %dma_start3A_1321] : memref<96x64xf32, #tpu.memory_space<vmem>> -> memref<64x64xf32, #tpu.memory_space<vmem>>
      %dma_start3A_1323 = arith.constant 0 : i32
      %dma_start3A_1324 = tpu.memref_slice %arg15[%add3A_1131, %dma_start3A_1323] : memref<10240x64xf32, #tpu.memory_space<vmem_shared>> -> memref<64x64xf32, #tpu.memory_space<vmem_shared>>
      %dma_start3A_1325 = arith.constant 0 : i32
      %dma_start3A_1326 = arith.constant 0 : i32
      %dma_start3A_1327 = tpu.memref_slice %arg11[%dma_start3A_1325, %dma_start3A_1326] : memref<96x64xf32, #tpu.memory_space<vmem>> -> memref<64x64xf32, #tpu.memory_space<vmem>>
      %dma_start3A_1328 = arith.constant 0 : i32
      %dma_start3A_1329 = tpu.memref_slice %arg15[%add3A_1131, %dma_start3A_1328] : memref<10240x64xf32, #tpu.memory_space<vmem_shared>> -> memref<64x64xf32, #tpu.memory_space<vmem_shared>>
      tpu.enqueue_dma source(%dma_start3A_1329 : memref<64x64xf32, #tpu.memory_space<vmem_shared>>) target(%dma_start3A_1327 : memref<64x64xf32, #tpu.memory_space<vmem>>) target_semaphore(%run_scoped3A : memref<!tpu.dma_semaphore, #tpu.memory_space<semaphore_mem>>)
      %dma_wait3A_1330 = arith.constant 0 : i32
      %dma_wait3A_1331 = arith.constant 0 : i32
      %dma_wait3A_1332 = tpu.memref_slice %arg11[%dma_wait3A_1330, %dma_wait3A_1331] : memref<96x64xf32, #tpu.memory_space<vmem>> -> memref<64x64xf32, #tpu.memory_space<vmem>>
      %dma_wait3A_1333 = arith.constant 0 : i32
      %dma_wait3A_1334 = tpu.memref_slice %arg15[%add3A_1131, %dma_wait3A_1333] : memref<10240x64xf32, #tpu.memory_space<vmem_shared>> -> memref<64x64xf32, #tpu.memory_space<vmem_shared>>
      %dma_wait3A_1335 = arith.constant 0 : i32
      %dma_wait3A_1336 = arith.constant 0 : i32
      %dma_wait3A_1337 = tpu.memref_slice %arg11[%dma_wait3A_1335, %dma_wait3A_1336] : memref<96x64xf32, #tpu.memory_space<vmem>> -> memref<64x64xf32, #tpu.memory_space<vmem>>
      %dma_wait3A_1338 = arith.constant 0 : i32
      %dma_wait3A_1339 = tpu.memref_slice %arg15[%add3A_1131, %dma_wait3A_1338] : memref<10240x64xf32, #tpu.memory_space<vmem_shared>> -> memref<64x64xf32, #tpu.memory_space<vmem_shared>>
      tpu.wait_dma2 semaphore(%run_scoped3A : memref<!tpu.dma_semaphore, #tpu.memory_space<semaphore_mem>>) src(%dma_wait3A_1339 : memref<64x64xf32, #tpu.memory_space<vmem_shared>>) dst(%dma_wait3A_1337 : memref<64x64xf32, #tpu.memory_space<vmem>>)
      tpu.yield
    }) : () -> ()
    %dma_start3A_1148 = arith.constant 0 : i32
    %dma_start3A_1149 = arith.constant 0 : i32
    %dma_start3A_1150 = tpu.memref_slice %arg11[%dma_start3A_1148, %dma_start3A_1149] : memref<96x64xf32, #tpu.memory_space<vmem>> -> memref<64x64xf32, #tpu.memory_space<vmem>>
    %dma_start3A_1151 = arith.constant 0 : i32
    %dma_start3A_1152 = tpu.memref_slice %arg7[%arg0, %add3A_1131, %dma_start3A_1151] : memref<2x10240x64xf32, #tpu.memory_space<hbm>> -> memref<1x64x64xf32, #tpu.memory_space<hbm>>
    %dma_start3A_1153 = tpu.memref_squeeze %dma_start3A_1152 : memref<1x64x64xf32, #tpu.memory_space<hbm>> -> memref<64x64xf32, #tpu.memory_space<hbm>>
    %dma_start3A_1154 = arith.constant 0 : i32
    %dma_start3A_1155 = tpu.memref_slice %arg7[%arg0, %add3A_1131, %dma_start3A_1154] : memref<2x10240x64xf32, #tpu.memory_space<hbm>> -> memref<1x64x64xf32, #tpu.memory_space<hbm>>
    %dma_start3A_1156 = tpu.memref_squeeze %dma_start3A_1155 : memref<1x64x64xf32, #tpu.memory_space<hbm>> -> memref<64x64xf32, #tpu.memory_space<hbm>>
    %dma_start3A_1157 = arith.constant 0 : i32
    %dma_start3A_1158 = arith.constant 0 : i32
    %dma_start3A_1159 = tpu.memref_slice %arg11[%dma_start3A_1157, %dma_start3A_1158] : memref<96x64xf32, #tpu.memory_space<vmem>> -> memref<64x64xf32, #tpu.memory_space<vmem>>
    tpu.enqueue_dma source(%dma_start3A_1159 : memref<64x64xf32, #tpu.memory_space<vmem>>) target(%dma_start3A_1156 : memref<64x64xf32, #tpu.memory_space<hbm>>) target_semaphore(%arg17 : memref<!tpu.dma_semaphore, #tpu.memory_space<semaphore_mem>>)
    %mul3A_1160 = arith.constant 640 : i32
    %mul3A_1161 = arith.muli %arg1, %mul3A_1160 : i32
    %add3A_1162 = arith.constant 384 : i32
    %add3A_1163 = arith.addi %mul3A_1161, %add3A_1162 : i32
    %mul3A_1164 = arith.constant 640 : i32
    %mul3A_1165 = arith.muli %arg1, %mul3A_1164 : i32
    %add3A_1166 = arith.constant 256 : i32
    %add3A_1167 = arith.addi %mul3A_1165, %add3A_1166 : i32
    %dma_wait3A_1168 = arith.constant 0 : i32
    %dma_wait3A_1169 = arith.constant 0 : i32
    %dma_wait3A_1170 = tpu.memref_slice %arg10[%dma_wait3A_1168, %dma_wait3A_1169] : memref<96x64xf32, #tpu.memory_space<vmem>> -> memref<64x64xf32, #tpu.memory_space<vmem>>
    %dma_wait3A_1171 = arith.constant 0 : i32
    %dma_wait3A_1172 = tpu.memref_slice %arg7[%arg0, %add3A_1167, %dma_wait3A_1171] : memref<2x10240x64xf32, #tpu.memory_space<hbm>> -> memref<1x64x64xf32, #tpu.memory_space<hbm>>
    %dma_wait3A_1173 = tpu.memref_squeeze %dma_wait3A_1172 : memref<1x64x64xf32, #tpu.memory_space<hbm>> -> memref<64x64xf32, #tpu.memory_space<hbm>>
    %dma_wait3A_1174 = arith.constant 0 : i32
    %dma_wait3A_1175 = tpu.memref_slice %arg7[%arg0, %add3A_1167, %dma_wait3A_1174] : memref<2x10240x64xf32, #tpu.memory_space<hbm>> -> memref<1x64x64xf32, #tpu.memory_space<hbm>>
    %dma_wait3A_1176 = tpu.memref_squeeze %dma_wait3A_1175 : memref<1x64x64xf32, #tpu.memory_space<hbm>> -> memref<64x64xf32, #tpu.memory_space<hbm>>
    %dma_wait3A_1177 = arith.constant 0 : i32
    %dma_wait3A_1178 = arith.constant 0 : i32
    %dma_wait3A_1179 = tpu.memref_slice %arg10[%dma_wait3A_1177, %dma_wait3A_1178] : memref<96x64xf32, #tpu.memory_space<vmem>> -> memref<64x64xf32, #tpu.memory_space<vmem>>
    tpu.wait_dma2 semaphore(%arg16 : memref<!tpu.dma_semaphore, #tpu.memory_space<semaphore_mem>>) src(%dma_wait3A_1179 : memref<64x64xf32, #tpu.memory_space<vmem>>) dst(%dma_wait3A_1176 : memref<64x64xf32, #tpu.memory_space<hbm>>)
    "tpu.region"() ({
      %run_scoped3A = tpu.sem_alloc : memref<!tpu.dma_semaphore, #tpu.memory_space<semaphore_mem>>
      %dma_start3A_1320 = arith.constant 0 : i32
      %dma_start3A_1321 = arith.constant 0 : i32
      %dma_start3A_1322 = tpu.memref_slice %arg10[%dma_start3A_1320, %dma_start3A_1321] : memref<96x64xf32, #tpu.memory_space<vmem>> -> memref<64x64xf32, #tpu.memory_space<vmem>>
      %dma_start3A_1323 = arith.constant 0 : i32
      %dma_start3A_1324 = tpu.memref_slice %arg15[%add3A_1163, %dma_start3A_1323] : memref<10240x64xf32, #tpu.memory_space<vmem_shared>> -> memref<64x64xf32, #tpu.memory_space<vmem_shared>>
      %dma_start3A_1325 = arith.constant 0 : i32
      %dma_start3A_1326 = arith.constant 0 : i32
      %dma_start3A_1327 = tpu.memref_slice %arg10[%dma_start3A_1325, %dma_start3A_1326] : memref<96x64xf32, #tpu.memory_space<vmem>> -> memref<64x64xf32, #tpu.memory_space<vmem>>
      %dma_start3A_1328 = arith.constant 0 : i32
      %dma_start3A_1329 = tpu.memref_slice %arg15[%add3A_1163, %dma_start3A_1328] : memref<10240x64xf32, #tpu.memory_space<vmem_shared>> -> memref<64x64xf32, #tpu.memory_space<vmem_shared>>
      tpu.enqueue_dma source(%dma_start3A_1329 : memref<64x64xf32, #tpu.memory_space<vmem_shared>>) target(%dma_start3A_1327 : memref<64x64xf32, #tpu.memory_space<vmem>>) target_semaphore(%run_scoped3A : memref<!tpu.dma_semaphore, #tpu.memory_space<semaphore_mem>>)
      %dma_wait3A_1330 = arith.constant 0 : i32
      %dma_wait3A_1331 = arith.constant 0 : i32
      %dma_wait3A_1332 = tpu.memref_slice %arg10[%dma_wait3A_1330, %dma_wait3A_1331] : memref<96x64xf32, #tpu.memory_space<vmem>> -> memref<64x64xf32, #tpu.memory_space<vmem>>
      %dma_wait3A_1333 = arith.constant 0 : i32
      %dma_wait3A_1334 = tpu.memref_slice %arg15[%add3A_1163, %dma_wait3A_1333] : memref<10240x64xf32, #tpu.memory_space<vmem_shared>> -> memref<64x64xf32, #tpu.memory_space<vmem_shared>>
      %dma_wait3A_1335 = arith.constant 0 : i32
      %dma_wait3A_1336 = arith.constant 0 : i32
      %dma_wait3A_1337 = tpu.memref_slice %arg10[%dma_wait3A_1335, %dma_wait3A_1336] : memref<96x64xf32, #tpu.memory_space<vmem>> -> memref<64x64xf32, #tpu.memory_space<vmem>>
      %dma_wait3A_1338 = arith.constant 0 : i32
      %dma_wait3A_1339 = tpu.memref_slice %arg15[%add3A_1163, %dma_wait3A_1338] : memref<10240x64xf32, #tpu.memory_space<vmem_shared>> -> memref<64x64xf32, #tpu.memory_space<vmem_shared>>
      tpu.wait_dma2 semaphore(%run_scoped3A : memref<!tpu.dma_semaphore, #tpu.memory_space<semaphore_mem>>) src(%dma_wait3A_1339 : memref<64x64xf32, #tpu.memory_space<vmem_shared>>) dst(%dma_wait3A_1337 : memref<64x64xf32, #tpu.memory_space<vmem>>)
      tpu.yield
    }) : () -> ()
    %dma_start3A_1180 = arith.constant 0 : i32
    %dma_start3A_1181 = arith.constant 0 : i32
    %dma_start3A_1182 = tpu.memref_slice %arg10[%dma_start3A_1180, %dma_start3A_1181] : memref<96x64xf32, #tpu.memory_space<vmem>> -> memref<64x64xf32, #tpu.memory_space<vmem>>
    %dma_start3A_1183 = arith.constant 0 : i32
    %dma_start3A_1184 = tpu.memref_slice %arg7[%arg0, %add3A_1163, %dma_start3A_1183] : memref<2x10240x64xf32, #tpu.memory_space<hbm>> -> memref<1x64x64xf32, #tpu.memory_space<hbm>>
    %dma_start3A_1185 = tpu.memref_squeeze %dma_start3A_1184 : memref<1x64x64xf32, #tpu.memory_space<hbm>> -> memref<64x64xf32, #tpu.memory_space<hbm>>
    %dma_start3A_1186 = arith.constant 0 : i32
    %dma_start3A_1187 = tpu.memref_slice %arg7[%arg0, %add3A_1163, %dma_start3A_1186] : memref<2x10240x64xf32, #tpu.memory_space<hbm>> -> memref<1x64x64xf32, #tpu.memory_space<hbm>>
    %dma_start3A_1188 = tpu.memref_squeeze %dma_start3A_1187 : memref<1x64x64xf32, #tpu.memory_space<hbm>> -> memref<64x64xf32, #tpu.memory_space<hbm>>
    %dma_start3A_1189 = arith.constant 0 : i32
    %dma_start3A_1190 = arith.constant 0 : i32
    %dma_start3A_1191 = tpu.memref_slice %arg10[%dma_start3A_1189, %dma_start3A_1190] : memref<96x64xf32, #tpu.memory_space<vmem>> -> memref<64x64xf32, #tpu.memory_space<vmem>>
    tpu.enqueue_dma source(%dma_start3A_1191 : memref<64x64xf32, #tpu.memory_space<vmem>>) target(%dma_start3A_1188 : memref<64x64xf32, #tpu.memory_space<hbm>>) target_semaphore(%arg16 : memref<!tpu.dma_semaphore, #tpu.memory_space<semaphore_mem>>)
    %mul3A_1192 = arith.constant 640 : i32
    %mul3A_1193 = arith.muli %arg1, %mul3A_1192 : i32
    %add3A_1194 = arith.constant 448 : i32
    %add3A_1195 = arith.addi %mul3A_1193, %add3A_1194 : i32
    %mul3A_1196 = arith.constant 640 : i32
    %mul3A_1197 = arith.muli %arg1, %mul3A_1196 : i32
    %add3A_1198 = arith.constant 320 : i32
    %add3A_1199 = arith.addi %mul3A_1197, %add3A_1198 : i32
    %dma_wait3A_1200 = arith.constant 0 : i32
    %dma_wait3A_1201 = arith.constant 0 : i32
    %dma_wait3A_1202 = tpu.memref_slice %arg11[%dma_wait3A_1200, %dma_wait3A_1201] : memref<96x64xf32, #tpu.memory_space<vmem>> -> memref<64x64xf32, #tpu.memory_space<vmem>>
    %dma_wait3A_1203 = arith.constant 0 : i32
    %dma_wait3A_1204 = tpu.memref_slice %arg7[%arg0, %add3A_1199, %dma_wait3A_1203] : memref<2x10240x64xf32, #tpu.memory_space<hbm>> -> memref<1x64x64xf32, #tpu.memory_space<hbm>>
    %dma_wait3A_1205 = tpu.memref_squeeze %dma_wait3A_1204 : memref<1x64x64xf32, #tpu.memory_space<hbm>> -> memref<64x64xf32, #tpu.memory_space<hbm>>
    %dma_wait3A_1206 = arith.constant 0 : i32
    %dma_wait3A_1207 = tpu.memref_slice %arg7[%arg0, %add3A_1199, %dma_wait3A_1206] : memref<2x10240x64xf32, #tpu.memory_space<hbm>> -> memref<1x64x64xf32, #tpu.memory_space<hbm>>
    %dma_wait3A_1208 = tpu.memref_squeeze %dma_wait3A_1207 : memref<1x64x64xf32, #tpu.memory_space<hbm>> -> memref<64x64xf32, #tpu.memory_space<hbm>>
    %dma_wait3A_1209 = arith.constant 0 : i32
    %dma_wait3A_1210 = arith.constant 0 : i32
    %dma_wait3A_1211 = tpu.memref_slice %arg11[%dma_wait3A_1209, %dma_wait3A_1210] : memref<96x64xf32, #tpu.memory_space<vmem>> -> memref<64x64xf32, #tpu.memory_space<vmem>>
    tpu.wait_dma2 semaphore(%arg17 : memref<!tpu.dma_semaphore, #tpu.memory_space<semaphore_mem>>) src(%dma_wait3A_1211 : memref<64x64xf32, #tpu.memory_space<vmem>>) dst(%dma_wait3A_1208 : memref<64x64xf32, #tpu.memory_space<hbm>>)
    "tpu.region"() ({
      %run_scoped3A = tpu.sem_alloc : memref<!tpu.dma_semaphore, #tpu.memory_space<semaphore_mem>>
      %dma_start3A_1320 = arith.constant 0 : i32
      %dma_start3A_1321 = arith.constant 0 : i32
      %dma_start3A_1322 = tpu.memref_slice %arg11[%dma_start3A_1320, %dma_start3A_1321] : memref<96x64xf32, #tpu.memory_space<vmem>> -> memref<64x64xf32, #tpu.memory_space<vmem>>
      %dma_start3A_1323 = arith.constant 0 : i32
      %dma_start3A_1324 = tpu.memref_slice %arg15[%add3A_1195, %dma_start3A_1323] : memref<10240x64xf32, #tpu.memory_space<vmem_shared>> -> memref<64x64xf32, #tpu.memory_space<vmem_shared>>
      %dma_start3A_1325 = arith.constant 0 : i32
      %dma_start3A_1326 = arith.constant 0 : i32
      %dma_start3A_1327 = tpu.memref_slice %arg11[%dma_start3A_1325, %dma_start3A_1326] : memref<96x64xf32, #tpu.memory_space<vmem>> -> memref<64x64xf32, #tpu.memory_space<vmem>>
      %dma_start3A_1328 = arith.constant 0 : i32
      %dma_start3A_1329 = tpu.memref_slice %arg15[%add3A_1195, %dma_start3A_1328] : memref<10240x64xf32, #tpu.memory_space<vmem_shared>> -> memref<64x64xf32, #tpu.memory_space<vmem_shared>>
      tpu.enqueue_dma source(%dma_start3A_1329 : memref<64x64xf32, #tpu.memory_space<vmem_shared>>) target(%dma_start3A_1327 : memref<64x64xf32, #tpu.memory_space<vmem>>) target_semaphore(%run_scoped3A : memref<!tpu.dma_semaphore, #tpu.memory_space<semaphore_mem>>)
      %dma_wait3A_1330 = arith.constant 0 : i32
      %dma_wait3A_1331 = arith.constant 0 : i32
      %dma_wait3A_1332 = tpu.memref_slice %arg11[%dma_wait3A_1330, %dma_wait3A_1331] : memref<96x64xf32, #tpu.memory_space<vmem>> -> memref<64x64xf32, #tpu.memory_space<vmem>>
      %dma_wait3A_1333 = arith.constant 0 : i32
      %dma_wait3A_1334 = tpu.memref_slice %arg15[%add3A_1195, %dma_wait3A_1333] : memref<10240x64xf32, #tpu.memory_space<vmem_shared>> -> memref<64x64xf32, #tpu.memory_space<vmem_shared>>
      %dma_wait3A_1335 = arith.constant 0 : i32
      %dma_wait3A_1336 = arith.constant 0 : i32
      %dma_wait3A_1337 = tpu.memref_slice %arg11[%dma_wait3A_1335, %dma_wait3A_1336] : memref<96x64xf32, #tpu.memory_space<vmem>> -> memref<64x64xf32, #tpu.memory_space<vmem>>
      %dma_wait3A_1338 = arith.constant 0 : i32
      %dma_wait3A_1339 = tpu.memref_slice %arg15[%add3A_1195, %dma_wait3A_1338] : memref<10240x64xf32, #tpu.memory_space<vmem_shared>> -> memref<64x64xf32, #tpu.memory_space<vmem_shared>>
      tpu.wait_dma2 semaphore(%run_scoped3A : memref<!tpu.dma_semaphore, #tpu.memory_space<semaphore_mem>>) src(%dma_wait3A_1339 : memref<64x64xf32, #tpu.memory_space<vmem_shared>>) dst(%dma_wait3A_1337 : memref<64x64xf32, #tpu.memory_space<vmem>>)
      tpu.yield
    }) : () -> ()
    %dma_start3A_1212 = arith.constant 0 : i32
    %dma_start3A_1213 = arith.constant 0 : i32
    %dma_start3A_1214 = tpu.memref_slice %arg11[%dma_start3A_1212, %dma_start3A_1213] : memref<96x64xf32, #tpu.memory_space<vmem>> -> memref<64x64xf32, #tpu.memory_space<vmem>>
    %dma_start3A_1215 = arith.constant 0 : i32
    %dma_start3A_1216 = tpu.memref_slice %arg7[%arg0, %add3A_1195, %dma_start3A_1215] : memref<2x10240x64xf32, #tpu.memory_space<hbm>> -> memref<1x64x64xf32, #tpu.memory_space<hbm>>
    %dma_start3A_1217 = tpu.memref_squeeze %dma_start3A_1216 : memref<1x64x64xf32, #tpu.memory_space<hbm>> -> memref<64x64xf32, #tpu.memory_space<hbm>>
    %dma_start3A_1218 = arith.constant 0 : i32
    %dma_start3A_1219 = tpu.memref_slice %arg7[%arg0, %add3A_1195, %dma_start3A_1218] : memref<2x10240x64xf32, #tpu.memory_space<hbm>> -> memref<1x64x64xf32, #tpu.memory_space<hbm>>
    %dma_start3A_1220 = tpu.memref_squeeze %dma_start3A_1219 : memref<1x64x64xf32, #tpu.memory_space<hbm>> -> memref<64x64xf32, #tpu.memory_space<hbm>>
    %dma_start3A_1221 = arith.constant 0 : i32
    %dma_start3A_1222 = arith.constant 0 : i32
    %dma_start3A_1223 = tpu.memref_slice %arg11[%dma_start3A_1221, %dma_start3A_1222] : memref<96x64xf32, #tpu.memory_space<vmem>> -> memref<64x64xf32, #tpu.memory_space<vmem>>
    tpu.enqueue_dma source(%dma_start3A_1223 : memref<64x64xf32, #tpu.memory_space<vmem>>) target(%dma_start3A_1220 : memref<64x64xf32, #tpu.memory_space<hbm>>) target_semaphore(%arg17 : memref<!tpu.dma_semaphore, #tpu.memory_space<semaphore_mem>>)
    %mul3A_1224 = arith.constant 640 : i32
    %mul3A_1225 = arith.muli %arg1, %mul3A_1224 : i32
    %add3A_1226 = arith.constant 512 : i32
    %add3A_1227 = arith.addi %mul3A_1225, %add3A_1226 : i32
    %mul3A_1228 = arith.constant 640 : i32
    %mul3A_1229 = arith.muli %arg1, %mul3A_1228 : i32
    %add3A_1230 = arith.constant 384 : i32
    %add3A_1231 = arith.addi %mul3A_1229, %add3A_1230 : i32
    %dma_wait3A_1232 = arith.constant 0 : i32
    %dma_wait3A_1233 = arith.constant 0 : i32
    %dma_wait3A_1234 = tpu.memref_slice %arg10[%dma_wait3A_1232, %dma_wait3A_1233] : memref<96x64xf32, #tpu.memory_space<vmem>> -> memref<64x64xf32, #tpu.memory_space<vmem>>
    %dma_wait3A_1235 = arith.constant 0 : i32
    %dma_wait3A_1236 = tpu.memref_slice %arg7[%arg0, %add3A_1231, %dma_wait3A_1235] : memref<2x10240x64xf32, #tpu.memory_space<hbm>> -> memref<1x64x64xf32, #tpu.memory_space<hbm>>
    %dma_wait3A_1237 = tpu.memref_squeeze %dma_wait3A_1236 : memref<1x64x64xf32, #tpu.memory_space<hbm>> -> memref<64x64xf32, #tpu.memory_space<hbm>>
    %dma_wait3A_1238 = arith.constant 0 : i32
    %dma_wait3A_1239 = tpu.memref_slice %arg7[%arg0, %add3A_1231, %dma_wait3A_1238] : memref<2x10240x64xf32, #tpu.memory_space<hbm>> -> memref<1x64x64xf32, #tpu.memory_space<hbm>>
    %dma_wait3A_1240 = tpu.memref_squeeze %dma_wait3A_1239 : memref<1x64x64xf32, #tpu.memory_space<hbm>> -> memref<64x64xf32, #tpu.memory_space<hbm>>
    %dma_wait3A_1241 = arith.constant 0 : i32
    %dma_wait3A_1242 = arith.constant 0 : i32
    %dma_wait3A_1243 = tpu.memref_slice %arg10[%dma_wait3A_1241, %dma_wait3A_1242] : memref<96x64xf32, #tpu.memory_space<vmem>> -> memref<64x64xf32, #tpu.memory_space<vmem>>
    tpu.wait_dma2 semaphore(%arg16 : memref<!tpu.dma_semaphore, #tpu.memory_space<semaphore_mem>>) src(%dma_wait3A_1243 : memref<64x64xf32, #tpu.memory_space<vmem>>) dst(%dma_wait3A_1240 : memref<64x64xf32, #tpu.memory_space<hbm>>)
    "tpu.region"() ({
      %run_scoped3A = tpu.sem_alloc : memref<!tpu.dma_semaphore, #tpu.memory_space<semaphore_mem>>
      %dma_start3A_1320 = arith.constant 0 : i32
      %dma_start3A_1321 = arith.constant 0 : i32
      %dma_start3A_1322 = tpu.memref_slice %arg10[%dma_start3A_1320, %dma_start3A_1321] : memref<96x64xf32, #tpu.memory_space<vmem>> -> memref<64x64xf32, #tpu.memory_space<vmem>>
      %dma_start3A_1323 = arith.constant 0 : i32
      %dma_start3A_1324 = tpu.memref_slice %arg15[%add3A_1227, %dma_start3A_1323] : memref<10240x64xf32, #tpu.memory_space<vmem_shared>> -> memref<64x64xf32, #tpu.memory_space<vmem_shared>>
      %dma_start3A_1325 = arith.constant 0 : i32
      %dma_start3A_1326 = arith.constant 0 : i32
      %dma_start3A_1327 = tpu.memref_slice %arg10[%dma_start3A_1325, %dma_start3A_1326] : memref<96x64xf32, #tpu.memory_space<vmem>> -> memref<64x64xf32, #tpu.memory_space<vmem>>
      %dma_start3A_1328 = arith.constant 0 : i32
      %dma_start3A_1329 = tpu.memref_slice %arg15[%add3A_1227, %dma_start3A_1328] : memref<10240x64xf32, #tpu.memory_space<vmem_shared>> -> memref<64x64xf32, #tpu.memory_space<vmem_shared>>
      tpu.enqueue_dma source(%dma_start3A_1329 : memref<64x64xf32, #tpu.memory_space<vmem_shared>>) target(%dma_start3A_1327 : memref<64x64xf32, #tpu.memory_space<vmem>>) target_semaphore(%run_scoped3A : memref<!tpu.dma_semaphore, #tpu.memory_space<semaphore_mem>>)
      %dma_wait3A_1330 = arith.constant 0 : i32
      %dma_wait3A_1331 = arith.constant 0 : i32
      %dma_wait3A_1332 = tpu.memref_slice %arg10[%dma_wait3A_1330, %dma_wait3A_1331] : memref<96x64xf32, #tpu.memory_space<vmem>> -> memref<64x64xf32, #tpu.memory_space<vmem>>
      %dma_wait3A_1333 = arith.constant 0 : i32
      %dma_wait3A_1334 = tpu.memref_slice %arg15[%add3A_1227, %dma_wait3A_1333] : memref<10240x64xf32, #tpu.memory_space<vmem_shared>> -> memref<64x64xf32, #tpu.memory_space<vmem_shared>>
      %dma_wait3A_1335 = arith.constant 0 : i32
      %dma_wait3A_1336 = arith.constant 0 : i32
      %dma_wait3A_1337 = tpu.memref_slice %arg10[%dma_wait3A_1335, %dma_wait3A_1336] : memref<96x64xf32, #tpu.memory_space<vmem>> -> memref<64x64xf32, #tpu.memory_space<vmem>>
      %dma_wait3A_1338 = arith.constant 0 : i32
      %dma_wait3A_1339 = tpu.memref_slice %arg15[%add3A_1227, %dma_wait3A_1338] : memref<10240x64xf32, #tpu.memory_space<vmem_shared>> -> memref<64x64xf32, #tpu.memory_space<vmem_shared>>
      tpu.wait_dma2 semaphore(%run_scoped3A : memref<!tpu.dma_semaphore, #tpu.memory_space<semaphore_mem>>) src(%dma_wait3A_1339 : memref<64x64xf32, #tpu.memory_space<vmem_shared>>) dst(%dma_wait3A_1337 : memref<64x64xf32, #tpu.memory_space<vmem>>)
      tpu.yield
    }) : () -> ()
    %dma_start3A_1244 = arith.constant 0 : i32
    %dma_start3A_1245 = arith.constant 0 : i32
    %dma_start3A_1246 = tpu.memref_slice %arg10[%dma_start3A_1244, %dma_start3A_1245] : memref<96x64xf32, #tpu.memory_space<vmem>> -> memref<64x64xf32, #tpu.memory_space<vmem>>
    %dma_start3A_1247 = arith.constant 0 : i32
    %dma_start3A_1248 = tpu.memref_slice %arg7[%arg0, %add3A_1227, %dma_start3A_1247] : memref<2x10240x64xf32, #tpu.memory_space<hbm>> -> memref<1x64x64xf32, #tpu.memory_space<hbm>>
    %dma_start3A_1249 = tpu.memref_squeeze %dma_start3A_1248 : memref<1x64x64xf32, #tpu.memory_space<hbm>> -> memref<64x64xf32, #tpu.memory_space<hbm>>
    %dma_start3A_1250 = arith.constant 0 : i32
    %dma_start3A_1251 = tpu.memref_slice %arg7[%arg0, %add3A_1227, %dma_start3A_1250] : memref<2x10240x64xf32, #tpu.memory_space<hbm>> -> memref<1x64x64xf32, #tpu.memory_space<hbm>>
    %dma_start3A_1252 = tpu.memref_squeeze %dma_start3A_1251 : memref<1x64x64xf32, #tpu.memory_space<hbm>> -> memref<64x64xf32, #tpu.memory_space<hbm>>
    %dma_start3A_1253 = arith.constant 0 : i32
    %dma_start3A_1254 = arith.constant 0 : i32
    %dma_start3A_1255 = tpu.memref_slice %arg10[%dma_start3A_1253, %dma_start3A_1254] : memref<96x64xf32, #tpu.memory_space<vmem>> -> memref<64x64xf32, #tpu.memory_space<vmem>>
    tpu.enqueue_dma source(%dma_start3A_1255 : memref<64x64xf32, #tpu.memory_space<vmem>>) target(%dma_start3A_1252 : memref<64x64xf32, #tpu.memory_space<hbm>>) target_semaphore(%arg16 : memref<!tpu.dma_semaphore, #tpu.memory_space<semaphore_mem>>)
    %mul3A_1256 = arith.constant 640 : i32
    %mul3A_1257 = arith.muli %arg1, %mul3A_1256 : i32
    %add3A_1258 = arith.constant 576 : i32
    %add3A_1259 = arith.addi %mul3A_1257, %add3A_1258 : i32
    %mul3A_1260 = arith.constant 640 : i32
    %mul3A_1261 = arith.muli %arg1, %mul3A_1260 : i32
    %add3A_1262 = arith.constant 448 : i32
    %add3A_1263 = arith.addi %mul3A_1261, %add3A_1262 : i32
    %dma_wait3A_1264 = arith.constant 0 : i32
    %dma_wait3A_1265 = arith.constant 0 : i32
    %dma_wait3A_1266 = tpu.memref_slice %arg11[%dma_wait3A_1264, %dma_wait3A_1265] : memref<96x64xf32, #tpu.memory_space<vmem>> -> memref<64x64xf32, #tpu.memory_space<vmem>>
    %dma_wait3A_1267 = arith.constant 0 : i32
    %dma_wait3A_1268 = tpu.memref_slice %arg7[%arg0, %add3A_1263, %dma_wait3A_1267] : memref<2x10240x64xf32, #tpu.memory_space<hbm>> -> memref<1x64x64xf32, #tpu.memory_space<hbm>>
    %dma_wait3A_1269 = tpu.memref_squeeze %dma_wait3A_1268 : memref<1x64x64xf32, #tpu.memory_space<hbm>> -> memref<64x64xf32, #tpu.memory_space<hbm>>
    %dma_wait3A_1270 = arith.constant 0 : i32
    %dma_wait3A_1271 = tpu.memref_slice %arg7[%arg0, %add3A_1263, %dma_wait3A_1270] : memref<2x10240x64xf32, #tpu.memory_space<hbm>> -> memref<1x64x64xf32, #tpu.memory_space<hbm>>
    %dma_wait3A_1272 = tpu.memref_squeeze %dma_wait3A_1271 : memref<1x64x64xf32, #tpu.memory_space<hbm>> -> memref<64x64xf32, #tpu.memory_space<hbm>>
    %dma_wait3A_1273 = arith.constant 0 : i32
    %dma_wait3A_1274 = arith.constant 0 : i32
    %dma_wait3A_1275 = tpu.memref_slice %arg11[%dma_wait3A_1273, %dma_wait3A_1274] : memref<96x64xf32, #tpu.memory_space<vmem>> -> memref<64x64xf32, #tpu.memory_space<vmem>>
    tpu.wait_dma2 semaphore(%arg17 : memref<!tpu.dma_semaphore, #tpu.memory_space<semaphore_mem>>) src(%dma_wait3A_1275 : memref<64x64xf32, #tpu.memory_space<vmem>>) dst(%dma_wait3A_1272 : memref<64x64xf32, #tpu.memory_space<hbm>>)
    "tpu.region"() ({
      %run_scoped3A = tpu.sem_alloc : memref<!tpu.dma_semaphore, #tpu.memory_space<semaphore_mem>>
      %dma_start3A_1320 = arith.constant 0 : i32
      %dma_start3A_1321 = arith.constant 0 : i32
      %dma_start3A_1322 = tpu.memref_slice %arg11[%dma_start3A_1320, %dma_start3A_1321] : memref<96x64xf32, #tpu.memory_space<vmem>> -> memref<64x64xf32, #tpu.memory_space<vmem>>
      %dma_start3A_1323 = arith.constant 0 : i32
      %dma_start3A_1324 = tpu.memref_slice %arg15[%add3A_1259, %dma_start3A_1323] : memref<10240x64xf32, #tpu.memory_space<vmem_shared>> -> memref<64x64xf32, #tpu.memory_space<vmem_shared>>
      %dma_start3A_1325 = arith.constant 0 : i32
      %dma_start3A_1326 = arith.constant 0 : i32
      %dma_start3A_1327 = tpu.memref_slice %arg11[%dma_start3A_1325, %dma_start3A_1326] : memref<96x64xf32, #tpu.memory_space<vmem>> -> memref<64x64xf32, #tpu.memory_space<vmem>>
      %dma_start3A_1328 = arith.constant 0 : i32
      %dma_start3A_1329 = tpu.memref_slice %arg15[%add3A_1259, %dma_start3A_1328] : memref<10240x64xf32, #tpu.memory_space<vmem_shared>> -> memref<64x64xf32, #tpu.memory_space<vmem_shared>>
      tpu.enqueue_dma source(%dma_start3A_1329 : memref<64x64xf32, #tpu.memory_space<vmem_shared>>) target(%dma_start3A_1327 : memref<64x64xf32, #tpu.memory_space<vmem>>) target_semaphore(%run_scoped3A : memref<!tpu.dma_semaphore, #tpu.memory_space<semaphore_mem>>)
      %dma_wait3A_1330 = arith.constant 0 : i32
      %dma_wait3A_1331 = arith.constant 0 : i32
      %dma_wait3A_1332 = tpu.memref_slice %arg11[%dma_wait3A_1330, %dma_wait3A_1331] : memref<96x64xf32, #tpu.memory_space<vmem>> -> memref<64x64xf32, #tpu.memory_space<vmem>>
      %dma_wait3A_1333 = arith.constant 0 : i32
      %dma_wait3A_1334 = tpu.memref_slice %arg15[%add3A_1259, %dma_wait3A_1333] : memref<10240x64xf32, #tpu.memory_space<vmem_shared>> -> memref<64x64xf32, #tpu.memory_space<vmem_shared>>
      %dma_wait3A_1335 = arith.constant 0 : i32
      %dma_wait3A_1336 = arith.constant 0 : i32
      %dma_wait3A_1337 = tpu.memref_slice %arg11[%dma_wait3A_1335, %dma_wait3A_1336] : memref<96x64xf32, #tpu.memory_space<vmem>> -> memref<64x64xf32, #tpu.memory_space<vmem>>
      %dma_wait3A_1338 = arith.constant 0 : i32
      %dma_wait3A_1339 = tpu.memref_slice %arg15[%add3A_1259, %dma_wait3A_1338] : memref<10240x64xf32, #tpu.memory_space<vmem_shared>> -> memref<64x64xf32, #tpu.memory_space<vmem_shared>>
      tpu.wait_dma2 semaphore(%run_scoped3A : memref<!tpu.dma_semaphore, #tpu.memory_space<semaphore_mem>>) src(%dma_wait3A_1339 : memref<64x64xf32, #tpu.memory_space<vmem_shared>>) dst(%dma_wait3A_1337 : memref<64x64xf32, #tpu.memory_space<vmem>>)
      tpu.yield
    }) : () -> ()
    %dma_start3A_1276 = arith.constant 0 : i32
    %dma_start3A_1277 = arith.constant 0 : i32
    %dma_start3A_1278 = tpu.memref_slice %arg11[%dma_start3A_1276, %dma_start3A_1277] : memref<96x64xf32, #tpu.memory_space<vmem>> -> memref<64x64xf32, #tpu.memory_space<vmem>>
    %dma_start3A_1279 = arith.constant 0 : i32
    %dma_start3A_1280 = tpu.memref_slice %arg7[%arg0, %add3A_1259, %dma_start3A_1279] : memref<2x10240x64xf32, #tpu.memory_space<hbm>> -> memref<1x64x64xf32, #tpu.memory_space<hbm>>
    %dma_start3A_1281 = tpu.memref_squeeze %dma_start3A_1280 : memref<1x64x64xf32, #tpu.memory_space<hbm>> -> memref<64x64xf32, #tpu.memory_space<hbm>>
    %dma_start3A_1282 = arith.constant 0 : i32
    %dma_start3A_1283 = tpu.memref_slice %arg7[%arg0, %add3A_1259, %dma_start3A_1282] : memref<2x10240x64xf32, #tpu.memory_space<hbm>> -> memref<1x64x64xf32, #tpu.memory_space<hbm>>
    %dma_start3A_1284 = tpu.memref_squeeze %dma_start3A_1283 : memref<1x64x64xf32, #tpu.memory_space<hbm>> -> memref<64x64xf32, #tpu.memory_space<hbm>>
    %dma_start3A_1285 = arith.constant 0 : i32
    %dma_start3A_1286 = arith.constant 0 : i32
    %dma_start3A_1287 = tpu.memref_slice %arg11[%dma_start3A_1285, %dma_start3A_1286] : memref<96x64xf32, #tpu.memory_space<vmem>> -> memref<64x64xf32, #tpu.memory_space<vmem>>
    tpu.enqueue_dma source(%dma_start3A_1287 : memref<64x64xf32, #tpu.memory_space<vmem>>) target(%dma_start3A_1284 : memref<64x64xf32, #tpu.memory_space<hbm>>) target_semaphore(%arg17 : memref<!tpu.dma_semaphore, #tpu.memory_space<semaphore_mem>>)
    %mul3A_1288 = arith.constant 640 : i32
    %mul3A_1289 = arith.muli %arg1, %mul3A_1288 : i32
    %add3A_1290 = arith.constant 512 : i32
    %add3A_1291 = arith.addi %mul3A_1289, %add3A_1290 : i32
    %dma_wait3A_1292 = arith.constant 0 : i32
    %dma_wait3A_1293 = arith.constant 0 : i32
    %dma_wait3A_1294 = tpu.memref_slice %arg10[%dma_wait3A_1292, %dma_wait3A_1293] : memref<96x64xf32, #tpu.memory_space<vmem>> -> memref<64x64xf32, #tpu.memory_space<vmem>>
    %dma_wait3A_1295 = arith.constant 0 : i32
    %dma_wait3A_1296 = tpu.memref_slice %arg7[%arg0, %add3A_1291, %dma_wait3A_1295] : memref<2x10240x64xf32, #tpu.memory_space<hbm>> -> memref<1x64x64xf32, #tpu.memory_space<hbm>>
    %dma_wait3A_1297 = tpu.memref_squeeze %dma_wait3A_1296 : memref<1x64x64xf32, #tpu.memory_space<hbm>> -> memref<64x64xf32, #tpu.memory_space<hbm>>
    %dma_wait3A_1298 = arith.constant 0 : i32
    %dma_wait3A_1299 = tpu.memref_slice %arg7[%arg0, %add3A_1291, %dma_wait3A_1298] : memref<2x10240x64xf32, #tpu.memory_space<hbm>> -> memref<1x64x64xf32, #tpu.memory_space<hbm>>
    %dma_wait3A_1300 = tpu.memref_squeeze %dma_wait3A_1299 : memref<1x64x64xf32, #tpu.memory_space<hbm>> -> memref<64x64xf32, #tpu.memory_space<hbm>>
    %dma_wait3A_1301 = arith.constant 0 : i32
    %dma_wait3A_1302 = arith.constant 0 : i32
    %dma_wait3A_1303 = tpu.memref_slice %arg10[%dma_wait3A_1301, %dma_wait3A_1302] : memref<96x64xf32, #tpu.memory_space<vmem>> -> memref<64x64xf32, #tpu.memory_space<vmem>>
    tpu.wait_dma2 semaphore(%arg16 : memref<!tpu.dma_semaphore, #tpu.memory_space<semaphore_mem>>) src(%dma_wait3A_1303 : memref<64x64xf32, #tpu.memory_space<vmem>>) dst(%dma_wait3A_1300 : memref<64x64xf32, #tpu.memory_space<hbm>>)
    %mul3A_1304 = arith.constant 640 : i32
    %mul3A_1305 = arith.muli %arg1, %mul3A_1304 : i32
    %add3A_1306 = arith.constant 576 : i32
    %add3A_1307 = arith.addi %mul3A_1305, %add3A_1306 : i32
    %dma_wait3A_1308 = arith.constant 0 : i32
    %dma_wait3A_1309 = arith.constant 0 : i32
    %dma_wait3A_1310 = tpu.memref_slice %arg11[%dma_wait3A_1308, %dma_wait3A_1309] : memref<96x64xf32, #tpu.memory_space<vmem>> -> memref<64x64xf32, #tpu.memory_space<vmem>>
    %dma_wait3A_1311 = arith.constant 0 : i32
    %dma_wait3A_1312 = tpu.memref_slice %arg7[%arg0, %add3A_1307, %dma_wait3A_1311] : memref<2x10240x64xf32, #tpu.memory_space<hbm>> -> memref<1x64x64xf32, #tpu.memory_space<hbm>>
    %dma_wait3A_1313 = tpu.memref_squeeze %dma_wait3A_1312 : memref<1x64x64xf32, #tpu.memory_space<hbm>> -> memref<64x64xf32, #tpu.memory_space<hbm>>
    %dma_wait3A_1314 = arith.constant 0 : i32
    %dma_wait3A_1315 = tpu.memref_slice %arg7[%arg0, %add3A_1307, %dma_wait3A_1314] : memref<2x10240x64xf32, #tpu.memory_space<hbm>> -> memref<1x64x64xf32, #tpu.memory_space<hbm>>
    %dma_wait3A_1316 = tpu.memref_squeeze %dma_wait3A_1315 : memref<1x64x64xf32, #tpu.memory_space<hbm>> -> memref<64x64xf32, #tpu.memory_space<hbm>>
    %dma_wait3A_1317 = arith.constant 0 : i32
    %dma_wait3A_1318 = arith.constant 0 : i32
    %dma_wait3A_1319 = tpu.memref_slice %arg11[%dma_wait3A_1317, %dma_wait3A_1318] : memref<96x64xf32, #tpu.memory_space<vmem>> -> memref<64x64xf32, #tpu.memory_space<vmem>>
    tpu.wait_dma2 semaphore(%arg17 : memref<!tpu.dma_semaphore, #tpu.memory_space<semaphore_mem>>) src(%dma_wait3A_1319 : memref<64x64xf32, #tpu.memory_space<vmem>>) dst(%dma_wait3A_1316 : memref<64x64xf32, #tpu.memory_space<hbm>>)
    return
  }
}

module attributes {stable_mosaic.version = 14 : i64} {
  func.func @_tc1_body(%arg0: i32, %arg1: memref<1024x128xf32, #tpu.memory_space<vmem>>, %arg2: memref<128x128xf32, #tpu.memory_space<vmem>>, %arg3: memref<1x128xf32, #tpu.memory_space<vmem>>, %arg4: memref<128x128xf32, #tpu.memory_space<vmem>>, %arg5: memref<1x128xf32, #tpu.memory_space<vmem>>, %arg6: memref<32x1024xf32, #tpu.memory_space<vmem>>, %arg7: memref<32x512xf32, #tpu.memory_space<vmem>>, %arg8: memref<1024x128xf32, #tpu.memory_space<vmem>>, %arg9: memref<2x1024x64xf32, #tpu.memory_space<vmem>>, %arg10: memref<512x64xf32, #tpu.memory_space<vmem>>) attributes {dimension_semantics = [#tpu.dimension_semantics<arbitrary>], iteration_bounds = array<i64: 10>, scalar_prefetch = 0 : i64, scratch_operands = 0 : i64, tpu.core_type = #tpu.core_type<tc>, window_params = [{transform_indices = @transform_0, window_bounds = array<i64: 1024, 128>}, {pipeline_mode = #tpu.pipeline_mode<synchronous>, transform_indices = @transform_1, window_bounds = array<i64: 128, 128>}, {pipeline_mode = #tpu.pipeline_mode<synchronous>, transform_indices = @transform_2, window_bounds = array<i64: 1, 128>}, {pipeline_mode = #tpu.pipeline_mode<synchronous>, transform_indices = @transform_3, window_bounds = array<i64: 128, 128>}, {pipeline_mode = #tpu.pipeline_mode<synchronous>, transform_indices = @transform_4, window_bounds = array<i64: 1, 128>}, {transform_indices = @transform_5, window_bounds = array<i64: 32, 1024>}, {transform_indices = @transform_6, window_bounds = array<i64: 32, 512>}, {transform_indices = @transform_7, window_bounds = array<i64: 1024, 128>}, {transform_indices = @transform_8, window_bounds = array<i64: 2, 1024, 64>}, {transform_indices = @transform_9, window_bounds = array<i64: 512, 64>}]} {
    %get3A = arith.constant 0 : index
    %get3A_0 = arith.constant 0 : index
    %get3A_1 = vector.load %arg1[%get3A, %get3A_0] : memref<1024x128xf32, #tpu.memory_space<vmem>>, vector<1024x128xf32>
    %get3A_2 = arith.constant 0 : index
    %get3A_3 = arith.constant 0 : index
    %get3A_4 = vector.load %arg2[%get3A_2, %get3A_3] : memref<128x128xf32, #tpu.memory_space<vmem>>, vector<128x128xf32>
    %dot_general3A = arith.constant dense<0.000000e+00> : vector<1024x128xf32>
    %dot_general3A_5 = tpu.matmul %get3A_1, %get3A_4, %dot_general3A {dimension_numbers = #tpu.dot_dimension_numbers<[1], [1], [0], [0], [0, 0, 1, 0], [], []>, transpose_lhs_hint = false} : vector<1024x128xf32>, vector<128x128xf32>, vector<1024x128xf32> -> vector<1024x128xf32>
    %get3A_6 = arith.constant 0 : index
    %get3A_7 = arith.constant 0 : index
    %get3A_8 = vector.load %arg3[%get3A_6, %get3A_7] : memref<1x128xf32, #tpu.memory_space<vmem>>, vector<1x128xf32>
    %add3A = vector.broadcast %get3A_8 : vector<1x128xf32> to vector<1024x128xf32>
    %add3A_9 = arith.addf %dot_general3A_5, %add3A : vector<1024x128xf32>
    %ge3A = arith.constant 0.000000e+00 : f32
    %ge3A_10 = vector.broadcast %ge3A : f32 to vector<1024x128xf32>
    %ge3A_11 = arith.cmpf oge, %add3A_9, %ge3A_10 : vector<1024x128xf32>
    %mul3A = arith.constant 2.000000e-01 : f32
    %mul3A_12 = vector.broadcast %mul3A : f32 to vector<1024x128xf32>
    %mul3A_13 = arith.mulf %mul3A_12, %add3A_9 : vector<1024x128xf32>
    %select_n3A = arith.select %ge3A_11, %add3A_9, %mul3A_13 : vector<1024x128xi1>, vector<1024x128xf32>
    %get3A_14 = arith.constant 0 : index
    %get3A_15 = arith.constant 0 : index
    %get3A_16 = vector.load %arg4[%get3A_14, %get3A_15] : memref<128x128xf32, #tpu.memory_space<vmem>>, vector<128x128xf32>
    %dot_general3A_17 = arith.constant dense<0.000000e+00> : vector<1024x128xf32>
    %dot_general3A_18 = tpu.matmul %select_n3A, %get3A_16, %dot_general3A_17 {dimension_numbers = #tpu.dot_dimension_numbers<[1], [1], [0], [0], [0, 0, 1, 0], [], []>, transpose_lhs_hint = false} : vector<1024x128xf32>, vector<128x128xf32>, vector<1024x128xf32> -> vector<1024x128xf32>
    %get3A_19 = arith.constant 0 : index
    %get3A_20 = arith.constant 0 : index
    %get3A_21 = vector.load %arg5[%get3A_19, %get3A_20] : memref<1x128xf32, #tpu.memory_space<vmem>>, vector<1x128xf32>
    %add3A_22 = vector.broadcast %get3A_21 : vector<1x128xf32> to vector<1024x128xf32>
    %add3A_23 = arith.addf %dot_general3A_18, %add3A_22 : vector<1024x128xf32>
    %get3A_24 = arith.constant 0 : index
    %get3A_25 = arith.constant 0 : index
    %get3A_26 = vector.load %arg6[%get3A_24, %get3A_25] : memref<32x1024xf32, #tpu.memory_space<vmem>>, vector<32x1024xf32>
    %reduce_sum3A = arith.constant dense<0.000000e+00> : vector<1024xf32>
    %reduce_sum3A_27 = vector.multi_reduction <add>, %get3A_26, %reduce_sum3A [0] : vector<32x1024xf32> to vector<1024xf32>
    %gt3A = arith.constant 0.000000e+00 : f32
    %gt3A_28 = vector.broadcast %gt3A : f32 to vector<1024xf32>
    %gt3A_29 = arith.cmpf ogt, %reduce_sum3A_27, %gt3A_28 : vector<1024xf32>
    %rsqrt3A = math.rsqrt %reduce_sum3A_27 : vector<1024xf32>
    %jit3A = arith.constant 0.000000e+00 : f32
    %broadcast_in_dim3A = vector.broadcast %jit3A : f32 to vector<1024xf32>
    %select_n3A_30 = arith.select %gt3A_29, %rsqrt3A, %broadcast_in_dim3A : vector<1024xi1>, vector<1024xf32>
    %swap3A = arith.constant 0 : index
    %swap3A_31 = arith.constant 0 : index
    %swap3A_32 = vector.load %arg8[%swap3A, %swap3A_31] : memref<1024x128xf32, #tpu.memory_space<vmem>>, vector<1024x128xf32>
    tpu.vector_store %arg8[%swap3A, %swap3A_31], %add3A_23 {strides = array<i32>} : memref<1024x128xf32, #tpu.memory_space<vmem>>, vector<1024x128xf32>,
    %broadcast_in_dim3A_33 = vector.shape_cast %select_n3A_30 : vector<1024xf32> to vector<1024x1xf32>
    %mul3A_34 = vector.broadcast %broadcast_in_dim3A_33 : vector<1024x1xf32> to vector<1024x128xf32>
    %mul3A_35 = arith.mulf %add3A_23, %mul3A_34 : vector<1024x128xf32>
    %slice3A = vector.extract_strided_slice %mul3A_35 {offsets = [0, 0], sizes = [1024, 64], strides = [1, 1]} : vector<1024x128xf32> to vector<1024x64xf32>
    %swap3A_36 = arith.constant 0 : index
    %swap3A_37 = arith.constant 0 : index
    %swap3A_38 = arith.constant 0 : index
    %swap3A_39 = vector.load %arg9[%swap3A_36, %swap3A_37, %swap3A_38] : memref<2x1024x64xf32, #tpu.memory_space<vmem>>, vector<1x1024x64xf32>
    %swap3A_40 = vector.shape_cast %swap3A_39 : vector<1x1024x64xf32> to vector<1024x64xf32>
    %swap3A_41 = vector.shape_cast %slice3A : vector<1024x64xf32> to vector<1x1024x64xf32>
    tpu.vector_store %arg9[%swap3A_36, %swap3A_37, %swap3A_38], %swap3A_41 {strides = array<i32>} : memref<2x1024x64xf32, #tpu.memory_space<vmem>>, vector<1x1024x64xf32>,
    %slice3A_42 = vector.extract_strided_slice %mul3A_35 {offsets = [0, 64], sizes = [1024, 64], strides = [1, 1]} : vector<1024x128xf32> to vector<1024x64xf32>
    %swap3A_43 = arith.constant 1 : index
    %swap3A_44 = arith.constant 0 : index
    %swap3A_45 = arith.constant 0 : index
    %swap3A_46 = vector.load %arg9[%swap3A_43, %swap3A_44, %swap3A_45] : memref<2x1024x64xf32, #tpu.memory_space<vmem>>, vector<1x1024x64xf32>
    %swap3A_47 = vector.shape_cast %swap3A_46 : vector<1x1024x64xf32> to vector<1024x64xf32>
    %swap3A_48 = vector.shape_cast %slice3A_42 : vector<1024x64xf32> to vector<1x1024x64xf32>
    tpu.vector_store %arg9[%swap3A_43, %swap3A_44, %swap3A_45], %swap3A_48 {strides = array<i32>} : memref<2x1024x64xf32, #tpu.memory_space<vmem>>, vector<1x1024x64xf32>,
    %get3A_49 = arith.constant 0 : index
    %get3A_50 = arith.constant 0 : index
    %get3A_51 = vector.load %arg7[%get3A_49, %get3A_50] : memref<32x512xf32, #tpu.memory_space<vmem>>, vector<32x512xf32>
    %reduce_sum3A_52 = arith.constant dense<0.000000e+00> : vector<512xf32>
    %reduce_sum3A_53 = vector.multi_reduction <add>, %get3A_51, %reduce_sum3A_52 [0] : vector<32x512xf32> to vector<512xf32>
    %gt3A_54 = arith.constant 0.000000e+00 : f32
    %gt3A_55 = vector.broadcast %gt3A_54 : f32 to vector<512xf32>
    %gt3A_56 = arith.cmpf ogt, %reduce_sum3A_53, %gt3A_55 : vector<512xf32>
    %div3A = arith.constant 1.000000e+00 : f32
    %div3A_57 = vector.broadcast %div3A : f32 to vector<512xf32>
    %div3A_58 = arith.divf %div3A_57, %reduce_sum3A_53 : vector<512xf32>
    %jit3A_59 = arith.constant 0.000000e+00 : f32
    %broadcast_in_dim3A_60 = vector.broadcast %jit3A_59 : f32 to vector<512xf32>
    %select_n3A_61 = arith.select %gt3A_56, %div3A_58, %broadcast_in_dim3A_60 : vector<512xi1>, vector<512xf32>
    %broadcast_in_dim3A_62 = vector.shape_cast %select_n3A_61 : vector<512xf32> to vector<512x1xf32>
    %broadcast_in_dim3A_63 = vector.shape_cast %broadcast_in_dim3A_62 : vector<512x1xf32> to vector<512x1xf32>
    %broadcast_in_dim3A_64 = vector.broadcast %broadcast_in_dim3A_63 : vector<512x1xf32> to vector<512x64xf32>
    %swap3A_65 = arith.constant 0 : index
    %swap3A_66 = arith.constant 0 : index
    %swap3A_67 = vector.load %arg10[%swap3A_65, %swap3A_66] : memref<512x64xf32, #tpu.memory_space<vmem>>, vector<512x64xf32>
    tpu.vector_store %arg10[%swap3A_65, %swap3A_66], %broadcast_in_dim3A_64 {strides = array<i32>} : memref<512x64xf32, #tpu.memory_space<vmem>>, vector<512x64xf32>,
    return
  }
  func.func @transform_0(%arg0: i32) -> (i32, i32) {
    %c0_i32 = arith.constant 0 : i32
    %c0_i32_0 = arith.constant 0 : i32
    return %arg0, %c0_i32 : i32, i32
  }
  func.func @transform_1(%arg0: i32) -> (i32, i32) {
    %c0_i32 = arith.constant 0 : i32
    %c0_i32_0 = arith.constant 0 : i32
    %c0_i32_1 = arith.constant 0 : i32
    return %c0_i32, %c0_i32_0 : i32, i32
  }
  func.func @transform_2(%arg0: i32) -> (i32, i32) {
    %c0_i32 = arith.constant 0 : i32
    %c0_i32_0 = arith.constant 0 : i32
    %c0_i32_1 = arith.constant 0 : i32
    return %c0_i32, %c0_i32_0 : i32, i32
  }
  func.func @transform_3(%arg0: i32) -> (i32, i32) {
    %c0_i32 = arith.constant 0 : i32
    %c0_i32_0 = arith.constant 0 : i32
    %c0_i32_1 = arith.constant 0 : i32
    return %c0_i32, %c0_i32_0 : i32, i32
  }
  func.func @transform_4(%arg0: i32) -> (i32, i32) {
    %c0_i32 = arith.constant 0 : i32
    %c0_i32_0 = arith.constant 0 : i32
    %c0_i32_1 = arith.constant 0 : i32
    return %c0_i32, %c0_i32_0 : i32, i32
  }
  func.func @transform_5(%arg0: i32) -> (i32, i32) {
    %c0_i32 = arith.constant 0 : i32
    %c0_i32_0 = arith.constant 0 : i32
    return %c0_i32, %arg0 : i32, i32
  }
  func.func @transform_6(%arg0: i32) -> (i32, i32) {
    %c0_i32 = arith.constant 0 : i32
    %c0_i32_0 = arith.constant 0 : i32
    return %c0_i32, %arg0 : i32, i32
  }
  func.func @transform_7(%arg0: i32) -> (i32, i32) {
    %c0_i32 = arith.constant 0 : i32
    %c0_i32_0 = arith.constant 0 : i32
    return %arg0, %c0_i32 : i32, i32
  }
  func.func @transform_8(%arg0: i32) -> (i32, i32, i32) {
    %c0_i32 = arith.constant 0 : i32
    %c0_i32_0 = arith.constant 0 : i32
    %c0_i32_1 = arith.constant 0 : i32
    return %c0_i32, %arg0, %c0_i32_0 : i32, i32, i32
  }
  func.func @transform_9(%arg0: i32) -> (i32, i32) {
    %c0_i32 = arith.constant 0 : i32
    %c0_i32_0 = arith.constant 0 : i32
    return %arg0, %c0_i32 : i32, i32
  }
}

module attributes {stable_mosaic.version = 14 : i64} {
  func.func @_tc3_body(%arg0: i32, %arg1: memref<2x1024x64xf32, #tpu.memory_space<vmem>>, %arg2: memref<32x1024xf32, #tpu.memory_space<vmem>>, %arg3: memref<1024x128xf32, #tpu.memory_space<vmem>>, %arg4: memref<1024x128xf32, #tpu.memory_space<vmem>>) attributes {dimension_semantics = [#tpu.dimension_semantics<arbitrary>], iteration_bounds = array<i64: 10>, scalar_prefetch = 0 : i64, scratch_operands = 0 : i64, tpu.core_type = #tpu.core_type<tc>, window_params = [{transform_indices = @transform_0, window_bounds = array<i64: 2, 1024, 64>}, {transform_indices = @transform_1, window_bounds = array<i64: 32, 1024>}, {transform_indices = @transform_2, window_bounds = array<i64: 1024, 128>}, {transform_indices = @transform_3, window_bounds = array<i64: 1024, 128>}]} {
    %get3A = arith.constant 0 : index
    %get3A_0 = arith.constant 0 : index
    %get3A_1 = arith.constant 0 : index
    %get3A_2 = vector.load %arg1[%get3A, %get3A_0, %get3A_1] : memref<2x1024x64xf32, #tpu.memory_space<vmem>>, vector<1x1024x64xf32>
    %get3A_3 = vector.shape_cast %get3A_2 : vector<1x1024x64xf32> to vector<1024x64xf32>
    %get3A_4 = arith.constant 1 : index
    %get3A_5 = arith.constant 0 : index
    %get3A_6 = arith.constant 0 : index
    %get3A_7 = vector.load %arg1[%get3A_4, %get3A_5, %get3A_6] : memref<2x1024x64xf32, #tpu.memory_space<vmem>>, vector<1x1024x64xf32>
    %get3A_8 = vector.shape_cast %get3A_7 : vector<1x1024x64xf32> to vector<1024x64xf32>
    %concatenate3A = tpu.concatenate %get3A_3, %get3A_8 in 1 : vector<1024x64xf32>, vector<1024x64xf32> -> vector<1024x128xf32>
    %get3A_9 = arith.constant 0 : index
    %get3A_10 = arith.constant 0 : index
    %get3A_11 = vector.load %arg2[%get3A_9, %get3A_10] : memref<32x1024xf32, #tpu.memory_space<vmem>>, vector<32x1024xf32>
    %reduce_sum3A = arith.constant dense<0.000000e+00> : vector<1024xf32>
    %reduce_sum3A_12 = vector.multi_reduction <add>, %get3A_11, %reduce_sum3A [0] : vector<32x1024xf32> to vector<1024xf32>
    %gt3A = arith.constant 0.000000e+00 : f32
    %gt3A_13 = vector.broadcast %gt3A : f32 to vector<1024xf32>
    %gt3A_14 = arith.cmpf ogt, %reduce_sum3A_12, %gt3A_13 : vector<1024xf32>
    %rsqrt3A = math.rsqrt %reduce_sum3A_12 : vector<1024xf32>
    %jit3A = arith.constant 0.000000e+00 : f32
    %broadcast_in_dim3A = vector.broadcast %jit3A : f32 to vector<1024xf32>
    %select_n3A = arith.select %gt3A_14, %rsqrt3A, %broadcast_in_dim3A : vector<1024xi1>, vector<1024xf32>
    %broadcast_in_dim3A_15 = vector.shape_cast %select_n3A : vector<1024xf32> to vector<1024x1xf32>
    %mul3A = vector.broadcast %broadcast_in_dim3A_15 : vector<1024x1xf32> to vector<1024x128xf32>
    %mul3A_16 = arith.mulf %concatenate3A, %mul3A : vector<1024x128xf32>
    %get3A_17 = arith.constant 0 : index
    %get3A_18 = arith.constant 0 : index
    %get3A_19 = vector.load %arg3[%get3A_17, %get3A_18] : memref<1024x128xf32, #tpu.memory_space<vmem>>, vector<1024x128xf32>
    %add3A = arith.addf %mul3A_16, %get3A_19 : vector<1024x128xf32>
    %max3A = arith.constant 0.000000e+00 : f32
    %max3A_20 = vector.broadcast %max3A : f32 to vector<1024x128xf32>
    %max3A_21 = arith.maximumf %add3A, %max3A_20 : vector<1024x128xf32>
    %swap3A = arith.constant 0 : index
    %swap3A_22 = arith.constant 0 : index
    %swap3A_23 = vector.load %arg4[%swap3A, %swap3A_22] : memref<1024x128xf32, #tpu.memory_space<vmem>>, vector<1024x128xf32>
    tpu.vector_store %arg4[%swap3A, %swap3A_22], %max3A_21 {strides = array<i32>} : memref<1024x128xf32, #tpu.memory_space<vmem>>, vector<1024x128xf32>,
    return
  }
  func.func @transform_0(%arg0: i32) -> (i32, i32, i32) {
    %c0_i32 = arith.constant 0 : i32
    %c0_i32_0 = arith.constant 0 : i32
    %c0_i32_1 = arith.constant 0 : i32
    return %c0_i32, %arg0, %c0_i32_0 : i32, i32, i32
  }
  func.func @transform_1(%arg0: i32) -> (i32, i32) {
    %c0_i32 = arith.constant 0 : i32
    %c0_i32_0 = arith.constant 0 : i32
    return %c0_i32, %arg0 : i32, i32
  }
  func.func @transform_2(%arg0: i32) -> (i32, i32) {
    %c0_i32 = arith.constant 0 : i32
    %c0_i32_0 = arith.constant 0 : i32
    return %arg0, %c0_i32 : i32, i32
  }
  func.func @transform_3(%arg0: i32) -> (i32, i32) {
    %c0_i32 = arith.constant 0 : i32
    %c0_i32_0 = arith.constant 0 : i32
    return %arg0, %c0_i32 : i32, i32
  }
}

</mosaic_0001>

<sc_bundles>
// kernel: kernel.6.cloned.1.call-start
scs
__scs_entry_jumppad:
0x0: {  	(pc) =	sbr.rel $0x88, $3  }
0x1: {  	(tag) =	ssettag $0x0;
	lr =	simm.s32 $0x1  }
0x2: {  	[smem:$0x3F9A] =	sst lr;
	_ =	strace $0xD0000000  }
0x3: {  	_ = 	snop  }
0x4: {  	_ = 	snop  }
0x5: {  	_ = 	snop  }
0x6: {  	_ = 	snop  }
0x7: {  	_ = 	snop  }
__scs_overlays_trampoline_lowered:
0x8: {  	[smem:$0x3FA9] =	sst s0  }
0x9: {  	[smem:$0x3FAA] =	sst s1  }
0xa: {  	[smem:$0x3FAB] =	sst s2  }
0xb: {  	[smem:$0x3FAC] =	sst s3  }
0xc: {  	[smem:$0x3FAD] =	sst s4  }
0xd: {  	[smem:$0x3FAE] =	sst s5  }
0xe: {  	[smem:$0x3FAF] =	sst s6  }
0xf: {  	[smem:$0x3FB0] =	sst s7  }
0x10: {  	[smem:$0x3FB1] =	sst s8  }
0x11: {  	[smem:$0x3FB2] =	sst s9;
	s0 =	simm.s32 @!p0 $0x0  }
0x12: {  	s1 =	sld [smem:$0x3F98];
	s0 =	simm.s32 @p0 $0x1  }
0x13: {  	[smem:$0x3FB3] =	sst s0;
	s0 =	simm.s32 @!p1 $0x0  }
0x14: {  	s2 =	sld [smem:$0x3F97];
	s0 =	simm.s32 @p1 $0x1  }
0x15: {  	[smem:$0x3FB4] =	sst s0;
	s0 =	simm.s32 @!p2 $0x0  }
0x16: {  	s3 =	sld [smem:$0x3FDB];
	s0 =	simm.s32 @p2 $0x1  }
0x17: {  	s4 =	simm.s32 $0x1BF5;
	[smem:$0x3FB6] =	sst s0  }
0x18: {  	s0 =	sld [smem:$0x3F99];
	_ =	swait.ge [sflag:s4], $0x0  }
0x19: {  	s7 =	sld [smem:$0x3F9A]  }
0x1a: {  	s8 =	sadd.s32 $0xFFFFE003, lr  }
0x1b: {  	s9 =	sadd.s32 $0xFFFFFEF7, lr;
	s5 =	simm.s32 $0xFFFFFFFF;
	p2 =	slt.u32 s8, $0xFFFFF086  }
0x1c: {  	p1 =	slt.u32 s9, $0xF7A;
	s5 =	simm.s32 @!p2 $0x0  }
0x1d: {  	s5 =	simm.s32 @p1 $0x1;
	p0 =	seq.s32 s7, s2  }
0x1e: {  	s7 =	smul.u32 @!p0 $0xF7A, s2;
	p2 =	seq.s32 @!p0 s5, $0x0  }
0x1f: {  	s9 =	smul.u32 $0xF7A, s1;
	s8 =	simm.s32 @!p0 $0x1BF5;
	p2 =	por !p2, p0  }
0x20: {  	[sflag:s8] =	ssyncset.s32 @!p0 $0xFFFFF086;
	s6 =	sadd.s32 @!p0 s3, s7;
	s7 =	simm.s32 @!p0 $0x108  }
0x21: {  	s3 =	sadd.s32 s3, s9;
	s6 =	sadd.s32 @!p0 $0x88, s6;
	s7 =	simm.s32 @p2 $0x1082  }
0x22: {  	[simem:s7], [sflag:s8] =	dma.local @!p0 [hbm:s6], $0xF7A  }
0x23: {  	s9 =	sor.u32 $0xD0000000, s2;
	s6 =	simm.s32 $0x108;
	_ =	swait.ge @!p0 [sflag:s8], $0x0  }
0x24: {  	s3 =	sadd.s32 $0x88, s3;
	s6 =	simm.s32 @!p1 $0x1082;
	[sflag:s4] =	ssyncset.s32 $0xFFFFF086  }
0x25: {  	[simem:s6], [sflag:s4] =	dma.local [hbm:s3], $0xF7A  }
0x26: {  	[smem:$0x3F9A] =	sst s1;
	(tag) =	ssettag s2;
	_ =	strace s9  }
0x27: {  	s1 =	sld [smem:$0x3FAA]  }
0x28: {  	s2 =	sld [smem:$0x3FAB]  }
0x29: {  	s4 =	sld [smem:$0x3FAD]  }
0x2a: {  	p0 =	seq.s32 s5, $0x0;
	s5 =	sld [smem:$0x3FAE]  }
0x2b: {  	s6 =	sld [smem:$0x3FAF]  }
0x2c: {  	s7 =	sld [smem:$0x3FB0]  }
0x2d: {  	s3 =	simm.s32 $0x108;
	s8 =	sld [smem:$0x3FB1]  }
0x2e: {  	s3 =	simm.s32 @!p0 $0x1082;
	s9 =	sld [smem:$0x3FB2]  }
0x2f: {  	lr =	sadd.s32 s0, s3;
	s0 =	sld [smem:$0x3FA9]  }
0x30: {  	s3 =	sld [smem:$0x3FAC]  }
0x31: {  	[smem:$0x3FB5] =	sst s10  }
0x32: {  	s10 =	sld [smem:$0x3FB3];
	_ =	sdelay $0x3  }
0x33: {  	p0 =	seq.s32 s10, $0x1;
	s10 =	sld [smem:$0x3FB5];
	_ =	sdelay $0x3  }
0x34: {  	[smem:$0x3FB5] =	sst s10  }
0x35: {  	s10 =	sld [smem:$0x3FB4];
	_ =	sdelay $0x3  }
0x36: {  	p1 =	seq.s32 s10, $0x1;
	s10 =	sld [smem:$0x3FB5];
	_ =	sdelay $0x3  }
0x37: {  	[smem:$0x3FB5] =	sst s10  }
0x38: {  	s10 =	sld [smem:$0x3FB6]  }
0x39: {  	_ = 	snop;
	(pc) =	sbr.ind lr, $3  }
0x3a: {  	_ = 	snop  }
0x3b: {  	_ = 	snop  }
0x3c: {  	p2 =	seq.s32 s10, $0x1;
	s10 =	sld [smem:$0x3FB5]  }
0x3d: {  	_ =	shalt  }
0x3e: {  	_ =	shalt  }
0x3f: {  	_ =	shalt  }
0x40: {  	_ =	shalt  }
0x41: {  	_ =	shalt  }
0x42: {  	_ =	shalt  }
0x43: {  	_ =	shalt  }
0x44: {  	_ =	shalt  }
0x45: {  	_ =	shalt  }
0x46: {  	_ =	shalt  }
0x47: {  	_ =	shalt  }
0x48: {  	_ =	shalt  }
0x49: {  	_ =	shalt  }
0x4a: {  	_ =	shalt  }
0x4b: {  	_ =	shalt  }
0x4c: {  	_ =	shalt  }
0x4d: {  	_ =	shalt  }
0x4e: {  	_ =	shalt  }
0x4f: {  	_ =	shalt  }
0x50: {  	_ =	shalt  }
0x51: {  	_ =	shalt  }
0x52: {  	_ =	shalt  }
0x53: {  	_ =	shalt  }
0x54: {  	_ =	shalt  }
0x55: {  	_ =	shalt  }
0x56: {  	_ =	shalt  }
0x57: {  	_ =	shalt  }
0x58: {  	_ =	shalt  }
0x59: {  	_ =	shalt  }
0x5a: {  	_ =	shalt  }
0x5b: {  	_ =	shalt  }
0x5c: {  	_ =	shalt  }
0x5d: {  	_ =	shalt  }
0x5e: {  	_ =	shalt  }
0x5f: {  	_ =	shalt  }
0x60: {  	_ =	shalt  }
0x61: {  	_ =	shalt  }
0x62: {  	_ =	shalt  }
0x63: {  	_ =	shalt  }
0x64: {  	_ =	shalt  }
0x65: {  	_ =	shalt  }
0x66: {  	_ =	shalt  }
0x67: {  	_ =	shalt  }
0x68: {  	_ =	shalt  }
0x69: {  	_ =	shalt  }
0x6a: {  	_ =	shalt  }
0x6b: {  	_ =	shalt  }
0x6c: {  	_ =	shalt  }
0x6d: {  	_ =	shalt  }
0x6e: {  	_ =	shalt  }
0x6f: {  	_ =	shalt  }
0x70: {  	_ =	shalt  }
0x71: {  	_ =	shalt  }
0x72: {  	_ =	shalt  }
0x73: {  	_ =	shalt  }
0x74: {  	_ =	shalt  }
0x75: {  	_ =	shalt  }
0x76: {  	_ =	shalt  }
0x77: {  	_ =	shalt  }
0x78: {  	_ =	shalt  }
0x79: {  	_ =	shalt  }
0x7a: {  	_ =	shalt  }
0x7b: {  	_ =	shalt  }
0x7c: {  	_ =	shalt  }
0x7d: {  	_ =	shalt  }
0x7e: {  	_ =	shalt  }
0x7f: {  	_ =	shalt  }
0x80: {  	_ =	shalt  }
0x81: {  	_ =	shalt  }
0x82: {  	_ =	shalt  }
0x83: {  	_ =	shalt  }
0x84: {  	_ =	shalt  }
0x85: {  	_ =	shalt  }
0x86: {  	_ =	shalt  }
0x87: {  	_ =	shalt  }
.Lfunc_end0:
.L_simem_size_0:
called_computation_lowered:
.L_overlay_start_0:
0x88: {  	s2 =	sld [smem:$0x3FD9]  }
0x89: {  	s3 =	sld [smem:$0x3FFE];
	_ =	sdelay $0x1  }
0x8a: {  	s1 =	srdreg.scid  }
0x8b: {  	s0 =	sand.u32 $0x1, s1  }
0x8c: {  	s17 =	sshll.u32 s0, $0xA;
	s2 =	sadd.s32 s3, s2  }
0x8d: {  	s2 =	sadd.s32 s2, s17  }
0x8e: {  	[smem:$0x3FC1] =	sst s2  }
0x8f: {  	_ = 	snop  }
0x90: {  	s2 =	sld [smem:$0x3FD0];
	(tm) =	ssettm $0x1  }
0x91: {  	s18 =	sld [smem:$0x3FFB];
	_ =	sdelay $0x3  }
0x92: {  	_ =	strace s18  }
0x93: {  	s3 =	sld [smem:$0x3FFC];
	_ =	sdelay $0x3  }
0x94: {  	_ =	strace s3  }
0x95: {  	s3 =	sld [smem:$0x3FFD];
	_ =	sdelay $0x3  }
0x96: {  	_ =	strace s3  }
0x97: {  	_ =	strace $0x8FFFFFFF  }
0x98: {  	s19 =	sld [smem:$0x3FDB];
	_ =	sdelay $0x1  }
0x99: {  	s4 =	simm.s32 $_scs_section_size  }
0x9a: {  	s5 =	simm.s32 $_size__tile_overlayer_lowered;
	s6 =	simm.s32 $_tile_overlayer_lowered  }
0x9b: {  	s22 =	simm.s32 $0x1BFF;
	s21 =	sshll.u32 s6, $0x1;
	s3 =	sadd.s32 s4, s19  }
0x9c: {  	s7 =	simm.s32 $0x0;
	s20 =	sshll.u32 s5, $0x1;
	s5 =	sadd.s32 s21, s3  }
0x9d: {  	[timem:s7], [sflag:s22] =	dma.local [hbm:s5], s20  }
0x9e: {  	_ =	swait.ge [sflag:s22], s20  }
0x9f: {  	s4 =	ssub.s32 $0x0, s20;
	[sflag:s22] =	ssyncset.done $0x0  }
0xa0: {  	[sflag:s22] =	ssyncadd.s32 s4;
	_ =	sdelay $0x1  }
0xa1: {  	s23 =	simm.s32 $0x1B8B  }
0xa2: {  	_ =	swait.ge [sflag:s23], $0x1  }
0xa3: {  	[sflag:s23] =	ssyncset.done $0x0  }
0xa4: {  	s25 =	simm.s32 $0x1B8E;
	s24 =	sld [smem:$0x3FFE];
	[sflag:s23] =	ssyncadd.s32 $0xFFFFFFFF  }
0xa5: {  	s26 =	simm.s32 $execute0_lowered;
	[smem:$0x3FD2] =	sst s25  }
0xa6: {  	s5 =	sshll.u32 s26, $0x1;
	_ =	strace $0x80000046;
	[dreg:$0x1] =	wrdreg $0xFFFFFFFF  }
0xa7: {  	s28 =	simm.s32 $_size_execute0_lowered;
	s3 =	sadd.s32 s3, s5;
	[dreg:$0x0] =	wrdreg $0x0  }
0xa8: {  	s5 =	sshll.u32 s28, $0x1;
	[dreg:$0x2] =	wrdreg s3  }
0xa9: {  	[dreg:$0x3] =	wrdreg s5  }
0xaa: {  	[dreg:$0x4] =	wrdreg $0xC0  }
0xab: {  	_ =	task [dreg:s7], $0x5FFFF  }
0xac: {  	[dreg:$0x1] =	wrdreg $0xFFFFFFFF  }
0xad: {  	[dreg:$0x0] =	wrdreg $0x60  }
0xae: {  	[dreg:$0x2] =	wrdreg s2  }
0xaf: {  	[dreg:$0x3] =	wrdreg s24  }
0xb0: {  	[dreg:$0x4] =	wrdreg $0x9  }
0xb1: {  	_ =	task.clear_ibuf [dreg:s7], $0x5FFFF;
	_ =	strace $0x90000046  }
0xb2: {  	s29 =	simm.s32 $0x9;
	_ =	strace $0x80000048  }
0xb3: {  	_ =	swait.ge [sflag:s29], $0x1  }
0xb4: {  	[sflag:s29] =	ssyncadd.s32 $0xFFFFFFFF  }
0xb5: {  	_ =	strace $0x90000048  }
0xb6: {  	_ =	sfence  }
0xb7: {  	s30 =	sld [smem:$0x0];
	_ =	sdelay $0x2  }
0xb8: {  	s31 =	sshll.u32 s1, $0xD;
	s1 =	sshrl.u32 s1, $0x2  }
0xb9: {  	s3 =	sand.u32 $0x4000, s31;
	s1 =	sadd.s32 s1, s30  }
0xba: {  	s0 =	sor.u32 s3, s0;
	s1 =	sshll.u32 s1, $0x11  }
0xbb: {  	s0 =	sor.u32 s1, s0  }
0xbc: {  	s0 =	sadd.s32 $0x8F2B, s0  }
0xbd: {  	[sflag:s0] =	ssyncadd.remote.s32 $0x1  }
0xbe: {  	_ =	sfence.sel $0xFFFF  }
0xbf: {  	[dreg:$0x0] =	wrdreg $0xFFFFFFFF;
	(pc) =	sbr.abs _section_cstart, $3  }
0xc0: {  	[dreg:$0x1] =	wrdreg $0xFFFFFFFF  }
0xc1: {  	_ =	task.clear_ibuf [dreg:s7], $0x2FFFF;
	_ =	strace $0x9FFFFFFF  }
0xc2: {  	(tm) =	ssettm $0x7FFFFFFF  }
0xc3: {  	_ =	shalt  }
tec
execute0_lowered:
.L_overlay_start_1:
0x0: {  	(tag) =	ssettag $0x1  }
0x1: {  	s1 =	srdreg.scid;
	s4 =	rddreg [dreg:$0x0]  }
0x2: {  	s0 =	stileid.u32;
	s6 =	rddreg [dreg:$0x1]  }
0x3: {  	s2 =	simm.s32 $0x0;
	s12 =	simm.s32 $0x2A00;
	s13 =	simm.s32 $0x0  }
0x4: {  	s3 =	sand.u32 $0x1, s1;
	s5 =	smul.u32 $0x5400, s0;
	s1 =	rddreg [dreg:$0x2]  }
0x5: {  	s8 =	sshll.u32 s0, $0x1;
	[smem:$0x7FF] =	sst s2;
	s7 =	smul.u32 $0x2A00, s3  }
0x6: {  	s31 =	sor.u32 s3, s8;
	_ =	strace $0x80000047;
	s10 =	ssub.s32 $0x2, s3  }
0x7: {  	s3 =	sadd.s32 $0xCA00, s6;
	s8 =	smul.u32 $0x500, s31;
	s11 =	sshrl.u32 s10, $0x1  }
0x8: {  	s5 =	sadd.s32 s7, s5;
	s7 =	smul.u32 $0x280, s31;
	s10 =	ssub.s32 s10, s11  }
0x9: {  	s11 =	simm.s32 $0x7C00;
	s5 =	sshrl.u32 s5, $0x3;
	s8 =	sadd.s32 s8, s6  }
0xa: {  	s9 =	sadd.s32 s5, s6;
	s7 =	sadd.s32 s7, s6;
	s4 =	sadd.s32 s4, s5  }
0xb: {  	s6 =	sadd.s32 $0xD000, s8;
	s8 =	smax.u32 s10, $0x1;
	s10 =	simm.s32 $0x1  }
0xc: {  	v0 =	vimm.f32 $1.000000000e+00;
	s5 =	sadd.s32 $0x2200, s9;
	s7 =	sadd.s32 $0x17000, s7;
	s9 =	simm.s32 $0x5400  }
.LBB2_1:
0xd: {  	[tilespmem:s9], [sflag:$0x1] =	stream.linear.gather [hbm4b:s3+s2], $0x2800, $0x38;
	[tilespmem:$0x9000] =	vst v63  }
0xe: {  	_ =	swait.ge [sflag:s10], $0x2800  }
0xf: {  	[sflag:s10] =	ssyncset.done $0x0  }
0x10: {  	[sflag:s10] =	ssyncadd.s32 $0xFFFFD800  }
0x11: {  	[tilespmem:s11], [sflag:$0x1] =	stream.linear.gather [hbm4b:s3+s2], $0x1400, $0x38;
	[tilespmem:$0x9000] =	vst v63  }
0x12: {  	_ =	swait.ge [sflag:s10], $0x1400  }
0x13: {  	[sflag:s10] =	ssyncset.done $0x0  }
0x14: {  	[sflag:s10] =	ssyncadd.s32 $0xFFFFEC00  }
0x15: {  	[tilespmem:s2], [sflag:$0x1] =	stream.linear.gather [hbm4b:s4+s2], $0x2A00, $0x38;
	[tilespmem:$0x9000] =	vst v63  }
0x16: {  	_ =	swait.ge [sflag:s10], $0x2A00  }
0x17: {  	[sflag:s10] =	ssyncset.done $0x0  }
0x18: {  	[sflag:s10] =	ssyncadd.s32 $0xFFFFD600  }
0x19: {  	[tilespmem:s12], [sflag:$0x1] =	stream.linear.gather [hbm4b:s5+s2], $0x2A00, $0x38;
	[tilespmem:$0x9000] =	vst v63  }
0x1a: {  	_ =	swait.ge [sflag:s10], $0x2A00  }
0x1b: {  	[sflag:s10] =	ssyncset.done $0x0  }
0x1c: {  	s14 =	simm.s32 $0x140;
	[sflag:s10] =	ssyncadd.s32 $0xFFFFD600  }
.LBB2_2:
0x1d: {  	s15 =	sshra.s32 s14, $0x2  }
0x1e: {  	v1 =	vld [tilespmem:s15+$0xFFFFFFB0];
	_ =	sdelay $0x7  }
0x1f: {  	[tilespmem:v1+s9+$0x0] =	vst.idx.add.f32.msk $0xffff, v0  }
0x20: {  	v1 =	vld [tilespmem:s15+$0x29B0];
	_ =	sdelay $0x7  }
0x21: {  	[tilespmem:v1+s11+$0x0] =	vst.idx.add.f32.msk $0xffff, v0  }
0x22: {  	v1 =	vld [tilespmem:s15+$0xFFFFFFC0];
	_ =	sdelay $0x7  }
0x23: {  	[tilespmem:v1+s9+$0x0] =	vst.idx.add.f32.msk $0xffff, v0  }
0x24: {  	v1 =	vld [tilespmem:s15+$0x29C0];
	_ =	sdelay $0x7  }
0x25: {  	[tilespmem:v1+s11+$0x0] =	vst.idx.add.f32.msk $0xffff, v0  }
0x26: {  	v1 =	vld [tilespmem:s15+$0xFFFFFFD0];
	_ =	sdelay $0x7  }
0x27: {  	[tilespmem:v1+s9+$0x0] =	vst.idx.add.f32.msk $0xffff, v0  }
0x28: {  	v1 =	vld [tilespmem:s15+$0x29D0];
	_ =	sdelay $0x7  }
0x29: {  	[tilespmem:v1+s11+$0x0] =	vst.idx.add.f32.msk $0xffff, v0  }
0x2a: {  	v1 =	vld [tilespmem:s15+$0xFFFFFFE0];
	_ =	sdelay $0x7  }
0x2b: {  	[tilespmem:v1+s9+$0x0] =	vst.idx.add.f32.msk $0xffff, v0  }
0x2c: {  	v1 =	vld [tilespmem:s15+$0x29E0];
	_ =	sdelay $0x7  }
0x2d: {  	[tilespmem:v1+s11+$0x0] =	vst.idx.add.f32.msk $0xffff, v0  }
0x2e: {  	v1 =	vld [tilespmem:s15+$0xFFFFFFF0];
	_ =	sdelay $0x7  }
0x2f: {  	[tilespmem:v1+s9+$0x0] =	vst.idx.add.f32.msk $0xffff, v0  }
0x30: {  	v1 =	vld [tilespmem:s15+$0x29F0];
	_ =	sdelay $0x7  }
0x31: {  	[tilespmem:v1+s11+$0x0] =	vst.idx.add.f32.msk $0xffff, v0  }
0x32: {  	v1 =	vld [tilespmem:s15+$0x0];
	_ =	sdelay $0x7  }
0x33: {  	[tilespmem:v1+s9+$0x0] =	vst.idx.add.f32.msk $0xffff, v0  }
0x34: {  	v1 =	vld [tilespmem:s15+$0x2A00];
	_ =	sdelay $0x2  }
0x35: {  	p0 =	sne.s32 s14, $0xA7C0  }
.Ltmp0:
0x36: {  	_ = 	snop;
	(pc) =	sbr.rel @p0 .LBB2_2-.Ltmp0, $2  }
0x37: {  	_ =	sdelay $0x2  }
0x38: {  	s14 =	sadd.s32 $0x180, s14;
	[tilespmem:v1+s11+$0x0] =	vst.idx.add.f32.msk $0xffff, v0  }
0x39: {  	[hbm4b:s6+s2] =	stream.linear.scatter [tilespmem:s9], [sflag:$0x1], $0x2800, $0x38;
	[tilespmem:$0x9000] =	vst v63  }
0x3a: {  	s13 =	sadd.s32 $0x1, s13;
	_ =	swait.ge [sflag:s10], $0x2800  }
0x3b: {  	p0 =	sne.s32 s13, s8;
	[sflag:s10] =	ssyncset.done $0x0  }
.Ltmp1:
0x3c: {  	[sflag:s10] =	ssyncadd.s32 $0xFFFFD800;
	(pc) =	sbr.rel @p0 .LBB2_1-.Ltmp1, $4  }
0x3d: {  	[hbm4b:s7+s2] =	stream.linear.scatter [tilespmem:s11], [sflag:$0x1], $0x1400, $0x38;
	[tilespmem:$0x9000] =	vst v63  }
0x3e: {  	_ =	swait.ge [sflag:s10], $0x1400  }
0x3f: {  	[sflag:s10] =	ssyncset.done $0x0  }
0x40: {  	[sflag:s10] =	ssyncadd.s32 $0xFFFFEC00  }
0x41: {  	_ =	sfence.sel $0x180000  }
0x42: {  	[bflag:$0x0] =	sbarrier.arrive $0xFFFF  }
0x43: {  	p0 =	sne.s32 s0, $0x0;
	_ =	strace $0x90000047  }
0x44: {  	s0 =	sadd.s32 @!p0 $0x100000, s1;
	[bflag:$0x2] =	sbarrier.arrive $0xFFFF  }
0x45: {  	[sflag:s0] =	ssyncadd.tile.s32 @!p0 $0x1;
	_ =	shalt  }
.Lfunc_end2:
_tile_overlayer_lowered:
.L_overlay_start_2:
0x46: {  	(tag) =	ssettag $0x2  }
0x47: {  	s0 =	rddreg [dreg:$0x0];
	s2 =	stileid.u32  }
0x48: {  	s1 =	rddreg [dreg:$0x1];
	p0 =	sne.s32 s2, $0x0  }
0x49: {  	s3 =	rddreg [dreg:$0x2];
	[bflag:$0x3] =	sbarrier.arrive $0xFFFF;
	s2 =	simm.s32 @!p0 $0x1C01  }
0x4a: {  	[timem:s3], [sflag:s2] =	dma.local @!p0 [hbm:s0], s1  }
0x4b: {  	s0 =	simm.s32 @!p0 $0x1  }
0x4c: {  	_ =	swait.ge @!p0 [sflag:s0], s1  }
0x4d: {  	s1 =	ssub.s32 @!p0 $0x0, s1;
	[sflag:s0] =	ssyncset.done @!p0 $0x0  }
0x4e: {  	[sflag:s0] =	ssyncadd.s32 @!p0 s1  }
0x4f: {  	[bflag:$0x3] =	sbarrier.arrive $0xFFFF  }
0x50: {  	_ =	shalt  }

// kernel: kernel.9.cloned.1.call-start
scs
__scs_entry_jumppad:
0x0: {  	(pc) =	sbr.rel $0x88, $3  }
0x1: {  	(tag) =	ssettag $0x0;
	lr =	simm.s32 $0x1  }
0x2: {  	[smem:$0x3F9A] =	sst lr;
	_ =	strace $0xD0000000  }
0x3: {  	_ = 	snop  }
0x4: {  	_ = 	snop  }
0x5: {  	_ = 	snop  }
0x6: {  	_ = 	snop  }
0x7: {  	_ = 	snop  }
__scs_overlays_trampoline_lowered:
0x8: {  	[smem:$0x3FA9] =	sst s0  }
0x9: {  	[smem:$0x3FAA] =	sst s1  }
0xa: {  	[smem:$0x3FAB] =	sst s2  }
0xb: {  	[smem:$0x3FAC] =	sst s3  }
0xc: {  	[smem:$0x3FAD] =	sst s4  }
0xd: {  	[smem:$0x3FAE] =	sst s5  }
0xe: {  	[smem:$0x3FAF] =	sst s6  }
0xf: {  	[smem:$0x3FB0] =	sst s7  }
0x10: {  	[smem:$0x3FB1] =	sst s8  }
0x11: {  	[smem:$0x3FB2] =	sst s9;
	s0 =	simm.s32 @!p0 $0x0  }
0x12: {  	s1 =	sld [smem:$0x3F98];
	s0 =	simm.s32 @p0 $0x1  }
0x13: {  	[smem:$0x3FB3] =	sst s0;
	s0 =	simm.s32 @!p1 $0x0  }
0x14: {  	s2 =	sld [smem:$0x3F97];
	s0 =	simm.s32 @p1 $0x1  }
0x15: {  	[smem:$0x3FB4] =	sst s0;
	s0 =	simm.s32 @!p2 $0x0  }
0x16: {  	s3 =	sld [smem:$0x3FDB];
	s0 =	simm.s32 @p2 $0x1  }
0x17: {  	s4 =	simm.s32 $0x1BF5;
	[smem:$0x3FB6] =	sst s0  }
0x18: {  	s0 =	sld [smem:$0x3F99];
	_ =	swait.ge [sflag:s4], $0x0  }
0x19: {  	s7 =	sld [smem:$0x3F9A]  }
0x1a: {  	s8 =	sadd.s32 $0xFFFFE003, lr  }
0x1b: {  	s9 =	sadd.s32 $0xFFFFFEF7, lr;
	s5 =	simm.s32 $0xFFFFFFFF;
	p2 =	slt.u32 s8, $0xFFFFF086  }
0x1c: {  	p1 =	slt.u32 s9, $0xF7A;
	s5 =	simm.s32 @!p2 $0x0  }
0x1d: {  	s5 =	simm.s32 @p1 $0x1;
	p0 =	seq.s32 s7, s2  }
0x1e: {  	s7 =	smul.u32 @!p0 $0xF7A, s2;
	p2 =	seq.s32 @!p0 s5, $0x0  }
0x1f: {  	s9 =	smul.u32 $0xF7A, s1;
	s8 =	simm.s32 @!p0 $0x1BF5;
	p2 =	por !p2, p0  }
0x20: {  	[sflag:s8] =	ssyncset.s32 @!p0 $0xFFFFF086;
	s6 =	sadd.s32 @!p0 s3, s7;
	s7 =	simm.s32 @!p0 $0x108  }
0x21: {  	s3 =	sadd.s32 s3, s9;
	s6 =	sadd.s32 @!p0 $0x88, s6;
	s7 =	simm.s32 @p2 $0x1082  }
0x22: {  	[simem:s7], [sflag:s8] =	dma.local @!p0 [hbm:s6], $0xF7A  }
0x23: {  	s9 =	sor.u32 $0xD0000000, s2;
	s6 =	simm.s32 $0x108;
	_ =	swait.ge @!p0 [sflag:s8], $0x0  }
0x24: {  	s3 =	sadd.s32 $0x88, s3;
	s6 =	simm.s32 @!p1 $0x1082;
	[sflag:s4] =	ssyncset.s32 $0xFFFFF086  }
0x25: {  	[simem:s6], [sflag:s4] =	dma.local [hbm:s3], $0xF7A  }
0x26: {  	[smem:$0x3F9A] =	sst s1;
	(tag) =	ssettag s2;
	_ =	strace s9  }
0x27: {  	s1 =	sld [smem:$0x3FAA]  }
0x28: {  	s2 =	sld [smem:$0x3FAB]  }
0x29: {  	s4 =	sld [smem:$0x3FAD]  }
0x2a: {  	p0 =	seq.s32 s5, $0x0;
	s5 =	sld [smem:$0x3FAE]  }
0x2b: {  	s6 =	sld [smem:$0x3FAF]  }
0x2c: {  	s7 =	sld [smem:$0x3FB0]  }
0x2d: {  	s3 =	simm.s32 $0x108;
	s8 =	sld [smem:$0x3FB1]  }
0x2e: {  	s3 =	simm.s32 @!p0 $0x1082;
	s9 =	sld [smem:$0x3FB2]  }
0x2f: {  	lr =	sadd.s32 s0, s3;
	s0 =	sld [smem:$0x3FA9]  }
0x30: {  	s3 =	sld [smem:$0x3FAC]  }
0x31: {  	[smem:$0x3FB5] =	sst s10  }
0x32: {  	s10 =	sld [smem:$0x3FB3];
	_ =	sdelay $0x3  }
0x33: {  	p0 =	seq.s32 s10, $0x1;
	s10 =	sld [smem:$0x3FB5];
	_ =	sdelay $0x3  }
0x34: {  	[smem:$0x3FB5] =	sst s10  }
0x35: {  	s10 =	sld [smem:$0x3FB4];
	_ =	sdelay $0x3  }
0x36: {  	p1 =	seq.s32 s10, $0x1;
	s10 =	sld [smem:$0x3FB5];
	_ =	sdelay $0x3  }
0x37: {  	[smem:$0x3FB5] =	sst s10  }
0x38: {  	s10 =	sld [smem:$0x3FB6]  }
0x39: {  	_ = 	snop;
	(pc) =	sbr.ind lr, $3  }
0x3a: {  	_ = 	snop  }
0x3b: {  	_ = 	snop  }
0x3c: {  	p2 =	seq.s32 s10, $0x1;
	s10 =	sld [smem:$0x3FB5]  }
0x3d: {  	_ =	shalt  }
0x3e: {  	_ =	shalt  }
0x3f: {  	_ =	shalt  }
0x40: {  	_ =	shalt  }
0x41: {  	_ =	shalt  }
0x42: {  	_ =	shalt  }
0x43: {  	_ =	shalt  }
0x44: {  	_ =	shalt  }
0x45: {  	_ =	shalt  }
0x46: {  	_ =	shalt  }
0x47: {  	_ =	shalt  }
0x48: {  	_ =	shalt  }
0x49: {  	_ =	shalt  }
0x4a: {  	_ =	shalt  }
0x4b: {  	_ =	shalt  }
0x4c: {  	_ =	shalt  }
0x4d: {  	_ =	shalt  }
0x4e: {  	_ =	shalt  }
0x4f: {  	_ =	shalt  }
0x50: {  	_ =	shalt  }
0x51: {  	_ =	shalt  }
0x52: {  	_ =	shalt  }
0x53: {  	_ =	shalt  }
0x54: {  	_ =	shalt  }
0x55: {  	_ =	shalt  }
0x56: {  	_ =	shalt  }
0x57: {  	_ =	shalt  }
0x58: {  	_ =	shalt  }
0x59: {  	_ =	shalt  }
0x5a: {  	_ =	shalt  }
0x5b: {  	_ =	shalt  }
0x5c: {  	_ =	shalt  }
0x5d: {  	_ =	shalt  }
0x5e: {  	_ =	shalt  }
0x5f: {  	_ =	shalt  }
0x60: {  	_ =	shalt  }
0x61: {  	_ =	shalt  }
0x62: {  	_ =	shalt  }
0x63: {  	_ =	shalt  }
0x64: {  	_ =	shalt  }
0x65: {  	_ =	shalt  }
0x66: {  	_ =	shalt  }
0x67: {  	_ =	shalt  }
0x68: {  	_ =	shalt  }
0x69: {  	_ =	shalt  }
0x6a: {  	_ =	shalt  }
0x6b: {  	_ =	shalt  }
0x6c: {  	_ =	shalt  }
0x6d: {  	_ =	shalt  }
0x6e: {  	_ =	shalt  }
0x6f: {  	_ =	shalt  }
0x70: {  	_ =	shalt  }
0x71: {  	_ =	shalt  }
0x72: {  	_ =	shalt  }
0x73: {  	_ =	shalt  }
0x74: {  	_ =	shalt  }
0x75: {  	_ =	shalt  }
0x76: {  	_ =	shalt  }
0x77: {  	_ =	shalt  }
0x78: {  	_ =	shalt  }
0x79: {  	_ =	shalt  }
0x7a: {  	_ =	shalt  }
0x7b: {  	_ =	shalt  }
0x7c: {  	_ =	shalt  }
0x7d: {  	_ =	shalt  }
0x7e: {  	_ =	shalt  }
0x7f: {  	_ =	shalt  }
0x80: {  	_ =	shalt  }
0x81: {  	_ =	shalt  }
0x82: {  	_ =	shalt  }
0x83: {  	_ =	shalt  }
0x84: {  	_ =	shalt  }
0x85: {  	_ =	shalt  }
0x86: {  	_ =	shalt  }
0x87: {  	_ =	shalt  }
.Lfunc_end0:
.L_simem_size_0:
called_computation.1_lowered:
.L_overlay_start_0:
0x88: {  	s2 =	sld [smem:$0x3FD9]  }
0x89: {  	s3 =	sld [smem:$0x3FFE];
	_ =	sdelay $0x1  }
0x8a: {  	s1 =	srdreg.scid  }
0x8b: {  	s0 =	sand.u32 $0x1, s1  }
0x8c: {  	s17 =	sshll.u32 s0, $0xA;
	s2 =	sadd.s32 s3, s2  }
0x8d: {  	s2 =	sadd.s32 s2, s17  }
0x8e: {  	[smem:$0x3FC1] =	sst s2  }
0x8f: {  	_ = 	snop  }
0x90: {  	s2 =	sld [smem:$0x3FD0];
	(tm) =	ssettm $0x1  }
0x91: {  	s18 =	sld [smem:$0x3FFB];
	_ =	sdelay $0x3  }
0x92: {  	_ =	strace s18  }
0x93: {  	s3 =	sld [smem:$0x3FFC];
	_ =	sdelay $0x3  }
0x94: {  	_ =	strace s3  }
0x95: {  	s3 =	sld [smem:$0x3FFD];
	_ =	sdelay $0x3  }
0x96: {  	_ =	strace s3  }
0x97: {  	_ =	strace $0x8FFFFFFF  }
0x98: {  	s19 =	sld [smem:$0x3FDB];
	_ =	sdelay $0x1  }
0x99: {  	s4 =	simm.s32 $_scs_section_size  }
0x9a: {  	s5 =	simm.s32 $_size__tile_overlayer_lowered;
	s6 =	simm.s32 $_tile_overlayer_lowered  }
0x9b: {  	s22 =	simm.s32 $0x1BFF;
	s21 =	sshll.u32 s6, $0x1;
	s3 =	sadd.s32 s4, s19  }
0x9c: {  	s7 =	simm.s32 $0x0;
	s20 =	sshll.u32 s5, $0x1;
	s5 =	sadd.s32 s21, s3  }
0x9d: {  	[timem:s7], [sflag:s22] =	dma.local [hbm:s5], s20  }
0x9e: {  	_ =	swait.ge [sflag:s22], s20  }
0x9f: {  	s4 =	ssub.s32 $0x0, s20;
	[sflag:s22] =	ssyncset.done $0x0  }
0xa0: {  	[sflag:s22] =	ssyncadd.s32 s4;
	_ =	sdelay $0x1  }
0xa1: {  	s23 =	simm.s32 $0x1B8B  }
0xa2: {  	_ =	swait.ge [sflag:s23], $0x1  }
0xa3: {  	[sflag:s23] =	ssyncset.done $0x0  }
0xa4: {  	s25 =	simm.s32 $0x1B8E;
	s24 =	sld [smem:$0x3FFE];
	[sflag:s23] =	ssyncadd.s32 $0xFFFFFFFF  }
0xa5: {  	s26 =	simm.s32 $execute0_lowered;
	[smem:$0x3FD2] =	sst s25  }
0xa6: {  	s5 =	sshll.u32 s26, $0x1;
	_ =	strace $0x80000049;
	[dreg:$0x1] =	wrdreg $0xFFFFFFFF  }
0xa7: {  	s28 =	simm.s32 $_size_execute0_lowered;
	s3 =	sadd.s32 s3, s5;
	[dreg:$0x0] =	wrdreg $0x0  }
0xa8: {  	s5 =	sshll.u32 s28, $0x1;
	[dreg:$0x2] =	wrdreg s3  }
0xa9: {  	[dreg:$0x3] =	wrdreg s5  }
0xaa: {  	[dreg:$0x4] =	wrdreg $0xC0  }
0xab: {  	_ =	task [dreg:s7], $0x5FFFF  }
0xac: {  	[dreg:$0x1] =	wrdreg $0xFFFFFFFF  }
0xad: {  	[dreg:$0x0] =	wrdreg $0x60  }
0xae: {  	[dreg:$0x2] =	wrdreg s24  }
0xaf: {  	[dreg:$0x3] =	wrdreg s2  }
0xb0: {  	[dreg:$0x4] =	wrdreg $0x158000  }
0xb1: {  	[dreg:$0x5] =	wrdreg $0x108000  }
0xb2: {  	[dreg:$0x6] =	wrdreg $0x9  }
0xb3: {  	_ =	task.clear_ibuf [dreg:s7], $0x7FFFF;
	_ =	strace $0x90000049  }
0xb4: {  	s29 =	simm.s32 $0x9;
	_ =	strace $0x8000004B  }
0xb5: {  	_ =	swait.ge [sflag:s29], $0x1  }
0xb6: {  	[sflag:s29] =	ssyncadd.s32 $0xFFFFFFFF  }
0xb7: {  	_ =	strace $0x9000004B  }
0xb8: {  	_ =	sfence  }
0xb9: {  	s30 =	sld [smem:$0x0];
	_ =	sdelay $0x2  }
0xba: {  	s31 =	sshll.u32 s1, $0xD;
	s1 =	sshrl.u32 s1, $0x2  }
0xbb: {  	s3 =	sand.u32 $0x4000, s31;
	s1 =	sadd.s32 s1, s30  }
0xbc: {  	s0 =	sor.u32 s3, s0;
	s1 =	sshll.u32 s1, $0x11  }
0xbd: {  	s0 =	sor.u32 s1, s0  }
0xbe: {  	s0 =	sadd.s32 $0x8F2B, s0  }
0xbf: {  	[sflag:s0] =	ssyncadd.remote.s32 $0x1  }
0xc0: {  	_ =	sfence.sel $0xFFFF  }
0xc1: {  	[dreg:$0x0] =	wrdreg $0xFFFFFFFF;
	(pc) =	sbr.abs _section_cstart, $3  }
0xc2: {  	[dreg:$0x1] =	wrdreg $0xFFFFFFFF  }
0xc3: {  	_ =	task.clear_ibuf [dreg:s7], $0x2FFFF;
	_ =	strace $0x9FFFFFFF  }
0xc4: {  	(tm) =	ssettm $0x7FFFFFFF  }
0xc5: {  	_ =	shalt  }
tec
execute0_lowered:
.L_overlay_start_1:
0x0: {  	(tag) =	ssettag $0x1  }
0x1: {  	s2 =	rddreg [dreg:$0x0]  }
0x2: {  	s16 =	stileid.u32;
	s0 =	srdreg.scid;
	s1 =	simm.s32 $0x0  }
0x3: {  	s0 =	sand.u32 $0x1, s0;
	s3 =	smul.u32 $0xA000, s16;
	[smem:$0x7FF] =	sst s1  }
0x4: {  	s10 =	sadd.s32 $0xCA00, s2;
	s5 =	ssub.s32 $0x2, s0;
	s9 =	smul.u32 $0xA0000, s0  }
0x5: {  	s31 =	sadd.s32 $0x16C00, s2;
	s19 =	sshrl.u32 s5, $0x1;
	s15 =	sor.u32 $0x1000, s3  }
0x6: {  	s7 =	sadd.s32 $0x3000, s3;
	s0 =	ssub.s32 s5, s19;
	s20 =	sadd.s32 s3, s9  }
0x7: {  	s6 =	sadd.s32 s9, s15;
	s5 =	sadd.s32 $0x2000, s3;
	s14 =	sadd.s32 s9, s7  }
0x8: {  	[smem:$0x7F6] =	sst s0;
	s12 =	sshrl.u32 s6, $0x3;
	s6 =	smul.u32 $0x5000, s16  }
0x9: {  	s11 =	sshrl.u32 s20, $0x3;
	s8 =	sadd.s32 s9, s5;
	s18 =	sshrl.u32 s14, $0x3  }
0xa: {  	s13 =	sshrl.u32 s8, $0x3;
	s14 =	sadd.s32 $0x1000, s6;
	s4 =	sadd.s32 $0x2000, s6  }
0xb: {  	s17 =	sadd.s32 $0x3000, s6;
	s20 =	sshrl.u32 s6, $0x3;
	s0 =	sadd.s32 $0x4000, s6  }
0xc: {  	[smem:$0x7F3] =	sst s17;
	s20 =	sadd.s32 s10, s20;
	s21 =	sshrl.u32 s14, $0x3  }
0xd: {  	s22 =	sshrl.u32 s4, $0x3;
	[dreg:$0x5] =	wrdreg s20;
	s20 =	sadd.s32 s10, s21  }
0xe: {  	s21 =	sshrl.u32 s17, $0x3;
	[dreg:$0x6] =	wrdreg s20;
	s20 =	sadd.s32 s10, s22  }
0xf: {  	s24 =	sshrl.u32 s0, $0x3;
	s23 =	sadd.s32 s10, s21;
	[dreg:$0x7] =	wrdreg s20  }
0x10: {  	s10 =	sadd.s32 s10, s24;
	s24 =	sadd.s32 $0x7000, s3;
	[dreg:$0x8] =	wrdreg s23  }
0x11: {  	[dreg:$0x9] =	wrdreg s10;
	s10 =	sadd.s32 $0x5000, s3;
	s23 =	sadd.s32 s9, s24  }
0x12: {  	s25 =	sadd.s32 s9, s10;
	s29 =	sshrl.u32 s23, $0x3;
	s23 =	sadd.s32 $0x5CA00, s2  }
0x13: {  	s21 =	sshrl.u32 s25, $0x3;
	s25 =	sadd.s32 $0x8000, s3;
	s17 =	sadd.s32 s23, s12  }
0x14: {  	s26 =	sadd.s32 s9, s25;
	[dreg:$0xb] =	wrdreg s17;
	s17 =	sadd.s32 s23, s13  }
0x15: {  	s30 =	sshrl.u32 s26, $0x3;
	s26 =	sadd.s32 s23, s11;
	[dreg:$0xc] =	wrdreg s17  }
0x16: {  	s8 =	sadd.s32 $0x4000, s3;
	s17 =	sadd.s32 s23, s18;
	[dreg:$0xa] =	wrdreg s26  }
0x17: {  	s19 =	sadd.s32 s9, s8;
	s11 =	sadd.s32 s31, s11;
	[dreg:$0xd] =	wrdreg s17  }
0x18: {  	s19 =	sshrl.u32 s19, $0x3;
	s20 =	sadd.s32 $0x6000, s3;
	[dreg:$0x14] =	wrdreg s11  }
0x19: {  	s22 =	sadd.s32 s9, s20;
	s17 =	sadd.s32 s23, s19;
	s11 =	rddreg [dreg:$0x1]  }
0x1a: {  	s22 =	sshrl.u32 s22, $0x3;
	s26 =	sadd.s32 s31, s18;
	[dreg:$0xe] =	wrdreg s17  }
0x1b: {  	s18 =	sadd.s32 s31, s22;
	[dreg:$0x17] =	wrdreg s26  }
0x1c: {  	[dreg:$0x1a] =	wrdreg s18  }
0x1d: {  	s17 =	sadd.s32 s23, s21;
	s26 =	rddreg [dreg:$0x3]  }
0x1e: {  	[dreg:$0xf] =	wrdreg s17;
	s17 =	sadd.s32 s23, s22  }
0x1f: {  	s28 =	sadd.s32 $0x9000, s3;
	s22 =	sadd.s32 s31, s30;
	[dreg:$0x10] =	wrdreg s17  }
0x20: {  	s9 =	sadd.s32 s9, s28;
	s17 =	sadd.s32 s23, s29;
	[dreg:$0x1c] =	wrdreg s22  }
0x21: {  	s9 =	sshrl.u32 s9, $0x3;
	[dreg:$0x11] =	wrdreg s17;
	s17 =	sadd.s32 s23, s30  }
0x22: {  	s23 =	sadd.s32 s23, s9;
	[dreg:$0x12] =	wrdreg s17  }
0x23: {  	s9 =	sadd.s32 s31, s9;
	[dreg:$0x13] =	wrdreg s23  }
0x24: {  	s17 =	sadd.s32 s31, s12;
	[dreg:$0x1d] =	wrdreg s9  }
0x25: {  	s23 =	sadd.s32 s31, s13;
	[dreg:$0x15] =	wrdreg s17  }
0x26: {  	s18 =	sshll.u32 s16, $0x6;
	s13 =	sadd.s32 s31, s19;
	[dreg:$0x16] =	wrdreg s23  }
0x27: {  	s0 =	sadd.s32 s0, s26;
	s22 =	sadd.s32 s4, s26;
	[dreg:$0x18] =	wrdreg s13  }
0x28: {  	s4 =	simm.s32 $0x8;
	s19 =	sadd.s32 s31, s29;
	s23 =	rddreg [dreg:$0x2]  }
0x29: {  	s17 =	sadd.s32 s31, s21;
	[dreg:$0x1b] =	wrdreg s19;
	s21 =	smul.u32 $0xA80, s16  }
0x2a: {  	[dreg:$0x19] =	wrdreg s17;
	s16 =	sadd.s32 s20, s23;
	s20 =	sadd.s32 s6, s26  }
0x2b: {  	s30 =	simm.s32 $0x60;
	_ =	strace $0x8000004A;
	[smem:$0x7F0] =	sst s20  }
0x2c: {  	s29 =	simm.s32 $0x2;
	s31 =	simm.s32 $0xC000;
	[smem:$0x7F2] =	sst s22  }
0x2d: {  	s17 =	sadd.s32 s3, s23;
	s9 =	sadd.s32 s8, s23;
	[smem:$0x7F5] =	sst s0  }
0x2e: {  	s3 =	sor.u32 $0x1C03, s18;
	s8 =	sadd.s32 s25, s23;
	[smem:$0x7F8] =	sst s9  }
0x2f: {  	s19 =	sadd.s32 s15, s23;
	s15 =	sadd.s32 s24, s23;
	[smem:$0x7FC] =	sst s8  }
0x30: {  	s18 =	simm.s32 $0xF000;
	s11 =	sadd.s32 s11, s21;
	[smem:$0x7FD] =	sst s16  }
0x31: {  	s12 =	sadd.s32 s21, s2;
	s2 =	sadd.s32 $0x16A00, s2;
	[dreg:$0x1e] =	wrdreg s11  }
0x32: {  	s21 =	sadd.s32 s14, s26;
	s20 =	simm.s32 $0xA800;
	[dreg:$0x1f] =	wrdreg s2  }
0x33: {  	s22 =	simm.s32 $0x9;
	s13 =	sadd.s32 $0x2200, s12;
	[smem:$0x7F1] =	sst s21  }
0x34: {  	s11 =	sadd.s32 s5, s23;
	s5 =	smov.u32 s19;
	s24 =	sld [smem:$0x7F3]  }
0x35: {  	s25 =	sld [smem:$0x7F6];
	s19 =	simm.s32 $0x4;
	s21 =	simm.s32 $0x6  }
0x36: {  	s12 =	simm.s32 $0x0;
	[smem:$0x7EF] =	sst s13;
	s13 =	sadd.s32 s7, s23  }
0x37: {  	s7 =	smov.u32 s17;
	s17 =	sadd.s32 s10, s23;
	[smem:$0x7F9] =	sst s11  }
0x38: {  	s10 =	sadd.s32 s28, s23;
	s28 =	simm.s32 $0x1;
	[smem:$0x7FA] =	sst s5  }
0x39: {  	[smem:$0x7FB] =	sst s7;
	s2 =	sadd.s32 s24, s26;
	s0 =	smax.u32 s25, $0x1  }
0x3a: {  	s24 =	simm.s32 $0x3;
	s25 =	simm.s32 $0x5;
	[smem:$0x7F4] =	sst s2  }
0x3b: {  	[smem:$0x7F7] =	sst s0;
	s0 =	simm.s32 $0xD800;
	s2 =	simm.s32 $0x7  }
.LBB2_1:
0x3c: {  	s6 =	rddreg [dreg:$0x1e]  }
0x3d: {  	s14 =	sld [smem:$0x7EF]  }
0x3e: {  	[tilespmem:s1], [sflag:$0x1] =	stream.linear.gather [hbm4b:s6+s1], $0x5400, $0x38;
	[tilespmem:$0x1F800] =	vst v63  }
0x3f: {  	[smem:$0x7EE] =	sst s12;
	s12 =	simm.s32 $0x0;
	s1 =	simm.s32 $0x5400  }
0x40: {  	[tilespmem:s1], [sflag:$0x2] =	stream.linear.gather [hbm4b:s14+s12], $0x5400, $0x38;
	[tilespmem:$0x1F800] =	vst v63  }
0x41: {  	s7 =	sshrl.u32 s7, $0x3;
	s14 =	rddreg [dreg:$0xa]  }
0x42: {  	[spmem:s7], [sflag:s3] =	dma.local [hbm:s14], $0x200  }
0x43: {  	s14 =	sshrl.u32 s5, $0x3;
	s7 =	rddreg [dreg:$0xb]  }
0x44: {  	[spmem:s14], [sflag:s3] =	dma.local [hbm:s7], $0x200  }
0x45: {  	s5 =	sshrl.u32 s11, $0x3;
	s7 =	rddreg [dreg:$0xc]  }
0x46: {  	[spmem:s5], [sflag:s3] =	dma.local [hbm:s7], $0x200  }
0x47: {  	s11 =	sshrl.u32 s13, $0x3;
	s7 =	rddreg [dreg:$0xd]  }
0x48: {  	[spmem:s11], [sflag:s3] =	dma.local [hbm:s7], $0x200  }
0x49: {  	s14 =	sshrl.u32 s9, $0x3;
	s7 =	rddreg [dreg:$0xe]  }
0x4a: {  	[spmem:s14], [sflag:s3] =	dma.local [hbm:s7], $0x200  }
0x4b: {  	s5 =	sshrl.u32 s17, $0x3;
	s7 =	rddreg [dreg:$0xf]  }
0x4c: {  	[spmem:s5], [sflag:s3] =	dma.local [hbm:s7], $0x200  }
0x4d: {  	s9 =	sshrl.u32 s16, $0x3;
	s7 =	rddreg [dreg:$0x10]  }
0x4e: {  	[spmem:s9], [sflag:s3] =	dma.local [hbm:s7], $0x200  }
0x4f: {  	s11 =	sshrl.u32 s15, $0x3;
	s7 =	rddreg [dreg:$0x11]  }
0x50: {  	[spmem:s11], [sflag:s3] =	dma.local [hbm:s7], $0x200  }
0x51: {  	s14 =	smov.u32 s15;
	s15 =	sshrl.u32 s8, $0x3;
	s7 =	rddreg [dreg:$0x12]  }
0x52: {  	[spmem:s15], [sflag:s3] =	dma.local [hbm:s7], $0x200  }
0x53: {  	s16 =	sshrl.u32 s10, $0x3;
	s7 =	rddreg [dreg:$0x13]  }
0x54: {  	[spmem:s16], [sflag:s3] =	dma.local [hbm:s7], $0x200  }
0x55: {  	s6 =	rddreg [dreg:$0x1f]  }
0x56: {  	[tilespmem:s20], [sflag:$0x9] =	stream.linear.gather [hbm4b:s6+s12], $0x1000, $0x38;
	[tilespmem:$0x1F800] =	vst v63  }
0x57: {  	_ =	swait.ge [sflag:s22], $0x1000  }
0x58: {  	s9 =	smov.u32 s10;
	s10 =	sld [smem:$0x7F0]  }
0x59: {  	[sflag:s22] =	ssyncset.done $0x0  }
0x5a: {  	s5 =	sld [smem:$0x7F1];
	[sflag:s22] =	ssyncadd.s32 $0xFFFFF000  }
0x5b: {  	[spmem:s10] =	stream.linear.scatter [tilespmem:s20], [sflag:$0x5], $0x1000, $0x38;
	[tilespmem:$0x1F800] =	vst v63  }
0x5c: {  	s7 =	sld [smem:$0x7F2]  }
0x5d: {  	[spmem:s5] =	stream.linear.scatter [tilespmem:s20], [sflag:$0x5], $0x1000, $0x38;
	[tilespmem:$0x1F800] =	vst v63  }
0x5e: {  	s8 =	sld [smem:$0x7F4]  }
0x5f: {  	[spmem:s7] =	stream.linear.scatter [tilespmem:s20], [sflag:$0x5], $0x1000, $0x38;
	[tilespmem:$0x1F800] =	vst v63  }
0x60: {  	s11 =	sld [smem:$0x7F5]  }
0x61: {  	[spmem:s8] =	stream.linear.scatter [tilespmem:s20], [sflag:$0x5], $0x1000, $0x38;
	[tilespmem:$0x1F800] =	vst v63  }
0x62: {  	_ = 	snop  }
0x63: {  	[spmem:s11] =	stream.linear.scatter [tilespmem:s20], [sflag:$0x5], $0x1000, $0x38;
	[tilespmem:$0x1F800] =	vst v63  }
0x64: {  	_ =	swait.ge [sflag:s24], $0x200  }
0x65: {  	[sflag:s24] =	ssyncset.done $0x0  }
0x66: {  	[sflag:s24] =	ssyncadd.s32 $0xFFFFFE00  }
0x67: {  	_ =	swait.ge [sflag:s24], $0x200  }
0x68: {  	[sflag:s24] =	ssyncset.done $0x0  }
0x69: {  	[sflag:s24] =	ssyncadd.s32 $0xFFFFFE00  }
0x6a: {  	_ =	swait.ge [sflag:s24], $0x200  }
0x6b: {  	[sflag:s24] =	ssyncset.done $0x0  }
0x6c: {  	[sflag:s24] =	ssyncadd.s32 $0xFFFFFE00  }
0x6d: {  	_ =	swait.ge [sflag:s24], $0x200  }
0x6e: {  	[sflag:s24] =	ssyncset.done $0x0  }
0x6f: {  	[sflag:s24] =	ssyncadd.s32 $0xFFFFFE00  }
0x70: {  	_ =	swait.ge [sflag:s24], $0x200  }
0x71: {  	[sflag:s24] =	ssyncset.done $0x0  }
0x72: {  	[sflag:s24] =	ssyncadd.s32 $0xFFFFFE00  }
0x73: {  	_ =	swait.ge [sflag:s24], $0x200  }
0x74: {  	[sflag:s24] =	ssyncset.done $0x0  }
0x75: {  	[sflag:s24] =	ssyncadd.s32 $0xFFFFFE00  }
0x76: {  	_ =	swait.ge [sflag:s24], $0x200  }
0x77: {  	[sflag:s24] =	ssyncset.done $0x0  }
0x78: {  	[sflag:s24] =	ssyncadd.s32 $0xFFFFFE00  }
0x79: {  	_ =	swait.ge [sflag:s24], $0x200  }
0x7a: {  	[sflag:s24] =	ssyncset.done $0x0  }
0x7b: {  	[sflag:s24] =	ssyncadd.s32 $0xFFFFFE00  }
0x7c: {  	_ =	swait.ge [sflag:s24], $0x200  }
0x7d: {  	[sflag:s24] =	ssyncset.done $0x0  }
0x7e: {  	[sflag:s24] =	ssyncadd.s32 $0xFFFFFE00  }
0x7f: {  	_ =	swait.ge [sflag:s24], $0x200  }
0x80: {  	[sflag:s24] =	ssyncset.done $0x0  }
0x81: {  	[sflag:s24] =	ssyncadd.s32 $0xFFFFFE00  }
0x82: {  	_ =	swait.ge [sflag:s25], $0x1000  }
0x83: {  	[sflag:s25] =	ssyncset.done $0x0  }
0x84: {  	[sflag:s25] =	ssyncadd.s32 $0xFFFFF000  }
0x85: {  	_ =	swait.ge [sflag:s25], $0x1000  }
0x86: {  	[sflag:s25] =	ssyncset.done $0x0  }
0x87: {  	[sflag:s25] =	ssyncadd.s32 $0xFFFFF000  }
0x88: {  	_ =	swait.ge [sflag:s25], $0x1000  }
0x89: {  	[sflag:s25] =	ssyncset.done $0x0  }
0x8a: {  	[sflag:s25] =	ssyncadd.s32 $0xFFFFF000  }
0x8b: {  	_ =	swait.ge [sflag:s25], $0x1000  }
0x8c: {  	[sflag:s25] =	ssyncset.done $0x0  }
0x8d: {  	[sflag:s25] =	ssyncadd.s32 $0xFFFFF000  }
0x8e: {  	_ =	swait.ge [sflag:s25], $0x1000  }
0x8f: {  	[sflag:s25] =	ssyncset.done $0x0  }
0x90: {  	[sflag:s25] =	ssyncadd.s32 $0xFFFFF000  }
0x91: {  	_ =	swait.ge [sflag:s28], $0x5400  }
0x92: {  	[sflag:s28] =	ssyncset.done $0x0  }
0x93: {  	[sflag:s28] =	ssyncadd.s32 $0xFFFFAC00  }
0x94: {  	_ =	swait.ge [sflag:s29], $0x5400  }
0x95: {  	[sflag:s29] =	ssyncset.done $0x0  }
0x96: {  	[sflag:s29] =	ssyncadd.s32 $0xFFFFAC00  }
0x97: {  	[bflag:$0x0] =	sbarrier.arrive $0xFFFF  }
0x98: {  	[tilespmem:s20], [sflag:$0x1] =	stream.indirect.gather [spmem:s23], $0x40, s12, s30, $0xb8;
	[tilespmem:$0x1F800] =	vst v63  }
0x99: {  	_ = 	snop  }
0x9a: {  	[tilespmem:s31], [sflag:$0x2] =	stream.indirect.gather [spmem:s23], $0x40, s30, s30, $0xb8;
	[tilespmem:$0x1F800] =	vst v63  }
0x9b: {  	_ =	swait.ge [sflag:s28], $0x1800  }
0x9c: {  	[sflag:s28] =	ssyncset.done $0x0  }
0x9d: {  	[sflag:s28] =	ssyncadd.s32 $0xFFFFE800  }
0x9e: {  	[spmem:s26] =	stream.indirect.scatter.add.f32 [tilespmem:s20], [sflag:$0x5], $0x40, s1, s30, $0xb8;
	[tilespmem:$0x1F800] =	vst v63  }
0x9f: {  	s12 =	simm.s32 $0xC0  }
0xa0: {  	[tilespmem:s0], [sflag:$0x3] =	stream.indirect.gather [spmem:s23], $0x40, s12, s30, $0xb8;
	[tilespmem:$0x1F800] =	vst v63  }
0xa1: {  	_ =	swait.ge [sflag:s29], $0x1800  }
0xa2: {  	[sflag:s29] =	ssyncset.done $0x0  }
0xa3: {  	s15 =	simm.s32 $0x5460;
	[sflag:s29] =	ssyncadd.s32 $0xFFFFE800  }
0xa4: {  	[spmem:s26] =	stream.indirect.scatter.add.f32 [tilespmem:s31], [sflag:$0x6], $0x40, s15, s30, $0xb8;
	[tilespmem:$0x1F800] =	vst v63  }
0xa5: {  	s16 =	simm.s32 $0x120  }
0xa6: {  	[tilespmem:s18], [sflag:$0x4] =	stream.indirect.gather [spmem:s23], $0x40, s16, s30, $0xb8;
	[tilespmem:$0x1F800] =	vst v63  }
0xa7: {  	_ =	swait.ge [sflag:s24], $0x1800  }
0xa8: {  	[sflag:s24] =	ssyncset.done $0x0  }
0xa9: {  	s5 =	simm.s32 $0x54C0;
	[sflag:s24] =	ssyncadd.s32 $0xFFFFE800  }
0xaa: {  	[spmem:s26] =	stream.indirect.scatter.add.f32 [tilespmem:s0], [sflag:$0x7], $0x40, s5, s30, $0xb8;
	[tilespmem:$0x1F800] =	vst v63  }
0xab: {  	_ =	swait.ge [sflag:s25], $0x1800  }
0xac: {  	[sflag:s25] =	ssyncset.done $0x0  }
0xad: {  	s7 =	simm.s32 $0x180;
	[sflag:s25] =	ssyncadd.s32 $0xFFFFE800  }
0xae: {  	[tilespmem:s20], [sflag:$0x1] =	stream.indirect.gather [spmem:s23], $0x40, s7, s30, $0xb8;
	[tilespmem:$0x1F800] =	vst v63  }
0xaf: {  	_ =	swait.ge [sflag:s19], $0x1800  }
0xb0: {  	[sflag:s19] =	ssyncset.done $0x0  }
0xb1: {  	s8 =	simm.s32 $0x5520;
	[sflag:s19] =	ssyncadd.s32 $0xFFFFE800  }
0xb2: {  	[spmem:s26] =	stream.indirect.scatter.add.f32 [tilespmem:s18], [sflag:$0x8], $0x40, s8, s30, $0xb8;
	[tilespmem:$0x1F800] =	vst v63  }
0xb3: {  	_ =	swait.ge [sflag:s21], $0x1800  }
0xb4: {  	[sflag:s21] =	ssyncset.done $0x0  }
0xb5: {  	s11 =	simm.s32 $0x1E0;
	[sflag:s21] =	ssyncadd.s32 $0xFFFFE800  }
0xb6: {  	[tilespmem:s31], [sflag:$0x2] =	stream.indirect.gather [spmem:s23], $0x40, s11, s30, $0xb8;
	[tilespmem:$0x1F800] =	vst v63  }
0xb7: {  	_ =	swait.ge [sflag:s28], $0x1800  }
0xb8: {  	[sflag:s28] =	ssyncset.done $0x0  }
0xb9: {  	s12 =	simm.s32 $0x5580;
	[sflag:s28] =	ssyncadd.s32 $0xFFFFE800  }
0xba: {  	[spmem:s26] =	stream.indirect.scatter.add.f32 [tilespmem:s20], [sflag:$0x5], $0x40, s12, s30, $0xb8;
	[tilespmem:$0x1F800] =	vst v63  }
0xbb: {  	_ =	swait.ge [sflag:s2], $0x1800  }
0xbc: {  	[sflag:s2] =	ssyncset.done $0x0  }
0xbd: {  	s15 =	simm.s32 $0x240;
	[sflag:s2] =	ssyncadd.s32 $0xFFFFE800  }
0xbe: {  	[tilespmem:s0], [sflag:$0x3] =	stream.indirect.gather [spmem:s23], $0x40, s15, s30, $0xb8;
	[tilespmem:$0x1F800] =	vst v63  }
0xbf: {  	_ =	swait.ge [sflag:s29], $0x1800  }
0xc0: {  	[sflag:s29] =	ssyncset.done $0x0  }
0xc1: {  	s16 =	simm.s32 $0x55E0;
	[sflag:s29] =	ssyncadd.s32 $0xFFFFE800  }
0xc2: {  	[spmem:s26] =	stream.indirect.scatter.add.f32 [tilespmem:s31], [sflag:$0x6], $0x40, s16, s30, $0xb8;
	[tilespmem:$0x1F800] =	vst v63  }
0xc3: {  	_ =	swait.ge [sflag:s4], $0x1800  }
0xc4: {  	s6 =	simm.s32 $0x600;
	[sflag:s4] =	ssyncset.done $0x0  }
0xc5: {  	s7 =	simm.s32 $0x2A0;
	s11 =	smov.u32 s13;
	[sflag:s4] =	ssyncadd.s32 $0xFFFFE800  }
.LBB2_2:
0xc6: {  	[tilespmem:s18], [sflag:$0x4] =	stream.indirect.gather [spmem:s23], $0x40, s7, s30, $0xb8;
	[tilespmem:$0x1F800] =	vst v63  }
0xc7: {  	s7 =	smov.u32 s6  }
0xc8: {  	p0 =	sne.s32 s6, $0x12C00;
	s6 =	sadd.s32 $0x600, s6;
	_ =	swait.ge [sflag:s24], $0x1800  }
0xc9: {  	s7 =	sshra.s32 s7, $0x2;
	[sflag:s24] =	ssyncset.done $0x0  }
0xca: {  	s8 =	sadd.s32 $0x54C0, s7;
	[sflag:s24] =	ssyncadd.s32 $0xFFFFE800  }
0xcb: {  	[spmem:s26] =	stream.indirect.scatter.add.f32 [tilespmem:s0], [sflag:$0x7], $0x40, s8, s30, $0xb8;
	[tilespmem:$0x1F800] =	vst v63  }
0xcc: {  	_ =	swait.ge [sflag:s25], $0x1800  }
0xcd: {  	[sflag:s25] =	ssyncset.done $0x0  }
0xce: {  	s8 =	sadd.s32 $0x180, s7;
	[sflag:s25] =	ssyncadd.s32 $0xFFFFE800  }
0xcf: {  	[tilespmem:s20], [sflag:$0x1] =	stream.indirect.gather [spmem:s23], $0x40, s8, s30, $0xb8;
	[tilespmem:$0x1F800] =	vst v63  }
0xd0: {  	_ =	swait.ge [sflag:s19], $0x1800  }
0xd1: {  	[sflag:s19] =	ssyncset.done $0x0  }
0xd2: {  	s8 =	sadd.s32 $0x5520, s7;
	[sflag:s19] =	ssyncadd.s32 $0xFFFFE800  }
0xd3: {  	[spmem:s26] =	stream.indirect.scatter.add.f32 [tilespmem:s18], [sflag:$0x8], $0x40, s8, s30, $0xb8;
	[tilespmem:$0x1F800] =	vst v63  }
0xd4: {  	_ =	swait.ge [sflag:s21], $0x1800  }
0xd5: {  	[sflag:s21] =	ssyncset.done $0x0  }
0xd6: {  	s8 =	sadd.s32 $0x1E0, s7;
	[sflag:s21] =	ssyncadd.s32 $0xFFFFE800  }
0xd7: {  	[tilespmem:s31], [sflag:$0x2] =	stream.indirect.gather [spmem:s23], $0x40, s8, s30, $0xb8;
	[tilespmem:$0x1F800] =	vst v63  }
0xd8: {  	_ =	swait.ge [sflag:s28], $0x1800  }
0xd9: {  	[sflag:s28] =	ssyncset.done $0x0  }
0xda: {  	s8 =	sadd.s32 $0x5580, s7;
	[sflag:s28] =	ssyncadd.s32 $0xFFFFE800  }
0xdb: {  	[spmem:s26] =	stream.indirect.scatter.add.f32 [tilespmem:s20], [sflag:$0x5], $0x40, s8, s30, $0xb8;
	[tilespmem:$0x1F800] =	vst v63  }
0xdc: {  	_ =	swait.ge [sflag:s2], $0x1800  }
0xdd: {  	[sflag:s2] =	ssyncset.done $0x0  }
0xde: {  	s8 =	sadd.s32 $0x240, s7;
	[sflag:s2] =	ssyncadd.s32 $0xFFFFE800  }
0xdf: {  	[tilespmem:s0], [sflag:$0x3] =	stream.indirect.gather [spmem:s23], $0x40, s8, s30, $0xb8;
	[tilespmem:$0x1F800] =	vst v63  }
0xe0: {  	_ =	swait.ge [sflag:s29], $0x1800  }
0xe1: {  	[sflag:s29] =	ssyncset.done $0x0  }
.Ltmp0:
0xe2: {  	s8 =	sadd.s32 $0x55E0, s7;
	[sflag:s29] =	ssyncadd.s32 $0xFFFFE800;
	(pc) =	sbr.rel @p0 .LBB2_2-.Ltmp0, $4  }
0xe3: {  	[spmem:s26] =	stream.indirect.scatter.add.f32 [tilespmem:s31], [sflag:$0x6], $0x40, s8, s30, $0xb8;
	[tilespmem:$0x1F800] =	vst v63  }
0xe4: {  	_ =	swait.ge [sflag:s4], $0x1800  }
0xe5: {  	[sflag:s4] =	ssyncset.done $0x0  }
0xe6: {  	s7 =	sadd.s32 $0x2A0, s7;
	[sflag:s4] =	ssyncadd.s32 $0xFFFFE800  }
0xe7: {  	[tilespmem:s18], [sflag:$0x4] =	stream.indirect.gather [spmem:s23], $0x40, s7, s30, $0xb8;
	[tilespmem:$0x1F800] =	vst v63  }
0xe8: {  	_ =	swait.ge [sflag:s24], $0x1800  }
0xe9: {  	[sflag:s24] =	ssyncset.done $0x0  }
0xea: {  	s1 =	simm.s32 $0xA140;
	[sflag:s24] =	ssyncadd.s32 $0xFFFFE800  }
0xeb: {  	[spmem:s26] =	stream.indirect.scatter.add.f32 [tilespmem:s0], [sflag:$0x7], $0x40, s1, s30, $0xb8;
	[tilespmem:$0x1F800] =	vst v63  }
0xec: {  	_ =	swait.ge [sflag:s25], $0x1800  }
0xed: {  	[sflag:s25] =	ssyncset.done $0x0  }
0xee: {  	s12 =	simm.s32 $0x4E00;
	[sflag:s25] =	ssyncadd.s32 $0xFFFFE800  }
0xef: {  	[tilespmem:s20], [sflag:$0x1] =	stream.indirect.gather [spmem:s23], $0x40, s12, s30, $0xb8;
	[tilespmem:$0x1F800] =	vst v63  }
0xf0: {  	_ =	swait.ge [sflag:s19], $0x1800  }
0xf1: {  	[sflag:s19] =	ssyncset.done $0x0  }
0xf2: {  	s8 =	simm.s32 $0xA1A0;
	[sflag:s19] =	ssyncadd.s32 $0xFFFFE800  }
0xf3: {  	[spmem:s26] =	stream.indirect.scatter.add.f32 [tilespmem:s18], [sflag:$0x8], $0x40, s8, s30, $0xb8;
	[tilespmem:$0x1F800] =	vst v63  }
0xf4: {  	_ =	swait.ge [sflag:s21], $0x1800  }
0xf5: {  	[sflag:s21] =	ssyncset.done $0x0  }
0xf6: {  	s13 =	simm.s32 $0x4E60;
	[sflag:s21] =	ssyncadd.s32 $0xFFFFE800  }
0xf7: {  	[tilespmem:s31], [sflag:$0x2] =	stream.indirect.gather [spmem:s23], $0x40, s13, s30, $0xb8;
	[tilespmem:$0x1F800] =	vst v63  }
0xf8: {  	_ =	swait.ge [sflag:s28], $0x1800  }
0xf9: {  	[sflag:s28] =	ssyncset.done $0x0  }
0xfa: {  	s15 =	simm.s32 $0xA200;
	[sflag:s28] =	ssyncadd.s32 $0xFFFFE800  }
0xfb: {  	[spmem:s26] =	stream.indirect.scatter.add.f32 [tilespmem:s20], [sflag:$0x5], $0x40, s15, s30, $0xb8;
	[tilespmem:$0x1F800] =	vst v63  }
0xfc: {  	_ =	swait.ge [sflag:s2], $0x1800  }
0xfd: {  	[sflag:s2] =	ssyncset.done $0x0  }
0xfe: {  	[sflag:s2] =	ssyncadd.s32 $0xFFFFE800  }
0xff: {  	_ =	swait.ge [sflag:s4], $0x1800  }
0x100: {  	[sflag:s4] =	ssyncset.done $0x0  }
0x101: {  	[sflag:s4] =	ssyncadd.s32 $0xFFFFE800  }
0x102: {  	_ =	swait.ge [sflag:s29], $0x1800  }
0x103: {  	[sflag:s29] =	ssyncset.done $0x0  }
0x104: {  	[sflag:s29] =	ssyncadd.s32 $0xFFFFE800  }
0x105: {  	_ =	swait.ge [sflag:s25], $0x1800  }
0x106: {  	[sflag:s25] =	ssyncset.done $0x0  }
0x107: {  	[sflag:s25] =	ssyncadd.s32 $0xFFFFE800  }
0x108: {  	[bflag:$0x0] =	sbarrier.arrive $0xFFFF  }
0x109: {  	[tilespmem:s20], [sflag:$0x9] =	stream.linear.gather [spmem:s10], $0x1000, $0x38;
	[tilespmem:$0x1F800] =	vst v63  }
0x10a: {  	_ =	swait.ge [sflag:s22], $0x1000  }
0x10b: {  	[sflag:s22] =	ssyncset.done $0x0  }
0x10c: {  	s6 =	simm.s32 $0x0;
	s16 =	rddreg [dreg:$0x5];
	[sflag:s22] =	ssyncadd.s32 $0xFFFFF000  }
0x10d: {  	[tilespmem:s31], [sflag:$0x9] =	stream.linear.gather [hbm4b:s16+s6], $0x1000, $0x38;
	[tilespmem:$0x1F800] =	vst v63  }
0x10e: {  	_ =	swait.ge [sflag:s22], $0x1000  }
0x10f: {  	[sflag:s22] =	ssyncset.done $0x0  }
0x110: {  	s6 =	simm.s32 $0x0;
	[sflag:s22] =	ssyncadd.s32 $0xFFFFF000  }
0x111: {  	v5 =	vld [tilespmem:s6+$0xC000]  }
0x112: {  	v6 =	vld [tilespmem:s6+$0xC010]  }
0x113: {  	v1 =	vld [tilespmem:s6+$0xC020]  }
0x114: {  	v0 =	vld [tilespmem:s6+$0xC030]  }
0x115: {  	v2 =	vld [tilespmem:s6+$0xA800]  }
0x116: {  	v4 =	vld [tilespmem:s6+$0xA810]  }
0x117: {  	s7 =	simm.s32 $0x100;
	v3 =	vld [tilespmem:s6+$0xA820]  }
.LBB2_4:
0x118: {  	s8 =	sshra.s32 s7, $0x2;
	p0 =	sne.s32 s7, $0x3F00;
	v7 =	vld [tilespmem:s6+$0xA830];
	v8 =	vmov v1  }
0x119: {  	v9 =	vld [tilespmem:s8+$0xC000];
	v10 =	vmov v0  }
0x11a: {  	v11 =	vld [tilespmem:s8+$0xC010];
	v2 =	vmul.f32 v5, v2  }
.Ltmp1:
0x11b: {  	v1 =	vld [tilespmem:s8+$0xC020];
	v4 =	vmul.f32 v6, v4;
	(pc) =	sbr.rel @p0 .LBB2_4-.Ltmp1, $4  }
0x11c: {  	v0 =	vld [tilespmem:s8+$0xC030];
	[tilespmem:s6+$0xA800] =	vst v2;
	v3 =	vmul.f32 v8, v3  }
0x11d: {  	v2 =	vld [tilespmem:s8+$0xA800];
	[tilespmem:s6+$0xA810] =	vst v4;
	v7 =	vmul.f32 v10, v7  }
0x11e: {  	v4 =	vld [tilespmem:s8+$0xA810];
	[tilespmem:s6+$0xA820] =	vst v3;
	v5 =	vmov v9  }
0x11f: {  	s7 =	sadd.s32 $0x100, s7;
	v3 =	vld [tilespmem:s8+$0xA820];
	[tilespmem:s6+$0xA830] =	vst v7;
	v6 =	vmov v11;
	s6 =	smov.u32 s8  }
0x120: {  	v7 =	vld [tilespmem:s6+$0xA830];
	_ =	sdelay $0x1  }
0x121: {  	v2 =	vmul.f32 v5, v2  }
0x122: {  	v4 =	vmul.f32 v6, v4  }
0x123: {  	[tilespmem:s6+$0xA800] =	vst v2;
	v1 =	vmul.f32 v1, v3  }
0x124: {  	[tilespmem:s6+$0xA810] =	vst v4;
	v0 =	vmul.f32 v0, v7  }
0x125: {  	[tilespmem:s6+$0xA820] =	vst v1  }
0x126: {  	[tilespmem:s6+$0xA830] =	vst v0  }
0x127: {  	[spmem:s10] =	stream.linear.scatter [tilespmem:s20], [sflag:$0x9], $0x1000, $0x38;
	[tilespmem:$0x1F800] =	vst v63  }
0x128: {  	_ =	swait.ge [sflag:s22], $0x1000  }
0x129: {  	s15 =	sld [smem:$0x7F1]  }
0x12a: {  	[sflag:s22] =	ssyncset.done $0x0  }
0x12b: {  	[sflag:s22] =	ssyncadd.s32 $0xFFFFF000  }
0x12c: {  	[tilespmem:s20], [sflag:$0x9] =	stream.linear.gather [spmem:s15], $0x1000, $0x38;
	[tilespmem:$0x1F800] =	vst v63  }
0x12d: {  	_ =	swait.ge [sflag:s22], $0x1000  }
0x12e: {  	[sflag:s22] =	ssyncset.done $0x0  }
0x12f: {  	s16 =	simm.s32 $0x0;
	s7 =	rddreg [dreg:$0x6];
	[sflag:s22] =	ssyncadd.s32 $0xFFFFF000  }
0x130: {  	[tilespmem:s31], [sflag:$0x9] =	stream.linear.gather [hbm4b:s7+s16], $0x1000, $0x38;
	[tilespmem:$0x1F800] =	vst v63  }
0x131: {  	_ =	swait.ge [sflag:s22], $0x1000  }
0x132: {  	[sflag:s22] =	ssyncset.done $0x0  }
0x133: {  	s6 =	simm.s32 $0x0;
	[sflag:s22] =	ssyncadd.s32 $0xFFFFF000  }
0x134: {  	v5 =	vld [tilespmem:s6+$0xC000]  }
0x135: {  	v6 =	vld [tilespmem:s6+$0xC010]  }
0x136: {  	v1 =	vld [tilespmem:s6+$0xC020]  }
0x137: {  	v0 =	vld [tilespmem:s6+$0xC030]  }
0x138: {  	v2 =	vld [tilespmem:s6+$0xA800]  }
0x139: {  	s10 =	smov.u32 s9;
	v4 =	vld [tilespmem:s6+$0xA810]  }
0x13a: {  	s15 =	smov.u32 s14;
	s7 =	simm.s32 $0x100;
	s16 =	sld [smem:$0x7FD];
	v3 =	vld [tilespmem:s6+$0xA820]  }
.LBB2_6:
0x13b: {  	s8 =	sshra.s32 s7, $0x2;
	p0 =	sne.s32 s7, $0x3F00;
	v7 =	vld [tilespmem:s6+$0xA830];
	v8 =	vmov v1  }
0x13c: {  	v9 =	vld [tilespmem:s8+$0xC000];
	v10 =	vmov v0  }
0x13d: {  	v11 =	vld [tilespmem:s8+$0xC010];
	v2 =	vmul.f32 v5, v2  }
.Ltmp2:
0x13e: {  	v1 =	vld [tilespmem:s8+$0xC020];
	v4 =	vmul.f32 v6, v4;
	(pc) =	sbr.rel @p0 .LBB2_6-.Ltmp2, $4  }
0x13f: {  	v0 =	vld [tilespmem:s8+$0xC030];
	[tilespmem:s6+$0xA800] =	vst v2;
	v3 =	vmul.f32 v8, v3  }
0x140: {  	v2 =	vld [tilespmem:s8+$0xA800];
	[tilespmem:s6+$0xA810] =	vst v4;
	v7 =	vmul.f32 v10, v7  }
0x141: {  	v4 =	vld [tilespmem:s8+$0xA810];
	[tilespmem:s6+$0xA820] =	vst v3;
	v5 =	vmov v9  }
0x142: {  	s7 =	sadd.s32 $0x100, s7;
	v3 =	vld [tilespmem:s8+$0xA820];
	[tilespmem:s6+$0xA830] =	vst v7;
	v6 =	vmov v11;
	s6 =	smov.u32 s8  }
0x143: {  	v7 =	vld [tilespmem:s6+$0xA830];
	_ =	sdelay $0x1  }
0x144: {  	v2 =	vmul.f32 v5, v2  }
0x145: {  	v4 =	vmul.f32 v6, v4  }
0x146: {  	[tilespmem:s6+$0xA800] =	vst v2;
	v1 =	vmul.f32 v1, v3  }
0x147: {  	s9 =	sld [smem:$0x7F1];
	[tilespmem:s6+$0xA810] =	vst v4;
	v0 =	vmul.f32 v0, v7  }
0x148: {  	[tilespmem:s6+$0xA820] =	vst v1  }
0x149: {  	[tilespmem:s6+$0xA830] =	vst v0  }
0x14a: {  	[spmem:s9] =	stream.linear.scatter [tilespmem:s20], [sflag:$0x9], $0x1000, $0x38;
	[tilespmem:$0x1F800] =	vst v63  }
0x14b: {  	_ =	swait.ge [sflag:s22], $0x1000  }
0x14c: {  	s13 =	sld [smem:$0x7F2]  }
0x14d: {  	[sflag:s22] =	ssyncset.done $0x0  }
0x14e: {  	[sflag:s22] =	ssyncadd.s32 $0xFFFFF000  }
0x14f: {  	[tilespmem:s20], [sflag:$0x9] =	stream.linear.gather [spmem:s13], $0x1000, $0x38;
	[tilespmem:$0x1F800] =	vst v63  }
0x150: {  	_ =	swait.ge [sflag:s22], $0x1000  }
0x151: {  	[sflag:s22] =	ssyncset.done $0x0  }
0x152: {  	s14 =	simm.s32 $0x0;
	s7 =	rddreg [dreg:$0x7];
	[sflag:s22] =	ssyncadd.s32 $0xFFFFF000  }
0x153: {  	[tilespmem:s31], [sflag:$0x9] =	stream.linear.gather [hbm4b:s7+s14], $0x1000, $0x38;
	[tilespmem:$0x1F800] =	vst v63  }
0x154: {  	_ =	swait.ge [sflag:s22], $0x1000  }
0x155: {  	[sflag:s22] =	ssyncset.done $0x0  }
0x156: {  	s6 =	simm.s32 $0x0;
	[sflag:s22] =	ssyncadd.s32 $0xFFFFF000  }
0x157: {  	v5 =	vld [tilespmem:s6+$0xC000]  }
0x158: {  	v6 =	vld [tilespmem:s6+$0xC010]  }
0x159: {  	v1 =	vld [tilespmem:s6+$0xC020]  }
0x15a: {  	v0 =	vld [tilespmem:s6+$0xC030]  }
0x15b: {  	v2 =	vld [tilespmem:s6+$0xA800]  }
0x15c: {  	v4 =	vld [tilespmem:s6+$0xA810]  }
0x15d: {  	s7 =	simm.s32 $0x100;
	s14 =	sld [smem:$0x7FC];
	v3 =	vld [tilespmem:s6+$0xA820]  }
.LBB2_8:
0x15e: {  	s8 =	sshra.s32 s7, $0x2;
	p0 =	sne.s32 s7, $0x3F00;
	v7 =	vld [tilespmem:s6+$0xA830];
	v8 =	vmov v1  }
0x15f: {  	v9 =	vld [tilespmem:s8+$0xC000];
	v10 =	vmov v0  }
0x160: {  	v11 =	vld [tilespmem:s8+$0xC010];
	v2 =	vmul.f32 v5, v2  }
.Ltmp3:
0x161: {  	v1 =	vld [tilespmem:s8+$0xC020];
	v4 =	vmul.f32 v6, v4;
	(pc) =	sbr.rel @p0 .LBB2_8-.Ltmp3, $4  }
0x162: {  	v0 =	vld [tilespmem:s8+$0xC030];
	[tilespmem:s6+$0xA800] =	vst v2;
	v3 =	vmul.f32 v8, v3  }
0x163: {  	v2 =	vld [tilespmem:s8+$0xA800];
	[tilespmem:s6+$0xA810] =	vst v4;
	v7 =	vmul.f32 v10, v7  }
0x164: {  	v4 =	vld [tilespmem:s8+$0xA810];
	[tilespmem:s6+$0xA820] =	vst v3;
	v5 =	vmov v9  }
0x165: {  	s7 =	sadd.s32 $0x100, s7;
	v3 =	vld [tilespmem:s8+$0xA820];
	[tilespmem:s6+$0xA830] =	vst v7;
	v6 =	vmov v11;
	s6 =	smov.u32 s8  }
0x166: {  	v7 =	vld [tilespmem:s6+$0xA830];
	_ =	sdelay $0x1  }
0x167: {  	v2 =	vmul.f32 v5, v2  }
0x168: {  	v4 =	vmul.f32 v6, v4  }
0x169: {  	[tilespmem:s6+$0xA800] =	vst v2;
	v1 =	vmul.f32 v1, v3  }
0x16a: {  	s8 =	sld [smem:$0x7F2];
	[tilespmem:s6+$0xA810] =	vst v4;
	v0 =	vmul.f32 v0, v7  }
0x16b: {  	[tilespmem:s6+$0xA820] =	vst v1  }
0x16c: {  	[tilespmem:s6+$0xA830] =	vst v0  }
0x16d: {  	[spmem:s8] =	stream.linear.scatter [tilespmem:s20], [sflag:$0x9], $0x1000, $0x38;
	[tilespmem:$0x1F800] =	vst v63  }
0x16e: {  	_ =	swait.ge [sflag:s22], $0x1000  }
0x16f: {  	s9 =	sld [smem:$0x7F4]  }
0x170: {  	[sflag:s22] =	ssyncset.done $0x0  }
0x171: {  	[sflag:s22] =	ssyncadd.s32 $0xFFFFF000  }
0x172: {  	[tilespmem:s20], [sflag:$0x9] =	stream.linear.gather [spmem:s9], $0x1000, $0x38;
	[tilespmem:$0x1F800] =	vst v63  }
0x173: {  	_ =	swait.ge [sflag:s22], $0x1000  }
0x174: {  	[sflag:s22] =	ssyncset.done $0x0  }
0x175: {  	s13 =	simm.s32 $0x0;
	s7 =	rddreg [dreg:$0x8];
	[sflag:s22] =	ssyncadd.s32 $0xFFFFF000  }
0x176: {  	[tilespmem:s31], [sflag:$0x9] =	stream.linear.gather [hbm4b:s7+s13], $0x1000, $0x38;
	[tilespmem:$0x1F800] =	vst v63  }
0x177: {  	_ =	swait.ge [sflag:s22], $0x1000  }
0x178: {  	[sflag:s22] =	ssyncset.done $0x0  }
0x179: {  	s6 =	simm.s32 $0x0;
	[sflag:s22] =	ssyncadd.s32 $0xFFFFF000  }
0x17a: {  	v5 =	vld [tilespmem:s6+$0xC000]  }
0x17b: {  	v6 =	vld [tilespmem:s6+$0xC010]  }
0x17c: {  	v1 =	vld [tilespmem:s6+$0xC020]  }
0x17d: {  	v0 =	vld [tilespmem:s6+$0xC030]  }
0x17e: {  	v2 =	vld [tilespmem:s6+$0xA800]  }
0x17f: {  	v4 =	vld [tilespmem:s6+$0xA810]  }
0x180: {  	s7 =	simm.s32 $0x100;
	v3 =	vld [tilespmem:s6+$0xA820]  }
.LBB2_10:
0x181: {  	s8 =	sshra.s32 s7, $0x2;
	p0 =	sne.s32 s7, $0x3F00;
	v7 =	vld [tilespmem:s6+$0xA830];
	v8 =	vmov v1  }
0x182: {  	v9 =	vld [tilespmem:s8+$0xC000];
	v10 =	vmov v0  }
0x183: {  	v11 =	vld [tilespmem:s8+$0xC010];
	v2 =	vmul.f32 v5, v2  }
.Ltmp4:
0x184: {  	v1 =	vld [tilespmem:s8+$0xC020];
	v4 =	vmul.f32 v6, v4;
	(pc) =	sbr.rel @p0 .LBB2_10-.Ltmp4, $4  }
0x185: {  	v0 =	vld [tilespmem:s8+$0xC030];
	[tilespmem:s6+$0xA800] =	vst v2;
	v3 =	vmul.f32 v8, v3  }
0x186: {  	v2 =	vld [tilespmem:s8+$0xA800];
	[tilespmem:s6+$0xA810] =	vst v4;
	v7 =	vmul.f32 v10, v7  }
0x187: {  	v4 =	vld [tilespmem:s8+$0xA810];
	[tilespmem:s6+$0xA820] =	vst v3;
	v5 =	vmov v9  }
0x188: {  	s7 =	sadd.s32 $0x100, s7;
	v3 =	vld [tilespmem:s8+$0xA820];
	[tilespmem:s6+$0xA830] =	vst v7;
	v6 =	vmov v11;
	s6 =	smov.u32 s8  }
0x189: {  	v7 =	vld [tilespmem:s6+$0xA830];
	_ =	sdelay $0x1  }
0x18a: {  	v2 =	vmul.f32 v5, v2  }
0x18b: {  	v4 =	vmul.f32 v6, v4  }
0x18c: {  	[tilespmem:s6+$0xA800] =	vst v2;
	v1 =	vmul.f32 v1, v3  }
0x18d: {  	s8 =	sld [smem:$0x7F4];
	[tilespmem:s6+$0xA810] =	vst v4;
	v0 =	vmul.f32 v0, v7  }
0x18e: {  	[tilespmem:s6+$0xA820] =	vst v1  }
0x18f: {  	[tilespmem:s6+$0xA830] =	vst v0  }
0x190: {  	[spmem:s8] =	stream.linear.scatter [tilespmem:s20], [sflag:$0x9], $0x1000, $0x38;
	[tilespmem:$0x1F800] =	vst v63  }
0x191: {  	_ =	swait.ge [sflag:s22], $0x1000  }
0x192: {  	s9 =	sld [smem:$0x7F5]  }
0x193: {  	[sflag:s22] =	ssyncset.done $0x0  }
0x194: {  	[sflag:s22] =	ssyncadd.s32 $0xFFFFF000  }
0x195: {  	[tilespmem:s20], [sflag:$0x9] =	stream.linear.gather [spmem:s9], $0x1000, $0x38;
	[tilespmem:$0x1F800] =	vst v63  }
0x196: {  	_ =	swait.ge [sflag:s22], $0x1000  }
0x197: {  	[sflag:s22] =	ssyncset.done $0x0  }
0x198: {  	s13 =	simm.s32 $0x0;
	s7 =	rddreg [dreg:$0x9];
	[sflag:s22] =	ssyncadd.s32 $0xFFFFF000  }
0x199: {  	[tilespmem:s31], [sflag:$0x9] =	stream.linear.gather [hbm4b:s7+s13], $0x1000, $0x38;
	[tilespmem:$0x1F800] =	vst v63  }
0x19a: {  	_ =	swait.ge [sflag:s22], $0x1000  }
0x19b: {  	[sflag:s22] =	ssyncset.done $0x0  }
0x19c: {  	s6 =	simm.s32 $0x0;
	[sflag:s22] =	ssyncadd.s32 $0xFFFFF000  }
0x19d: {  	v5 =	vld [tilespmem:s6+$0xC000]  }
0x19e: {  	v6 =	vld [tilespmem:s6+$0xC010]  }
0x19f: {  	v1 =	vld [tilespmem:s6+$0xC020]  }
0x1a0: {  	v0 =	vld [tilespmem:s6+$0xC030]  }
0x1a1: {  	v2 =	vld [tilespmem:s6+$0xA800]  }
0x1a2: {  	v4 =	vld [tilespmem:s6+$0xA810]  }
0x1a3: {  	s7 =	simm.s32 $0x100;
	v3 =	vld [tilespmem:s6+$0xA820]  }
.LBB2_12:
0x1a4: {  	s8 =	sshra.s32 s7, $0x2;
	p0 =	sne.s32 s7, $0x3F00;
	v7 =	vld [tilespmem:s6+$0xA830];
	v8 =	vmov v1  }
0x1a5: {  	v9 =	vld [tilespmem:s8+$0xC000];
	v10 =	vmov v0  }
0x1a6: {  	v11 =	vld [tilespmem:s8+$0xC010];
	v2 =	vmul.f32 v5, v2  }
.Ltmp5:
0x1a7: {  	v1 =	vld [tilespmem:s8+$0xC020];
	v4 =	vmul.f32 v6, v4;
	(pc) =	sbr.rel @p0 .LBB2_12-.Ltmp5, $4  }
0x1a8: {  	v0 =	vld [tilespmem:s8+$0xC030];
	[tilespmem:s6+$0xA800] =	vst v2;
	v3 =	vmul.f32 v8, v3  }
0x1a9: {  	v2 =	vld [tilespmem:s8+$0xA800];
	[tilespmem:s6+$0xA810] =	vst v4;
	v7 =	vmul.f32 v10, v7  }
0x1aa: {  	v4 =	vld [tilespmem:s8+$0xA810];
	[tilespmem:s6+$0xA820] =	vst v3;
	v5 =	vmov v9  }
0x1ab: {  	s7 =	sadd.s32 $0x100, s7;
	v3 =	vld [tilespmem:s8+$0xA820];
	[tilespmem:s6+$0xA830] =	vst v7;
	v6 =	vmov v11;
	s6 =	smov.u32 s8  }
0x1ac: {  	v7 =	vld [tilespmem:s6+$0xA830];
	_ =	sdelay $0x1  }
0x1ad: {  	v2 =	vmul.f32 v5, v2  }
0x1ae: {  	v4 =	vmul.f32 v6, v4  }
0x1af: {  	[tilespmem:s6+$0xA800] =	vst v2;
	v1 =	vmul.f32 v1, v3  }
0x1b0: {  	s7 =	sld [smem:$0x7F5];
	[tilespmem:s6+$0xA810] =	vst v4;
	v0 =	vmul.f32 v0, v7  }
0x1b1: {  	[tilespmem:s6+$0xA820] =	vst v1  }
0x1b2: {  	[tilespmem:s6+$0xA830] =	vst v0  }
0x1b3: {  	[spmem:s7] =	stream.linear.scatter [tilespmem:s20], [sflag:$0x9], $0x1000, $0x38;
	[tilespmem:$0x1F800] =	vst v63  }
0x1b4: {  	_ =	swait.ge [sflag:s22], $0x1000  }
0x1b5: {  	[sflag:s22] =	ssyncset.done $0x0  }
0x1b6: {  	s8 =	simm.s32 $0x0;
	s7 =	rddreg [dreg:$0x1f];
	[sflag:s22] =	ssyncadd.s32 $0xFFFFF000  }
0x1b7: {  	[tilespmem:s20], [sflag:$0x9] =	stream.linear.gather [hbm4b:s7+s8], $0x1000, $0x38;
	[tilespmem:$0x1F800] =	vst v63  }
0x1b8: {  	_ =	swait.ge [sflag:s22], $0x1000  }
0x1b9: {  	s9 =	sld [smem:$0x7FB]  }
0x1ba: {  	[sflag:s22] =	ssyncset.done $0x0  }
0x1bb: {  	s13 =	sld [smem:$0x7FA];
	[sflag:s22] =	ssyncadd.s32 $0xFFFFF000  }
0x1bc: {  	[spmem:s9] =	stream.linear.scatter [tilespmem:s20], [sflag:$0x5], $0x1000, $0x38;
	[tilespmem:$0x1F800] =	vst v63  }
0x1bd: {  	s1 =	sld [smem:$0x7F9]  }
0x1be: {  	[spmem:s13] =	stream.linear.scatter [tilespmem:s20], [sflag:$0x5], $0x1000, $0x38;
	[tilespmem:$0x1F800] =	vst v63  }
0x1bf: {  	_ = 	snop  }
0x1c0: {  	[spmem:s1] =	stream.linear.scatter [tilespmem:s20], [sflag:$0x5], $0x1000, $0x38;
	[tilespmem:$0x1F800] =	vst v63  }
0x1c1: {  	s5 =	sld [smem:$0x7F8]  }
0x1c2: {  	[spmem:s11] =	stream.linear.scatter [tilespmem:s20], [sflag:$0x5], $0x1000, $0x38;
	[tilespmem:$0x1F800] =	vst v63  }
0x1c3: {  	_ = 	snop  }
0x1c4: {  	[spmem:s5] =	stream.linear.scatter [tilespmem:s20], [sflag:$0x5], $0x1000, $0x38;
	[tilespmem:$0x1F800] =	vst v63  }
0x1c5: {  	_ = 	snop  }
0x1c6: {  	[spmem:s17] =	stream.linear.scatter [tilespmem:s20], [sflag:$0x5], $0x1000, $0x38;
	[tilespmem:$0x1F800] =	vst v63  }
0x1c7: {  	_ = 	snop  }
0x1c8: {  	[spmem:s16] =	stream.linear.scatter [tilespmem:s20], [sflag:$0x5], $0x1000, $0x38;
	[tilespmem:$0x1F800] =	vst v63  }
0x1c9: {  	_ = 	snop  }
0x1ca: {  	[spmem:s15] =	stream.linear.scatter [tilespmem:s20], [sflag:$0x5], $0x1000, $0x38;
	[tilespmem:$0x1F800] =	vst v63  }
0x1cb: {  	_ = 	snop  }
0x1cc: {  	[spmem:s14] =	stream.linear.scatter [tilespmem:s20], [sflag:$0x5], $0x1000, $0x38;
	[tilespmem:$0x1F800] =	vst v63  }
0x1cd: {  	_ = 	snop  }
0x1ce: {  	[spmem:s10] =	stream.linear.scatter [tilespmem:s20], [sflag:$0x5], $0x1000, $0x38;
	[tilespmem:$0x1F800] =	vst v63  }
0x1cf: {  	_ =	swait.ge [sflag:s25], $0x1000  }
0x1d0: {  	[sflag:s25] =	ssyncset.done $0x0  }
0x1d1: {  	[sflag:s25] =	ssyncadd.s32 $0xFFFFF000  }
0x1d2: {  	_ =	swait.ge [sflag:s25], $0x1000  }
0x1d3: {  	[sflag:s25] =	ssyncset.done $0x0  }
0x1d4: {  	[sflag:s25] =	ssyncadd.s32 $0xFFFFF000  }
0x1d5: {  	_ =	swait.ge [sflag:s25], $0x1000  }
0x1d6: {  	[sflag:s25] =	ssyncset.done $0x0  }
0x1d7: {  	[sflag:s25] =	ssyncadd.s32 $0xFFFFF000  }
0x1d8: {  	_ =	swait.ge [sflag:s25], $0x1000  }
0x1d9: {  	[sflag:s25] =	ssyncset.done $0x0  }
0x1da: {  	[sflag:s25] =	ssyncadd.s32 $0xFFFFF000  }
0x1db: {  	_ =	swait.ge [sflag:s25], $0x1000  }
0x1dc: {  	[sflag:s25] =	ssyncset.done $0x0  }
0x1dd: {  	[sflag:s25] =	ssyncadd.s32 $0xFFFFF000  }
0x1de: {  	_ =	swait.ge [sflag:s25], $0x1000  }
0x1df: {  	[sflag:s25] =	ssyncset.done $0x0  }
0x1e0: {  	[sflag:s25] =	ssyncadd.s32 $0xFFFFF000  }
0x1e1: {  	_ =	swait.ge [sflag:s25], $0x1000  }
0x1e2: {  	[sflag:s25] =	ssyncset.done $0x0  }
0x1e3: {  	[sflag:s25] =	ssyncadd.s32 $0xFFFFF000  }
0x1e4: {  	_ =	swait.ge [sflag:s25], $0x1000  }
0x1e5: {  	[sflag:s25] =	ssyncset.done $0x0  }
0x1e6: {  	[sflag:s25] =	ssyncadd.s32 $0xFFFFF000  }
0x1e7: {  	_ =	swait.ge [sflag:s25], $0x1000  }
0x1e8: {  	[sflag:s25] =	ssyncset.done $0x0  }
0x1e9: {  	[sflag:s25] =	ssyncadd.s32 $0xFFFFF000  }
0x1ea: {  	_ =	swait.ge [sflag:s25], $0x1000  }
0x1eb: {  	[sflag:s25] =	ssyncset.done $0x0  }
0x1ec: {  	[sflag:s25] =	ssyncadd.s32 $0xFFFFF000  }
0x1ed: {  	s1 =	simm.s32 $0x5400;
	[bflag:$0x0] =	sbarrier.arrive $0xFFFF  }
0x1ee: {  	[tilespmem:s20], [sflag:$0x1] =	stream.indirect.gather [spmem:s26], $0x40, s1, s30, $0xb8;
	[tilespmem:$0x1F800] =	vst v63  }
0x1ef: {  	s7 =	simm.s32 $0x5460  }
0x1f0: {  	[tilespmem:s31], [sflag:$0x2] =	stream.indirect.gather [spmem:s26], $0x40, s7, s30, $0xb8;
	[tilespmem:$0x1F800] =	vst v63  }
0x1f1: {  	_ =	swait.ge [sflag:s28], $0x1800  }
0x1f2: {  	[sflag:s28] =	ssyncset.done $0x0  }
0x1f3: {  	[sflag:s28] =	ssyncadd.s32 $0xFFFFE800  }
0x1f4: {  	[spmem:s23] =	stream.indirect.scatter.add.f32 [tilespmem:s20], [sflag:$0x5], $0x40, s8, s30, $0xb8;
	[tilespmem:$0x1F800] =	vst v63  }
0x1f5: {  	s8 =	simm.s32 $0x54C0  }
0x1f6: {  	[tilespmem:s0], [sflag:$0x3] =	stream.indirect.gather [spmem:s26], $0x40, s8, s30, $0xb8;
	[tilespmem:$0x1F800] =	vst v63  }
0x1f7: {  	_ =	swait.ge [sflag:s29], $0x1800  }
0x1f8: {  	[sflag:s29] =	ssyncset.done $0x0  }
0x1f9: {  	[sflag:s29] =	ssyncadd.s32 $0xFFFFE800  }
0x1fa: {  	[spmem:s23] =	stream.indirect.scatter.add.f32 [tilespmem:s31], [sflag:$0x6], $0x40, s30, s30, $0xb8;
	[tilespmem:$0x1F800] =	vst v63  }
0x1fb: {  	s9 =	simm.s32 $0x5520  }
0x1fc: {  	[tilespmem:s18], [sflag:$0x4] =	stream.indirect.gather [spmem:s26], $0x40, s9, s30, $0xb8;
	[tilespmem:$0x1F800] =	vst v63  }
0x1fd: {  	_ =	swait.ge [sflag:s24], $0x1800  }
0x1fe: {  	[sflag:s24] =	ssyncset.done $0x0  }
0x1ff: {  	s13 =	smov.u32 s11;
	s11 =	simm.s32 $0xC0;
	[sflag:s24] =	ssyncadd.s32 $0xFFFFE800  }
0x200: {  	[spmem:s23] =	stream.indirect.scatter.add.f32 [tilespmem:s0], [sflag:$0x7], $0x40, s11, s30, $0xb8;
	[tilespmem:$0x1F800] =	vst v63  }
0x201: {  	_ =	swait.ge [sflag:s25], $0x1800  }
0x202: {  	[sflag:s25] =	ssyncset.done $0x0  }
0x203: {  	s1 =	simm.s32 $0x5580;
	[sflag:s25] =	ssyncadd.s32 $0xFFFFE800  }
0x204: {  	[tilespmem:s20], [sflag:$0x1] =	stream.indirect.gather [spmem:s26], $0x40, s1, s30, $0xb8;
	[tilespmem:$0x1F800] =	vst v63  }
0x205: {  	_ =	swait.ge [sflag:s19], $0x1800  }
0x206: {  	[sflag:s19] =	ssyncset.done $0x0  }
0x207: {  	s5 =	simm.s32 $0x120;
	[sflag:s19] =	ssyncadd.s32 $0xFFFFE800  }
0x208: {  	[spmem:s23] =	stream.indirect.scatter.add.f32 [tilespmem:s18], [sflag:$0x8], $0x40, s5, s30, $0xb8;
	[tilespmem:$0x1F800] =	vst v63  }
0x209: {  	_ =	swait.ge [sflag:s21], $0x1800  }
0x20a: {  	[sflag:s21] =	ssyncset.done $0x0  }
0x20b: {  	s7 =	simm.s32 $0x55E0;
	[sflag:s21] =	ssyncadd.s32 $0xFFFFE800  }
0x20c: {  	[tilespmem:s31], [sflag:$0x2] =	stream.indirect.gather [spmem:s26], $0x40, s7, s30, $0xb8;
	[tilespmem:$0x1F800] =	vst v63  }
0x20d: {  	_ =	swait.ge [sflag:s28], $0x1800  }
0x20e: {  	[sflag:s28] =	ssyncset.done $0x0  }
0x20f: {  	s8 =	simm.s32 $0x180;
	[sflag:s28] =	ssyncadd.s32 $0xFFFFE800  }
0x210: {  	[spmem:s23] =	stream.indirect.scatter.add.f32 [tilespmem:s20], [sflag:$0x5], $0x40, s8, s30, $0xb8;
	[tilespmem:$0x1F800] =	vst v63  }
0x211: {  	_ =	swait.ge [sflag:s2], $0x1800  }
0x212: {  	[sflag:s2] =	ssyncset.done $0x0  }
0x213: {  	s9 =	simm.s32 $0x5640;
	[sflag:s2] =	ssyncadd.s32 $0xFFFFE800  }
0x214: {  	[tilespmem:s0], [sflag:$0x3] =	stream.indirect.gather [spmem:s26], $0x40, s9, s30, $0xb8;
	[tilespmem:$0x1F800] =	vst v63  }
0x215: {  	_ =	swait.ge [sflag:s29], $0x1800  }
0x216: {  	[sflag:s29] =	ssyncset.done $0x0  }
0x217: {  	s11 =	simm.s32 $0x1E0;
	[sflag:s29] =	ssyncadd.s32 $0xFFFFE800  }
0x218: {  	[spmem:s23] =	stream.indirect.scatter.add.f32 [tilespmem:s31], [sflag:$0x6], $0x40, s11, s30, $0xb8;
	[tilespmem:$0x1F800] =	vst v63  }
0x219: {  	_ =	swait.ge [sflag:s4], $0x1800  }
0x21a: {  	[sflag:s4] =	ssyncset.done $0x0  }
0x21b: {  	s6 =	simm.s32 $0x600;
	s7 =	simm.s32 $0x56A0;
	[sflag:s4] =	ssyncadd.s32 $0xFFFFE800  }
.LBB2_14:
0x21c: {  	[tilespmem:s18], [sflag:$0x4] =	stream.indirect.gather [spmem:s26], $0x40, s7, s30, $0xb8;
	[tilespmem:$0x1F800] =	vst v63  }
0x21d: {  	s7 =	smov.u32 s6  }
0x21e: {  	p0 =	sne.s32 s6, $0x12C00;
	s6 =	sadd.s32 $0x600, s6;
	_ =	swait.ge [sflag:s24], $0x1800  }
0x21f: {  	s7 =	sshra.s32 s7, $0x2;
	[sflag:s24] =	ssyncset.done $0x0  }
0x220: {  	s8 =	sadd.s32 $0xC0, s7;
	[sflag:s24] =	ssyncadd.s32 $0xFFFFE800  }
0x221: {  	[spmem:s23] =	stream.indirect.scatter.add.f32 [tilespmem:s0], [sflag:$0x7], $0x40, s8, s30, $0xb8;
	[tilespmem:$0x1F800] =	vst v63  }
0x222: {  	_ =	swait.ge [sflag:s25], $0x1800  }
0x223: {  	[sflag:s25] =	ssyncset.done $0x0  }
0x224: {  	s8 =	sadd.s32 $0x5580, s7;
	[sflag:s25] =	ssyncadd.s32 $0xFFFFE800  }
0x225: {  	[tilespmem:s20], [sflag:$0x1] =	stream.indirect.gather [spmem:s26], $0x40, s8, s30, $0xb8;
	[tilespmem:$0x1F800] =	vst v63  }
0x226: {  	_ =	swait.ge [sflag:s19], $0x1800  }
0x227: {  	[sflag:s19] =	ssyncset.done $0x0  }
0x228: {  	s8 =	sadd.s32 $0x120, s7;
	[sflag:s19] =	ssyncadd.s32 $0xFFFFE800  }
0x229: {  	[spmem:s23] =	stream.indirect.scatter.add.f32 [tilespmem:s18], [sflag:$0x8], $0x40, s8, s30, $0xb8;
	[tilespmem:$0x1F800] =	vst v63  }
0x22a: {  	_ =	swait.ge [sflag:s21], $0x1800  }
0x22b: {  	[sflag:s21] =	ssyncset.done $0x0  }
0x22c: {  	s8 =	sadd.s32 $0x55E0, s7;
	[sflag:s21] =	ssyncadd.s32 $0xFFFFE800  }
0x22d: {  	[tilespmem:s31], [sflag:$0x2] =	stream.indirect.gather [spmem:s26], $0x40, s8, s30, $0xb8;
	[tilespmem:$0x1F800] =	vst v63  }
0x22e: {  	_ =	swait.ge [sflag:s28], $0x1800  }
0x22f: {  	[sflag:s28] =	ssyncset.done $0x0  }
0x230: {  	s8 =	sadd.s32 $0x180, s7;
	[sflag:s28] =	ssyncadd.s32 $0xFFFFE800  }
0x231: {  	[spmem:s23] =	stream.indirect.scatter.add.f32 [tilespmem:s20], [sflag:$0x5], $0x40, s8, s30, $0xb8;
	[tilespmem:$0x1F800] =	vst v63  }
0x232: {  	_ =	swait.ge [sflag:s2], $0x1800  }
0x233: {  	[sflag:s2] =	ssyncset.done $0x0  }
0x234: {  	s8 =	sadd.s32 $0x5640, s7;
	[sflag:s2] =	ssyncadd.s32 $0xFFFFE800  }
0x235: {  	[tilespmem:s0], [sflag:$0x3] =	stream.indirect.gather [spmem:s26], $0x40, s8, s30, $0xb8;
	[tilespmem:$0x1F800] =	vst v63  }
0x236: {  	_ =	swait.ge [sflag:s29], $0x1800  }
0x237: {  	[sflag:s29] =	ssyncset.done $0x0  }
.Ltmp6:
0x238: {  	s8 =	sadd.s32 $0x1E0, s7;
	[sflag:s29] =	ssyncadd.s32 $0xFFFFE800;
	(pc) =	sbr.rel @p0 .LBB2_14-.Ltmp6, $4  }
0x239: {  	[spmem:s23] =	stream.indirect.scatter.add.f32 [tilespmem:s31], [sflag:$0x6], $0x40, s8, s30, $0xb8;
	[tilespmem:$0x1F800] =	vst v63  }
0x23a: {  	_ =	swait.ge [sflag:s4], $0x1800  }
0x23b: {  	[sflag:s4] =	ssyncset.done $0x0  }
0x23c: {  	s7 =	sadd.s32 $0x56A0, s7;
	[sflag:s4] =	ssyncadd.s32 $0xFFFFE800  }
0x23d: {  	[tilespmem:s18], [sflag:$0x4] =	stream.indirect.gather [spmem:s26], $0x40, s7, s30, $0xb8;
	[tilespmem:$0x1F800] =	vst v63  }
0x23e: {  	_ =	swait.ge [sflag:s24], $0x1800  }
0x23f: {  	[sflag:s24] =	ssyncset.done $0x0  }
0x240: {  	s1 =	simm.s32 $0x4D40;
	[sflag:s24] =	ssyncadd.s32 $0xFFFFE800  }
0x241: {  	[spmem:s23] =	stream.indirect.scatter.add.f32 [tilespmem:s0], [sflag:$0x7], $0x40, s1, s30, $0xb8;
	[tilespmem:$0x1F800] =	vst v63  }
0x242: {  	_ =	swait.ge [sflag:s25], $0x1800  }
0x243: {  	[sflag:s25] =	ssyncset.done $0x0  }
0x244: {  	s5 =	simm.s32 $0xA200;
	[sflag:s25] =	ssyncadd.s32 $0xFFFFE800  }
0x245: {  	[tilespmem:s20], [sflag:$0x1] =	stream.indirect.gather [spmem:s26], $0x40, s5, s30, $0xb8;
	[tilespmem:$0x1F800] =	vst v63  }
0x246: {  	_ =	swait.ge [sflag:s19], $0x1800  }
0x247: {  	[sflag:s19] =	ssyncset.done $0x0  }
0x248: {  	s6 =	simm.s32 $0x4DA0;
	[sflag:s19] =	ssyncadd.s32 $0xFFFFE800  }
0x249: {  	[spmem:s23] =	stream.indirect.scatter.add.f32 [tilespmem:s18], [sflag:$0x8], $0x40, s6, s30, $0xb8;
	[tilespmem:$0x1F800] =	vst v63  }
0x24a: {  	_ =	swait.ge [sflag:s21], $0x1800  }
0x24b: {  	[sflag:s21] =	ssyncset.done $0x0  }
0x24c: {  	s7 =	simm.s32 $0xA260;
	[sflag:s21] =	ssyncadd.s32 $0xFFFFE800  }
0x24d: {  	[tilespmem:s31], [sflag:$0x2] =	stream.indirect.gather [spmem:s26], $0x40, s7, s30, $0xb8;
	[tilespmem:$0x1F800] =	vst v63  }
0x24e: {  	_ =	swait.ge [sflag:s28], $0x1800  }
0x24f: {  	[sflag:s28] =	ssyncset.done $0x0  }
0x250: {  	[sflag:s28] =	ssyncadd.s32 $0xFFFFE800  }
0x251: {  	[spmem:s23] =	stream.indirect.scatter.add.f32 [tilespmem:s20], [sflag:$0x5], $0x40, s12, s30, $0xb8;
	[tilespmem:$0x1F800] =	vst v63  }
0x252: {  	_ =	swait.ge [sflag:s2], $0x1800  }
0x253: {  	[sflag:s2] =	ssyncset.done $0x0  }
0x254: {  	[sflag:s2] =	ssyncadd.s32 $0xFFFFE800  }
0x255: {  	_ =	swait.ge [sflag:s4], $0x1800  }
0x256: {  	[sflag:s4] =	ssyncset.done $0x0  }
0x257: {  	[sflag:s4] =	ssyncadd.s32 $0xFFFFE800  }
0x258: {  	_ =	swait.ge [sflag:s29], $0x1800  }
0x259: {  	[sflag:s29] =	ssyncset.done $0x0  }
0x25a: {  	[sflag:s29] =	ssyncadd.s32 $0xFFFFE800  }
0x25b: {  	_ =	swait.ge [sflag:s25], $0x1800  }
0x25c: {  	[sflag:s25] =	ssyncset.done $0x0  }
0x25d: {  	[sflag:s25] =	ssyncadd.s32 $0xFFFFE800  }
0x25e: {  	[bflag:$0x0] =	sbarrier.arrive $0xFFFF  }
0x25f: {  	s7 =	sld [smem:$0x7FB];
	_ =	sdelay $0x2  }
0x260: {  	[tilespmem:s20], [sflag:$0x9] =	stream.linear.gather [spmem:s7], $0x1000, $0x38;
	[tilespmem:$0x1F800] =	vst v63  }
0x261: {  	_ =	swait.ge [sflag:s22], $0x1000  }
0x262: {  	[sflag:s22] =	ssyncset.done $0x0;
	s6 =	rddreg [dreg:$0x14]  }
0x263: {  	s1 =	simm.s32 $0x0;
	s5 =	sld [smem:$0x7FA];
	[sflag:s22] =	ssyncadd.s32 $0xFFFFF000  }
0x264: {  	[hbm4b:s6+s1] =	stream.linear.scatter [tilespmem:s20], [sflag:$0x1], $0x1000, $0x38;
	[tilespmem:$0x1F800] =	vst v63  }
0x265: {  	_ = 	snop  }
0x266: {  	[tilespmem:s31], [sflag:$0x9] =	stream.linear.gather [spmem:s5], $0x1000, $0x38;
	[tilespmem:$0x1F800] =	vst v63  }
0x267: {  	_ =	swait.ge [sflag:s22], $0x1000  }
0x268: {  	[sflag:s22] =	ssyncset.done $0x0  }
0x269: {  	s8 =	rddreg [dreg:$0x15];
	[sflag:s22] =	ssyncadd.s32 $0xFFFFF000  }
0x26a: {  	[hbm4b:s8+s1] =	stream.linear.scatter [tilespmem:s31], [sflag:$0x2], $0x1000, $0x38;
	[tilespmem:$0x1F800] =	vst v63  }
0x26b: {  	_ =	swait.ge [sflag:s28], $0x1000  }
0x26c: {  	s11 =	sld [smem:$0x7F9]  }
0x26d: {  	[sflag:s28] =	ssyncset.done $0x0  }
0x26e: {  	[sflag:s28] =	ssyncadd.s32 $0xFFFFF000  }
0x26f: {  	[tilespmem:s20], [sflag:$0x9] =	stream.linear.gather [spmem:s11], $0x1000, $0x38;
	[tilespmem:$0x1F800] =	vst v63  }
0x270: {  	_ =	swait.ge [sflag:s22], $0x1000  }
0x271: {  	[sflag:s22] =	ssyncset.done $0x0  }
0x272: {  	s9 =	rddreg [dreg:$0x16];
	[sflag:s22] =	ssyncadd.s32 $0xFFFFF000  }
0x273: {  	[hbm4b:s9+s1] =	stream.linear.scatter [tilespmem:s20], [sflag:$0x1], $0x1000, $0x38;
	[tilespmem:$0x1F800] =	vst v63  }
0x274: {  	_ =	swait.ge [sflag:s29], $0x1000  }
0x275: {  	[sflag:s29] =	ssyncset.done $0x0  }
0x276: {  	[sflag:s29] =	ssyncadd.s32 $0xFFFFF000  }
0x277: {  	[tilespmem:s31], [sflag:$0x9] =	stream.linear.gather [spmem:s13], $0x1000, $0x38;
	[tilespmem:$0x1F800] =	vst v63  }
0x278: {  	_ =	swait.ge [sflag:s22], $0x1000  }
0x279: {  	[sflag:s22] =	ssyncset.done $0x0  }
0x27a: {  	s12 =	rddreg [dreg:$0x17];
	[sflag:s22] =	ssyncadd.s32 $0xFFFFF000  }
0x27b: {  	[hbm4b:s12+s1] =	stream.linear.scatter [tilespmem:s31], [sflag:$0x2], $0x1000, $0x38;
	[tilespmem:$0x1F800] =	vst v63  }
0x27c: {  	_ =	swait.ge [sflag:s28], $0x1000  }
0x27d: {  	s9 =	sld [smem:$0x7F8]  }
0x27e: {  	[sflag:s28] =	ssyncset.done $0x0  }
0x27f: {  	[sflag:s28] =	ssyncadd.s32 $0xFFFFF000  }
0x280: {  	[tilespmem:s20], [sflag:$0x9] =	stream.linear.gather [spmem:s9], $0x1000, $0x38;
	[tilespmem:$0x1F800] =	vst v63  }
0x281: {  	_ =	swait.ge [sflag:s22], $0x1000  }
0x282: {  	[sflag:s22] =	ssyncset.done $0x0  }
0x283: {  	s8 =	rddreg [dreg:$0x18];
	[sflag:s22] =	ssyncadd.s32 $0xFFFFF000  }
0x284: {  	[hbm4b:s8+s1] =	stream.linear.scatter [tilespmem:s20], [sflag:$0x1], $0x1000, $0x38;
	[tilespmem:$0x1F800] =	vst v63  }
0x285: {  	_ =	swait.ge [sflag:s29], $0x1000  }
0x286: {  	[sflag:s29] =	ssyncset.done $0x0  }
0x287: {  	[sflag:s29] =	ssyncadd.s32 $0xFFFFF000  }
0x288: {  	[tilespmem:s31], [sflag:$0x9] =	stream.linear.gather [spmem:s17], $0x1000, $0x38;
	[tilespmem:$0x1F800] =	vst v63  }
0x289: {  	_ =	swait.ge [sflag:s22], $0x1000  }
0x28a: {  	[sflag:s22] =	ssyncset.done $0x0  }
0x28b: {  	s12 =	rddreg [dreg:$0x19];
	[sflag:s22] =	ssyncadd.s32 $0xFFFFF000  }
0x28c: {  	[hbm4b:s12+s1] =	stream.linear.scatter [tilespmem:s31], [sflag:$0x2], $0x1000, $0x38;
	[tilespmem:$0x1F800] =	vst v63  }
0x28d: {  	_ =	swait.ge [sflag:s28], $0x1000  }
0x28e: {  	[sflag:s28] =	ssyncset.done $0x0  }
0x28f: {  	[sflag:s28] =	ssyncadd.s32 $0xFFFFF000  }
0x290: {  	[tilespmem:s20], [sflag:$0x9] =	stream.linear.gather [spmem:s16], $0x1000, $0x38;
	[tilespmem:$0x1F800] =	vst v63  }
0x291: {  	_ =	swait.ge [sflag:s22], $0x1000  }
0x292: {  	[sflag:s22] =	ssyncset.done $0x0  }
0x293: {  	s8 =	rddreg [dreg:$0x1a];
	[sflag:s22] =	ssyncadd.s32 $0xFFFFF000  }
0x294: {  	[hbm4b:s8+s1] =	stream.linear.scatter [tilespmem:s20], [sflag:$0x1], $0x1000, $0x38;
	[tilespmem:$0x1F800] =	vst v63  }
0x295: {  	_ =	swait.ge [sflag:s29], $0x1000  }
0x296: {  	[sflag:s29] =	ssyncset.done $0x0  }
0x297: {  	[sflag:s29] =	ssyncadd.s32 $0xFFFFF000  }
0x298: {  	[tilespmem:s31], [sflag:$0x9] =	stream.linear.gather [spmem:s15], $0x1000, $0x38;
	[tilespmem:$0x1F800] =	vst v63  }
0x299: {  	_ =	swait.ge [sflag:s22], $0x1000  }
0x29a: {  	[sflag:s22] =	ssyncset.done $0x0  }
0x29b: {  	s12 =	rddreg [dreg:$0x1b];
	[sflag:s22] =	ssyncadd.s32 $0xFFFFF000  }
0x29c: {  	[hbm4b:s12+s1] =	stream.linear.scatter [tilespmem:s31], [sflag:$0x2], $0x1000, $0x38;
	[tilespmem:$0x1F800] =	vst v63  }
0x29d: {  	_ =	swait.ge [sflag:s28], $0x1000  }
0x29e: {  	[sflag:s28] =	ssyncset.done $0x0  }
0x29f: {  	[sflag:s28] =	ssyncadd.s32 $0xFFFFF000  }
0x2a0: {  	[tilespmem:s20], [sflag:$0x9] =	stream.linear.gather [spmem:s14], $0x1000, $0x38;
	[tilespmem:$0x1F800] =	vst v63  }
0x2a1: {  	_ =	swait.ge [sflag:s22], $0x1000  }
0x2a2: {  	[sflag:s22] =	ssyncset.done $0x0  }
0x2a3: {  	s8 =	rddreg [dreg:$0x1c];
	[sflag:s22] =	ssyncadd.s32 $0xFFFFF000  }
0x2a4: {  	[hbm4b:s8+s1] =	stream.linear.scatter [tilespmem:s20], [sflag:$0x1], $0x1000, $0x38;
	[tilespmem:$0x1F800] =	vst v63  }
0x2a5: {  	_ =	swait.ge [sflag:s29], $0x1000  }
0x2a6: {  	[sflag:s29] =	ssyncset.done $0x0  }
0x2a7: {  	[sflag:s29] =	ssyncadd.s32 $0xFFFFF000  }
0x2a8: {  	[tilespmem:s31], [sflag:$0x9] =	stream.linear.gather [spmem:s10], $0x1000, $0x38;
	[tilespmem:$0x1F800] =	vst v63  }
0x2a9: {  	_ =	swait.ge [sflag:s22], $0x1000  }
0x2aa: {  	[sflag:s22] =	ssyncset.done $0x0  }
0x2ab: {  	s12 =	rddreg [dreg:$0x1d];
	[sflag:s22] =	ssyncadd.s32 $0xFFFFF000  }
0x2ac: {  	[hbm4b:s12+s1] =	stream.linear.scatter [tilespmem:s31], [sflag:$0x2], $0x1000, $0x38;
	[tilespmem:$0x1F800] =	vst v63  }
0x2ad: {  	_ =	swait.ge [sflag:s28], $0x1000  }
0x2ae: {  	[sflag:s28] =	ssyncset.done $0x0  }
0x2af: {  	[sflag:s28] =	ssyncadd.s32 $0xFFFFF000  }
0x2b0: {  	_ =	swait.ge [sflag:s29], $0x1000  }
0x2b1: {  	s6 =	sld [smem:$0x7EE]  }
0x2b2: {  	s8 =	sld [smem:$0x7F7];
	_ =	sdelay $0x1  }
0x2b3: {  	s12 =	sadd.s32 $0x1, s6  }
0x2b4: {  	p0 =	sne.s32 s12, s8  }
.Ltmp7:
0x2b5: {  	_ = 	snop;
	(pc) =	sbr.rel @p0 .LBB2_1-.Ltmp7, $3  }
0x2b6: {  	_ =	sdelay $0x1  }
0x2b7: {  	[sflag:s29] =	ssyncset.done $0x0  }
0x2b8: {  	[sflag:s29] =	ssyncadd.s32 $0xFFFFF000;
	s8 =	smov.u32 s14  }
0x2b9: {  	_ =	sfence.sel $0x180000  }
0x2ba: {  	[bflag:$0x0] =	sbarrier.arrive $0xFFFF  }
0x2bb: {  	_ =	strace $0x9000004A  }
0x2bc: {  	s0 =	stileid.u32;
	[bflag:$0x2] =	sbarrier.arrive $0xFFFF  }
0x2bd: {  	p0 =	sne.s32 s0, $0x0;
	s0 =	rddreg [dreg:$0x4]  }
0x2be: {  	s0 =	sadd.s32 @!p0 $0x100000, s0  }
0x2bf: {  	[sflag:s0] =	ssyncadd.tile.s32 @!p0 $0x1;
	_ =	shalt  }
.Lfunc_end2:
_tile_overlayer_lowered:
.L_overlay_start_2:
0x2c0: {  	(tag) =	ssettag $0x2  }
0x2c1: {  	s0 =	rddreg [dreg:$0x0];
	s2 =	stileid.u32  }
0x2c2: {  	s1 =	rddreg [dreg:$0x1];
	p0 =	sne.s32 s2, $0x0  }
0x2c3: {  	s3 =	rddreg [dreg:$0x2];
	[bflag:$0x3] =	sbarrier.arrive $0xFFFF;
	s2 =	simm.s32 @!p0 $0x1C09  }
0x2c4: {  	[timem:s3], [sflag:s2] =	dma.local @!p0 [hbm:s0], s1  }
0x2c5: {  	s0 =	simm.s32 @!p0 $0x9  }
0x2c6: {  	_ =	swait.ge @!p0 [sflag:s0], s1  }
0x2c7: {  	s1 =	ssub.s32 @!p0 $0x0, s1;
	[sflag:s0] =	ssyncset.done @!p0 $0x0  }
0x2c8: {  	[sflag:s0] =	ssyncadd.s32 @!p0 s1  }
0x2c9: {  	[bflag:$0x3] =	sbarrier.arrive $0xFFFF  }
0x2ca: {  	_ =	shalt  }

</sc_bundles>
